<compile_context>
chip_gen: v7x
topology: tpu7x:2x2x1
jax: 0.10.2.dev20260603
libtpu: 0.0.44.dev20260713+nightly
codegen_flags: <defaults>
</compile_context>

<pallas_src>
import functools

import jax
import jax.numpy as jnp
from jax import lax
from jax.experimental import pallas as pl
from jax.experimental.pallas import tpu as pltpu
from jax.experimental.pallas import tpu_sc as plsc

N_NODES = 10000
N_EDGES = 640000
HALF = 128
CHUNK = 100
ROWS = N_EDGES // CHUNK
NC, NS = 2, 16
ROWS_PER_TILE = ROWS // NS
ROWS_PER_TILE_A = ROWS // (NC * NS)
NODE_SPLIT = 640

_MESH = plsc.VectorSubcoreMesh(
    core_axis_name="c", subcore_axis_name="s", num_cores=NC, num_subcores=NS
)


DEGW = 128
ZCHUNK = 80


@functools.partial(
    pl.kernel,
    out_type=jax.ShapeDtypeStruct((NC, N_NODES, DEGW), jnp.float32),
    mesh=_MESH,
    scratch_types=[
        pltpu.VMEM((ROWS_PER_TILE_A, CHUNK), jnp.int32),
        pltpu.VMEM((CHUNK, DEGW), jnp.float32),
        pltpu.VMEM((ZCHUNK, DEGW), jnp.float32),
        pltpu.VMEM_SHARED((N_NODES, DEGW), jnp.float32),
        pltpu.SemaphoreType.DMA,
    ],
    name="gnn_degree_sc",
)
def _deg_kernel(dst2d, ones_c, zdeg, deg2, idx_v, ones_v, zbuf_v, deg_sp, sem):
    c = lax.axis_index("c")
    s = lax.axis_index("s")
    nb = s * NODE_SPLIT
    nchunks = jnp.where(s < NS - 1, NODE_SPLIT // ZCHUNK, 400 // ZCHUNK)
    pltpu.sync_copy(ones_c, ones_v)
    pltpu.sync_copy(zdeg, zbuf_v)

    def zbody(k, carry):
        pltpu.sync_copy(zbuf_v, deg_sp.at[pl.ds(nb + ZCHUNK * k, ZCHUNK)])
        return carry

    lax.fori_loop(0, nchunks, zbody, 0)

    row0 = (c * NS + s) * ROWS_PER_TILE_A
    pltpu.sync_copy(dst2d.at[pl.ds(row0, ROWS_PER_TILE_A)], idx_v)
    plsc.subcore_barrier()

    def body(k, carry):
        ds = [pltpu.async_copy(ones_v, deg_sp.at[idx_v.at[4 * k + i]],
                               sem, add=True) for i in range(4)]
        for d in ds:
            d.wait()
        return carry

    lax.fori_loop(0, ROWS_PER_TILE_A // 4, body, 0)
    plsc.subcore_barrier()

    def dbody(k, carry):
        pltpu.sync_copy(deg_sp.at[pl.ds(nb + ZCHUNK * k, ZCHUNK)], zbuf_v)
        pltpu.sync_copy(zbuf_v, deg2.at[c, pl.ds(nb + ZCHUNK * k, ZCHUNK)])
        return carry

    lax.fori_loop(0, nchunks, dbody, 0)



_PREP_BLK = 1000


def _prep_body(deg2_ref, x_ref, dinv_ref, ys_ref, yf_ref):
    deg = deg2_ref[0, :, :1] + deg2_ref[1, :, :1] + 1.0
    dinv = lax.rsqrt(deg)
    dinv_ref[...] = dinv
    ys_ref[...] = x_ref[:, :HALF] * dinv
    yf_ref[...] = x_ref[:, HALF:] * dinv


_prep = pl.pallas_call(
    _prep_body,
    grid=(N_NODES // _PREP_BLK,),
    in_specs=[
        pl.BlockSpec((NC, _PREP_BLK, DEGW), lambda i: (0, i, 0)),
        pl.BlockSpec((_PREP_BLK, 2 * HALF), lambda i: (i, 0)),
    ],
    out_specs=[
        pl.BlockSpec((_PREP_BLK, 1), lambda i: (i, 0)),
        pl.BlockSpec((_PREP_BLK, HALF), lambda i: (i, 0)),
        pl.BlockSpec((_PREP_BLK, HALF), lambda i: (i, 0)),
    ],
    out_shape=[
        jax.ShapeDtypeStruct((N_NODES, 1), jnp.float32),
        jax.ShapeDtypeStruct((N_NODES, HALF), jnp.float32),
        jax.ShapeDtypeStruct((N_NODES, HALF), jnp.float32),
    ],
    name="gnn_prep_tc",
)


IDX_BLK = 16
NRING = 3
ZCHUNK_C = ZCHUNK


@functools.partial(
    pl.kernel,
    out_type=jax.ShapeDtypeStruct((NC, N_NODES, HALF), jnp.float32),
    mesh=_MESH,
    scratch_types=[
        pltpu.VMEM((2, IDX_BLK, CHUNK), jnp.int32),
        pltpu.VMEM((2, IDX_BLK, CHUNK), jnp.int32),
        pltpu.VMEM((NRING, CHUNK, HALF), jnp.float32),
        pltpu.VMEM_SHARED((N_NODES, HALF), jnp.float32),
        pltpu.SemaphoreType.DMA,
        pltpu.SemaphoreType.DMA,
        pltpu.SemaphoreType.DMA,
        pltpu.SemaphoreType.DMA,
    ],
    name="gnn_edge_agg_sc",
)
def _agg_kernel(src2d, dst2d, ys, yf, zrow, acc2,
                src_v, dst_v, rows_v, acc_sp, gsem0, gsem1, ssem0, ssem1):
    c = lax.axis_index("c")
    s = lax.axis_index("s")
    nb = s * NODE_SPLIT
    nchunks = jnp.where(s < NS - 1, NODE_SPLIT // ZCHUNK_C, 400 // ZCHUNK_C)
    zbuf_v = rows_v.at[0, pl.ds(0, ZCHUNK_C)]

    pltpu.sync_copy(zrow, zbuf_v)

    def zbody(k, carry):
        pltpu.sync_copy(zbuf_v, acc_sp.at[pl.ds(nb + ZCHUNK_C * k, ZCHUNK_C)])
        return carry

    lax.fori_loop(0, nchunks, zbody, 0)
    plsc.subcore_barrier()

    def edge_loop(ytab):
        n = ROWS_PER_TILE
        row0 = s * ROWS_PER_TILE
        gsems = (gsem0, gsem1)
        ssems = (ssem0, ssem1)


        def src_row(q):
            return src_v.at[(q // IDX_BLK) % 2, q % IDX_BLK]

        def dst_row(q):
            return dst_v.at[(q // IDX_BLK) % 2, q % IDX_BLK]

        def start_gather(q, par):
            pltpu.async_copy(ytab.at[src_row(q)], rows_v.at[q % NRING],
                             gsems[par])

        def wait_gather(q, par):
            pltpu.make_async_copy(ytab.at[src_row(q)], rows_v.at[q % NRING],
                                  gsems[par]).wait()

        def start_scatter(q, par):
            pltpu.async_copy(rows_v.at[q % NRING], acc_sp.at[dst_row(q)],
                             ssems[par], add=True)

        def wait_scatter(q, par):
            pltpu.make_async_copy(rows_v.at[q % NRING], acc_sp.at[dst_row(q)],
                                  ssems[par]).wait()

        pltpu.sync_copy(src2d.at[pl.ds(row0, IDX_BLK)], src_v.at[0])
        pltpu.sync_copy(dst2d.at[pl.ds(row0, IDX_BLK)], dst_v.at[0])
        start_gather(0, 0)
        start_gather(1, 1)

        def pair(j0, stage_block, last_pair):
            j1 = j0 + 1
            wait_gather(j0, 0)
            start_scatter(j0, 0)

            @pl.when(j0 > 0)
            def _():
                wait_scatter(j0 - 1, 1)

            if stage_block is not None:
                @pl.when(stage_block)
                def _():
                    b1 = j0 // IDX_BLK + 1
                    r1 = row0 + b1 * IDX_BLK
                    pltpu.sync_copy(src2d.at[pl.ds(r1, IDX_BLK)],
                                    src_v.at[b1 % 2])
                    pltpu.sync_copy(dst2d.at[pl.ds(r1, IDX_BLK)],
                                    dst_v.at[b1 % 2])

            start_gather(j0 + 2, 0)

            wait_gather(j1, 1)
            start_scatter(j1, 1)
            wait_scatter(j0, 0)

            if last_pair is not None:
                @pl.when(jnp.logical_not(last_pair))
                def _():
                    start_gather(j1 + 2, 1)
            else:
                start_gather(j1 + 2, 1)

        def blk(b, carry):
            base = b * IDX_BLK

            def body(k, c2):
                pair(base + 2 * k, k == 0, None)
                return c2

            lax.fori_loop(0, IDX_BLK // 2, body, 0)
            return carry

        lax.fori_loop(0, n // IDX_BLK - 1, blk, 0)

        def body_last(k, c2):
            pair(n - IDX_BLK + 2 * k, None, k == IDX_BLK // 2 - 1)
            return c2

        lax.fori_loop(0, IDX_BLK // 2, body_last, 0)
        wait_scatter(n - 1, 1)
        wait_gather(n, 0)

    @pl.when(c == 0)
    def _():
        edge_loop(ys)

    @pl.when(c == 1)
    def _():
        edge_loop(yf)

    plsc.subcore_barrier()

    def dbody(k, carry):
        pltpu.sync_copy(acc_sp.at[pl.ds(nb + ZCHUNK_C * k, ZCHUNK_C)], zbuf_v)
        pltpu.sync_copy(zbuf_v, acc2.at[c, pl.ds(nb + ZCHUNK_C * k, ZCHUNK_C)])
        return carry

    lax.fori_loop(0, nchunks, dbody, 0)



_TAIL_BLK = 1000


def _tail_body(acc2_ref, x_ref, dinv_ref, Ws_ref, bs_ref, Wf_ref, bf_ref,
               Wfus_ref, bfus_ref, Wout_ref, bout_ref, o_ref, ssum, fsum):
    i = pl.program_id(0)
    dinv = dinv_ref[...]
    d2 = dinv * dinv
    aggs = dinv * acc2_ref[0] + d2 * x_ref[:, :HALF]
    aggf = dinv * acc2_ref[1] + d2 * x_ref[:, HALF:]
    hs = jnp.maximum(
        jnp.dot(aggs, Ws_ref[...], preferred_element_type=jnp.float32,
                precision=lax.Precision.HIGHEST)
        + bs_ref[...], 0.0)
    hf = jnp.maximum(
        jnp.dot(aggf, Wf_ref[...], preferred_element_type=jnp.float32,
                precision=lax.Precision.HIGHEST)
        + bf_ref[...], 0.0)
    ps = jnp.sum(hs, axis=0, keepdims=True)
    pf = jnp.sum(hf, axis=0, keepdims=True)

    @pl.when(i == 0)
    def _():
        ssum[...] = ps
        fsum[...] = pf

    @pl.when(i > 0)
    def _():
        ssum[...] += ps
        fsum[...] += pf

    @pl.when(i == pl.num_programs(0) - 1)
    def _():
        pooled = (
            jnp.dot(ssum[...], Wfus_ref[: 2 * HALF],
                    preferred_element_type=jnp.float32,
                precision=lax.Precision.HIGHEST)
            + jnp.dot(fsum[...], Wfus_ref[2 * HALF:],
                      preferred_element_type=jnp.float32,
                precision=lax.Precision.HIGHEST)
        ) / float(N_NODES) + bfus_ref[...]
        o_ref[...] = jnp.dot(pooled, Wout_ref[...],
                             preferred_element_type=jnp.float32,
                precision=lax.Precision.HIGHEST) + bout_ref[...]


_tail = pl.pallas_call(
    _tail_body,
    grid=(N_NODES // _TAIL_BLK,),
    in_specs=[
        pl.BlockSpec((NC, _TAIL_BLK, HALF), lambda i: (0, i, 0)),
        pl.BlockSpec((_TAIL_BLK, 2 * HALF), lambda i: (i, 0)),
        pl.BlockSpec((_TAIL_BLK, 1), lambda i: (i, 0)),
        pl.BlockSpec((HALF, 2 * HALF), lambda i: (0, 0)),
        pl.BlockSpec((1, 2 * HALF), lambda i: (0, 0)),
        pl.BlockSpec((HALF, 2 * HALF), lambda i: (0, 0)),
        pl.BlockSpec((1, 2 * HALF), lambda i: (0, 0)),
        pl.BlockSpec((4 * HALF, 2 * HALF), lambda i: (0, 0)),
        pl.BlockSpec((1, 2 * HALF), lambda i: (0, 0)),
        pl.BlockSpec((2 * HALF, 1), lambda i: (0, 0)),
        pl.BlockSpec((1, 1), lambda i: (0, 0)),
    ],
    out_specs=pl.BlockSpec((1, 1), lambda i: (0, 0)),
    out_shape=jax.ShapeDtypeStruct((1, 1), jnp.float32),
    scratch_shapes=[
        pltpu.VMEM((1, 2 * HALF), jnp.float32),
        pltpu.VMEM((1, 2 * HALF), jnp.float32),
    ],
    name="gnn_tail_tc",
)


def kernel(x, edge_index, Ws, bs, Wf, bf, Wfus, bfus, Wout, bout):
    src2d = edge_index[0].reshape(ROWS, CHUNK)
    dst2d = edge_index[1].reshape(ROWS, CHUNK)
    ones_c = jnp.ones((CHUNK, DEGW), jnp.float32)
    zdeg = jnp.zeros((ZCHUNK, DEGW), jnp.float32)
    zrow = jnp.zeros((ZCHUNK_C, HALF), jnp.float32)

    deg2 = _deg_kernel(dst2d, ones_c, zdeg)
    dinv, ys, yf = _prep(deg2, x)
    acc2 = _agg_kernel(src2d, dst2d, ys, yf, zrow)
    o = _tail(acc2, x, dinv, Ws, bs.reshape(1, -1), Wf, bf.reshape(1, -1),
              Wfus, bfus.reshape(1, -1), Wout, bout.reshape(1, 1))
    return o.reshape(1)

# --- scband reference (transcript-rebuilt; emitter-appended) ---
"""Pipeline reference for scband-multi-modal-brain-gnn-4346506903772 (READ-ONLY COPY).

The authoritative reference and input builder live on the scoring server;
editing this copy changes nothing except your own understanding.
"""

import jax, jax.numpy as jnp
import numpy as np


def _xavier(key, fan_in, fan_out):
    lim = float(np.sqrt(6.0 / (fan_in + fan_out)))
    return jax.random.uniform(key, (fan_in, fan_out), dtype=jnp.float32, minval=-lim, maxval=lim)


def setup_inputs(seed: int = 0) -> dict:
    key = jax.random.key(seed)
    ks = jax.random.split(key, 8)
    N, E = 10000, 640000
    x = jax.random.normal(ks[0], (N, 256), dtype=jnp.float32)
    edge_index = jax.random.randint(ks[1], (2, E), 0, N, dtype=jnp.int32)
    Ws = _xavier(ks[2], 128, 256)
    bs = jnp.zeros((256,), jnp.float32)
    Wf = _xavier(ks[3], 128, 256)
    bf = jnp.zeros((256,), jnp.float32)
    Wfus = _xavier(ks[4], 512, 256)
    bfus = jnp.zeros((256,), jnp.float32)
    Wout = _xavier(ks[5], 256, 1)
    bout = jnp.zeros((1,), jnp.float32)
    return {"x": x, "edge_index": edge_index, "Ws": Ws, "bs": bs, "Wf": Wf, "bf": bf,
            "Wfus": Wfus, "bfus": bfus, "Wout": Wout, "bout": bout}


def _gcn_conv(x, edge_index, W, b, N):
    # PyG GCNConv: x' = D^{-1/2}(A+I)D^{-1/2} X W + b  (self-loops added, symmetric norm)
    h = x @ W
    loop = jnp.arange(N, dtype=edge_index.dtype)
    src = jnp.concatenate([edge_index[0], loop])
    dst = jnp.concatenate([edge_index[1], loop])
    deg = jax.ops.segment_sum(jnp.ones(src.shape[0], jnp.float32), dst, num_segments=N)
    dinv = jnp.where(deg > 0, 1.0 / jnp.sqrt(deg), 0.0)
    norm = dinv[src] * dinv[dst]
    msgs = h[src] * norm[:, None]
    out = jax.ops.segment_sum(msgs, dst, num_segments=N)
    return out + b


def reference(x, edge_index, Ws, bs, Wf, bf, Wfus, bfus, Wout, bout):
    N = x.shape[0]
    structural_x = x[:, :128]
    functional_x = x[:, 128:256]
    struct_emb = jax.nn.relu(_gcn_conv(structural_x, edge_index, Ws, bs, N))
    func_emb = jax.nn.relu(_gcn_conv(functional_x, edge_index, Wf, bf, N))
    fused = jnp.concatenate([struct_emb, func_emb], axis=1) @ Wfus + bfus
    # global_mean_pool with batch = zeros -> mean over all nodes, shape [1, 256]
    pooled = jnp.mean(fused, axis=0, keepdims=True)
    out = pooled @ Wout + bout
    return out.squeeze(-1)

if __name__ == "__main__":
    import jax
    _d = setup_inputs()
    print(jax.jit(kernel)(*tuple(_d.values())))

</pallas_src>

<mosaic_0001>
#map = affine_map<(d0, d1) -> (0, 0)>
#map1 = affine_map<(d0, d1) -> (0, 0, 0)>
module attributes {stable_mosaic.version = 14 : i64} {
  func.func @gnn_degree_sc(%arg0: i32, %arg1: i32, %arg2: memref<6400x100xi32, #tpu.memory_space<hbm>>, %arg3: memref<100x128xf32, #tpu.memory_space<hbm>>, %arg4: memref<80x128xf32, #tpu.memory_space<hbm>>, %arg5: memref<2x10000x128xf32, #tpu.memory_space<hbm>>, %arg6: memref<200x100xi32, #tpu.memory_space<vmem>>, %arg7: memref<100x128xf32, #tpu.memory_space<vmem>>, %arg8: memref<80x128xf32, #tpu.memory_space<vmem>>, %arg9: memref<10000x128xf32, #tpu.memory_space<vmem_shared>>, %arg10: memref<!tpu.dma_semaphore, #tpu.memory_space<semaphore_mem>>) attributes {dimension_semantics = [#tpu.dimension_semantics<core_parallel>, #tpu.dimension_semantics<subcore_parallel>], iteration_bounds = array<i64: 2, 16>, scalar_prefetch = 0 : i64, scratch_operands = 5 : i64, tpu.core_type = #tpu.core_type<sc_vector_subcore>, window_params = [{transform_indices = #map}, {transform_indices = #map}, {transform_indices = #map}, {transform_indices = #map1}]} {
    %mul3A = arith.constant 640 : i32
    %mul3A_0 = arith.muli %arg1, %mul3A : i32
    %lt3A = arith.constant 15 : i32
    %lt3A_1 = arith.cmpi slt, %arg1, %lt3A : i32
    %jit3A = arith.constant 8 : i32
    %jit3A_2 = arith.constant 5 : i32
    %select_n3A = arith.select %lt3A_1, %jit3A, %jit3A_2 : i32
    "tpu.region"() ({
      %run_scoped3A = tpu.sem_alloc : memref<!tpu.dma_semaphore, #tpu.memory_space<semaphore_mem>>
      tpu.enqueue_dma source(%arg3 : memref<100x128xf32, #tpu.memory_space<hbm>>) target(%arg7 : memref<100x128xf32, #tpu.memory_space<vmem>>) target_semaphore(%run_scoped3A : memref<!tpu.dma_semaphore, #tpu.memory_space<semaphore_mem>>)
      tpu.wait_dma2 semaphore(%run_scoped3A : memref<!tpu.dma_semaphore, #tpu.memory_space<semaphore_mem>>) src(%arg3 : memref<100x128xf32, #tpu.memory_space<hbm>>) dst(%arg7 : memref<100x128xf32, #tpu.memory_space<vmem>>)
      tpu.yield
    }) : () -> ()
    "tpu.region"() ({
      %run_scoped3A = tpu.sem_alloc : memref<!tpu.dma_semaphore, #tpu.memory_space<semaphore_mem>>
      tpu.enqueue_dma source(%arg4 : memref<80x128xf32, #tpu.memory_space<hbm>>) target(%arg8 : memref<80x128xf32, #tpu.memory_space<vmem>>) target_semaphore(%run_scoped3A : memref<!tpu.dma_semaphore, #tpu.memory_space<semaphore_mem>>)
      tpu.wait_dma2 semaphore(%run_scoped3A : memref<!tpu.dma_semaphore, #tpu.memory_space<semaphore_mem>>) src(%arg4 : memref<80x128xf32, #tpu.memory_space<hbm>>) dst(%arg8 : memref<80x128xf32, #tpu.memory_space<vmem>>)
      tpu.yield
    }) : () -> ()
    %while3A = arith.constant 0 : i32
    %while3A_3 = arith.constant 0 : i32
    %while3A_4 = arith.subi %select_n3A, %while3A_3 : i32
    %while3A_5 = arith.addi %while3A_3, %while3A_4 : i32
    %while3A_6 = arith.constant 1 : i32
    %while3A_7 = arith.divsi %while3A_4, %while3A_6 : i32
    %while3A_8 = arith.muli %while3A_7, %while3A_6 : i32
    %while3A_9 = arith.addi %while3A_3, %while3A_8 : i32
    %while3A_10 = arith.constant 1 : i32
    scf.for %while3A_32 = %while3A_3 to %while3A_9 step %while3A_10  : i32 {
      %mul3A_33 = arith.constant 80 : i32
      %mul3A_34 = arith.muli %mul3A_33, %while3A_32 : i32
      %add3A_35 = arith.addi %mul3A_0, %mul3A_34 : i32
      "tpu.region"() ({
        %run_scoped3A = tpu.sem_alloc : memref<!tpu.dma_semaphore, #tpu.memory_space<semaphore_mem>>
        %dma_start3A = arith.constant 0 : i32
        %dma_start3A_36 = tpu.memref_slice %arg9[%add3A_35, %dma_start3A] : memref<10000x128xf32, #tpu.memory_space<vmem_shared>> -> memref<80x128xf32, #tpu.memory_space<vmem_shared>>
        %dma_start3A_37 = arith.constant 0 : i32
        %dma_start3A_38 = tpu.memref_slice %arg9[%add3A_35, %dma_start3A_37] : memref<10000x128xf32, #tpu.memory_space<vmem_shared>> -> memref<80x128xf32, #tpu.memory_space<vmem_shared>>
        tpu.enqueue_dma source(%arg8 : memref<80x128xf32, #tpu.memory_space<vmem>>) target(%dma_start3A_38 : memref<80x128xf32, #tpu.memory_space<vmem_shared>>) target_semaphore(%run_scoped3A : memref<!tpu.dma_semaphore, #tpu.memory_space<semaphore_mem>>)
        %dma_wait3A = arith.constant 0 : i32
        %dma_wait3A_39 = tpu.memref_slice %arg9[%add3A_35, %dma_wait3A] : memref<10000x128xf32, #tpu.memory_space<vmem_shared>> -> memref<80x128xf32, #tpu.memory_space<vmem_shared>>
        %dma_wait3A_40 = arith.constant 0 : i32
        %dma_wait3A_41 = tpu.memref_slice %arg9[%add3A_35, %dma_wait3A_40] : memref<10000x128xf32, #tpu.memory_space<vmem_shared>> -> memref<80x128xf32, #tpu.memory_space<vmem_shared>>
        tpu.wait_dma2 semaphore(%run_scoped3A : memref<!tpu.dma_semaphore, #tpu.memory_space<semaphore_mem>>) src(%arg8 : memref<80x128xf32, #tpu.memory_space<vmem>>) dst(%dma_wait3A_41 : memref<80x128xf32, #tpu.memory_space<vmem_shared>>)
        tpu.yield
      }) : () -> ()
    }
    %while3A_11 = arith.constant 1 : i32
    scf.for %while3A_32 = %while3A_9 to %while3A_5 step %while3A_11  : i32 {
      %mul3A_33 = arith.constant 80 : i32
      %mul3A_34 = arith.muli %mul3A_33, %while3A_32 : i32
      %add3A_35 = arith.addi %mul3A_0, %mul3A_34 : i32
      "tpu.region"() ({
        %run_scoped3A = tpu.sem_alloc : memref<!tpu.dma_semaphore, #tpu.memory_space<semaphore_mem>>
        %dma_start3A = arith.constant 0 : i32
        %dma_start3A_36 = tpu.memref_slice %arg9[%add3A_35, %dma_start3A] : memref<10000x128xf32, #tpu.memory_space<vmem_shared>> -> memref<80x128xf32, #tpu.memory_space<vmem_shared>>
        %dma_start3A_37 = arith.constant 0 : i32
        %dma_start3A_38 = tpu.memref_slice %arg9[%add3A_35, %dma_start3A_37] : memref<10000x128xf32, #tpu.memory_space<vmem_shared>> -> memref<80x128xf32, #tpu.memory_space<vmem_shared>>
        tpu.enqueue_dma source(%arg8 : memref<80x128xf32, #tpu.memory_space<vmem>>) target(%dma_start3A_38 : memref<80x128xf32, #tpu.memory_space<vmem_shared>>) target_semaphore(%run_scoped3A : memref<!tpu.dma_semaphore, #tpu.memory_space<semaphore_mem>>)
        %dma_wait3A = arith.constant 0 : i32
        %dma_wait3A_39 = tpu.memref_slice %arg9[%add3A_35, %dma_wait3A] : memref<10000x128xf32, #tpu.memory_space<vmem_shared>> -> memref<80x128xf32, #tpu.memory_space<vmem_shared>>
        %dma_wait3A_40 = arith.constant 0 : i32
        %dma_wait3A_41 = tpu.memref_slice %arg9[%add3A_35, %dma_wait3A_40] : memref<10000x128xf32, #tpu.memory_space<vmem_shared>> -> memref<80x128xf32, #tpu.memory_space<vmem_shared>>
        tpu.wait_dma2 semaphore(%run_scoped3A : memref<!tpu.dma_semaphore, #tpu.memory_space<semaphore_mem>>) src(%arg8 : memref<80x128xf32, #tpu.memory_space<vmem>>) dst(%dma_wait3A_41 : memref<80x128xf32, #tpu.memory_space<vmem_shared>>)
        tpu.yield
      }) : () -> ()
    }
    %mul3A_12 = arith.constant 16 : i32
    %mul3A_13 = arith.muli %arg0, %mul3A_12 : i32
    %add3A = arith.addi %mul3A_13, %arg1 : i32
    %mul3A_14 = arith.constant 200 : i32
    %mul3A_15 = arith.muli %add3A, %mul3A_14 : i32
    "tpu.region"() ({
      %run_scoped3A = tpu.sem_alloc : memref<!tpu.dma_semaphore, #tpu.memory_space<semaphore_mem>>
      %dma_start3A = arith.constant 0 : i32
      %dma_start3A_32 = tpu.memref_slice %arg2[%mul3A_15, %dma_start3A] : memref<6400x100xi32, #tpu.memory_space<hbm>> -> memref<200x100xi32, #tpu.memory_space<hbm>>
      %dma_start3A_33 = arith.constant 0 : i32
      %dma_start3A_34 = tpu.memref_slice %arg2[%mul3A_15, %dma_start3A_33] : memref<6400x100xi32, #tpu.memory_space<hbm>> -> memref<200x100xi32, #tpu.memory_space<hbm>>
      tpu.enqueue_dma source(%dma_start3A_34 : memref<200x100xi32, #tpu.memory_space<hbm>>) target(%arg6 : memref<200x100xi32, #tpu.memory_space<vmem>>) target_semaphore(%run_scoped3A : memref<!tpu.dma_semaphore, #tpu.memory_space<semaphore_mem>>)
      %dma_wait3A = arith.constant 0 : i32
      %dma_wait3A_35 = tpu.memref_slice %arg2[%mul3A_15, %dma_wait3A] : memref<6400x100xi32, #tpu.memory_space<hbm>> -> memref<200x100xi32, #tpu.memory_space<hbm>>
      %dma_wait3A_36 = arith.constant 0 : i32
      %dma_wait3A_37 = tpu.memref_slice %arg2[%mul3A_15, %dma_wait3A_36] : memref<6400x100xi32, #tpu.memory_space<hbm>> -> memref<200x100xi32, #tpu.memory_space<hbm>>
      tpu.wait_dma2 semaphore(%run_scoped3A : memref<!tpu.dma_semaphore, #tpu.memory_space<semaphore_mem>>) src(%dma_wait3A_37 : memref<200x100xi32, #tpu.memory_space<hbm>>) dst(%arg6 : memref<200x100xi32, #tpu.memory_space<vmem>>)
      tpu.yield
    }) : () -> ()
    %barrier3A = arith.constant 0 : index
    tpu.barrier barrier_id(%barrier3A)
    %scan3A = arith.constant 0 : i32
    %scan3A_16 = arith.constant 0 : i32
    %scan3A_17 = arith.constant 50 : i32
    %scan3A_18 = arith.addi %scan3A_16, %scan3A_17 : i32
    %scan3A_19 = arith.constant 1 : i32
    scf.for %scan3A_32 = %scan3A_16 to %scan3A_18 step %scan3A_19  : i32 {
      %mul3A_33 = arith.constant 4 : i32
      %mul3A_34 = arith.muli %mul3A_33, %scan3A_32 : i32
      %add3A_35 = arith.constant 0 : i32
      %add3A_36 = arith.addi %mul3A_34, %add3A_35 : i32
      %dma_start3A = arith.constant 0 : i32
      %dma_start3A_37 = tpu.memref_slice %arg6[%add3A_36, %dma_start3A] : memref<200x100xi32, #tpu.memory_space<vmem>> -> memref<1x100xi32, #tpu.memory_space<vmem>>
      %dma_start3A_38 = tpu.memref_squeeze %dma_start3A_37 : memref<1x100xi32, #tpu.memory_space<vmem>> -> memref<100xi32, #tpu.memory_space<vmem>>
      %dma_start3A_39 = arith.constant 0 : i32
      %dma_start3A_40 = arith.constant 0 : i32
      %dma_start3A_41 = tpu.memref_slice %arg9[%dma_start3A_39, %dma_start3A_40] : memref<10000x128xf32, #tpu.memory_space<vmem_shared>> -> memref<10000x128xf32, #tpu.memory_space<vmem_shared>>
      tpu.enqueue_indirect_dma source(%arg7 : memref<100x128xf32, #tpu.memory_space<vmem>>) target(%dma_start3A_41 : memref<10000x128xf32, #tpu.memory_space<vmem_shared>>) offsets(%dma_start3A_38 : memref<100xi32, #tpu.memory_space<vmem>>) semaphore(%arg10 : memref<!tpu.dma_semaphore, #tpu.memory_space<semaphore_mem>>) {add = true}
      %mul3A_42 = arith.constant 4 : i32
      %mul3A_43 = arith.muli %mul3A_42, %scan3A_32 : i32
      %add3A_44 = arith.constant 1 : i32
      %add3A_45 = arith.addi %mul3A_43, %add3A_44 : i32
      %dma_start3A_46 = arith.constant 0 : i32
      %dma_start3A_47 = tpu.memref_slice %arg6[%add3A_45, %dma_start3A_46] : memref<200x100xi32, #tpu.memory_space<vmem>> -> memref<1x100xi32, #tpu.memory_space<vmem>>
      %dma_start3A_48 = tpu.memref_squeeze %dma_start3A_47 : memref<1x100xi32, #tpu.memory_space<vmem>> -> memref<100xi32, #tpu.memory_space<vmem>>
      %dma_start3A_49 = arith.constant 0 : i32
      %dma_start3A_50 = arith.constant 0 : i32
      %dma_start3A_51 = tpu.memref_slice %arg9[%dma_start3A_49, %dma_start3A_50] : memref<10000x128xf32, #tpu.memory_space<vmem_shared>> -> memref<10000x128xf32, #tpu.memory_space<vmem_shared>>
      tpu.enqueue_indirect_dma source(%arg7 : memref<100x128xf32, #tpu.memory_space<vmem>>) target(%dma_start3A_51 : memref<10000x128xf32, #tpu.memory_space<vmem_shared>>) offsets(%dma_start3A_48 : memref<100xi32, #tpu.memory_space<vmem>>) semaphore(%arg10 : memref<!tpu.dma_semaphore, #tpu.memory_space<semaphore_mem>>) {add = true}
      %mul3A_52 = arith.constant 4 : i32
      %mul3A_53 = arith.muli %mul3A_52, %scan3A_32 : i32
      %add3A_54 = arith.constant 2 : i32
      %add3A_55 = arith.addi %mul3A_53, %add3A_54 : i32
      %dma_start3A_56 = arith.constant 0 : i32
      %dma_start3A_57 = tpu.memref_slice %arg6[%add3A_55, %dma_start3A_56] : memref<200x100xi32, #tpu.memory_space<vmem>> -> memref<1x100xi32, #tpu.memory_space<vmem>>
      %dma_start3A_58 = tpu.memref_squeeze %dma_start3A_57 : memref<1x100xi32, #tpu.memory_space<vmem>> -> memref<100xi32, #tpu.memory_space<vmem>>
      %dma_start3A_59 = arith.constant 0 : i32
      %dma_start3A_60 = arith.constant 0 : i32
      %dma_start3A_61 = tpu.memref_slice %arg9[%dma_start3A_59, %dma_start3A_60] : memref<10000x128xf32, #tpu.memory_space<vmem_shared>> -> memref<10000x128xf32, #tpu.memory_space<vmem_shared>>
      tpu.enqueue_indirect_dma source(%arg7 : memref<100x128xf32, #tpu.memory_space<vmem>>) target(%dma_start3A_61 : memref<10000x128xf32, #tpu.memory_space<vmem_shared>>) offsets(%dma_start3A_58 : memref<100xi32, #tpu.memory_space<vmem>>) semaphore(%arg10 : memref<!tpu.dma_semaphore, #tpu.memory_space<semaphore_mem>>) {add = true}
      %mul3A_62 = arith.constant 4 : i32
      %mul3A_63 = arith.muli %mul3A_62, %scan3A_32 : i32
      %add3A_64 = arith.constant 3 : i32
      %add3A_65 = arith.addi %mul3A_63, %add3A_64 : i32
      %dma_start3A_66 = arith.constant 0 : i32
      %dma_start3A_67 = tpu.memref_slice %arg6[%add3A_65, %dma_start3A_66] : memref<200x100xi32, #tpu.memory_space<vmem>> -> memref<1x100xi32, #tpu.memory_space<vmem>>
      %dma_start3A_68 = tpu.memref_squeeze %dma_start3A_67 : memref<1x100xi32, #tpu.memory_space<vmem>> -> memref<100xi32, #tpu.memory_space<vmem>>
      %dma_start3A_69 = arith.constant 0 : i32
      %dma_start3A_70 = arith.constant 0 : i32
      %dma_start3A_71 = tpu.memref_slice %arg9[%dma_start3A_69, %dma_start3A_70] : memref<10000x128xf32, #tpu.memory_space<vmem_shared>> -> memref<10000x128xf32, #tpu.memory_space<vmem_shared>>
      tpu.enqueue_indirect_dma source(%arg7 : memref<100x128xf32, #tpu.memory_space<vmem>>) target(%dma_start3A_71 : memref<10000x128xf32, #tpu.memory_space<vmem_shared>>) offsets(%dma_start3A_68 : memref<100xi32, #tpu.memory_space<vmem>>) semaphore(%arg10 : memref<!tpu.dma_semaphore, #tpu.memory_space<semaphore_mem>>) {add = true}
      %dma_wait3A = arith.constant 0 : i32
      %dma_wait3A_72 = tpu.memref_slice %arg6[%add3A_36, %dma_wait3A] : memref<200x100xi32, #tpu.memory_space<vmem>> -> memref<1x100xi32, #tpu.memory_space<vmem>>
      %dma_wait3A_73 = tpu.memref_squeeze %dma_wait3A_72 : memref<1x100xi32, #tpu.memory_space<vmem>> -> memref<100xi32, #tpu.memory_space<vmem>>
      %dma_wait3A_74 = arith.constant 0 : i32
      %dma_wait3A_75 = arith.constant 0 : i32
      %dma_wait3A_76 = tpu.memref_slice %arg9[%dma_wait3A_74, %dma_wait3A_75] : memref<10000x128xf32, #tpu.memory_space<vmem_shared>> -> memref<10000x128xf32, #tpu.memory_space<vmem_shared>>
      tpu.wait_indirect_dma semaphore(%arg10 : memref<!tpu.dma_semaphore, #tpu.memory_space<semaphore_mem>>) src(%arg7 : memref<100x128xf32, #tpu.memory_space<vmem>>) dst(%dma_wait3A_76 : memref<10000x128xf32, #tpu.memory_space<vmem_shared>>)
      %dma_wait3A_77 = arith.constant 0 : i32
      %dma_wait3A_78 = tpu.memref_slice %arg6[%add3A_45, %dma_wait3A_77] : memref<200x100xi32, #tpu.memory_space<vmem>> -> memref<1x100xi32, #tpu.memory_space<vmem>>
      %dma_wait3A_79 = tpu.memref_squeeze %dma_wait3A_78 : memref<1x100xi32, #tpu.memory_space<vmem>> -> memref<100xi32, #tpu.memory_space<vmem>>
      %dma_wait3A_80 = arith.constant 0 : i32
      %dma_wait3A_81 = arith.constant 0 : i32
      %dma_wait3A_82 = tpu.memref_slice %arg9[%dma_wait3A_80, %dma_wait3A_81] : memref<10000x128xf32, #tpu.memory_space<vmem_shared>> -> memref<10000x128xf32, #tpu.memory_space<vmem_shared>>
      tpu.wait_indirect_dma semaphore(%arg10 : memref<!tpu.dma_semaphore, #tpu.memory_space<semaphore_mem>>) src(%arg7 : memref<100x128xf32, #tpu.memory_space<vmem>>) dst(%dma_wait3A_82 : memref<10000x128xf32, #tpu.memory_space<vmem_shared>>)
      %dma_wait3A_83 = arith.constant 0 : i32
      %dma_wait3A_84 = tpu.memref_slice %arg6[%add3A_55, %dma_wait3A_83] : memref<200x100xi32, #tpu.memory_space<vmem>> -> memref<1x100xi32, #tpu.memory_space<vmem>>
      %dma_wait3A_85 = tpu.memref_squeeze %dma_wait3A_84 : memref<1x100xi32, #tpu.memory_space<vmem>> -> memref<100xi32, #tpu.memory_space<vmem>>
      %dma_wait3A_86 = arith.constant 0 : i32
      %dma_wait3A_87 = arith.constant 0 : i32
      %dma_wait3A_88 = tpu.memref_slice %arg9[%dma_wait3A_86, %dma_wait3A_87] : memref<10000x128xf32, #tpu.memory_space<vmem_shared>> -> memref<10000x128xf32, #tpu.memory_space<vmem_shared>>
      tpu.wait_indirect_dma semaphore(%arg10 : memref<!tpu.dma_semaphore, #tpu.memory_space<semaphore_mem>>) src(%arg7 : memref<100x128xf32, #tpu.memory_space<vmem>>) dst(%dma_wait3A_88 : memref<10000x128xf32, #tpu.memory_space<vmem_shared>>)
      %dma_wait3A_89 = arith.constant 0 : i32
      %dma_wait3A_90 = tpu.memref_slice %arg6[%add3A_65, %dma_wait3A_89] : memref<200x100xi32, #tpu.memory_space<vmem>> -> memref<1x100xi32, #tpu.memory_space<vmem>>
      %dma_wait3A_91 = tpu.memref_squeeze %dma_wait3A_90 : memref<1x100xi32, #tpu.memory_space<vmem>> -> memref<100xi32, #tpu.memory_space<vmem>>
      %dma_wait3A_92 = arith.constant 0 : i32
      %dma_wait3A_93 = arith.constant 0 : i32
      %dma_wait3A_94 = tpu.memref_slice %arg9[%dma_wait3A_92, %dma_wait3A_93] : memref<10000x128xf32, #tpu.memory_space<vmem_shared>> -> memref<10000x128xf32, #tpu.memory_space<vmem_shared>>
      tpu.wait_indirect_dma semaphore(%arg10 : memref<!tpu.dma_semaphore, #tpu.memory_space<semaphore_mem>>) src(%arg7 : memref<100x128xf32, #tpu.memory_space<vmem>>) dst(%dma_wait3A_94 : memref<10000x128xf32, #tpu.memory_space<vmem_shared>>)
    }
    %scan3A_20 = arith.constant 50 : i32
    %barrier3A_21 = arith.constant 0 : index
    tpu.barrier barrier_id(%barrier3A_21)
    %while3A_22 = arith.constant 0 : i32
    %while3A_23 = arith.constant 0 : i32
    %while3A_24 = arith.subi %select_n3A, %while3A_23 : i32
    %while3A_25 = arith.addi %while3A_23, %while3A_24 : i32
    %while3A_26 = arith.constant 1 : i32
    %while3A_27 = arith.divsi %while3A_24, %while3A_26 : i32
    %while3A_28 = arith.muli %while3A_27, %while3A_26 : i32
    %while3A_29 = arith.addi %while3A_23, %while3A_28 : i32
    %while3A_30 = arith.constant 1 : i32
    scf.for %while3A_32 = %while3A_23 to %while3A_29 step %while3A_30  : i32 {
      %mul3A_33 = arith.constant 80 : i32
      %mul3A_34 = arith.muli %mul3A_33, %while3A_32 : i32
      %add3A_35 = arith.addi %mul3A_0, %mul3A_34 : i32
      "tpu.region"() ({
        %run_scoped3A = tpu.sem_alloc : memref<!tpu.dma_semaphore, #tpu.memory_space<semaphore_mem>>
        %dma_start3A = arith.constant 0 : i32
        %dma_start3A_39 = tpu.memref_slice %arg9[%add3A_35, %dma_start3A] : memref<10000x128xf32, #tpu.memory_space<vmem_shared>> -> memref<80x128xf32, #tpu.memory_space<vmem_shared>>
        %dma_start3A_40 = arith.constant 0 : i32
        %dma_start3A_41 = tpu.memref_slice %arg9[%add3A_35, %dma_start3A_40] : memref<10000x128xf32, #tpu.memory_space<vmem_shared>> -> memref<80x128xf32, #tpu.memory_space<vmem_shared>>
        tpu.enqueue_dma source(%dma_start3A_41 : memref<80x128xf32, #tpu.memory_space<vmem_shared>>) target(%arg8 : memref<80x128xf32, #tpu.memory_space<vmem>>) target_semaphore(%run_scoped3A : memref<!tpu.dma_semaphore, #tpu.memory_space<semaphore_mem>>)
        %dma_wait3A = arith.constant 0 : i32
        %dma_wait3A_42 = tpu.memref_slice %arg9[%add3A_35, %dma_wait3A] : memref<10000x128xf32, #tpu.memory_space<vmem_shared>> -> memref<80x128xf32, #tpu.memory_space<vmem_shared>>
        %dma_wait3A_43 = arith.constant 0 : i32
        %dma_wait3A_44 = tpu.memref_slice %arg9[%add3A_35, %dma_wait3A_43] : memref<10000x128xf32, #tpu.memory_space<vmem_shared>> -> memref<80x128xf32, #tpu.memory_space<vmem_shared>>
        tpu.wait_dma2 semaphore(%run_scoped3A : memref<!tpu.dma_semaphore, #tpu.memory_space<semaphore_mem>>) src(%dma_wait3A_44 : memref<80x128xf32, #tpu.memory_space<vmem_shared>>) dst(%arg8 : memref<80x128xf32, #tpu.memory_space<vmem>>)
        tpu.yield
      }) : () -> ()
      %mul3A_36 = arith.constant 80 : i32
      %mul3A_37 = arith.muli %mul3A_36, %while3A_32 : i32
      %add3A_38 = arith.addi %mul3A_0, %mul3A_37 : i32
      "tpu.region"() ({
        %run_scoped3A = tpu.sem_alloc : memref<!tpu.dma_semaphore, #tpu.memory_space<semaphore_mem>>
        %dma_start3A = arith.constant 0 : i32
        %dma_start3A_39 = tpu.memref_slice %arg5[%arg0, %add3A_38, %dma_start3A] : memref<2x10000x128xf32, #tpu.memory_space<hbm>> -> memref<1x80x128xf32, #tpu.memory_space<hbm>>
        %dma_start3A_40 = tpu.memref_squeeze %dma_start3A_39 : memref<1x80x128xf32, #tpu.memory_space<hbm>> -> memref<80x128xf32, #tpu.memory_space<hbm>>
        %dma_start3A_41 = arith.constant 0 : i32
        %dma_start3A_42 = tpu.memref_slice %arg5[%arg0, %add3A_38, %dma_start3A_41] : memref<2x10000x128xf32, #tpu.memory_space<hbm>> -> memref<1x80x128xf32, #tpu.memory_space<hbm>>
        %dma_start3A_43 = tpu.memref_squeeze %dma_start3A_42 : memref<1x80x128xf32, #tpu.memory_space<hbm>> -> memref<80x128xf32, #tpu.memory_space<hbm>>
        tpu.enqueue_dma source(%arg8 : memref<80x128xf32, #tpu.memory_space<vmem>>) target(%dma_start3A_43 : memref<80x128xf32, #tpu.memory_space<hbm>>) target_semaphore(%run_scoped3A : memref<!tpu.dma_semaphore, #tpu.memory_space<semaphore_mem>>)
        %dma_wait3A = arith.constant 0 : i32
        %dma_wait3A_44 = tpu.memref_slice %arg5[%arg0, %add3A_38, %dma_wait3A] : memref<2x10000x128xf32, #tpu.memory_space<hbm>> -> memref<1x80x128xf32, #tpu.memory_space<hbm>>
        %dma_wait3A_45 = tpu.memref_squeeze %dma_wait3A_44 : memref<1x80x128xf32, #tpu.memory_space<hbm>> -> memref<80x128xf32, #tpu.memory_space<hbm>>
        %dma_wait3A_46 = arith.constant 0 : i32
        %dma_wait3A_47 = tpu.memref_slice %arg5[%arg0, %add3A_38, %dma_wait3A_46] : memref<2x10000x128xf32, #tpu.memory_space<hbm>> -> memref<1x80x128xf32, #tpu.memory_space<hbm>>
        %dma_wait3A_48 = tpu.memref_squeeze %dma_wait3A_47 : memref<1x80x128xf32, #tpu.memory_space<hbm>> -> memref<80x128xf32, #tpu.memory_space<hbm>>
        tpu.wait_dma2 semaphore(%run_scoped3A : memref<!tpu.dma_semaphore, #tpu.memory_space<semaphore_mem>>) src(%arg8 : memref<80x128xf32, #tpu.memory_space<vmem>>) dst(%dma_wait3A_48 : memref<80x128xf32, #tpu.memory_space<hbm>>)
        tpu.yield
      }) : () -> ()
    }
    %while3A_31 = arith.constant 1 : i32
    scf.for %while3A_32 = %while3A_29 to %while3A_25 step %while3A_31  : i32 {
      %mul3A_33 = arith.constant 80 : i32
      %mul3A_34 = arith.muli %mul3A_33, %while3A_32 : i32
      %add3A_35 = arith.addi %mul3A_0, %mul3A_34 : i32
      "tpu.region"() ({
        %run_scoped3A = tpu.sem_alloc : memref<!tpu.dma_semaphore, #tpu.memory_space<semaphore_mem>>
        %dma_start3A = arith.constant 0 : i32
        %dma_start3A_39 = tpu.memref_slice %arg9[%add3A_35, %dma_start3A] : memref<10000x128xf32, #tpu.memory_space<vmem_shared>> -> memref<80x128xf32, #tpu.memory_space<vmem_shared>>
        %dma_start3A_40 = arith.constant 0 : i32
        %dma_start3A_41 = tpu.memref_slice %arg9[%add3A_35, %dma_start3A_40] : memref<10000x128xf32, #tpu.memory_space<vmem_shared>> -> memref<80x128xf32, #tpu.memory_space<vmem_shared>>
        tpu.enqueue_dma source(%dma_start3A_41 : memref<80x128xf32, #tpu.memory_space<vmem_shared>>) target(%arg8 : memref<80x128xf32, #tpu.memory_space<vmem>>) target_semaphore(%run_scoped3A : memref<!tpu.dma_semaphore, #tpu.memory_space<semaphore_mem>>)
        %dma_wait3A = arith.constant 0 : i32
        %dma_wait3A_42 = tpu.memref_slice %arg9[%add3A_35, %dma_wait3A] : memref<10000x128xf32, #tpu.memory_space<vmem_shared>> -> memref<80x128xf32, #tpu.memory_space<vmem_shared>>
        %dma_wait3A_43 = arith.constant 0 : i32
        %dma_wait3A_44 = tpu.memref_slice %arg9[%add3A_35, %dma_wait3A_43] : memref<10000x128xf32, #tpu.memory_space<vmem_shared>> -> memref<80x128xf32, #tpu.memory_space<vmem_shared>>
        tpu.wait_dma2 semaphore(%run_scoped3A : memref<!tpu.dma_semaphore, #tpu.memory_space<semaphore_mem>>) src(%dma_wait3A_44 : memref<80x128xf32, #tpu.memory_space<vmem_shared>>) dst(%arg8 : memref<80x128xf32, #tpu.memory_space<vmem>>)
        tpu.yield
      }) : () -> ()
      %mul3A_36 = arith.constant 80 : i32
      %mul3A_37 = arith.muli %mul3A_36, %while3A_32 : i32
      %add3A_38 = arith.addi %mul3A_0, %mul3A_37 : i32
      "tpu.region"() ({
        %run_scoped3A = tpu.sem_alloc : memref<!tpu.dma_semaphore, #tpu.memory_space<semaphore_mem>>
        %dma_start3A = arith.constant 0 : i32
        %dma_start3A_39 = tpu.memref_slice %arg5[%arg0, %add3A_38, %dma_start3A] : memref<2x10000x128xf32, #tpu.memory_space<hbm>> -> memref<1x80x128xf32, #tpu.memory_space<hbm>>
        %dma_start3A_40 = tpu.memref_squeeze %dma_start3A_39 : memref<1x80x128xf32, #tpu.memory_space<hbm>> -> memref<80x128xf32, #tpu.memory_space<hbm>>
        %dma_start3A_41 = arith.constant 0 : i32
        %dma_start3A_42 = tpu.memref_slice %arg5[%arg0, %add3A_38, %dma_start3A_41] : memref<2x10000x128xf32, #tpu.memory_space<hbm>> -> memref<1x80x128xf32, #tpu.memory_space<hbm>>
        %dma_start3A_43 = tpu.memref_squeeze %dma_start3A_42 : memref<1x80x128xf32, #tpu.memory_space<hbm>> -> memref<80x128xf32, #tpu.memory_space<hbm>>
        tpu.enqueue_dma source(%arg8 : memref<80x128xf32, #tpu.memory_space<vmem>>) target(%dma_start3A_43 : memref<80x128xf32, #tpu.memory_space<hbm>>) target_semaphore(%run_scoped3A : memref<!tpu.dma_semaphore, #tpu.memory_space<semaphore_mem>>)
        %dma_wait3A = arith.constant 0 : i32
        %dma_wait3A_44 = tpu.memref_slice %arg5[%arg0, %add3A_38, %dma_wait3A] : memref<2x10000x128xf32, #tpu.memory_space<hbm>> -> memref<1x80x128xf32, #tpu.memory_space<hbm>>
        %dma_wait3A_45 = tpu.memref_squeeze %dma_wait3A_44 : memref<1x80x128xf32, #tpu.memory_space<hbm>> -> memref<80x128xf32, #tpu.memory_space<hbm>>
        %dma_wait3A_46 = arith.constant 0 : i32
        %dma_wait3A_47 = tpu.memref_slice %arg5[%arg0, %add3A_38, %dma_wait3A_46] : memref<2x10000x128xf32, #tpu.memory_space<hbm>> -> memref<1x80x128xf32, #tpu.memory_space<hbm>>
        %dma_wait3A_48 = tpu.memref_squeeze %dma_wait3A_47 : memref<1x80x128xf32, #tpu.memory_space<hbm>> -> memref<80x128xf32, #tpu.memory_space<hbm>>
        tpu.wait_dma2 semaphore(%run_scoped3A : memref<!tpu.dma_semaphore, #tpu.memory_space<semaphore_mem>>) src(%arg8 : memref<80x128xf32, #tpu.memory_space<vmem>>) dst(%dma_wait3A_48 : memref<80x128xf32, #tpu.memory_space<hbm>>)
        tpu.yield
      }) : () -> ()
    }
    return
  }
}

#map = affine_map<(d0, d1) -> (0, 0)>
#map1 = affine_map<(d0, d1) -> (0, 0, 0)>
module attributes {stable_mosaic.version = 14 : i64} {
  func.func @gnn_edge_agg_sc(%arg0: i32, %arg1: i32, %arg2: memref<6400x100xi32, #tpu.memory_space<hbm>>, %arg3: memref<6400x100xi32, #tpu.memory_space<hbm>>, %arg4: memref<10000x128xf32, #tpu.memory_space<hbm>>, %arg5: memref<10000x128xf32, #tpu.memory_space<hbm>>, %arg6: memref<80x128xf32, #tpu.memory_space<hbm>>, %arg7: memref<2x10000x128xf32, #tpu.memory_space<hbm>>, %arg8: memref<2x16x100xi32, #tpu.memory_space<vmem>>, %arg9: memref<2x16x100xi32, #tpu.memory_space<vmem>>, %arg10: memref<3x100x128xf32, #tpu.memory_space<vmem>>, %arg11: memref<10000x128xf32, #tpu.memory_space<vmem_shared>>, %arg12: memref<!tpu.dma_semaphore, #tpu.memory_space<semaphore_mem>>, %arg13: memref<!tpu.dma_semaphore, #tpu.memory_space<semaphore_mem>>, %arg14: memref<!tpu.dma_semaphore, #tpu.memory_space<semaphore_mem>>, %arg15: memref<!tpu.dma_semaphore, #tpu.memory_space<semaphore_mem>>) attributes {dimension_semantics = [#tpu.dimension_semantics<core_parallel>, #tpu.dimension_semantics<subcore_parallel>], iteration_bounds = array<i64: 2, 16>, scalar_prefetch = 0 : i64, scratch_operands = 8 : i64, tpu.core_type = #tpu.core_type<sc_vector_subcore>, window_params = [{transform_indices = #map}, {transform_indices = #map}, {transform_indices = #map}, {transform_indices = #map}, {transform_indices = #map}, {transform_indices = #map1}]} {
    %mul3A = arith.constant 640 : i32
    %mul3A_0 = arith.muli %arg1, %mul3A : i32
    %lt3A = arith.constant 15 : i32
    %lt3A_1 = arith.cmpi slt, %arg1, %lt3A : i32
    %jit3A = arith.constant 8 : i32
    %jit3A_2 = arith.constant 5 : i32
    %select_n3A = arith.select %lt3A_1, %jit3A, %jit3A_2 : i32
    %run_scoped3A = arith.constant 0 : i32
    "tpu.region"() ({
      %run_scoped3A_32 = tpu.sem_alloc : memref<!tpu.dma_semaphore, #tpu.memory_space<semaphore_mem>>
      %dma_start3A = arith.constant 0 : i32
      %dma_start3A_33 = arith.constant 0 : i32
      %dma_start3A_34 = tpu.memref_slice %arg10[%run_scoped3A, %dma_start3A, %dma_start3A_33] : memref<3x100x128xf32, #tpu.memory_space<vmem>> -> memref<1x80x128xf32, #tpu.memory_space<vmem>>
      %dma_start3A_35 = tpu.memref_squeeze %dma_start3A_34 : memref<1x80x128xf32, #tpu.memory_space<vmem>> -> memref<80x128xf32, #tpu.memory_space<vmem>>
      %dma_start3A_36 = arith.constant 0 : i32
      %dma_start3A_37 = arith.constant 0 : i32
      %dma_start3A_38 = tpu.memref_slice %arg10[%run_scoped3A, %dma_start3A_36, %dma_start3A_37] : memref<3x100x128xf32, #tpu.memory_space<vmem>> -> memref<1x80x128xf32, #tpu.memory_space<vmem>>
      %dma_start3A_39 = tpu.memref_squeeze %dma_start3A_38 : memref<1x80x128xf32, #tpu.memory_space<vmem>> -> memref<80x128xf32, #tpu.memory_space<vmem>>
      tpu.enqueue_dma source(%arg6 : memref<80x128xf32, #tpu.memory_space<hbm>>) target(%dma_start3A_39 : memref<80x128xf32, #tpu.memory_space<vmem>>) target_semaphore(%run_scoped3A_32 : memref<!tpu.dma_semaphore, #tpu.memory_space<semaphore_mem>>)
      %dma_wait3A = arith.constant 0 : i32
      %dma_wait3A_40 = arith.constant 0 : i32
      %dma_wait3A_41 = tpu.memref_slice %arg10[%run_scoped3A, %dma_wait3A, %dma_wait3A_40] : memref<3x100x128xf32, #tpu.memory_space<vmem>> -> memref<1x80x128xf32, #tpu.memory_space<vmem>>
      %dma_wait3A_42 = tpu.memref_squeeze %dma_wait3A_41 : memref<1x80x128xf32, #tpu.memory_space<vmem>> -> memref<80x128xf32, #tpu.memory_space<vmem>>
      %dma_wait3A_43 = arith.constant 0 : i32
      %dma_wait3A_44 = arith.constant 0 : i32
      %dma_wait3A_45 = tpu.memref_slice %arg10[%run_scoped3A, %dma_wait3A_43, %dma_wait3A_44] : memref<3x100x128xf32, #tpu.memory_space<vmem>> -> memref<1x80x128xf32, #tpu.memory_space<vmem>>
      %dma_wait3A_46 = tpu.memref_squeeze %dma_wait3A_45 : memref<1x80x128xf32, #tpu.memory_space<vmem>> -> memref<80x128xf32, #tpu.memory_space<vmem>>
      tpu.wait_dma2 semaphore(%run_scoped3A_32 : memref<!tpu.dma_semaphore, #tpu.memory_space<semaphore_mem>>) src(%arg6 : memref<80x128xf32, #tpu.memory_space<hbm>>) dst(%dma_wait3A_46 : memref<80x128xf32, #tpu.memory_space<vmem>>)
      tpu.yield
    }) : () -> ()
    %while3A = arith.constant 0 : i32
    %while3A_3 = arith.constant 0 : i32
    %while3A_4 = arith.constant 0 : i32
    %while3A_5 = arith.subi %select_n3A, %while3A_4 : i32
    %while3A_6 = arith.addi %while3A_4, %while3A_5 : i32
    %while3A_7 = arith.constant 1 : i32
    %while3A_8 = arith.divsi %while3A_5, %while3A_7 : i32
    %while3A_9 = arith.muli %while3A_8, %while3A_7 : i32
    %while3A_10 = arith.addi %while3A_4, %while3A_9 : i32
    %while3A_11 = arith.constant 1 : i32
    scf.for %while3A_32 = %while3A_4 to %while3A_10 step %while3A_11  : i32 {
      %mul3A_33 = arith.constant 80 : i32
      %mul3A_34 = arith.muli %mul3A_33, %while3A_32 : i32
      %add3A = arith.addi %mul3A_0, %mul3A_34 : i32
      "tpu.region"() ({
        %run_scoped3A_35 = tpu.sem_alloc : memref<!tpu.dma_semaphore, #tpu.memory_space<semaphore_mem>>
        %dma_start3A = arith.constant 0 : i32
        %dma_start3A_36 = arith.constant 0 : i32
        %dma_start3A_37 = tpu.memref_slice %arg10[%while3A_3, %dma_start3A, %dma_start3A_36] : memref<3x100x128xf32, #tpu.memory_space<vmem>> -> memref<1x80x128xf32, #tpu.memory_space<vmem>>
        %dma_start3A_38 = tpu.memref_squeeze %dma_start3A_37 : memref<1x80x128xf32, #tpu.memory_space<vmem>> -> memref<80x128xf32, #tpu.memory_space<vmem>>
        %dma_start3A_39 = arith.constant 0 : i32
        %dma_start3A_40 = tpu.memref_slice %arg11[%add3A, %dma_start3A_39] : memref<10000x128xf32, #tpu.memory_space<vmem_shared>> -> memref<80x128xf32, #tpu.memory_space<vmem_shared>>
        %dma_start3A_41 = arith.constant 0 : i32
        %dma_start3A_42 = tpu.memref_slice %arg11[%add3A, %dma_start3A_41] : memref<10000x128xf32, #tpu.memory_space<vmem_shared>> -> memref<80x128xf32, #tpu.memory_space<vmem_shared>>
        %dma_start3A_43 = arith.constant 0 : i32
        %dma_start3A_44 = arith.constant 0 : i32
        %dma_start3A_45 = tpu.memref_slice %arg10[%while3A_3, %dma_start3A_43, %dma_start3A_44] : memref<3x100x128xf32, #tpu.memory_space<vmem>> -> memref<1x80x128xf32, #tpu.memory_space<vmem>>
        %dma_start3A_46 = tpu.memref_squeeze %dma_start3A_45 : memref<1x80x128xf32, #tpu.memory_space<vmem>> -> memref<80x128xf32, #tpu.memory_space<vmem>>
        tpu.enqueue_dma source(%dma_start3A_46 : memref<80x128xf32, #tpu.memory_space<vmem>>) target(%dma_start3A_42 : memref<80x128xf32, #tpu.memory_space<vmem_shared>>) target_semaphore(%run_scoped3A_35 : memref<!tpu.dma_semaphore, #tpu.memory_space<semaphore_mem>>)
        %dma_wait3A = arith.constant 0 : i32
        %dma_wait3A_47 = arith.constant 0 : i32
        %dma_wait3A_48 = tpu.memref_slice %arg10[%while3A_3, %dma_wait3A, %dma_wait3A_47] : memref<3x100x128xf32, #tpu.memory_space<vmem>> -> memref<1x80x128xf32, #tpu.memory_space<vmem>>
        %dma_wait3A_49 = tpu.memref_squeeze %dma_wait3A_48 : memref<1x80x128xf32, #tpu.memory_space<vmem>> -> memref<80x128xf32, #tpu.memory_space<vmem>>
        %dma_wait3A_50 = arith.constant 0 : i32
        %dma_wait3A_51 = tpu.memref_slice %arg11[%add3A, %dma_wait3A_50] : memref<10000x128xf32, #tpu.memory_space<vmem_shared>> -> memref<80x128xf32, #tpu.memory_space<vmem_shared>>
        %dma_wait3A_52 = arith.constant 0 : i32
        %dma_wait3A_53 = tpu.memref_slice %arg11[%add3A, %dma_wait3A_52] : memref<10000x128xf32, #tpu.memory_space<vmem_shared>> -> memref<80x128xf32, #tpu.memory_space<vmem_shared>>
        %dma_wait3A_54 = arith.constant 0 : i32
        %dma_wait3A_55 = arith.constant 0 : i32
        %dma_wait3A_56 = tpu.memref_slice %arg10[%while3A_3, %dma_wait3A_54, %dma_wait3A_55] : memref<3x100x128xf32, #tpu.memory_space<vmem>> -> memref<1x80x128xf32, #tpu.memory_space<vmem>>
        %dma_wait3A_57 = tpu.memref_squeeze %dma_wait3A_56 : memref<1x80x128xf32, #tpu.memory_space<vmem>> -> memref<80x128xf32, #tpu.memory_space<vmem>>
        tpu.wait_dma2 semaphore(%run_scoped3A_35 : memref<!tpu.dma_semaphore, #tpu.memory_space<semaphore_mem>>) src(%dma_wait3A_57 : memref<80x128xf32, #tpu.memory_space<vmem>>) dst(%dma_wait3A_53 : memref<80x128xf32, #tpu.memory_space<vmem_shared>>)
        tpu.yield
      }) : () -> ()
    }
    %while3A_12 = arith.constant 1 : i32
    scf.for %while3A_32 = %while3A_10 to %while3A_6 step %while3A_12  : i32 {
      %mul3A_33 = arith.constant 80 : i32
      %mul3A_34 = arith.muli %mul3A_33, %while3A_32 : i32
      %add3A = arith.addi %mul3A_0, %mul3A_34 : i32
      "tpu.region"() ({
        %run_scoped3A_35 = tpu.sem_alloc : memref<!tpu.dma_semaphore, #tpu.memory_space<semaphore_mem>>
        %dma_start3A = arith.constant 0 : i32
        %dma_start3A_36 = arith.constant 0 : i32
        %dma_start3A_37 = tpu.memref_slice %arg10[%while3A_3, %dma_start3A, %dma_start3A_36] : memref<3x100x128xf32, #tpu.memory_space<vmem>> -> memref<1x80x128xf32, #tpu.memory_space<vmem>>
        %dma_start3A_38 = tpu.memref_squeeze %dma_start3A_37 : memref<1x80x128xf32, #tpu.memory_space<vmem>> -> memref<80x128xf32, #tpu.memory_space<vmem>>
        %dma_start3A_39 = arith.constant 0 : i32
        %dma_start3A_40 = tpu.memref_slice %arg11[%add3A, %dma_start3A_39] : memref<10000x128xf32, #tpu.memory_space<vmem_shared>> -> memref<80x128xf32, #tpu.memory_space<vmem_shared>>
        %dma_start3A_41 = arith.constant 0 : i32
        %dma_start3A_42 = tpu.memref_slice %arg11[%add3A, %dma_start3A_41] : memref<10000x128xf32, #tpu.memory_space<vmem_shared>> -> memref<80x128xf32, #tpu.memory_space<vmem_shared>>
        %dma_start3A_43 = arith.constant 0 : i32
        %dma_start3A_44 = arith.constant 0 : i32
        %dma_start3A_45 = tpu.memref_slice %arg10[%while3A_3, %dma_start3A_43, %dma_start3A_44] : memref<3x100x128xf32, #tpu.memory_space<vmem>> -> memref<1x80x128xf32, #tpu.memory_space<vmem>>
        %dma_start3A_46 = tpu.memref_squeeze %dma_start3A_45 : memref<1x80x128xf32, #tpu.memory_space<vmem>> -> memref<80x128xf32, #tpu.memory_space<vmem>>
        tpu.enqueue_dma source(%dma_start3A_46 : memref<80x128xf32, #tpu.memory_space<vmem>>) target(%dma_start3A_42 : memref<80x128xf32, #tpu.memory_space<vmem_shared>>) target_semaphore(%run_scoped3A_35 : memref<!tpu.dma_semaphore, #tpu.memory_space<semaphore_mem>>)
        %dma_wait3A = arith.constant 0 : i32
        %dma_wait3A_47 = arith.constant 0 : i32
        %dma_wait3A_48 = tpu.memref_slice %arg10[%while3A_3, %dma_wait3A, %dma_wait3A_47] : memref<3x100x128xf32, #tpu.memory_space<vmem>> -> memref<1x80x128xf32, #tpu.memory_space<vmem>>
        %dma_wait3A_49 = tpu.memref_squeeze %dma_wait3A_48 : memref<1x80x128xf32, #tpu.memory_space<vmem>> -> memref<80x128xf32, #tpu.memory_space<vmem>>
        %dma_wait3A_50 = arith.constant 0 : i32
        %dma_wait3A_51 = tpu.memref_slice %arg11[%add3A, %dma_wait3A_50] : memref<10000x128xf32, #tpu.memory_space<vmem_shared>> -> memref<80x128xf32, #tpu.memory_space<vmem_shared>>
        %dma_wait3A_52 = arith.constant 0 : i32
        %dma_wait3A_53 = tpu.memref_slice %arg11[%add3A, %dma_wait3A_52] : memref<10000x128xf32, #tpu.memory_space<vmem_shared>> -> memref<80x128xf32, #tpu.memory_space<vmem_shared>>
        %dma_wait3A_54 = arith.constant 0 : i32
        %dma_wait3A_55 = arith.constant 0 : i32
        %dma_wait3A_56 = tpu.memref_slice %arg10[%while3A_3, %dma_wait3A_54, %dma_wait3A_55] : memref<3x100x128xf32, #tpu.memory_space<vmem>> -> memref<1x80x128xf32, #tpu.memory_space<vmem>>
        %dma_wait3A_57 = tpu.memref_squeeze %dma_wait3A_56 : memref<1x80x128xf32, #tpu.memory_space<vmem>> -> memref<80x128xf32, #tpu.memory_space<vmem>>
        tpu.wait_dma2 semaphore(%run_scoped3A_35 : memref<!tpu.dma_semaphore, #tpu.memory_space<semaphore_mem>>) src(%dma_wait3A_57 : memref<80x128xf32, #tpu.memory_space<vmem>>) dst(%dma_wait3A_53 : memref<80x128xf32, #tpu.memory_space<vmem_shared>>)
        tpu.yield
      }) : () -> ()
    }
    %barrier3A = arith.constant 0 : index
    tpu.barrier barrier_id(%barrier3A)
    %eq3A = arith.constant 0 : i32
    %eq3A_13 = arith.cmpi eq, %arg0, %eq3A : i32
    %convert_element_type3A = arith.extui %eq3A_13 : i1 to i32
    %cond3A = arith.constant 0 : i32
    %cond3A_14 = arith.cmpi ne, %convert_element_type3A, %cond3A : i32
    scf.if %cond3A_14 {
      %mul3A_32 = arith.constant 400 : i32
      %mul3A_33 = arith.muli %arg1, %mul3A_32 : i32
      %run_scoped3A_34 = arith.constant 0 : i32
      "tpu.region"() ({
        %run_scoped3A_97 = tpu.sem_alloc : memref<!tpu.dma_semaphore, #tpu.memory_space<semaphore_mem>>
        %dma_start3A_98 = arith.constant 0 : i32
        %dma_start3A_99 = arith.constant 0 : i32
        %dma_start3A_100 = tpu.memref_slice %arg8[%run_scoped3A_34, %dma_start3A_98, %dma_start3A_99] : memref<2x16x100xi32, #tpu.memory_space<vmem>> -> memref<1x16x100xi32, #tpu.memory_space<vmem>>
        %dma_start3A_101 = tpu.memref_squeeze %dma_start3A_100 : memref<1x16x100xi32, #tpu.memory_space<vmem>> -> memref<16x100xi32, #tpu.memory_space<vmem>>
        %dma_start3A_102 = arith.constant 0 : i32
        %dma_start3A_103 = tpu.memref_slice %arg2[%mul3A_33, %dma_start3A_102] : memref<6400x100xi32, #tpu.memory_space<hbm>> -> memref<16x100xi32, #tpu.memory_space<hbm>>
        %dma_start3A_104 = arith.constant 0 : i32
        %dma_start3A_105 = arith.constant 0 : i32
        %dma_start3A_106 = tpu.memref_slice %arg8[%run_scoped3A_34, %dma_start3A_104, %dma_start3A_105] : memref<2x16x100xi32, #tpu.memory_space<vmem>> -> memref<1x16x100xi32, #tpu.memory_space<vmem>>
        %dma_start3A_107 = tpu.memref_squeeze %dma_start3A_106 : memref<1x16x100xi32, #tpu.memory_space<vmem>> -> memref<16x100xi32, #tpu.memory_space<vmem>>
        %dma_start3A_108 = arith.constant 0 : i32
        %dma_start3A_109 = tpu.memref_slice %arg2[%mul3A_33, %dma_start3A_108] : memref<6400x100xi32, #tpu.memory_space<hbm>> -> memref<16x100xi32, #tpu.memory_space<hbm>>
        tpu.enqueue_dma source(%dma_start3A_109 : memref<16x100xi32, #tpu.memory_space<hbm>>) target(%dma_start3A_107 : memref<16x100xi32, #tpu.memory_space<vmem>>) target_semaphore(%run_scoped3A_97 : memref<!tpu.dma_semaphore, #tpu.memory_space<semaphore_mem>>)
        %dma_wait3A_110 = arith.constant 0 : i32
        %dma_wait3A_111 = arith.constant 0 : i32
        %dma_wait3A_112 = tpu.memref_slice %arg8[%run_scoped3A_34, %dma_wait3A_110, %dma_wait3A_111] : memref<2x16x100xi32, #tpu.memory_space<vmem>> -> memref<1x16x100xi32, #tpu.memory_space<vmem>>
        %dma_wait3A_113 = tpu.memref_squeeze %dma_wait3A_112 : memref<1x16x100xi32, #tpu.memory_space<vmem>> -> memref<16x100xi32, #tpu.memory_space<vmem>>
        %dma_wait3A_114 = arith.constant 0 : i32
        %dma_wait3A_115 = tpu.memref_slice %arg2[%mul3A_33, %dma_wait3A_114] : memref<6400x100xi32, #tpu.memory_space<hbm>> -> memref<16x100xi32, #tpu.memory_space<hbm>>
        %dma_wait3A_116 = arith.constant 0 : i32
        %dma_wait3A_117 = arith.constant 0 : i32
        %dma_wait3A_118 = tpu.memref_slice %arg8[%run_scoped3A_34, %dma_wait3A_116, %dma_wait3A_117] : memref<2x16x100xi32, #tpu.memory_space<vmem>> -> memref<1x16x100xi32, #tpu.memory_space<vmem>>
        %dma_wait3A_119 = tpu.memref_squeeze %dma_wait3A_118 : memref<1x16x100xi32, #tpu.memory_space<vmem>> -> memref<16x100xi32, #tpu.memory_space<vmem>>
        %dma_wait3A_120 = arith.constant 0 : i32
        %dma_wait3A_121 = tpu.memref_slice %arg2[%mul3A_33, %dma_wait3A_120] : memref<6400x100xi32, #tpu.memory_space<hbm>> -> memref<16x100xi32, #tpu.memory_space<hbm>>
        tpu.wait_dma2 semaphore(%run_scoped3A_97 : memref<!tpu.dma_semaphore, #tpu.memory_space<semaphore_mem>>) src(%dma_wait3A_121 : memref<16x100xi32, #tpu.memory_space<hbm>>) dst(%dma_wait3A_119 : memref<16x100xi32, #tpu.memory_space<vmem>>)
        tpu.yield
      }) : () -> ()
      %run_scoped3A_35 = arith.constant 0 : i32
      "tpu.region"() ({
        %run_scoped3A_97 = tpu.sem_alloc : memref<!tpu.dma_semaphore, #tpu.memory_space<semaphore_mem>>
        %dma_start3A_98 = arith.constant 0 : i32
        %dma_start3A_99 = arith.constant 0 : i32
        %dma_start3A_100 = tpu.memref_slice %arg9[%run_scoped3A_35, %dma_start3A_98, %dma_start3A_99] : memref<2x16x100xi32, #tpu.memory_space<vmem>> -> memref<1x16x100xi32, #tpu.memory_space<vmem>>
        %dma_start3A_101 = tpu.memref_squeeze %dma_start3A_100 : memref<1x16x100xi32, #tpu.memory_space<vmem>> -> memref<16x100xi32, #tpu.memory_space<vmem>>
        %dma_start3A_102 = arith.constant 0 : i32
        %dma_start3A_103 = tpu.memref_slice %arg3[%mul3A_33, %dma_start3A_102] : memref<6400x100xi32, #tpu.memory_space<hbm>> -> memref<16x100xi32, #tpu.memory_space<hbm>>
        %dma_start3A_104 = arith.constant 0 : i32
        %dma_start3A_105 = arith.constant 0 : i32
        %dma_start3A_106 = tpu.memref_slice %arg9[%run_scoped3A_35, %dma_start3A_104, %dma_start3A_105] : memref<2x16x100xi32, #tpu.memory_space<vmem>> -> memref<1x16x100xi32, #tpu.memory_space<vmem>>
        %dma_start3A_107 = tpu.memref_squeeze %dma_start3A_106 : memref<1x16x100xi32, #tpu.memory_space<vmem>> -> memref<16x100xi32, #tpu.memory_space<vmem>>
        %dma_start3A_108 = arith.constant 0 : i32
        %dma_start3A_109 = tpu.memref_slice %arg3[%mul3A_33, %dma_start3A_108] : memref<6400x100xi32, #tpu.memory_space<hbm>> -> memref<16x100xi32, #tpu.memory_space<hbm>>
        tpu.enqueue_dma source(%dma_start3A_109 : memref<16x100xi32, #tpu.memory_space<hbm>>) target(%dma_start3A_107 : memref<16x100xi32, #tpu.memory_space<vmem>>) target_semaphore(%run_scoped3A_97 : memref<!tpu.dma_semaphore, #tpu.memory_space<semaphore_mem>>)
        %dma_wait3A_110 = arith.constant 0 : i32
        %dma_wait3A_111 = arith.constant 0 : i32
        %dma_wait3A_112 = tpu.memref_slice %arg9[%run_scoped3A_35, %dma_wait3A_110, %dma_wait3A_111] : memref<2x16x100xi32, #tpu.memory_space<vmem>> -> memref<1x16x100xi32, #tpu.memory_space<vmem>>
        %dma_wait3A_113 = tpu.memref_squeeze %dma_wait3A_112 : memref<1x16x100xi32, #tpu.memory_space<vmem>> -> memref<16x100xi32, #tpu.memory_space<vmem>>
        %dma_wait3A_114 = arith.constant 0 : i32
        %dma_wait3A_115 = tpu.memref_slice %arg3[%mul3A_33, %dma_wait3A_114] : memref<6400x100xi32, #tpu.memory_space<hbm>> -> memref<16x100xi32, #tpu.memory_space<hbm>>
        %dma_wait3A_116 = arith.constant 0 : i32
        %dma_wait3A_117 = arith.constant 0 : i32
        %dma_wait3A_118 = tpu.memref_slice %arg9[%run_scoped3A_35, %dma_wait3A_116, %dma_wait3A_117] : memref<2x16x100xi32, #tpu.memory_space<vmem>> -> memref<1x16x100xi32, #tpu.memory_space<vmem>>
        %dma_wait3A_119 = tpu.memref_squeeze %dma_wait3A_118 : memref<1x16x100xi32, #tpu.memory_space<vmem>> -> memref<16x100xi32, #tpu.memory_space<vmem>>
        %dma_wait3A_120 = arith.constant 0 : i32
        %dma_wait3A_121 = tpu.memref_slice %arg3[%mul3A_33, %dma_wait3A_120] : memref<6400x100xi32, #tpu.memory_space<hbm>> -> memref<16x100xi32, #tpu.memory_space<hbm>>
        tpu.wait_dma2 semaphore(%run_scoped3A_97 : memref<!tpu.dma_semaphore, #tpu.memory_space<semaphore_mem>>) src(%dma_wait3A_121 : memref<16x100xi32, #tpu.memory_space<hbm>>) dst(%dma_wait3A_119 : memref<16x100xi32, #tpu.memory_space<vmem>>)
        tpu.yield
      }) : () -> ()
      %dma_start3A = arith.constant 0 : i32
      %dma_start3A_36 = arith.constant 0 : i32
      %dma_start3A_37 = arith.constant 0 : i32
      %dma_start3A_38 = arith.constant 0 : i32
      %dma_start3A_39 = arith.constant 0 : i32
      %dma_start3A_40 = tpu.memref_slice %arg10[%dma_start3A_37, %dma_start3A_38, %dma_start3A_39] : memref<3x100x128xf32, #tpu.memory_space<vmem>> -> memref<1x100x128xf32, #tpu.memory_space<vmem>>
      %dma_start3A_41 = tpu.memref_squeeze %dma_start3A_40 : memref<1x100x128xf32, #tpu.memory_space<vmem>> -> memref<100x128xf32, #tpu.memory_space<vmem>>
      %dma_start3A_42 = arith.constant 0 : i32
      %dma_start3A_43 = tpu.memref_slice %arg8[%dma_start3A, %dma_start3A_36, %dma_start3A_42] : memref<2x16x100xi32, #tpu.memory_space<vmem>> -> memref<1x1x100xi32, #tpu.memory_space<vmem>>
      %dma_start3A_44 = tpu.memref_squeeze %dma_start3A_43 : memref<1x1x100xi32, #tpu.memory_space<vmem>> -> memref<100xi32, #tpu.memory_space<vmem>>
      %dma_start3A_45 = arith.constant 0 : i32
      %dma_start3A_46 = arith.constant 0 : i32
      %dma_start3A_47 = tpu.memref_slice %arg4[%dma_start3A_45, %dma_start3A_46] : memref<10000x128xf32, #tpu.memory_space<hbm>> -> memref<10000x128xf32, #tpu.memory_space<hbm>>
      tpu.enqueue_indirect_dma source(%dma_start3A_47 : memref<10000x128xf32, #tpu.memory_space<hbm>>) target(%dma_start3A_41 : memref<100x128xf32, #tpu.memory_space<vmem>>) offsets(%dma_start3A_44 : memref<100xi32, #tpu.memory_space<vmem>>) semaphore(%arg12 : memref<!tpu.dma_semaphore, #tpu.memory_space<semaphore_mem>>)
      %dma_start3A_48 = arith.constant 0 : i32
      %dma_start3A_49 = arith.constant 1 : i32
      %dma_start3A_50 = arith.constant 1 : i32
      %dma_start3A_51 = arith.constant 0 : i32
      %dma_start3A_52 = arith.constant 0 : i32
      %dma_start3A_53 = tpu.memref_slice %arg10[%dma_start3A_50, %dma_start3A_51, %dma_start3A_52] : memref<3x100x128xf32, #tpu.memory_space<vmem>> -> memref<1x100x128xf32, #tpu.memory_space<vmem>>
      %dma_start3A_54 = tpu.memref_squeeze %dma_start3A_53 : memref<1x100x128xf32, #tpu.memory_space<vmem>> -> memref<100x128xf32, #tpu.memory_space<vmem>>
      %dma_start3A_55 = arith.constant 0 : i32
      %dma_start3A_56 = tpu.memref_slice %arg8[%dma_start3A_48, %dma_start3A_49, %dma_start3A_55] : memref<2x16x100xi32, #tpu.memory_space<vmem>> -> memref<1x1x100xi32, #tpu.memory_space<vmem>>
      %dma_start3A_57 = tpu.memref_squeeze %dma_start3A_56 : memref<1x1x100xi32, #tpu.memory_space<vmem>> -> memref<100xi32, #tpu.memory_space<vmem>>
      %dma_start3A_58 = arith.constant 0 : i32
      %dma_start3A_59 = arith.constant 0 : i32
      %dma_start3A_60 = tpu.memref_slice %arg4[%dma_start3A_58, %dma_start3A_59] : memref<10000x128xf32, #tpu.memory_space<hbm>> -> memref<10000x128xf32, #tpu.memory_space<hbm>>
      tpu.enqueue_indirect_dma source(%dma_start3A_60 : memref<10000x128xf32, #tpu.memory_space<hbm>>) target(%dma_start3A_54 : memref<100x128xf32, #tpu.memory_space<vmem>>) offsets(%dma_start3A_57 : memref<100xi32, #tpu.memory_space<vmem>>) semaphore(%arg13 : memref<!tpu.dma_semaphore, #tpu.memory_space<semaphore_mem>>)
      %scan3A = arith.constant 0 : i32
      %scan3A_61 = arith.constant 0 : i32
      %scan3A_62 = arith.constant 24 : i32
      %scan3A_63 = arith.addi %scan3A_61, %scan3A_62 : i32
      %scan3A_64 = arith.constant 1 : i32
      scf.for %scan3A_97 = %scan3A_61 to %scan3A_63 step %scan3A_64  : i32 {
        %mul3A_98 = arith.constant 16 : i32
        %mul3A_99 = arith.muli %scan3A_97, %mul3A_98 : i32
        %scan3A_100 = arith.constant 0 : i32
        %scan3A_101 = arith.constant 0 : i32
        %scan3A_102 = arith.constant 8 : i32
        %scan3A_103 = arith.addi %scan3A_101, %scan3A_102 : i32
        %scan3A_104 = arith.constant 1 : i32
        scf.for %scan3A_106 = %scan3A_101 to %scan3A_103 step %scan3A_104  : i32 {
          %mul3A_107 = arith.constant 2 : i32
          %mul3A_108 = arith.muli %mul3A_107, %scan3A_106 : i32
          %add3A = arith.addi %mul3A_99, %mul3A_108 : i32
          %eq3A_109 = arith.constant 0 : i32
          %eq3A_110 = arith.cmpi eq, %scan3A_106, %eq3A_109 : i32
          %add3A_111 = arith.constant 1 : i32
          %add3A_112 = arith.addi %add3A, %add3A_111 : i32
          %jit3A_113 = arith.constant 16 : i32
          %div3A = arith.divsi %add3A, %jit3A_113 : i32
          %sign3A = arith.constant 0 : i32
          %sign3A_114 = arith.cmpi sgt, %add3A, %sign3A : i32
          %sign3A_115 = arith.extui %sign3A_114 : i1 to i32
          %sign3A_116 = arith.constant 0 : i32
          %sign3A_117 = arith.cmpi slt, %add3A, %sign3A_116 : i32
          %sign3A_118 = arith.extui %sign3A_117 : i1 to i32
          %sign3A_119 = arith.subi %sign3A_115, %sign3A_118 : i32
          %sign3A_120 = arith.constant 0 : i32
          %sign3A_121 = arith.cmpi sgt, %jit3A_113, %sign3A_120 : i32
          %sign3A_122 = arith.extui %sign3A_121 : i1 to i32
          %sign3A_123 = arith.constant 0 : i32
          %sign3A_124 = arith.cmpi slt, %jit3A_113, %sign3A_123 : i32
          %sign3A_125 = arith.extui %sign3A_124 : i1 to i32
          %sign3A_126 = arith.subi %sign3A_122, %sign3A_125 : i32
          %ne3A = arith.cmpi ne, %sign3A_119, %sign3A_126 : i32
          %rem3A = arith.remsi %add3A, %jit3A_113 : i32
          %ne3A_127 = arith.constant 0 : i32
          %ne3A_128 = arith.cmpi ne, %rem3A, %ne3A_127 : i32
          %and3A = arith.andi %ne3A, %ne3A_128 : i1
          %sub3A = arith.constant 1 : i32
          %sub3A_129 = arith.subi %div3A, %sub3A : i32
          %select_n3A_130 = arith.select %and3A, %sub3A_129, %div3A : i32
          %jit3A_131 = arith.constant 2 : i32
          %eq3A_132 = arith.constant 0 : i32
          %eq3A_133 = arith.cmpi eq, %jit3A_131, %eq3A_132 : i32
          %jit3A_134 = arith.constant 1 : i32
          %select_n3A_135 = arith.select %eq3A_133, %jit3A_134, %jit3A_131 : i32
          %rem3A_136 = arith.remsi %select_n3A_130, %select_n3A_135 : i32
          %ne3A_137 = arith.constant 0 : i32
          %ne3A_138 = arith.cmpi ne, %rem3A_136, %ne3A_137 : i32
          %lt3A_139 = arith.constant 0 : i32
          %lt3A_140 = arith.cmpi slt, %rem3A_136, %lt3A_139 : i32
          %lt3A_141 = arith.constant 0 : i32
          %lt3A_142 = arith.cmpi slt, %select_n3A_135, %lt3A_141 : i32
          %ne3A_143 = arith.xori %lt3A_140, %lt3A_142 : i1
          %and3A_144 = arith.andi %ne3A_143, %ne3A_138 : i1
          %add3A_145 = arith.addi %rem3A_136, %select_n3A_135 : i32
          %select_n3A_146 = arith.select %and3A_144, %add3A_145, %rem3A_136 : i32
          %jit3A_147 = arith.constant 16 : i32
          %eq3A_148 = arith.constant 0 : i32
          %eq3A_149 = arith.cmpi eq, %jit3A_147, %eq3A_148 : i32
          %jit3A_150 = arith.constant 1 : i32
          %select_n3A_151 = arith.select %eq3A_149, %jit3A_150, %jit3A_147 : i32
          %rem3A_152 = arith.remsi %add3A, %select_n3A_151 : i32
          %ne3A_153 = arith.constant 0 : i32
          %ne3A_154 = arith.cmpi ne, %rem3A_152, %ne3A_153 : i32
          %lt3A_155 = arith.constant 0 : i32
          %lt3A_156 = arith.cmpi slt, %rem3A_152, %lt3A_155 : i32
          %lt3A_157 = arith.constant 0 : i32
          %lt3A_158 = arith.cmpi slt, %select_n3A_151, %lt3A_157 : i32
          %ne3A_159 = arith.xori %lt3A_156, %lt3A_158 : i1
          %and3A_160 = arith.andi %ne3A_159, %ne3A_154 : i1
          %add3A_161 = arith.addi %rem3A_152, %select_n3A_151 : i32
          %select_n3A_162 = arith.select %and3A_160, %add3A_161, %rem3A_152 : i32
          %jit3A_163 = arith.constant 3 : i32
          %eq3A_164 = arith.constant 0 : i32
          %eq3A_165 = arith.cmpi eq, %jit3A_163, %eq3A_164 : i32
          %jit3A_166 = arith.constant 1 : i32
          %select_n3A_167 = arith.select %eq3A_165, %jit3A_166, %jit3A_163 : i32
          %rem3A_168 = arith.remsi %add3A, %select_n3A_167 : i32
          %ne3A_169 = arith.constant 0 : i32
          %ne3A_170 = arith.cmpi ne, %rem3A_168, %ne3A_169 : i32
          %lt3A_171 = arith.constant 0 : i32
          %lt3A_172 = arith.cmpi slt, %rem3A_168, %lt3A_171 : i32
          %lt3A_173 = arith.constant 0 : i32
          %lt3A_174 = arith.cmpi slt, %select_n3A_167, %lt3A_173 : i32
          %ne3A_175 = arith.xori %lt3A_172, %lt3A_174 : i1
          %and3A_176 = arith.andi %ne3A_175, %ne3A_170 : i1
          %add3A_177 = arith.addi %rem3A_168, %select_n3A_167 : i32
          %select_n3A_178 = arith.select %and3A_176, %add3A_177, %rem3A_168 : i32
          %dma_wait3A_179 = arith.constant 0 : i32
          %dma_wait3A_180 = arith.constant 0 : i32
          %dma_wait3A_181 = tpu.memref_slice %arg10[%select_n3A_178, %dma_wait3A_179, %dma_wait3A_180] : memref<3x100x128xf32, #tpu.memory_space<vmem>> -> memref<1x100x128xf32, #tpu.memory_space<vmem>>
          %dma_wait3A_182 = tpu.memref_squeeze %dma_wait3A_181 : memref<1x100x128xf32, #tpu.memory_space<vmem>> -> memref<100x128xf32, #tpu.memory_space<vmem>>
          %dma_wait3A_183 = arith.constant 0 : i32
          %dma_wait3A_184 = tpu.memref_slice %arg8[%select_n3A_146, %select_n3A_162, %dma_wait3A_183] : memref<2x16x100xi32, #tpu.memory_space<vmem>> -> memref<1x1x100xi32, #tpu.memory_space<vmem>>
          %dma_wait3A_185 = tpu.memref_squeeze %dma_wait3A_184 : memref<1x1x100xi32, #tpu.memory_space<vmem>> -> memref<100xi32, #tpu.memory_space<vmem>>
          %dma_wait3A_186 = arith.constant 0 : i32
          %dma_wait3A_187 = arith.constant 0 : i32
          %dma_wait3A_188 = tpu.memref_slice %arg4[%dma_wait3A_186, %dma_wait3A_187] : memref<10000x128xf32, #tpu.memory_space<hbm>> -> memref<10000x128xf32, #tpu.memory_space<hbm>>
          tpu.wait_indirect_dma semaphore(%arg12 : memref<!tpu.dma_semaphore, #tpu.memory_space<semaphore_mem>>) src(%dma_wait3A_188 : memref<10000x128xf32, #tpu.memory_space<hbm>>) dst(%dma_wait3A_182 : memref<100x128xf32, #tpu.memory_space<vmem>>)
          %jit3A_189 = arith.constant 3 : i32
          %eq3A_190 = arith.constant 0 : i32
          %eq3A_191 = arith.cmpi eq, %jit3A_189, %eq3A_190 : i32
          %jit3A_192 = arith.constant 1 : i32
          %select_n3A_193 = arith.select %eq3A_191, %jit3A_192, %jit3A_189 : i32
          %rem3A_194 = arith.remsi %add3A, %select_n3A_193 : i32
          %ne3A_195 = arith.constant 0 : i32
          %ne3A_196 = arith.cmpi ne, %rem3A_194, %ne3A_195 : i32
          %lt3A_197 = arith.constant 0 : i32
          %lt3A_198 = arith.cmpi slt, %rem3A_194, %lt3A_197 : i32
          %lt3A_199 = arith.constant 0 : i32
          %lt3A_200 = arith.cmpi slt, %select_n3A_193, %lt3A_199 : i32
          %ne3A_201 = arith.xori %lt3A_198, %lt3A_200 : i1
          %and3A_202 = arith.andi %ne3A_201, %ne3A_196 : i1
          %add3A_203 = arith.addi %rem3A_194, %select_n3A_193 : i32
          %select_n3A_204 = arith.select %and3A_202, %add3A_203, %rem3A_194 : i32
          %jit3A_205 = arith.constant 16 : i32
          %div3A_206 = arith.divsi %add3A, %jit3A_205 : i32
          %sign3A_207 = arith.constant 0 : i32
          %sign3A_208 = arith.cmpi sgt, %add3A, %sign3A_207 : i32
          %sign3A_209 = arith.extui %sign3A_208 : i1 to i32
          %sign3A_210 = arith.constant 0 : i32
          %sign3A_211 = arith.cmpi slt, %add3A, %sign3A_210 : i32
          %sign3A_212 = arith.extui %sign3A_211 : i1 to i32
          %sign3A_213 = arith.subi %sign3A_209, %sign3A_212 : i32
          %sign3A_214 = arith.constant 0 : i32
          %sign3A_215 = arith.cmpi sgt, %jit3A_205, %sign3A_214 : i32
          %sign3A_216 = arith.extui %sign3A_215 : i1 to i32
          %sign3A_217 = arith.constant 0 : i32
          %sign3A_218 = arith.cmpi slt, %jit3A_205, %sign3A_217 : i32
          %sign3A_219 = arith.extui %sign3A_218 : i1 to i32
          %sign3A_220 = arith.subi %sign3A_216, %sign3A_219 : i32
          %ne3A_221 = arith.cmpi ne, %sign3A_213, %sign3A_220 : i32
          %rem3A_222 = arith.remsi %add3A, %jit3A_205 : i32
          %ne3A_223 = arith.constant 0 : i32
          %ne3A_224 = arith.cmpi ne, %rem3A_222, %ne3A_223 : i32
          %and3A_225 = arith.andi %ne3A_221, %ne3A_224 : i1
          %sub3A_226 = arith.constant 1 : i32
          %sub3A_227 = arith.subi %div3A_206, %sub3A_226 : i32
          %select_n3A_228 = arith.select %and3A_225, %sub3A_227, %div3A_206 : i32
          %jit3A_229 = arith.constant 2 : i32
          %eq3A_230 = arith.constant 0 : i32
          %eq3A_231 = arith.cmpi eq, %jit3A_229, %eq3A_230 : i32
          %jit3A_232 = arith.constant 1 : i32
          %select_n3A_233 = arith.select %eq3A_231, %jit3A_232, %jit3A_229 : i32
          %rem3A_234 = arith.remsi %select_n3A_228, %select_n3A_233 : i32
          %ne3A_235 = arith.constant 0 : i32
          %ne3A_236 = arith.cmpi ne, %rem3A_234, %ne3A_235 : i32
          %lt3A_237 = arith.constant 0 : i32
          %lt3A_238 = arith.cmpi slt, %rem3A_234, %lt3A_237 : i32
          %lt3A_239 = arith.constant 0 : i32
          %lt3A_240 = arith.cmpi slt, %select_n3A_233, %lt3A_239 : i32
          %ne3A_241 = arith.xori %lt3A_238, %lt3A_240 : i1
          %and3A_242 = arith.andi %ne3A_241, %ne3A_236 : i1
          %add3A_243 = arith.addi %rem3A_234, %select_n3A_233 : i32
          %select_n3A_244 = arith.select %and3A_242, %add3A_243, %rem3A_234 : i32
          %jit3A_245 = arith.constant 16 : i32
          %eq3A_246 = arith.constant 0 : i32
          %eq3A_247 = arith.cmpi eq, %jit3A_245, %eq3A_246 : i32
          %jit3A_248 = arith.constant 1 : i32
          %select_n3A_249 = arith.select %eq3A_247, %jit3A_248, %jit3A_245 : i32
          %rem3A_250 = arith.remsi %add3A, %select_n3A_249 : i32
          %ne3A_251 = arith.constant 0 : i32
          %ne3A_252 = arith.cmpi ne, %rem3A_250, %ne3A_251 : i32
          %lt3A_253 = arith.constant 0 : i32
          %lt3A_254 = arith.cmpi slt, %rem3A_250, %lt3A_253 : i32
          %lt3A_255 = arith.constant 0 : i32
          %lt3A_256 = arith.cmpi slt, %select_n3A_249, %lt3A_255 : i32
          %ne3A_257 = arith.xori %lt3A_254, %lt3A_256 : i1
          %and3A_258 = arith.andi %ne3A_257, %ne3A_252 : i1
          %add3A_259 = arith.addi %rem3A_250, %select_n3A_249 : i32
          %select_n3A_260 = arith.select %and3A_258, %add3A_259, %rem3A_250 : i32
          %dma_start3A_261 = arith.constant 0 : i32
          %dma_start3A_262 = arith.constant 0 : i32
          %dma_start3A_263 = tpu.memref_slice %arg10[%select_n3A_204, %dma_start3A_261, %dma_start3A_262] : memref<3x100x128xf32, #tpu.memory_space<vmem>> -> memref<1x100x128xf32, #tpu.memory_space<vmem>>
          %dma_start3A_264 = tpu.memref_squeeze %dma_start3A_263 : memref<1x100x128xf32, #tpu.memory_space<vmem>> -> memref<100x128xf32, #tpu.memory_space<vmem>>
          %dma_start3A_265 = arith.constant 0 : i32
          %dma_start3A_266 = tpu.memref_slice %arg9[%select_n3A_244, %select_n3A_260, %dma_start3A_265] : memref<2x16x100xi32, #tpu.memory_space<vmem>> -> memref<1x1x100xi32, #tpu.memory_space<vmem>>
          %dma_start3A_267 = tpu.memref_squeeze %dma_start3A_266 : memref<1x1x100xi32, #tpu.memory_space<vmem>> -> memref<100xi32, #tpu.memory_space<vmem>>
          %dma_start3A_268 = arith.constant 0 : i32
          %dma_start3A_269 = arith.constant 0 : i32
          %dma_start3A_270 = tpu.memref_slice %arg11[%dma_start3A_268, %dma_start3A_269] : memref<10000x128xf32, #tpu.memory_space<vmem_shared>> -> memref<10000x128xf32, #tpu.memory_space<vmem_shared>>
          tpu.enqueue_indirect_dma source(%dma_start3A_264 : memref<100x128xf32, #tpu.memory_space<vmem>>) target(%dma_start3A_270 : memref<10000x128xf32, #tpu.memory_space<vmem_shared>>) offsets(%dma_start3A_267 : memref<100xi32, #tpu.memory_space<vmem>>) semaphore(%arg14 : memref<!tpu.dma_semaphore, #tpu.memory_space<semaphore_mem>>) {add = true}
          %gt3A = arith.constant 0 : i32
          %gt3A_271 = arith.cmpi sgt, %add3A, %gt3A : i32
          %convert_element_type3A_272 = arith.extui %gt3A_271 : i1 to i32
          %cond3A_273 = arith.constant 0 : i32
          %cond3A_274 = arith.cmpi ne, %convert_element_type3A_272, %cond3A_273 : i32
          scf.if %cond3A_274 {
            %sub3A_692 = arith.constant 1 : i32
            %sub3A_693 = arith.subi %add3A, %sub3A_692 : i32
            %jit3A_694 = arith.constant 3 : i32
            %eq3A_695 = arith.constant 0 : i32
            %eq3A_696 = arith.cmpi eq, %jit3A_694, %eq3A_695 : i32
            %jit3A_697 = arith.constant 1 : i32
            %select_n3A_698 = arith.select %eq3A_696, %jit3A_697, %jit3A_694 : i32
            %rem3A_699 = arith.remsi %sub3A_693, %select_n3A_698 : i32
            %ne3A_700 = arith.constant 0 : i32
            %ne3A_701 = arith.cmpi ne, %rem3A_699, %ne3A_700 : i32
            %lt3A_702 = arith.constant 0 : i32
            %lt3A_703 = arith.cmpi slt, %rem3A_699, %lt3A_702 : i32
            %lt3A_704 = arith.constant 0 : i32
            %lt3A_705 = arith.cmpi slt, %select_n3A_698, %lt3A_704 : i32
            %ne3A_706 = arith.xori %lt3A_703, %lt3A_705 : i1
            %and3A_707 = arith.andi %ne3A_706, %ne3A_701 : i1
            %add3A_708 = arith.addi %rem3A_699, %select_n3A_698 : i32
            %select_n3A_709 = arith.select %and3A_707, %add3A_708, %rem3A_699 : i32
            %jit3A_710 = arith.constant 16 : i32
            %div3A_711 = arith.divsi %sub3A_693, %jit3A_710 : i32
            %sign3A_712 = arith.constant 0 : i32
            %sign3A_713 = arith.cmpi sgt, %sub3A_693, %sign3A_712 : i32
            %sign3A_714 = arith.extui %sign3A_713 : i1 to i32
            %sign3A_715 = arith.constant 0 : i32
            %sign3A_716 = arith.cmpi slt, %sub3A_693, %sign3A_715 : i32
            %sign3A_717 = arith.extui %sign3A_716 : i1 to i32
            %sign3A_718 = arith.subi %sign3A_714, %sign3A_717 : i32
            %sign3A_719 = arith.constant 0 : i32
            %sign3A_720 = arith.cmpi sgt, %jit3A_710, %sign3A_719 : i32
            %sign3A_721 = arith.extui %sign3A_720 : i1 to i32
            %sign3A_722 = arith.constant 0 : i32
            %sign3A_723 = arith.cmpi slt, %jit3A_710, %sign3A_722 : i32
            %sign3A_724 = arith.extui %sign3A_723 : i1 to i32
            %sign3A_725 = arith.subi %sign3A_721, %sign3A_724 : i32
            %ne3A_726 = arith.cmpi ne, %sign3A_718, %sign3A_725 : i32
            %rem3A_727 = arith.remsi %sub3A_693, %jit3A_710 : i32
            %ne3A_728 = arith.constant 0 : i32
            %ne3A_729 = arith.cmpi ne, %rem3A_727, %ne3A_728 : i32
            %and3A_730 = arith.andi %ne3A_726, %ne3A_729 : i1
            %sub3A_731 = arith.constant 1 : i32
            %sub3A_732 = arith.subi %div3A_711, %sub3A_731 : i32
            %select_n3A_733 = arith.select %and3A_730, %sub3A_732, %div3A_711 : i32
            %jit3A_734 = arith.constant 2 : i32
            %eq3A_735 = arith.constant 0 : i32
            %eq3A_736 = arith.cmpi eq, %jit3A_734, %eq3A_735 : i32
            %jit3A_737 = arith.constant 1 : i32
            %select_n3A_738 = arith.select %eq3A_736, %jit3A_737, %jit3A_734 : i32
            %rem3A_739 = arith.remsi %select_n3A_733, %select_n3A_738 : i32
            %ne3A_740 = arith.constant 0 : i32
            %ne3A_741 = arith.cmpi ne, %rem3A_739, %ne3A_740 : i32
            %lt3A_742 = arith.constant 0 : i32
            %lt3A_743 = arith.cmpi slt, %rem3A_739, %lt3A_742 : i32
            %lt3A_744 = arith.constant 0 : i32
            %lt3A_745 = arith.cmpi slt, %select_n3A_738, %lt3A_744 : i32
            %ne3A_746 = arith.xori %lt3A_743, %lt3A_745 : i1
            %and3A_747 = arith.andi %ne3A_746, %ne3A_741 : i1
            %add3A_748 = arith.addi %rem3A_739, %select_n3A_738 : i32
            %select_n3A_749 = arith.select %and3A_747, %add3A_748, %rem3A_739 : i32
            %jit3A_750 = arith.constant 16 : i32
            %eq3A_751 = arith.constant 0 : i32
            %eq3A_752 = arith.cmpi eq, %jit3A_750, %eq3A_751 : i32
            %jit3A_753 = arith.constant 1 : i32
            %select_n3A_754 = arith.select %eq3A_752, %jit3A_753, %jit3A_750 : i32
            %rem3A_755 = arith.remsi %sub3A_693, %select_n3A_754 : i32
            %ne3A_756 = arith.constant 0 : i32
            %ne3A_757 = arith.cmpi ne, %rem3A_755, %ne3A_756 : i32
            %lt3A_758 = arith.constant 0 : i32
            %lt3A_759 = arith.cmpi slt, %rem3A_755, %lt3A_758 : i32
            %lt3A_760 = arith.constant 0 : i32
            %lt3A_761 = arith.cmpi slt, %select_n3A_754, %lt3A_760 : i32
            %ne3A_762 = arith.xori %lt3A_759, %lt3A_761 : i1
            %and3A_763 = arith.andi %ne3A_762, %ne3A_757 : i1
            %add3A_764 = arith.addi %rem3A_755, %select_n3A_754 : i32
            %select_n3A_765 = arith.select %and3A_763, %add3A_764, %rem3A_755 : i32
            %dma_wait3A_766 = arith.constant 0 : i32
            %dma_wait3A_767 = arith.constant 0 : i32
            %dma_wait3A_768 = tpu.memref_slice %arg10[%select_n3A_709, %dma_wait3A_766, %dma_wait3A_767] : memref<3x100x128xf32, #tpu.memory_space<vmem>> -> memref<1x100x128xf32, #tpu.memory_space<vmem>>
            %dma_wait3A_769 = tpu.memref_squeeze %dma_wait3A_768 : memref<1x100x128xf32, #tpu.memory_space<vmem>> -> memref<100x128xf32, #tpu.memory_space<vmem>>
            %dma_wait3A_770 = arith.constant 0 : i32
            %dma_wait3A_771 = tpu.memref_slice %arg9[%select_n3A_749, %select_n3A_765, %dma_wait3A_770] : memref<2x16x100xi32, #tpu.memory_space<vmem>> -> memref<1x1x100xi32, #tpu.memory_space<vmem>>
            %dma_wait3A_772 = tpu.memref_squeeze %dma_wait3A_771 : memref<1x1x100xi32, #tpu.memory_space<vmem>> -> memref<100xi32, #tpu.memory_space<vmem>>
            %dma_wait3A_773 = arith.constant 0 : i32
            %dma_wait3A_774 = arith.constant 0 : i32
            %dma_wait3A_775 = tpu.memref_slice %arg11[%dma_wait3A_773, %dma_wait3A_774] : memref<10000x128xf32, #tpu.memory_space<vmem_shared>> -> memref<10000x128xf32, #tpu.memory_space<vmem_shared>>
            tpu.wait_indirect_dma semaphore(%arg15 : memref<!tpu.dma_semaphore, #tpu.memory_space<semaphore_mem>>) src(%dma_wait3A_769 : memref<100x128xf32, #tpu.memory_space<vmem>>) dst(%dma_wait3A_775 : memref<10000x128xf32, #tpu.memory_space<vmem_shared>>)
          } else {
          }
          %convert_element_type3A_275 = arith.extui %eq3A_110 : i1 to i32
          %cond3A_276 = arith.constant 0 : i32
          %cond3A_277 = arith.cmpi ne, %convert_element_type3A_275, %cond3A_276 : i32
          scf.if %cond3A_277 {
            %jit3A_692 = arith.constant 16 : i32
            %div3A_693 = arith.divsi %add3A, %jit3A_692 : i32
            %sign3A_694 = arith.constant 0 : i32
            %sign3A_695 = arith.cmpi sgt, %add3A, %sign3A_694 : i32
            %sign3A_696 = arith.extui %sign3A_695 : i1 to i32
            %sign3A_697 = arith.constant 0 : i32
            %sign3A_698 = arith.cmpi slt, %add3A, %sign3A_697 : i32
            %sign3A_699 = arith.extui %sign3A_698 : i1 to i32
            %sign3A_700 = arith.subi %sign3A_696, %sign3A_699 : i32
            %sign3A_701 = arith.constant 0 : i32
            %sign3A_702 = arith.cmpi sgt, %jit3A_692, %sign3A_701 : i32
            %sign3A_703 = arith.extui %sign3A_702 : i1 to i32
            %sign3A_704 = arith.constant 0 : i32
            %sign3A_705 = arith.cmpi slt, %jit3A_692, %sign3A_704 : i32
            %sign3A_706 = arith.extui %sign3A_705 : i1 to i32
            %sign3A_707 = arith.subi %sign3A_703, %sign3A_706 : i32
            %ne3A_708 = arith.cmpi ne, %sign3A_700, %sign3A_707 : i32
            %rem3A_709 = arith.remsi %add3A, %jit3A_692 : i32
            %ne3A_710 = arith.constant 0 : i32
            %ne3A_711 = arith.cmpi ne, %rem3A_709, %ne3A_710 : i32
            %and3A_712 = arith.andi %ne3A_708, %ne3A_711 : i1
            %sub3A_713 = arith.constant 1 : i32
            %sub3A_714 = arith.subi %div3A_693, %sub3A_713 : i32
            %select_n3A_715 = arith.select %and3A_712, %sub3A_714, %div3A_693 : i32
            %add3A_716 = arith.constant 1 : i32
            %add3A_717 = arith.addi %select_n3A_715, %add3A_716 : i32
            %mul3A_718 = arith.constant 16 : i32
            %mul3A_719 = arith.muli %add3A_717, %mul3A_718 : i32
            %add3A_720 = arith.addi %mul3A_33, %mul3A_719 : i32
            %jit3A_721 = arith.constant 2 : i32
            %eq3A_722 = arith.constant 0 : i32
            %eq3A_723 = arith.cmpi eq, %jit3A_721, %eq3A_722 : i32
            %jit3A_724 = arith.constant 1 : i32
            %select_n3A_725 = arith.select %eq3A_723, %jit3A_724, %jit3A_721 : i32
            %rem3A_726 = arith.remsi %add3A_717, %select_n3A_725 : i32
            %ne3A_727 = arith.constant 0 : i32
            %ne3A_728 = arith.cmpi ne, %rem3A_726, %ne3A_727 : i32
            %lt3A_729 = arith.constant 0 : i32
            %lt3A_730 = arith.cmpi slt, %rem3A_726, %lt3A_729 : i32
            %lt3A_731 = arith.constant 0 : i32
            %lt3A_732 = arith.cmpi slt, %select_n3A_725, %lt3A_731 : i32
            %ne3A_733 = arith.xori %lt3A_730, %lt3A_732 : i1
            %and3A_734 = arith.andi %ne3A_733, %ne3A_728 : i1
            %add3A_735 = arith.addi %rem3A_726, %select_n3A_725 : i32
            %select_n3A_736 = arith.select %and3A_734, %add3A_735, %rem3A_726 : i32
            "tpu.region"() ({
              %run_scoped3A_753 = tpu.sem_alloc : memref<!tpu.dma_semaphore, #tpu.memory_space<semaphore_mem>>
              %dma_start3A_754 = arith.constant 0 : i32
              %dma_start3A_755 = arith.constant 0 : i32
              %dma_start3A_756 = tpu.memref_slice %arg8[%select_n3A_736, %dma_start3A_754, %dma_start3A_755] : memref<2x16x100xi32, #tpu.memory_space<vmem>> -> memref<1x16x100xi32, #tpu.memory_space<vmem>>
              %dma_start3A_757 = tpu.memref_squeeze %dma_start3A_756 : memref<1x16x100xi32, #tpu.memory_space<vmem>> -> memref<16x100xi32, #tpu.memory_space<vmem>>
              %dma_start3A_758 = arith.constant 0 : i32
              %dma_start3A_759 = tpu.memref_slice %arg2[%add3A_720, %dma_start3A_758] : memref<6400x100xi32, #tpu.memory_space<hbm>> -> memref<16x100xi32, #tpu.memory_space<hbm>>
              %dma_start3A_760 = arith.constant 0 : i32
              %dma_start3A_761 = arith.constant 0 : i32
              %dma_start3A_762 = tpu.memref_slice %arg8[%select_n3A_736, %dma_start3A_760, %dma_start3A_761] : memref<2x16x100xi32, #tpu.memory_space<vmem>> -> memref<1x16x100xi32, #tpu.memory_space<vmem>>
              %dma_start3A_763 = tpu.memref_squeeze %dma_start3A_762 : memref<1x16x100xi32, #tpu.memory_space<vmem>> -> memref<16x100xi32, #tpu.memory_space<vmem>>
              %dma_start3A_764 = arith.constant 0 : i32
              %dma_start3A_765 = tpu.memref_slice %arg2[%add3A_720, %dma_start3A_764] : memref<6400x100xi32, #tpu.memory_space<hbm>> -> memref<16x100xi32, #tpu.memory_space<hbm>>
              tpu.enqueue_dma source(%dma_start3A_765 : memref<16x100xi32, #tpu.memory_space<hbm>>) target(%dma_start3A_763 : memref<16x100xi32, #tpu.memory_space<vmem>>) target_semaphore(%run_scoped3A_753 : memref<!tpu.dma_semaphore, #tpu.memory_space<semaphore_mem>>)
              %dma_wait3A_766 = arith.constant 0 : i32
              %dma_wait3A_767 = arith.constant 0 : i32
              %dma_wait3A_768 = tpu.memref_slice %arg8[%select_n3A_736, %dma_wait3A_766, %dma_wait3A_767] : memref<2x16x100xi32, #tpu.memory_space<vmem>> -> memref<1x16x100xi32, #tpu.memory_space<vmem>>
              %dma_wait3A_769 = tpu.memref_squeeze %dma_wait3A_768 : memref<1x16x100xi32, #tpu.memory_space<vmem>> -> memref<16x100xi32, #tpu.memory_space<vmem>>
              %dma_wait3A_770 = arith.constant 0 : i32
              %dma_wait3A_771 = tpu.memref_slice %arg2[%add3A_720, %dma_wait3A_770] : memref<6400x100xi32, #tpu.memory_space<hbm>> -> memref<16x100xi32, #tpu.memory_space<hbm>>
              %dma_wait3A_772 = arith.constant 0 : i32
              %dma_wait3A_773 = arith.constant 0 : i32
              %dma_wait3A_774 = tpu.memref_slice %arg8[%select_n3A_736, %dma_wait3A_772, %dma_wait3A_773] : memref<2x16x100xi32, #tpu.memory_space<vmem>> -> memref<1x16x100xi32, #tpu.memory_space<vmem>>
              %dma_wait3A_775 = tpu.memref_squeeze %dma_wait3A_774 : memref<1x16x100xi32, #tpu.memory_space<vmem>> -> memref<16x100xi32, #tpu.memory_space<vmem>>
              %dma_wait3A_776 = arith.constant 0 : i32
              %dma_wait3A_777 = tpu.memref_slice %arg2[%add3A_720, %dma_wait3A_776] : memref<6400x100xi32, #tpu.memory_space<hbm>> -> memref<16x100xi32, #tpu.memory_space<hbm>>
              tpu.wait_dma2 semaphore(%run_scoped3A_753 : memref<!tpu.dma_semaphore, #tpu.memory_space<semaphore_mem>>) src(%dma_wait3A_777 : memref<16x100xi32, #tpu.memory_space<hbm>>) dst(%dma_wait3A_775 : memref<16x100xi32, #tpu.memory_space<vmem>>)
              tpu.yield
            }) : () -> ()
            %jit3A_737 = arith.constant 2 : i32
            %eq3A_738 = arith.constant 0 : i32
            %eq3A_739 = arith.cmpi eq, %jit3A_737, %eq3A_738 : i32
            %jit3A_740 = arith.constant 1 : i32
            %select_n3A_741 = arith.select %eq3A_739, %jit3A_740, %jit3A_737 : i32
            %rem3A_742 = arith.remsi %add3A_717, %select_n3A_741 : i32
            %ne3A_743 = arith.constant 0 : i32
            %ne3A_744 = arith.cmpi ne, %rem3A_742, %ne3A_743 : i32
            %lt3A_745 = arith.constant 0 : i32
            %lt3A_746 = arith.cmpi slt, %rem3A_742, %lt3A_745 : i32
            %lt3A_747 = arith.constant 0 : i32
            %lt3A_748 = arith.cmpi slt, %select_n3A_741, %lt3A_747 : i32
            %ne3A_749 = arith.xori %lt3A_746, %lt3A_748 : i1
            %and3A_750 = arith.andi %ne3A_749, %ne3A_744 : i1
            %add3A_751 = arith.addi %rem3A_742, %select_n3A_741 : i32
            %select_n3A_752 = arith.select %and3A_750, %add3A_751, %rem3A_742 : i32
            "tpu.region"() ({
              %run_scoped3A_753 = tpu.sem_alloc : memref<!tpu.dma_semaphore, #tpu.memory_space<semaphore_mem>>
              %dma_start3A_754 = arith.constant 0 : i32
              %dma_start3A_755 = arith.constant 0 : i32
              %dma_start3A_756 = tpu.memref_slice %arg9[%select_n3A_752, %dma_start3A_754, %dma_start3A_755] : memref<2x16x100xi32, #tpu.memory_space<vmem>> -> memref<1x16x100xi32, #tpu.memory_space<vmem>>
              %dma_start3A_757 = tpu.memref_squeeze %dma_start3A_756 : memref<1x16x100xi32, #tpu.memory_space<vmem>> -> memref<16x100xi32, #tpu.memory_space<vmem>>
              %dma_start3A_758 = arith.constant 0 : i32
              %dma_start3A_759 = tpu.memref_slice %arg3[%add3A_720, %dma_start3A_758] : memref<6400x100xi32, #tpu.memory_space<hbm>> -> memref<16x100xi32, #tpu.memory_space<hbm>>
              %dma_start3A_760 = arith.constant 0 : i32
              %dma_start3A_761 = arith.constant 0 : i32
              %dma_start3A_762 = tpu.memref_slice %arg9[%select_n3A_752, %dma_start3A_760, %dma_start3A_761] : memref<2x16x100xi32, #tpu.memory_space<vmem>> -> memref<1x16x100xi32, #tpu.memory_space<vmem>>
              %dma_start3A_763 = tpu.memref_squeeze %dma_start3A_762 : memref<1x16x100xi32, #tpu.memory_space<vmem>> -> memref<16x100xi32, #tpu.memory_space<vmem>>
              %dma_start3A_764 = arith.constant 0 : i32
              %dma_start3A_765 = tpu.memref_slice %arg3[%add3A_720, %dma_start3A_764] : memref<6400x100xi32, #tpu.memory_space<hbm>> -> memref<16x100xi32, #tpu.memory_space<hbm>>
              tpu.enqueue_dma source(%dma_start3A_765 : memref<16x100xi32, #tpu.memory_space<hbm>>) target(%dma_start3A_763 : memref<16x100xi32, #tpu.memory_space<vmem>>) target_semaphore(%run_scoped3A_753 : memref<!tpu.dma_semaphore, #tpu.memory_space<semaphore_mem>>)
              %dma_wait3A_766 = arith.constant 0 : i32
              %dma_wait3A_767 = arith.constant 0 : i32
              %dma_wait3A_768 = tpu.memref_slice %arg9[%select_n3A_752, %dma_wait3A_766, %dma_wait3A_767] : memref<2x16x100xi32, #tpu.memory_space<vmem>> -> memref<1x16x100xi32, #tpu.memory_space<vmem>>
              %dma_wait3A_769 = tpu.memref_squeeze %dma_wait3A_768 : memref<1x16x100xi32, #tpu.memory_space<vmem>> -> memref<16x100xi32, #tpu.memory_space<vmem>>
              %dma_wait3A_770 = arith.constant 0 : i32
              %dma_wait3A_771 = tpu.memref_slice %arg3[%add3A_720, %dma_wait3A_770] : memref<6400x100xi32, #tpu.memory_space<hbm>> -> memref<16x100xi32, #tpu.memory_space<hbm>>
              %dma_wait3A_772 = arith.constant 0 : i32
              %dma_wait3A_773 = arith.constant 0 : i32
              %dma_wait3A_774 = tpu.memref_slice %arg9[%select_n3A_752, %dma_wait3A_772, %dma_wait3A_773] : memref<2x16x100xi32, #tpu.memory_space<vmem>> -> memref<1x16x100xi32, #tpu.memory_space<vmem>>
              %dma_wait3A_775 = tpu.memref_squeeze %dma_wait3A_774 : memref<1x16x100xi32, #tpu.memory_space<vmem>> -> memref<16x100xi32, #tpu.memory_space<vmem>>
              %dma_wait3A_776 = arith.constant 0 : i32
              %dma_wait3A_777 = tpu.memref_slice %arg3[%add3A_720, %dma_wait3A_776] : memref<6400x100xi32, #tpu.memory_space<hbm>> -> memref<16x100xi32, #tpu.memory_space<hbm>>
              tpu.wait_dma2 semaphore(%run_scoped3A_753 : memref<!tpu.dma_semaphore, #tpu.memory_space<semaphore_mem>>) src(%dma_wait3A_777 : memref<16x100xi32, #tpu.memory_space<hbm>>) dst(%dma_wait3A_775 : memref<16x100xi32, #tpu.memory_space<vmem>>)
              tpu.yield
            }) : () -> ()
          } else {
          }
          %add3A_278 = arith.constant 2 : i32
          %add3A_279 = arith.addi %add3A, %add3A_278 : i32
          %jit3A_280 = arith.constant 16 : i32
          %div3A_281 = arith.divsi %add3A_279, %jit3A_280 : i32
          %sign3A_282 = arith.constant 0 : i32
          %sign3A_283 = arith.cmpi sgt, %add3A_279, %sign3A_282 : i32
          %sign3A_284 = arith.extui %sign3A_283 : i1 to i32
          %sign3A_285 = arith.constant 0 : i32
          %sign3A_286 = arith.cmpi slt, %add3A_279, %sign3A_285 : i32
          %sign3A_287 = arith.extui %sign3A_286 : i1 to i32
          %sign3A_288 = arith.subi %sign3A_284, %sign3A_287 : i32
          %sign3A_289 = arith.constant 0 : i32
          %sign3A_290 = arith.cmpi sgt, %jit3A_280, %sign3A_289 : i32
          %sign3A_291 = arith.extui %sign3A_290 : i1 to i32
          %sign3A_292 = arith.constant 0 : i32
          %sign3A_293 = arith.cmpi slt, %jit3A_280, %sign3A_292 : i32
          %sign3A_294 = arith.extui %sign3A_293 : i1 to i32
          %sign3A_295 = arith.subi %sign3A_291, %sign3A_294 : i32
          %ne3A_296 = arith.cmpi ne, %sign3A_288, %sign3A_295 : i32
          %rem3A_297 = arith.remsi %add3A_279, %jit3A_280 : i32
          %ne3A_298 = arith.constant 0 : i32
          %ne3A_299 = arith.cmpi ne, %rem3A_297, %ne3A_298 : i32
          %and3A_300 = arith.andi %ne3A_296, %ne3A_299 : i1
          %sub3A_301 = arith.constant 1 : i32
          %sub3A_302 = arith.subi %div3A_281, %sub3A_301 : i32
          %select_n3A_303 = arith.select %and3A_300, %sub3A_302, %div3A_281 : i32
          %jit3A_304 = arith.constant 2 : i32
          %eq3A_305 = arith.constant 0 : i32
          %eq3A_306 = arith.cmpi eq, %jit3A_304, %eq3A_305 : i32
          %jit3A_307 = arith.constant 1 : i32
          %select_n3A_308 = arith.select %eq3A_306, %jit3A_307, %jit3A_304 : i32
          %rem3A_309 = arith.remsi %select_n3A_303, %select_n3A_308 : i32
          %ne3A_310 = arith.constant 0 : i32
          %ne3A_311 = arith.cmpi ne, %rem3A_309, %ne3A_310 : i32
          %lt3A_312 = arith.constant 0 : i32
          %lt3A_313 = arith.cmpi slt, %rem3A_309, %lt3A_312 : i32
          %lt3A_314 = arith.constant 0 : i32
          %lt3A_315 = arith.cmpi slt, %select_n3A_308, %lt3A_314 : i32
          %ne3A_316 = arith.xori %lt3A_313, %lt3A_315 : i1
          %and3A_317 = arith.andi %ne3A_316, %ne3A_311 : i1
          %add3A_318 = arith.addi %rem3A_309, %select_n3A_308 : i32
          %select_n3A_319 = arith.select %and3A_317, %add3A_318, %rem3A_309 : i32
          %jit3A_320 = arith.constant 16 : i32
          %eq3A_321 = arith.constant 0 : i32
          %eq3A_322 = arith.cmpi eq, %jit3A_320, %eq3A_321 : i32
          %jit3A_323 = arith.constant 1 : i32
          %select_n3A_324 = arith.select %eq3A_322, %jit3A_323, %jit3A_320 : i32
          %rem3A_325 = arith.remsi %add3A_279, %select_n3A_324 : i32
          %ne3A_326 = arith.constant 0 : i32
          %ne3A_327 = arith.cmpi ne, %rem3A_325, %ne3A_326 : i32
          %lt3A_328 = arith.constant 0 : i32
          %lt3A_329 = arith.cmpi slt, %rem3A_325, %lt3A_328 : i32
          %lt3A_330 = arith.constant 0 : i32
          %lt3A_331 = arith.cmpi slt, %select_n3A_324, %lt3A_330 : i32
          %ne3A_332 = arith.xori %lt3A_329, %lt3A_331 : i1
          %and3A_333 = arith.andi %ne3A_332, %ne3A_327 : i1
          %add3A_334 = arith.addi %rem3A_325, %select_n3A_324 : i32
          %select_n3A_335 = arith.select %and3A_333, %add3A_334, %rem3A_325 : i32
          %jit3A_336 = arith.constant 3 : i32
          %eq3A_337 = arith.constant 0 : i32
          %eq3A_338 = arith.cmpi eq, %jit3A_336, %eq3A_337 : i32
          %jit3A_339 = arith.constant 1 : i32
          %select_n3A_340 = arith.select %eq3A_338, %jit3A_339, %jit3A_336 : i32
          %rem3A_341 = arith.remsi %add3A_279, %select_n3A_340 : i32
          %ne3A_342 = arith.constant 0 : i32
          %ne3A_343 = arith.cmpi ne, %rem3A_341, %ne3A_342 : i32
          %lt3A_344 = arith.constant 0 : i32
          %lt3A_345 = arith.cmpi slt, %rem3A_341, %lt3A_344 : i32
          %lt3A_346 = arith.constant 0 : i32
          %lt3A_347 = arith.cmpi slt, %select_n3A_340, %lt3A_346 : i32
          %ne3A_348 = arith.xori %lt3A_345, %lt3A_347 : i1
          %and3A_349 = arith.andi %ne3A_348, %ne3A_343 : i1
          %add3A_350 = arith.addi %rem3A_341, %select_n3A_340 : i32
          %select_n3A_351 = arith.select %and3A_349, %add3A_350, %rem3A_341 : i32
          %dma_start3A_352 = arith.constant 0 : i32
          %dma_start3A_353 = arith.constant 0 : i32
          %dma_start3A_354 = tpu.memref_slice %arg10[%select_n3A_351, %dma_start3A_352, %dma_start3A_353] : memref<3x100x128xf32, #tpu.memory_space<vmem>> -> memref<1x100x128xf32, #tpu.memory_space<vmem>>
          %dma_start3A_355 = tpu.memref_squeeze %dma_start3A_354 : memref<1x100x128xf32, #tpu.memory_space<vmem>> -> memref<100x128xf32, #tpu.memory_space<vmem>>
          %dma_start3A_356 = arith.constant 0 : i32
          %dma_start3A_357 = tpu.memref_slice %arg8[%select_n3A_319, %select_n3A_335, %dma_start3A_356] : memref<2x16x100xi32, #tpu.memory_space<vmem>> -> memref<1x1x100xi32, #tpu.memory_space<vmem>>
          %dma_start3A_358 = tpu.memref_squeeze %dma_start3A_357 : memref<1x1x100xi32, #tpu.memory_space<vmem>> -> memref<100xi32, #tpu.memory_space<vmem>>
          %dma_start3A_359 = arith.constant 0 : i32
          %dma_start3A_360 = arith.constant 0 : i32
          %dma_start3A_361 = tpu.memref_slice %arg4[%dma_start3A_359, %dma_start3A_360] : memref<10000x128xf32, #tpu.memory_space<hbm>> -> memref<10000x128xf32, #tpu.memory_space<hbm>>
          tpu.enqueue_indirect_dma source(%dma_start3A_361 : memref<10000x128xf32, #tpu.memory_space<hbm>>) target(%dma_start3A_355 : memref<100x128xf32, #tpu.memory_space<vmem>>) offsets(%dma_start3A_358 : memref<100xi32, #tpu.memory_space<vmem>>) semaphore(%arg12 : memref<!tpu.dma_semaphore, #tpu.memory_space<semaphore_mem>>)
          %jit3A_362 = arith.constant 16 : i32
          %div3A_363 = arith.divsi %add3A_112, %jit3A_362 : i32
          %sign3A_364 = arith.constant 0 : i32
          %sign3A_365 = arith.cmpi sgt, %add3A_112, %sign3A_364 : i32
          %sign3A_366 = arith.extui %sign3A_365 : i1 to i32
          %sign3A_367 = arith.constant 0 : i32
          %sign3A_368 = arith.cmpi slt, %add3A_112, %sign3A_367 : i32
          %sign3A_369 = arith.extui %sign3A_368 : i1 to i32
          %sign3A_370 = arith.subi %sign3A_366, %sign3A_369 : i32
          %sign3A_371 = arith.constant 0 : i32
          %sign3A_372 = arith.cmpi sgt, %jit3A_362, %sign3A_371 : i32
          %sign3A_373 = arith.extui %sign3A_372 : i1 to i32
          %sign3A_374 = arith.constant 0 : i32
          %sign3A_375 = arith.cmpi slt, %jit3A_362, %sign3A_374 : i32
          %sign3A_376 = arith.extui %sign3A_375 : i1 to i32
          %sign3A_377 = arith.subi %sign3A_373, %sign3A_376 : i32
          %ne3A_378 = arith.cmpi ne, %sign3A_370, %sign3A_377 : i32
          %rem3A_379 = arith.remsi %add3A_112, %jit3A_362 : i32
          %ne3A_380 = arith.constant 0 : i32
          %ne3A_381 = arith.cmpi ne, %rem3A_379, %ne3A_380 : i32
          %and3A_382 = arith.andi %ne3A_378, %ne3A_381 : i1
          %sub3A_383 = arith.constant 1 : i32
          %sub3A_384 = arith.subi %div3A_363, %sub3A_383 : i32
          %select_n3A_385 = arith.select %and3A_382, %sub3A_384, %div3A_363 : i32
          %jit3A_386 = arith.constant 2 : i32
          %eq3A_387 = arith.constant 0 : i32
          %eq3A_388 = arith.cmpi eq, %jit3A_386, %eq3A_387 : i32
          %jit3A_389 = arith.constant 1 : i32
          %select_n3A_390 = arith.select %eq3A_388, %jit3A_389, %jit3A_386 : i32
          %rem3A_391 = arith.remsi %select_n3A_385, %select_n3A_390 : i32
          %ne3A_392 = arith.constant 0 : i32
          %ne3A_393 = arith.cmpi ne, %rem3A_391, %ne3A_392 : i32
          %lt3A_394 = arith.constant 0 : i32
          %lt3A_395 = arith.cmpi slt, %rem3A_391, %lt3A_394 : i32
          %lt3A_396 = arith.constant 0 : i32
          %lt3A_397 = arith.cmpi slt, %select_n3A_390, %lt3A_396 : i32
          %ne3A_398 = arith.xori %lt3A_395, %lt3A_397 : i1
          %and3A_399 = arith.andi %ne3A_398, %ne3A_393 : i1
          %add3A_400 = arith.addi %rem3A_391, %select_n3A_390 : i32
          %select_n3A_401 = arith.select %and3A_399, %add3A_400, %rem3A_391 : i32
          %jit3A_402 = arith.constant 16 : i32
          %eq3A_403 = arith.constant 0 : i32
          %eq3A_404 = arith.cmpi eq, %jit3A_402, %eq3A_403 : i32
          %jit3A_405 = arith.constant 1 : i32
          %select_n3A_406 = arith.select %eq3A_404, %jit3A_405, %jit3A_402 : i32
          %rem3A_407 = arith.remsi %add3A_112, %select_n3A_406 : i32
          %ne3A_408 = arith.constant 0 : i32
          %ne3A_409 = arith.cmpi ne, %rem3A_407, %ne3A_408 : i32
          %lt3A_410 = arith.constant 0 : i32
          %lt3A_411 = arith.cmpi slt, %rem3A_407, %lt3A_410 : i32
          %lt3A_412 = arith.constant 0 : i32
          %lt3A_413 = arith.cmpi slt, %select_n3A_406, %lt3A_412 : i32
          %ne3A_414 = arith.xori %lt3A_411, %lt3A_413 : i1
          %and3A_415 = arith.andi %ne3A_414, %ne3A_409 : i1
          %add3A_416 = arith.addi %rem3A_407, %select_n3A_406 : i32
          %select_n3A_417 = arith.select %and3A_415, %add3A_416, %rem3A_407 : i32
          %jit3A_418 = arith.constant 3 : i32
          %eq3A_419 = arith.constant 0 : i32
          %eq3A_420 = arith.cmpi eq, %jit3A_418, %eq3A_419 : i32
          %jit3A_421 = arith.constant 1 : i32
          %select_n3A_422 = arith.select %eq3A_420, %jit3A_421, %jit3A_418 : i32
          %rem3A_423 = arith.remsi %add3A_112, %select_n3A_422 : i32
          %ne3A_424 = arith.constant 0 : i32
          %ne3A_425 = arith.cmpi ne, %rem3A_423, %ne3A_424 : i32
          %lt3A_426 = arith.constant 0 : i32
          %lt3A_427 = arith.cmpi slt, %rem3A_423, %lt3A_426 : i32
          %lt3A_428 = arith.constant 0 : i32
          %lt3A_429 = arith.cmpi slt, %select_n3A_422, %lt3A_428 : i32
          %ne3A_430 = arith.xori %lt3A_427, %lt3A_429 : i1
          %and3A_431 = arith.andi %ne3A_430, %ne3A_425 : i1
          %add3A_432 = arith.addi %rem3A_423, %select_n3A_422 : i32
          %select_n3A_433 = arith.select %and3A_431, %add3A_432, %rem3A_423 : i32
          %dma_wait3A_434 = arith.constant 0 : i32
          %dma_wait3A_435 = arith.constant 0 : i32
          %dma_wait3A_436 = tpu.memref_slice %arg10[%select_n3A_433, %dma_wait3A_434, %dma_wait3A_435] : memref<3x100x128xf32, #tpu.memory_space<vmem>> -> memref<1x100x128xf32, #tpu.memory_space<vmem>>
          %dma_wait3A_437 = tpu.memref_squeeze %dma_wait3A_436 : memref<1x100x128xf32, #tpu.memory_space<vmem>> -> memref<100x128xf32, #tpu.memory_space<vmem>>
          %dma_wait3A_438 = arith.constant 0 : i32
          %dma_wait3A_439 = tpu.memref_slice %arg8[%select_n3A_401, %select_n3A_417, %dma_wait3A_438] : memref<2x16x100xi32, #tpu.memory_space<vmem>> -> memref<1x1x100xi32, #tpu.memory_space<vmem>>
          %dma_wait3A_440 = tpu.memref_squeeze %dma_wait3A_439 : memref<1x1x100xi32, #tpu.memory_space<vmem>> -> memref<100xi32, #tpu.memory_space<vmem>>
          %dma_wait3A_441 = arith.constant 0 : i32
          %dma_wait3A_442 = arith.constant 0 : i32
          %dma_wait3A_443 = tpu.memref_slice %arg4[%dma_wait3A_441, %dma_wait3A_442] : memref<10000x128xf32, #tpu.memory_space<hbm>> -> memref<10000x128xf32, #tpu.memory_space<hbm>>
          tpu.wait_indirect_dma semaphore(%arg13 : memref<!tpu.dma_semaphore, #tpu.memory_space<semaphore_mem>>) src(%dma_wait3A_443 : memref<10000x128xf32, #tpu.memory_space<hbm>>) dst(%dma_wait3A_437 : memref<100x128xf32, #tpu.memory_space<vmem>>)
          %jit3A_444 = arith.constant 3 : i32
          %eq3A_445 = arith.constant 0 : i32
          %eq3A_446 = arith.cmpi eq, %jit3A_444, %eq3A_445 : i32
          %jit3A_447 = arith.constant 1 : i32
          %select_n3A_448 = arith.select %eq3A_446, %jit3A_447, %jit3A_444 : i32
          %rem3A_449 = arith.remsi %add3A_112, %select_n3A_448 : i32
          %ne3A_450 = arith.constant 0 : i32
          %ne3A_451 = arith.cmpi ne, %rem3A_449, %ne3A_450 : i32
          %lt3A_452 = arith.constant 0 : i32
          %lt3A_453 = arith.cmpi slt, %rem3A_449, %lt3A_452 : i32
          %lt3A_454 = arith.constant 0 : i32
          %lt3A_455 = arith.cmpi slt, %select_n3A_448, %lt3A_454 : i32
          %ne3A_456 = arith.xori %lt3A_453, %lt3A_455 : i1
          %and3A_457 = arith.andi %ne3A_456, %ne3A_451 : i1
          %add3A_458 = arith.addi %rem3A_449, %select_n3A_448 : i32
          %select_n3A_459 = arith.select %and3A_457, %add3A_458, %rem3A_449 : i32
          %jit3A_460 = arith.constant 16 : i32
          %div3A_461 = arith.divsi %add3A_112, %jit3A_460 : i32
          %sign3A_462 = arith.constant 0 : i32
          %sign3A_463 = arith.cmpi sgt, %add3A_112, %sign3A_462 : i32
          %sign3A_464 = arith.extui %sign3A_463 : i1 to i32
          %sign3A_465 = arith.constant 0 : i32
          %sign3A_466 = arith.cmpi slt, %add3A_112, %sign3A_465 : i32
          %sign3A_467 = arith.extui %sign3A_466 : i1 to i32
          %sign3A_468 = arith.subi %sign3A_464, %sign3A_467 : i32
          %sign3A_469 = arith.constant 0 : i32
          %sign3A_470 = arith.cmpi sgt, %jit3A_460, %sign3A_469 : i32
          %sign3A_471 = arith.extui %sign3A_470 : i1 to i32
          %sign3A_472 = arith.constant 0 : i32
          %sign3A_473 = arith.cmpi slt, %jit3A_460, %sign3A_472 : i32
          %sign3A_474 = arith.extui %sign3A_473 : i1 to i32
          %sign3A_475 = arith.subi %sign3A_471, %sign3A_474 : i32
          %ne3A_476 = arith.cmpi ne, %sign3A_468, %sign3A_475 : i32
          %rem3A_477 = arith.remsi %add3A_112, %jit3A_460 : i32
          %ne3A_478 = arith.constant 0 : i32
          %ne3A_479 = arith.cmpi ne, %rem3A_477, %ne3A_478 : i32
          %and3A_480 = arith.andi %ne3A_476, %ne3A_479 : i1
          %sub3A_481 = arith.constant 1 : i32
          %sub3A_482 = arith.subi %div3A_461, %sub3A_481 : i32
          %select_n3A_483 = arith.select %and3A_480, %sub3A_482, %div3A_461 : i32
          %jit3A_484 = arith.constant 2 : i32
          %eq3A_485 = arith.constant 0 : i32
          %eq3A_486 = arith.cmpi eq, %jit3A_484, %eq3A_485 : i32
          %jit3A_487 = arith.constant 1 : i32
          %select_n3A_488 = arith.select %eq3A_486, %jit3A_487, %jit3A_484 : i32
          %rem3A_489 = arith.remsi %select_n3A_483, %select_n3A_488 : i32
          %ne3A_490 = arith.constant 0 : i32
          %ne3A_491 = arith.cmpi ne, %rem3A_489, %ne3A_490 : i32
          %lt3A_492 = arith.constant 0 : i32
          %lt3A_493 = arith.cmpi slt, %rem3A_489, %lt3A_492 : i32
          %lt3A_494 = arith.constant 0 : i32
          %lt3A_495 = arith.cmpi slt, %select_n3A_488, %lt3A_494 : i32
          %ne3A_496 = arith.xori %lt3A_493, %lt3A_495 : i1
          %and3A_497 = arith.andi %ne3A_496, %ne3A_491 : i1
          %add3A_498 = arith.addi %rem3A_489, %select_n3A_488 : i32
          %select_n3A_499 = arith.select %and3A_497, %add3A_498, %rem3A_489 : i32
          %jit3A_500 = arith.constant 16 : i32
          %eq3A_501 = arith.constant 0 : i32
          %eq3A_502 = arith.cmpi eq, %jit3A_500, %eq3A_501 : i32
          %jit3A_503 = arith.constant 1 : i32
          %select_n3A_504 = arith.select %eq3A_502, %jit3A_503, %jit3A_500 : i32
          %rem3A_505 = arith.remsi %add3A_112, %select_n3A_504 : i32
          %ne3A_506 = arith.constant 0 : i32
          %ne3A_507 = arith.cmpi ne, %rem3A_505, %ne3A_506 : i32
          %lt3A_508 = arith.constant 0 : i32
          %lt3A_509 = arith.cmpi slt, %rem3A_505, %lt3A_508 : i32
          %lt3A_510 = arith.constant 0 : i32
          %lt3A_511 = arith.cmpi slt, %select_n3A_504, %lt3A_510 : i32
          %ne3A_512 = arith.xori %lt3A_509, %lt3A_511 : i1
          %and3A_513 = arith.andi %ne3A_512, %ne3A_507 : i1
          %add3A_514 = arith.addi %rem3A_505, %select_n3A_504 : i32
          %select_n3A_515 = arith.select %and3A_513, %add3A_514, %rem3A_505 : i32
          %dma_start3A_516 = arith.constant 0 : i32
          %dma_start3A_517 = arith.constant 0 : i32
          %dma_start3A_518 = tpu.memref_slice %arg10[%select_n3A_459, %dma_start3A_516, %dma_start3A_517] : memref<3x100x128xf32, #tpu.memory_space<vmem>> -> memref<1x100x128xf32, #tpu.memory_space<vmem>>
          %dma_start3A_519 = tpu.memref_squeeze %dma_start3A_518 : memref<1x100x128xf32, #tpu.memory_space<vmem>> -> memref<100x128xf32, #tpu.memory_space<vmem>>
          %dma_start3A_520 = arith.constant 0 : i32
          %dma_start3A_521 = tpu.memref_slice %arg9[%select_n3A_499, %select_n3A_515, %dma_start3A_520] : memref<2x16x100xi32, #tpu.memory_space<vmem>> -> memref<1x1x100xi32, #tpu.memory_space<vmem>>
          %dma_start3A_522 = tpu.memref_squeeze %dma_start3A_521 : memref<1x1x100xi32, #tpu.memory_space<vmem>> -> memref<100xi32, #tpu.memory_space<vmem>>
          %dma_start3A_523 = arith.constant 0 : i32
          %dma_start3A_524 = arith.constant 0 : i32
          %dma_start3A_525 = tpu.memref_slice %arg11[%dma_start3A_523, %dma_start3A_524] : memref<10000x128xf32, #tpu.memory_space<vmem_shared>> -> memref<10000x128xf32, #tpu.memory_space<vmem_shared>>
          tpu.enqueue_indirect_dma source(%dma_start3A_519 : memref<100x128xf32, #tpu.memory_space<vmem>>) target(%dma_start3A_525 : memref<10000x128xf32, #tpu.memory_space<vmem_shared>>) offsets(%dma_start3A_522 : memref<100xi32, #tpu.memory_space<vmem>>) semaphore(%arg15 : memref<!tpu.dma_semaphore, #tpu.memory_space<semaphore_mem>>) {add = true}
          %jit3A_526 = arith.constant 3 : i32
          %eq3A_527 = arith.constant 0 : i32
          %eq3A_528 = arith.cmpi eq, %jit3A_526, %eq3A_527 : i32
          %jit3A_529 = arith.constant 1 : i32
          %select_n3A_530 = arith.select %eq3A_528, %jit3A_529, %jit3A_526 : i32
          %rem3A_531 = arith.remsi %add3A, %select_n3A_530 : i32
          %ne3A_532 = arith.constant 0 : i32
          %ne3A_533 = arith.cmpi ne, %rem3A_531, %ne3A_532 : i32
          %lt3A_534 = arith.constant 0 : i32
          %lt3A_535 = arith.cmpi slt, %rem3A_531, %lt3A_534 : i32
          %lt3A_536 = arith.constant 0 : i32
          %lt3A_537 = arith.cmpi slt, %select_n3A_530, %lt3A_536 : i32
          %ne3A_538 = arith.xori %lt3A_535, %lt3A_537 : i1
          %and3A_539 = arith.andi %ne3A_538, %ne3A_533 : i1
          %add3A_540 = arith.addi %rem3A_531, %select_n3A_530 : i32
          %select_n3A_541 = arith.select %and3A_539, %add3A_540, %rem3A_531 : i32
          %jit3A_542 = arith.constant 16 : i32
          %div3A_543 = arith.divsi %add3A, %jit3A_542 : i32
          %sign3A_544 = arith.constant 0 : i32
          %sign3A_545 = arith.cmpi sgt, %add3A, %sign3A_544 : i32
          %sign3A_546 = arith.extui %sign3A_545 : i1 to i32
          %sign3A_547 = arith.constant 0 : i32
          %sign3A_548 = arith.cmpi slt, %add3A, %sign3A_547 : i32
          %sign3A_549 = arith.extui %sign3A_548 : i1 to i32
          %sign3A_550 = arith.subi %sign3A_546, %sign3A_549 : i32
          %sign3A_551 = arith.constant 0 : i32
          %sign3A_552 = arith.cmpi sgt, %jit3A_542, %sign3A_551 : i32
          %sign3A_553 = arith.extui %sign3A_552 : i1 to i32
          %sign3A_554 = arith.constant 0 : i32
          %sign3A_555 = arith.cmpi slt, %jit3A_542, %sign3A_554 : i32
          %sign3A_556 = arith.extui %sign3A_555 : i1 to i32
          %sign3A_557 = arith.subi %sign3A_553, %sign3A_556 : i32
          %ne3A_558 = arith.cmpi ne, %sign3A_550, %sign3A_557 : i32
          %rem3A_559 = arith.remsi %add3A, %jit3A_542 : i32
          %ne3A_560 = arith.constant 0 : i32
          %ne3A_561 = arith.cmpi ne, %rem3A_559, %ne3A_560 : i32
          %and3A_562 = arith.andi %ne3A_558, %ne3A_561 : i1
          %sub3A_563 = arith.constant 1 : i32
          %sub3A_564 = arith.subi %div3A_543, %sub3A_563 : i32
          %select_n3A_565 = arith.select %and3A_562, %sub3A_564, %div3A_543 : i32
          %jit3A_566 = arith.constant 2 : i32
          %eq3A_567 = arith.constant 0 : i32
          %eq3A_568 = arith.cmpi eq, %jit3A_566, %eq3A_567 : i32
          %jit3A_569 = arith.constant 1 : i32
          %select_n3A_570 = arith.select %eq3A_568, %jit3A_569, %jit3A_566 : i32
          %rem3A_571 = arith.remsi %select_n3A_565, %select_n3A_570 : i32
          %ne3A_572 = arith.constant 0 : i32
          %ne3A_573 = arith.cmpi ne, %rem3A_571, %ne3A_572 : i32
          %lt3A_574 = arith.constant 0 : i32
          %lt3A_575 = arith.cmpi slt, %rem3A_571, %lt3A_574 : i32
          %lt3A_576 = arith.constant 0 : i32
          %lt3A_577 = arith.cmpi slt, %select_n3A_570, %lt3A_576 : i32
          %ne3A_578 = arith.xori %lt3A_575, %lt3A_577 : i1
          %and3A_579 = arith.andi %ne3A_578, %ne3A_573 : i1
          %add3A_580 = arith.addi %rem3A_571, %select_n3A_570 : i32
          %select_n3A_581 = arith.select %and3A_579, %add3A_580, %rem3A_571 : i32
          %jit3A_582 = arith.constant 16 : i32
          %eq3A_583 = arith.constant 0 : i32
          %eq3A_584 = arith.cmpi eq, %jit3A_582, %eq3A_583 : i32
          %jit3A_585 = arith.constant 1 : i32
          %select_n3A_586 = arith.select %eq3A_584, %jit3A_585, %jit3A_582 : i32
          %rem3A_587 = arith.remsi %add3A, %select_n3A_586 : i32
          %ne3A_588 = arith.constant 0 : i32
          %ne3A_589 = arith.cmpi ne, %rem3A_587, %ne3A_588 : i32
          %lt3A_590 = arith.constant 0 : i32
          %lt3A_591 = arith.cmpi slt, %rem3A_587, %lt3A_590 : i32
          %lt3A_592 = arith.constant 0 : i32
          %lt3A_593 = arith.cmpi slt, %select_n3A_586, %lt3A_592 : i32
          %ne3A_594 = arith.xori %lt3A_591, %lt3A_593 : i1
          %and3A_595 = arith.andi %ne3A_594, %ne3A_589 : i1
          %add3A_596 = arith.addi %rem3A_587, %select_n3A_586 : i32
          %select_n3A_597 = arith.select %and3A_595, %add3A_596, %rem3A_587 : i32
          %dma_wait3A_598 = arith.constant 0 : i32
          %dma_wait3A_599 = arith.constant 0 : i32
          %dma_wait3A_600 = tpu.memref_slice %arg10[%select_n3A_541, %dma_wait3A_598, %dma_wait3A_599] : memref<3x100x128xf32, #tpu.memory_space<vmem>> -> memref<1x100x128xf32, #tpu.memory_space<vmem>>
          %dma_wait3A_601 = tpu.memref_squeeze %dma_wait3A_600 : memref<1x100x128xf32, #tpu.memory_space<vmem>> -> memref<100x128xf32, #tpu.memory_space<vmem>>
          %dma_wait3A_602 = arith.constant 0 : i32
          %dma_wait3A_603 = tpu.memref_slice %arg9[%select_n3A_581, %select_n3A_597, %dma_wait3A_602] : memref<2x16x100xi32, #tpu.memory_space<vmem>> -> memref<1x1x100xi32, #tpu.memory_space<vmem>>
          %dma_wait3A_604 = tpu.memref_squeeze %dma_wait3A_603 : memref<1x1x100xi32, #tpu.memory_space<vmem>> -> memref<100xi32, #tpu.memory_space<vmem>>
          %dma_wait3A_605 = arith.constant 0 : i32
          %dma_wait3A_606 = arith.constant 0 : i32
          %dma_wait3A_607 = tpu.memref_slice %arg11[%dma_wait3A_605, %dma_wait3A_606] : memref<10000x128xf32, #tpu.memory_space<vmem_shared>> -> memref<10000x128xf32, #tpu.memory_space<vmem_shared>>
          tpu.wait_indirect_dma semaphore(%arg14 : memref<!tpu.dma_semaphore, #tpu.memory_space<semaphore_mem>>) src(%dma_wait3A_601 : memref<100x128xf32, #tpu.memory_space<vmem>>) dst(%dma_wait3A_607 : memref<10000x128xf32, #tpu.memory_space<vmem_shared>>)
          %add3A_608 = arith.constant 2 : i32
          %add3A_609 = arith.addi %add3A_112, %add3A_608 : i32
          %jit3A_610 = arith.constant 16 : i32
          %div3A_611 = arith.divsi %add3A_609, %jit3A_610 : i32
          %sign3A_612 = arith.constant 0 : i32
          %sign3A_613 = arith.cmpi sgt, %add3A_609, %sign3A_612 : i32
          %sign3A_614 = arith.extui %sign3A_613 : i1 to i32
          %sign3A_615 = arith.constant 0 : i32
          %sign3A_616 = arith.cmpi slt, %add3A_609, %sign3A_615 : i32
          %sign3A_617 = arith.extui %sign3A_616 : i1 to i32
          %sign3A_618 = arith.subi %sign3A_614, %sign3A_617 : i32
          %sign3A_619 = arith.constant 0 : i32
          %sign3A_620 = arith.cmpi sgt, %jit3A_610, %sign3A_619 : i32
          %sign3A_621 = arith.extui %sign3A_620 : i1 to i32
          %sign3A_622 = arith.constant 0 : i32
          %sign3A_623 = arith.cmpi slt, %jit3A_610, %sign3A_622 : i32
          %sign3A_624 = arith.extui %sign3A_623 : i1 to i32
          %sign3A_625 = arith.subi %sign3A_621, %sign3A_624 : i32
          %ne3A_626 = arith.cmpi ne, %sign3A_618, %sign3A_625 : i32
          %rem3A_627 = arith.remsi %add3A_609, %jit3A_610 : i32
          %ne3A_628 = arith.constant 0 : i32
          %ne3A_629 = arith.cmpi ne, %rem3A_627, %ne3A_628 : i32
          %and3A_630 = arith.andi %ne3A_626, %ne3A_629 : i1
          %sub3A_631 = arith.constant 1 : i32
          %sub3A_632 = arith.subi %div3A_611, %sub3A_631 : i32
          %select_n3A_633 = arith.select %and3A_630, %sub3A_632, %div3A_611 : i32
          %jit3A_634 = arith.constant 2 : i32
          %eq3A_635 = arith.constant 0 : i32
          %eq3A_636 = arith.cmpi eq, %jit3A_634, %eq3A_635 : i32
          %jit3A_637 = arith.constant 1 : i32
          %select_n3A_638 = arith.select %eq3A_636, %jit3A_637, %jit3A_634 : i32
          %rem3A_639 = arith.remsi %select_n3A_633, %select_n3A_638 : i32
          %ne3A_640 = arith.constant 0 : i32
          %ne3A_641 = arith.cmpi ne, %rem3A_639, %ne3A_640 : i32
          %lt3A_642 = arith.constant 0 : i32
          %lt3A_643 = arith.cmpi slt, %rem3A_639, %lt3A_642 : i32
          %lt3A_644 = arith.constant 0 : i32
          %lt3A_645 = arith.cmpi slt, %select_n3A_638, %lt3A_644 : i32
          %ne3A_646 = arith.xori %lt3A_643, %lt3A_645 : i1
          %and3A_647 = arith.andi %ne3A_646, %ne3A_641 : i1
          %add3A_648 = arith.addi %rem3A_639, %select_n3A_638 : i32
          %select_n3A_649 = arith.select %and3A_647, %add3A_648, %rem3A_639 : i32
          %jit3A_650 = arith.constant 16 : i32
          %eq3A_651 = arith.constant 0 : i32
          %eq3A_652 = arith.cmpi eq, %jit3A_650, %eq3A_651 : i32
          %jit3A_653 = arith.constant 1 : i32
          %select_n3A_654 = arith.select %eq3A_652, %jit3A_653, %jit3A_650 : i32
          %rem3A_655 = arith.remsi %add3A_609, %select_n3A_654 : i32
          %ne3A_656 = arith.constant 0 : i32
          %ne3A_657 = arith.cmpi ne, %rem3A_655, %ne3A_656 : i32
          %lt3A_658 = arith.constant 0 : i32
          %lt3A_659 = arith.cmpi slt, %rem3A_655, %lt3A_658 : i32
          %lt3A_660 = arith.constant 0 : i32
          %lt3A_661 = arith.cmpi slt, %select_n3A_654, %lt3A_660 : i32
          %ne3A_662 = arith.xori %lt3A_659, %lt3A_661 : i1
          %and3A_663 = arith.andi %ne3A_662, %ne3A_657 : i1
          %add3A_664 = arith.addi %rem3A_655, %select_n3A_654 : i32
          %select_n3A_665 = arith.select %and3A_663, %add3A_664, %rem3A_655 : i32
          %jit3A_666 = arith.constant 3 : i32
          %eq3A_667 = arith.constant 0 : i32
          %eq3A_668 = arith.cmpi eq, %jit3A_666, %eq3A_667 : i32
          %jit3A_669 = arith.constant 1 : i32
          %select_n3A_670 = arith.select %eq3A_668, %jit3A_669, %jit3A_666 : i32
          %rem3A_671 = arith.remsi %add3A_609, %select_n3A_670 : i32
          %ne3A_672 = arith.constant 0 : i32
          %ne3A_673 = arith.cmpi ne, %rem3A_671, %ne3A_672 : i32
          %lt3A_674 = arith.constant 0 : i32
          %lt3A_675 = arith.cmpi slt, %rem3A_671, %lt3A_674 : i32
          %lt3A_676 = arith.constant 0 : i32
          %lt3A_677 = arith.cmpi slt, %select_n3A_670, %lt3A_676 : i32
          %ne3A_678 = arith.xori %lt3A_675, %lt3A_677 : i1
          %and3A_679 = arith.andi %ne3A_678, %ne3A_673 : i1
          %add3A_680 = arith.addi %rem3A_671, %select_n3A_670 : i32
          %select_n3A_681 = arith.select %and3A_679, %add3A_680, %rem3A_671 : i32
          %dma_start3A_682 = arith.constant 0 : i32
          %dma_start3A_683 = arith.constant 0 : i32
          %dma_start3A_684 = tpu.memref_slice %arg10[%select_n3A_681, %dma_start3A_682, %dma_start3A_683] : memref<3x100x128xf32, #tpu.memory_space<vmem>> -> memref<1x100x128xf32, #tpu.memory_space<vmem>>
          %dma_start3A_685 = tpu.memref_squeeze %dma_start3A_684 : memref<1x100x128xf32, #tpu.memory_space<vmem>> -> memref<100x128xf32, #tpu.memory_space<vmem>>
          %dma_start3A_686 = arith.constant 0 : i32
          %dma_start3A_687 = tpu.memref_slice %arg8[%select_n3A_649, %select_n3A_665, %dma_start3A_686] : memref<2x16x100xi32, #tpu.memory_space<vmem>> -> memref<1x1x100xi32, #tpu.memory_space<vmem>>
          %dma_start3A_688 = tpu.memref_squeeze %dma_start3A_687 : memref<1x1x100xi32, #tpu.memory_space<vmem>> -> memref<100xi32, #tpu.memory_space<vmem>>
          %dma_start3A_689 = arith.constant 0 : i32
          %dma_start3A_690 = arith.constant 0 : i32
          %dma_start3A_691 = tpu.memref_slice %arg4[%dma_start3A_689, %dma_start3A_690] : memref<10000x128xf32, #tpu.memory_space<hbm>> -> memref<10000x128xf32, #tpu.memory_space<hbm>>
          tpu.enqueue_indirect_dma source(%dma_start3A_691 : memref<10000x128xf32, #tpu.memory_space<hbm>>) target(%dma_start3A_685 : memref<100x128xf32, #tpu.memory_space<vmem>>) offsets(%dma_start3A_688 : memref<100xi32, #tpu.memory_space<vmem>>) semaphore(%arg13 : memref<!tpu.dma_semaphore, #tpu.memory_space<semaphore_mem>>)
        }
        %scan3A_105 = arith.constant 8 : i32
      }
      %scan3A_65 = arith.constant 24 : i32
      %scan3A_66 = arith.constant 0 : i32
      %scan3A_67 = arith.constant 0 : i32
      %scan3A_68 = arith.constant 8 : i32
      %scan3A_69 = arith.addi %scan3A_67, %scan3A_68 : i32
      %scan3A_70 = arith.constant 1 : i32
      scf.for %scan3A_97 = %scan3A_67 to %scan3A_69 step %scan3A_70  : i32 {
        %mul3A_98 = arith.constant 2 : i32
        %mul3A_99 = arith.muli %mul3A_98, %scan3A_97 : i32
        %add3A = arith.constant 384 : i32
        %add3A_100 = arith.addi %add3A, %mul3A_99 : i32
        %eq3A_101 = arith.constant 7 : i32
        %eq3A_102 = arith.cmpi eq, %scan3A_97, %eq3A_101 : i32
        %add3A_103 = arith.constant 1 : i32
        %add3A_104 = arith.addi %add3A_100, %add3A_103 : i32
        %jit3A_105 = arith.constant 16 : i32
        %div3A = arith.divsi %add3A_100, %jit3A_105 : i32
        %sign3A = arith.constant 0 : i32
        %sign3A_106 = arith.cmpi sgt, %add3A_100, %sign3A : i32
        %sign3A_107 = arith.extui %sign3A_106 : i1 to i32
        %sign3A_108 = arith.constant 0 : i32
        %sign3A_109 = arith.cmpi slt, %add3A_100, %sign3A_108 : i32
        %sign3A_110 = arith.extui %sign3A_109 : i1 to i32
        %sign3A_111 = arith.subi %sign3A_107, %sign3A_110 : i32
        %sign3A_112 = arith.constant 0 : i32
        %sign3A_113 = arith.cmpi sgt, %jit3A_105, %sign3A_112 : i32
        %sign3A_114 = arith.extui %sign3A_113 : i1 to i32
        %sign3A_115 = arith.constant 0 : i32
        %sign3A_116 = arith.cmpi slt, %jit3A_105, %sign3A_115 : i32
        %sign3A_117 = arith.extui %sign3A_116 : i1 to i32
        %sign3A_118 = arith.subi %sign3A_114, %sign3A_117 : i32
        %ne3A = arith.cmpi ne, %sign3A_111, %sign3A_118 : i32
        %rem3A = arith.remsi %add3A_100, %jit3A_105 : i32
        %ne3A_119 = arith.constant 0 : i32
        %ne3A_120 = arith.cmpi ne, %rem3A, %ne3A_119 : i32
        %and3A = arith.andi %ne3A, %ne3A_120 : i1
        %sub3A = arith.constant 1 : i32
        %sub3A_121 = arith.subi %div3A, %sub3A : i32
        %select_n3A_122 = arith.select %and3A, %sub3A_121, %div3A : i32
        %jit3A_123 = arith.constant 2 : i32
        %eq3A_124 = arith.constant 0 : i32
        %eq3A_125 = arith.cmpi eq, %jit3A_123, %eq3A_124 : i32
        %jit3A_126 = arith.constant 1 : i32
        %select_n3A_127 = arith.select %eq3A_125, %jit3A_126, %jit3A_123 : i32
        %rem3A_128 = arith.remsi %select_n3A_122, %select_n3A_127 : i32
        %ne3A_129 = arith.constant 0 : i32
        %ne3A_130 = arith.cmpi ne, %rem3A_128, %ne3A_129 : i32
        %lt3A_131 = arith.constant 0 : i32
        %lt3A_132 = arith.cmpi slt, %rem3A_128, %lt3A_131 : i32
        %lt3A_133 = arith.constant 0 : i32
        %lt3A_134 = arith.cmpi slt, %select_n3A_127, %lt3A_133 : i32
        %ne3A_135 = arith.xori %lt3A_132, %lt3A_134 : i1
        %and3A_136 = arith.andi %ne3A_135, %ne3A_130 : i1
        %add3A_137 = arith.addi %rem3A_128, %select_n3A_127 : i32
        %select_n3A_138 = arith.select %and3A_136, %add3A_137, %rem3A_128 : i32
        %jit3A_139 = arith.constant 16 : i32
        %eq3A_140 = arith.constant 0 : i32
        %eq3A_141 = arith.cmpi eq, %jit3A_139, %eq3A_140 : i32
        %jit3A_142 = arith.constant 1 : i32
        %select_n3A_143 = arith.select %eq3A_141, %jit3A_142, %jit3A_139 : i32
        %rem3A_144 = arith.remsi %add3A_100, %select_n3A_143 : i32
        %ne3A_145 = arith.constant 0 : i32
        %ne3A_146 = arith.cmpi ne, %rem3A_144, %ne3A_145 : i32
        %lt3A_147 = arith.constant 0 : i32
        %lt3A_148 = arith.cmpi slt, %rem3A_144, %lt3A_147 : i32
        %lt3A_149 = arith.constant 0 : i32
        %lt3A_150 = arith.cmpi slt, %select_n3A_143, %lt3A_149 : i32
        %ne3A_151 = arith.xori %lt3A_148, %lt3A_150 : i1
        %and3A_152 = arith.andi %ne3A_151, %ne3A_146 : i1
        %add3A_153 = arith.addi %rem3A_144, %select_n3A_143 : i32
        %select_n3A_154 = arith.select %and3A_152, %add3A_153, %rem3A_144 : i32
        %jit3A_155 = arith.constant 3 : i32
        %eq3A_156 = arith.constant 0 : i32
        %eq3A_157 = arith.cmpi eq, %jit3A_155, %eq3A_156 : i32
        %jit3A_158 = arith.constant 1 : i32
        %select_n3A_159 = arith.select %eq3A_157, %jit3A_158, %jit3A_155 : i32
        %rem3A_160 = arith.remsi %add3A_100, %select_n3A_159 : i32
        %ne3A_161 = arith.constant 0 : i32
        %ne3A_162 = arith.cmpi ne, %rem3A_160, %ne3A_161 : i32
        %lt3A_163 = arith.constant 0 : i32
        %lt3A_164 = arith.cmpi slt, %rem3A_160, %lt3A_163 : i32
        %lt3A_165 = arith.constant 0 : i32
        %lt3A_166 = arith.cmpi slt, %select_n3A_159, %lt3A_165 : i32
        %ne3A_167 = arith.xori %lt3A_164, %lt3A_166 : i1
        %and3A_168 = arith.andi %ne3A_167, %ne3A_162 : i1
        %add3A_169 = arith.addi %rem3A_160, %select_n3A_159 : i32
        %select_n3A_170 = arith.select %and3A_168, %add3A_169, %rem3A_160 : i32
        %dma_wait3A_171 = arith.constant 0 : i32
        %dma_wait3A_172 = arith.constant 0 : i32
        %dma_wait3A_173 = tpu.memref_slice %arg10[%select_n3A_170, %dma_wait3A_171, %dma_wait3A_172] : memref<3x100x128xf32, #tpu.memory_space<vmem>> -> memref<1x100x128xf32, #tpu.memory_space<vmem>>
        %dma_wait3A_174 = tpu.memref_squeeze %dma_wait3A_173 : memref<1x100x128xf32, #tpu.memory_space<vmem>> -> memref<100x128xf32, #tpu.memory_space<vmem>>
        %dma_wait3A_175 = arith.constant 0 : i32
        %dma_wait3A_176 = tpu.memref_slice %arg8[%select_n3A_138, %select_n3A_154, %dma_wait3A_175] : memref<2x16x100xi32, #tpu.memory_space<vmem>> -> memref<1x1x100xi32, #tpu.memory_space<vmem>>
        %dma_wait3A_177 = tpu.memref_squeeze %dma_wait3A_176 : memref<1x1x100xi32, #tpu.memory_space<vmem>> -> memref<100xi32, #tpu.memory_space<vmem>>
        %dma_wait3A_178 = arith.constant 0 : i32
        %dma_wait3A_179 = arith.constant 0 : i32
        %dma_wait3A_180 = tpu.memref_slice %arg4[%dma_wait3A_178, %dma_wait3A_179] : memref<10000x128xf32, #tpu.memory_space<hbm>> -> memref<10000x128xf32, #tpu.memory_space<hbm>>
        tpu.wait_indirect_dma semaphore(%arg12 : memref<!tpu.dma_semaphore, #tpu.memory_space<semaphore_mem>>) src(%dma_wait3A_180 : memref<10000x128xf32, #tpu.memory_space<hbm>>) dst(%dma_wait3A_174 : memref<100x128xf32, #tpu.memory_space<vmem>>)
        %jit3A_181 = arith.constant 3 : i32
        %eq3A_182 = arith.constant 0 : i32
        %eq3A_183 = arith.cmpi eq, %jit3A_181, %eq3A_182 : i32
        %jit3A_184 = arith.constant 1 : i32
        %select_n3A_185 = arith.select %eq3A_183, %jit3A_184, %jit3A_181 : i32
        %rem3A_186 = arith.remsi %add3A_100, %select_n3A_185 : i32
        %ne3A_187 = arith.constant 0 : i32
        %ne3A_188 = arith.cmpi ne, %rem3A_186, %ne3A_187 : i32
        %lt3A_189 = arith.constant 0 : i32
        %lt3A_190 = arith.cmpi slt, %rem3A_186, %lt3A_189 : i32
        %lt3A_191 = arith.constant 0 : i32
        %lt3A_192 = arith.cmpi slt, %select_n3A_185, %lt3A_191 : i32
        %ne3A_193 = arith.xori %lt3A_190, %lt3A_192 : i1
        %and3A_194 = arith.andi %ne3A_193, %ne3A_188 : i1
        %add3A_195 = arith.addi %rem3A_186, %select_n3A_185 : i32
        %select_n3A_196 = arith.select %and3A_194, %add3A_195, %rem3A_186 : i32
        %jit3A_197 = arith.constant 16 : i32
        %div3A_198 = arith.divsi %add3A_100, %jit3A_197 : i32
        %sign3A_199 = arith.constant 0 : i32
        %sign3A_200 = arith.cmpi sgt, %add3A_100, %sign3A_199 : i32
        %sign3A_201 = arith.extui %sign3A_200 : i1 to i32
        %sign3A_202 = arith.constant 0 : i32
        %sign3A_203 = arith.cmpi slt, %add3A_100, %sign3A_202 : i32
        %sign3A_204 = arith.extui %sign3A_203 : i1 to i32
        %sign3A_205 = arith.subi %sign3A_201, %sign3A_204 : i32
        %sign3A_206 = arith.constant 0 : i32
        %sign3A_207 = arith.cmpi sgt, %jit3A_197, %sign3A_206 : i32
        %sign3A_208 = arith.extui %sign3A_207 : i1 to i32
        %sign3A_209 = arith.constant 0 : i32
        %sign3A_210 = arith.cmpi slt, %jit3A_197, %sign3A_209 : i32
        %sign3A_211 = arith.extui %sign3A_210 : i1 to i32
        %sign3A_212 = arith.subi %sign3A_208, %sign3A_211 : i32
        %ne3A_213 = arith.cmpi ne, %sign3A_205, %sign3A_212 : i32
        %rem3A_214 = arith.remsi %add3A_100, %jit3A_197 : i32
        %ne3A_215 = arith.constant 0 : i32
        %ne3A_216 = arith.cmpi ne, %rem3A_214, %ne3A_215 : i32
        %and3A_217 = arith.andi %ne3A_213, %ne3A_216 : i1
        %sub3A_218 = arith.constant 1 : i32
        %sub3A_219 = arith.subi %div3A_198, %sub3A_218 : i32
        %select_n3A_220 = arith.select %and3A_217, %sub3A_219, %div3A_198 : i32
        %jit3A_221 = arith.constant 2 : i32
        %eq3A_222 = arith.constant 0 : i32
        %eq3A_223 = arith.cmpi eq, %jit3A_221, %eq3A_222 : i32
        %jit3A_224 = arith.constant 1 : i32
        %select_n3A_225 = arith.select %eq3A_223, %jit3A_224, %jit3A_221 : i32
        %rem3A_226 = arith.remsi %select_n3A_220, %select_n3A_225 : i32
        %ne3A_227 = arith.constant 0 : i32
        %ne3A_228 = arith.cmpi ne, %rem3A_226, %ne3A_227 : i32
        %lt3A_229 = arith.constant 0 : i32
        %lt3A_230 = arith.cmpi slt, %rem3A_226, %lt3A_229 : i32
        %lt3A_231 = arith.constant 0 : i32
        %lt3A_232 = arith.cmpi slt, %select_n3A_225, %lt3A_231 : i32
        %ne3A_233 = arith.xori %lt3A_230, %lt3A_232 : i1
        %and3A_234 = arith.andi %ne3A_233, %ne3A_228 : i1
        %add3A_235 = arith.addi %rem3A_226, %select_n3A_225 : i32
        %select_n3A_236 = arith.select %and3A_234, %add3A_235, %rem3A_226 : i32
        %jit3A_237 = arith.constant 16 : i32
        %eq3A_238 = arith.constant 0 : i32
        %eq3A_239 = arith.cmpi eq, %jit3A_237, %eq3A_238 : i32
        %jit3A_240 = arith.constant 1 : i32
        %select_n3A_241 = arith.select %eq3A_239, %jit3A_240, %jit3A_237 : i32
        %rem3A_242 = arith.remsi %add3A_100, %select_n3A_241 : i32
        %ne3A_243 = arith.constant 0 : i32
        %ne3A_244 = arith.cmpi ne, %rem3A_242, %ne3A_243 : i32
        %lt3A_245 = arith.constant 0 : i32
        %lt3A_246 = arith.cmpi slt, %rem3A_242, %lt3A_245 : i32
        %lt3A_247 = arith.constant 0 : i32
        %lt3A_248 = arith.cmpi slt, %select_n3A_241, %lt3A_247 : i32
        %ne3A_249 = arith.xori %lt3A_246, %lt3A_248 : i1
        %and3A_250 = arith.andi %ne3A_249, %ne3A_244 : i1
        %add3A_251 = arith.addi %rem3A_242, %select_n3A_241 : i32
        %select_n3A_252 = arith.select %and3A_250, %add3A_251, %rem3A_242 : i32
        %dma_start3A_253 = arith.constant 0 : i32
        %dma_start3A_254 = arith.constant 0 : i32
        %dma_start3A_255 = tpu.memref_slice %arg10[%select_n3A_196, %dma_start3A_253, %dma_start3A_254] : memref<3x100x128xf32, #tpu.memory_space<vmem>> -> memref<1x100x128xf32, #tpu.memory_space<vmem>>
        %dma_start3A_256 = tpu.memref_squeeze %dma_start3A_255 : memref<1x100x128xf32, #tpu.memory_space<vmem>> -> memref<100x128xf32, #tpu.memory_space<vmem>>
        %dma_start3A_257 = arith.constant 0 : i32
        %dma_start3A_258 = tpu.memref_slice %arg9[%select_n3A_236, %select_n3A_252, %dma_start3A_257] : memref<2x16x100xi32, #tpu.memory_space<vmem>> -> memref<1x1x100xi32, #tpu.memory_space<vmem>>
        %dma_start3A_259 = tpu.memref_squeeze %dma_start3A_258 : memref<1x1x100xi32, #tpu.memory_space<vmem>> -> memref<100xi32, #tpu.memory_space<vmem>>
        %dma_start3A_260 = arith.constant 0 : i32
        %dma_start3A_261 = arith.constant 0 : i32
        %dma_start3A_262 = tpu.memref_slice %arg11[%dma_start3A_260, %dma_start3A_261] : memref<10000x128xf32, #tpu.memory_space<vmem_shared>> -> memref<10000x128xf32, #tpu.memory_space<vmem_shared>>
        tpu.enqueue_indirect_dma source(%dma_start3A_256 : memref<100x128xf32, #tpu.memory_space<vmem>>) target(%dma_start3A_262 : memref<10000x128xf32, #tpu.memory_space<vmem_shared>>) offsets(%dma_start3A_259 : memref<100xi32, #tpu.memory_space<vmem>>) semaphore(%arg14 : memref<!tpu.dma_semaphore, #tpu.memory_space<semaphore_mem>>) {add = true}
        %gt3A = arith.constant 0 : i32
        %gt3A_263 = arith.cmpi sgt, %add3A_100, %gt3A : i32
        %convert_element_type3A_264 = arith.extui %gt3A_263 : i1 to i32
        %cond3A_265 = arith.constant 0 : i32
        %cond3A_266 = arith.cmpi ne, %convert_element_type3A_264, %cond3A_265 : i32
        scf.if %cond3A_266 {
          %sub3A_601 = arith.constant 1 : i32
          %sub3A_602 = arith.subi %add3A_100, %sub3A_601 : i32
          %jit3A_603 = arith.constant 3 : i32
          %eq3A_604 = arith.constant 0 : i32
          %eq3A_605 = arith.cmpi eq, %jit3A_603, %eq3A_604 : i32
          %jit3A_606 = arith.constant 1 : i32
          %select_n3A_607 = arith.select %eq3A_605, %jit3A_606, %jit3A_603 : i32
          %rem3A_608 = arith.remsi %sub3A_602, %select_n3A_607 : i32
          %ne3A_609 = arith.constant 0 : i32
          %ne3A_610 = arith.cmpi ne, %rem3A_608, %ne3A_609 : i32
          %lt3A_611 = arith.constant 0 : i32
          %lt3A_612 = arith.cmpi slt, %rem3A_608, %lt3A_611 : i32
          %lt3A_613 = arith.constant 0 : i32
          %lt3A_614 = arith.cmpi slt, %select_n3A_607, %lt3A_613 : i32
          %ne3A_615 = arith.xori %lt3A_612, %lt3A_614 : i1
          %and3A_616 = arith.andi %ne3A_615, %ne3A_610 : i1
          %add3A_617 = arith.addi %rem3A_608, %select_n3A_607 : i32
          %select_n3A_618 = arith.select %and3A_616, %add3A_617, %rem3A_608 : i32
          %jit3A_619 = arith.constant 16 : i32
          %div3A_620 = arith.divsi %sub3A_602, %jit3A_619 : i32
          %sign3A_621 = arith.constant 0 : i32
          %sign3A_622 = arith.cmpi sgt, %sub3A_602, %sign3A_621 : i32
          %sign3A_623 = arith.extui %sign3A_622 : i1 to i32
          %sign3A_624 = arith.constant 0 : i32
          %sign3A_625 = arith.cmpi slt, %sub3A_602, %sign3A_624 : i32
          %sign3A_626 = arith.extui %sign3A_625 : i1 to i32
          %sign3A_627 = arith.subi %sign3A_623, %sign3A_626 : i32
          %sign3A_628 = arith.constant 0 : i32
          %sign3A_629 = arith.cmpi sgt, %jit3A_619, %sign3A_628 : i32
          %sign3A_630 = arith.extui %sign3A_629 : i1 to i32
          %sign3A_631 = arith.constant 0 : i32
          %sign3A_632 = arith.cmpi slt, %jit3A_619, %sign3A_631 : i32
          %sign3A_633 = arith.extui %sign3A_632 : i1 to i32
          %sign3A_634 = arith.subi %sign3A_630, %sign3A_633 : i32
          %ne3A_635 = arith.cmpi ne, %sign3A_627, %sign3A_634 : i32
          %rem3A_636 = arith.remsi %sub3A_602, %jit3A_619 : i32
          %ne3A_637 = arith.constant 0 : i32
          %ne3A_638 = arith.cmpi ne, %rem3A_636, %ne3A_637 : i32
          %and3A_639 = arith.andi %ne3A_635, %ne3A_638 : i1
          %sub3A_640 = arith.constant 1 : i32
          %sub3A_641 = arith.subi %div3A_620, %sub3A_640 : i32
          %select_n3A_642 = arith.select %and3A_639, %sub3A_641, %div3A_620 : i32
          %jit3A_643 = arith.constant 2 : i32
          %eq3A_644 = arith.constant 0 : i32
          %eq3A_645 = arith.cmpi eq, %jit3A_643, %eq3A_644 : i32
          %jit3A_646 = arith.constant 1 : i32
          %select_n3A_647 = arith.select %eq3A_645, %jit3A_646, %jit3A_643 : i32
          %rem3A_648 = arith.remsi %select_n3A_642, %select_n3A_647 : i32
          %ne3A_649 = arith.constant 0 : i32
          %ne3A_650 = arith.cmpi ne, %rem3A_648, %ne3A_649 : i32
          %lt3A_651 = arith.constant 0 : i32
          %lt3A_652 = arith.cmpi slt, %rem3A_648, %lt3A_651 : i32
          %lt3A_653 = arith.constant 0 : i32
          %lt3A_654 = arith.cmpi slt, %select_n3A_647, %lt3A_653 : i32
          %ne3A_655 = arith.xori %lt3A_652, %lt3A_654 : i1
          %and3A_656 = arith.andi %ne3A_655, %ne3A_650 : i1
          %add3A_657 = arith.addi %rem3A_648, %select_n3A_647 : i32
          %select_n3A_658 = arith.select %and3A_656, %add3A_657, %rem3A_648 : i32
          %jit3A_659 = arith.constant 16 : i32
          %eq3A_660 = arith.constant 0 : i32
          %eq3A_661 = arith.cmpi eq, %jit3A_659, %eq3A_660 : i32
          %jit3A_662 = arith.constant 1 : i32
          %select_n3A_663 = arith.select %eq3A_661, %jit3A_662, %jit3A_659 : i32
          %rem3A_664 = arith.remsi %sub3A_602, %select_n3A_663 : i32
          %ne3A_665 = arith.constant 0 : i32
          %ne3A_666 = arith.cmpi ne, %rem3A_664, %ne3A_665 : i32
          %lt3A_667 = arith.constant 0 : i32
          %lt3A_668 = arith.cmpi slt, %rem3A_664, %lt3A_667 : i32
          %lt3A_669 = arith.constant 0 : i32
          %lt3A_670 = arith.cmpi slt, %select_n3A_663, %lt3A_669 : i32
          %ne3A_671 = arith.xori %lt3A_668, %lt3A_670 : i1
          %and3A_672 = arith.andi %ne3A_671, %ne3A_666 : i1
          %add3A_673 = arith.addi %rem3A_664, %select_n3A_663 : i32
          %select_n3A_674 = arith.select %and3A_672, %add3A_673, %rem3A_664 : i32
          %dma_wait3A_675 = arith.constant 0 : i32
          %dma_wait3A_676 = arith.constant 0 : i32
          %dma_wait3A_677 = tpu.memref_slice %arg10[%select_n3A_618, %dma_wait3A_675, %dma_wait3A_676] : memref<3x100x128xf32, #tpu.memory_space<vmem>> -> memref<1x100x128xf32, #tpu.memory_space<vmem>>
          %dma_wait3A_678 = tpu.memref_squeeze %dma_wait3A_677 : memref<1x100x128xf32, #tpu.memory_space<vmem>> -> memref<100x128xf32, #tpu.memory_space<vmem>>
          %dma_wait3A_679 = arith.constant 0 : i32
          %dma_wait3A_680 = tpu.memref_slice %arg9[%select_n3A_658, %select_n3A_674, %dma_wait3A_679] : memref<2x16x100xi32, #tpu.memory_space<vmem>> -> memref<1x1x100xi32, #tpu.memory_space<vmem>>
          %dma_wait3A_681 = tpu.memref_squeeze %dma_wait3A_680 : memref<1x1x100xi32, #tpu.memory_space<vmem>> -> memref<100xi32, #tpu.memory_space<vmem>>
          %dma_wait3A_682 = arith.constant 0 : i32
          %dma_wait3A_683 = arith.constant 0 : i32
          %dma_wait3A_684 = tpu.memref_slice %arg11[%dma_wait3A_682, %dma_wait3A_683] : memref<10000x128xf32, #tpu.memory_space<vmem_shared>> -> memref<10000x128xf32, #tpu.memory_space<vmem_shared>>
          tpu.wait_indirect_dma semaphore(%arg15 : memref<!tpu.dma_semaphore, #tpu.memory_space<semaphore_mem>>) src(%dma_wait3A_678 : memref<100x128xf32, #tpu.memory_space<vmem>>) dst(%dma_wait3A_684 : memref<10000x128xf32, #tpu.memory_space<vmem_shared>>)
        } else {
        }
        %add3A_267 = arith.constant 2 : i32
        %add3A_268 = arith.addi %add3A_100, %add3A_267 : i32
        %jit3A_269 = arith.constant 16 : i32
        %div3A_270 = arith.divsi %add3A_268, %jit3A_269 : i32
        %sign3A_271 = arith.constant 0 : i32
        %sign3A_272 = arith.cmpi sgt, %add3A_268, %sign3A_271 : i32
        %sign3A_273 = arith.extui %sign3A_272 : i1 to i32
        %sign3A_274 = arith.constant 0 : i32
        %sign3A_275 = arith.cmpi slt, %add3A_268, %sign3A_274 : i32
        %sign3A_276 = arith.extui %sign3A_275 : i1 to i32
        %sign3A_277 = arith.subi %sign3A_273, %sign3A_276 : i32
        %sign3A_278 = arith.constant 0 : i32
        %sign3A_279 = arith.cmpi sgt, %jit3A_269, %sign3A_278 : i32
        %sign3A_280 = arith.extui %sign3A_279 : i1 to i32
        %sign3A_281 = arith.constant 0 : i32
        %sign3A_282 = arith.cmpi slt, %jit3A_269, %sign3A_281 : i32
        %sign3A_283 = arith.extui %sign3A_282 : i1 to i32
        %sign3A_284 = arith.subi %sign3A_280, %sign3A_283 : i32
        %ne3A_285 = arith.cmpi ne, %sign3A_277, %sign3A_284 : i32
        %rem3A_286 = arith.remsi %add3A_268, %jit3A_269 : i32
        %ne3A_287 = arith.constant 0 : i32
        %ne3A_288 = arith.cmpi ne, %rem3A_286, %ne3A_287 : i32
        %and3A_289 = arith.andi %ne3A_285, %ne3A_288 : i1
        %sub3A_290 = arith.constant 1 : i32
        %sub3A_291 = arith.subi %div3A_270, %sub3A_290 : i32
        %select_n3A_292 = arith.select %and3A_289, %sub3A_291, %div3A_270 : i32
        %jit3A_293 = arith.constant 2 : i32
        %eq3A_294 = arith.constant 0 : i32
        %eq3A_295 = arith.cmpi eq, %jit3A_293, %eq3A_294 : i32
        %jit3A_296 = arith.constant 1 : i32
        %select_n3A_297 = arith.select %eq3A_295, %jit3A_296, %jit3A_293 : i32
        %rem3A_298 = arith.remsi %select_n3A_292, %select_n3A_297 : i32
        %ne3A_299 = arith.constant 0 : i32
        %ne3A_300 = arith.cmpi ne, %rem3A_298, %ne3A_299 : i32
        %lt3A_301 = arith.constant 0 : i32
        %lt3A_302 = arith.cmpi slt, %rem3A_298, %lt3A_301 : i32
        %lt3A_303 = arith.constant 0 : i32
        %lt3A_304 = arith.cmpi slt, %select_n3A_297, %lt3A_303 : i32
        %ne3A_305 = arith.xori %lt3A_302, %lt3A_304 : i1
        %and3A_306 = arith.andi %ne3A_305, %ne3A_300 : i1
        %add3A_307 = arith.addi %rem3A_298, %select_n3A_297 : i32
        %select_n3A_308 = arith.select %and3A_306, %add3A_307, %rem3A_298 : i32
        %jit3A_309 = arith.constant 16 : i32
        %eq3A_310 = arith.constant 0 : i32
        %eq3A_311 = arith.cmpi eq, %jit3A_309, %eq3A_310 : i32
        %jit3A_312 = arith.constant 1 : i32
        %select_n3A_313 = arith.select %eq3A_311, %jit3A_312, %jit3A_309 : i32
        %rem3A_314 = arith.remsi %add3A_268, %select_n3A_313 : i32
        %ne3A_315 = arith.constant 0 : i32
        %ne3A_316 = arith.cmpi ne, %rem3A_314, %ne3A_315 : i32
        %lt3A_317 = arith.constant 0 : i32
        %lt3A_318 = arith.cmpi slt, %rem3A_314, %lt3A_317 : i32
        %lt3A_319 = arith.constant 0 : i32
        %lt3A_320 = arith.cmpi slt, %select_n3A_313, %lt3A_319 : i32
        %ne3A_321 = arith.xori %lt3A_318, %lt3A_320 : i1
        %and3A_322 = arith.andi %ne3A_321, %ne3A_316 : i1
        %add3A_323 = arith.addi %rem3A_314, %select_n3A_313 : i32
        %select_n3A_324 = arith.select %and3A_322, %add3A_323, %rem3A_314 : i32
        %jit3A_325 = arith.constant 3 : i32
        %eq3A_326 = arith.constant 0 : i32
        %eq3A_327 = arith.cmpi eq, %jit3A_325, %eq3A_326 : i32
        %jit3A_328 = arith.constant 1 : i32
        %select_n3A_329 = arith.select %eq3A_327, %jit3A_328, %jit3A_325 : i32
        %rem3A_330 = arith.remsi %add3A_268, %select_n3A_329 : i32
        %ne3A_331 = arith.constant 0 : i32
        %ne3A_332 = arith.cmpi ne, %rem3A_330, %ne3A_331 : i32
        %lt3A_333 = arith.constant 0 : i32
        %lt3A_334 = arith.cmpi slt, %rem3A_330, %lt3A_333 : i32
        %lt3A_335 = arith.constant 0 : i32
        %lt3A_336 = arith.cmpi slt, %select_n3A_329, %lt3A_335 : i32
        %ne3A_337 = arith.xori %lt3A_334, %lt3A_336 : i1
        %and3A_338 = arith.andi %ne3A_337, %ne3A_332 : i1
        %add3A_339 = arith.addi %rem3A_330, %select_n3A_329 : i32
        %select_n3A_340 = arith.select %and3A_338, %add3A_339, %rem3A_330 : i32
        %dma_start3A_341 = arith.constant 0 : i32
        %dma_start3A_342 = arith.constant 0 : i32
        %dma_start3A_343 = tpu.memref_slice %arg10[%select_n3A_340, %dma_start3A_341, %dma_start3A_342] : memref<3x100x128xf32, #tpu.memory_space<vmem>> -> memref<1x100x128xf32, #tpu.memory_space<vmem>>
        %dma_start3A_344 = tpu.memref_squeeze %dma_start3A_343 : memref<1x100x128xf32, #tpu.memory_space<vmem>> -> memref<100x128xf32, #tpu.memory_space<vmem>>
        %dma_start3A_345 = arith.constant 0 : i32
        %dma_start3A_346 = tpu.memref_slice %arg8[%select_n3A_308, %select_n3A_324, %dma_start3A_345] : memref<2x16x100xi32, #tpu.memory_space<vmem>> -> memref<1x1x100xi32, #tpu.memory_space<vmem>>
        %dma_start3A_347 = tpu.memref_squeeze %dma_start3A_346 : memref<1x1x100xi32, #tpu.memory_space<vmem>> -> memref<100xi32, #tpu.memory_space<vmem>>
        %dma_start3A_348 = arith.constant 0 : i32
        %dma_start3A_349 = arith.constant 0 : i32
        %dma_start3A_350 = tpu.memref_slice %arg4[%dma_start3A_348, %dma_start3A_349] : memref<10000x128xf32, #tpu.memory_space<hbm>> -> memref<10000x128xf32, #tpu.memory_space<hbm>>
        tpu.enqueue_indirect_dma source(%dma_start3A_350 : memref<10000x128xf32, #tpu.memory_space<hbm>>) target(%dma_start3A_344 : memref<100x128xf32, #tpu.memory_space<vmem>>) offsets(%dma_start3A_347 : memref<100xi32, #tpu.memory_space<vmem>>) semaphore(%arg12 : memref<!tpu.dma_semaphore, #tpu.memory_space<semaphore_mem>>)
        %jit3A_351 = arith.constant 16 : i32
        %div3A_352 = arith.divsi %add3A_104, %jit3A_351 : i32
        %sign3A_353 = arith.constant 0 : i32
        %sign3A_354 = arith.cmpi sgt, %add3A_104, %sign3A_353 : i32
        %sign3A_355 = arith.extui %sign3A_354 : i1 to i32
        %sign3A_356 = arith.constant 0 : i32
        %sign3A_357 = arith.cmpi slt, %add3A_104, %sign3A_356 : i32
        %sign3A_358 = arith.extui %sign3A_357 : i1 to i32
        %sign3A_359 = arith.subi %sign3A_355, %sign3A_358 : i32
        %sign3A_360 = arith.constant 0 : i32
        %sign3A_361 = arith.cmpi sgt, %jit3A_351, %sign3A_360 : i32
        %sign3A_362 = arith.extui %sign3A_361 : i1 to i32
        %sign3A_363 = arith.constant 0 : i32
        %sign3A_364 = arith.cmpi slt, %jit3A_351, %sign3A_363 : i32
        %sign3A_365 = arith.extui %sign3A_364 : i1 to i32
        %sign3A_366 = arith.subi %sign3A_362, %sign3A_365 : i32
        %ne3A_367 = arith.cmpi ne, %sign3A_359, %sign3A_366 : i32
        %rem3A_368 = arith.remsi %add3A_104, %jit3A_351 : i32
        %ne3A_369 = arith.constant 0 : i32
        %ne3A_370 = arith.cmpi ne, %rem3A_368, %ne3A_369 : i32
        %and3A_371 = arith.andi %ne3A_367, %ne3A_370 : i1
        %sub3A_372 = arith.constant 1 : i32
        %sub3A_373 = arith.subi %div3A_352, %sub3A_372 : i32
        %select_n3A_374 = arith.select %and3A_371, %sub3A_373, %div3A_352 : i32
        %jit3A_375 = arith.constant 2 : i32
        %eq3A_376 = arith.constant 0 : i32
        %eq3A_377 = arith.cmpi eq, %jit3A_375, %eq3A_376 : i32
        %jit3A_378 = arith.constant 1 : i32
        %select_n3A_379 = arith.select %eq3A_377, %jit3A_378, %jit3A_375 : i32
        %rem3A_380 = arith.remsi %select_n3A_374, %select_n3A_379 : i32
        %ne3A_381 = arith.constant 0 : i32
        %ne3A_382 = arith.cmpi ne, %rem3A_380, %ne3A_381 : i32
        %lt3A_383 = arith.constant 0 : i32
        %lt3A_384 = arith.cmpi slt, %rem3A_380, %lt3A_383 : i32
        %lt3A_385 = arith.constant 0 : i32
        %lt3A_386 = arith.cmpi slt, %select_n3A_379, %lt3A_385 : i32
        %ne3A_387 = arith.xori %lt3A_384, %lt3A_386 : i1
        %and3A_388 = arith.andi %ne3A_387, %ne3A_382 : i1
        %add3A_389 = arith.addi %rem3A_380, %select_n3A_379 : i32
        %select_n3A_390 = arith.select %and3A_388, %add3A_389, %rem3A_380 : i32
        %jit3A_391 = arith.constant 16 : i32
        %eq3A_392 = arith.constant 0 : i32
        %eq3A_393 = arith.cmpi eq, %jit3A_391, %eq3A_392 : i32
        %jit3A_394 = arith.constant 1 : i32
        %select_n3A_395 = arith.select %eq3A_393, %jit3A_394, %jit3A_391 : i32
        %rem3A_396 = arith.remsi %add3A_104, %select_n3A_395 : i32
        %ne3A_397 = arith.constant 0 : i32
        %ne3A_398 = arith.cmpi ne, %rem3A_396, %ne3A_397 : i32
        %lt3A_399 = arith.constant 0 : i32
        %lt3A_400 = arith.cmpi slt, %rem3A_396, %lt3A_399 : i32
        %lt3A_401 = arith.constant 0 : i32
        %lt3A_402 = arith.cmpi slt, %select_n3A_395, %lt3A_401 : i32
        %ne3A_403 = arith.xori %lt3A_400, %lt3A_402 : i1
        %and3A_404 = arith.andi %ne3A_403, %ne3A_398 : i1
        %add3A_405 = arith.addi %rem3A_396, %select_n3A_395 : i32
        %select_n3A_406 = arith.select %and3A_404, %add3A_405, %rem3A_396 : i32
        %jit3A_407 = arith.constant 3 : i32
        %eq3A_408 = arith.constant 0 : i32
        %eq3A_409 = arith.cmpi eq, %jit3A_407, %eq3A_408 : i32
        %jit3A_410 = arith.constant 1 : i32
        %select_n3A_411 = arith.select %eq3A_409, %jit3A_410, %jit3A_407 : i32
        %rem3A_412 = arith.remsi %add3A_104, %select_n3A_411 : i32
        %ne3A_413 = arith.constant 0 : i32
        %ne3A_414 = arith.cmpi ne, %rem3A_412, %ne3A_413 : i32
        %lt3A_415 = arith.constant 0 : i32
        %lt3A_416 = arith.cmpi slt, %rem3A_412, %lt3A_415 : i32
        %lt3A_417 = arith.constant 0 : i32
        %lt3A_418 = arith.cmpi slt, %select_n3A_411, %lt3A_417 : i32
        %ne3A_419 = arith.xori %lt3A_416, %lt3A_418 : i1
        %and3A_420 = arith.andi %ne3A_419, %ne3A_414 : i1
        %add3A_421 = arith.addi %rem3A_412, %select_n3A_411 : i32
        %select_n3A_422 = arith.select %and3A_420, %add3A_421, %rem3A_412 : i32
        %dma_wait3A_423 = arith.constant 0 : i32
        %dma_wait3A_424 = arith.constant 0 : i32
        %dma_wait3A_425 = tpu.memref_slice %arg10[%select_n3A_422, %dma_wait3A_423, %dma_wait3A_424] : memref<3x100x128xf32, #tpu.memory_space<vmem>> -> memref<1x100x128xf32, #tpu.memory_space<vmem>>
        %dma_wait3A_426 = tpu.memref_squeeze %dma_wait3A_425 : memref<1x100x128xf32, #tpu.memory_space<vmem>> -> memref<100x128xf32, #tpu.memory_space<vmem>>
        %dma_wait3A_427 = arith.constant 0 : i32
        %dma_wait3A_428 = tpu.memref_slice %arg8[%select_n3A_390, %select_n3A_406, %dma_wait3A_427] : memref<2x16x100xi32, #tpu.memory_space<vmem>> -> memref<1x1x100xi32, #tpu.memory_space<vmem>>
        %dma_wait3A_429 = tpu.memref_squeeze %dma_wait3A_428 : memref<1x1x100xi32, #tpu.memory_space<vmem>> -> memref<100xi32, #tpu.memory_space<vmem>>
        %dma_wait3A_430 = arith.constant 0 : i32
        %dma_wait3A_431 = arith.constant 0 : i32
        %dma_wait3A_432 = tpu.memref_slice %arg4[%dma_wait3A_430, %dma_wait3A_431] : memref<10000x128xf32, #tpu.memory_space<hbm>> -> memref<10000x128xf32, #tpu.memory_space<hbm>>
        tpu.wait_indirect_dma semaphore(%arg13 : memref<!tpu.dma_semaphore, #tpu.memory_space<semaphore_mem>>) src(%dma_wait3A_432 : memref<10000x128xf32, #tpu.memory_space<hbm>>) dst(%dma_wait3A_426 : memref<100x128xf32, #tpu.memory_space<vmem>>)
        %jit3A_433 = arith.constant 3 : i32
        %eq3A_434 = arith.constant 0 : i32
        %eq3A_435 = arith.cmpi eq, %jit3A_433, %eq3A_434 : i32
        %jit3A_436 = arith.constant 1 : i32
        %select_n3A_437 = arith.select %eq3A_435, %jit3A_436, %jit3A_433 : i32
        %rem3A_438 = arith.remsi %add3A_104, %select_n3A_437 : i32
        %ne3A_439 = arith.constant 0 : i32
        %ne3A_440 = arith.cmpi ne, %rem3A_438, %ne3A_439 : i32
        %lt3A_441 = arith.constant 0 : i32
        %lt3A_442 = arith.cmpi slt, %rem3A_438, %lt3A_441 : i32
        %lt3A_443 = arith.constant 0 : i32
        %lt3A_444 = arith.cmpi slt, %select_n3A_437, %lt3A_443 : i32
        %ne3A_445 = arith.xori %lt3A_442, %lt3A_444 : i1
        %and3A_446 = arith.andi %ne3A_445, %ne3A_440 : i1
        %add3A_447 = arith.addi %rem3A_438, %select_n3A_437 : i32
        %select_n3A_448 = arith.select %and3A_446, %add3A_447, %rem3A_438 : i32
        %jit3A_449 = arith.constant 16 : i32
        %div3A_450 = arith.divsi %add3A_104, %jit3A_449 : i32
        %sign3A_451 = arith.constant 0 : i32
        %sign3A_452 = arith.cmpi sgt, %add3A_104, %sign3A_451 : i32
        %sign3A_453 = arith.extui %sign3A_452 : i1 to i32
        %sign3A_454 = arith.constant 0 : i32
        %sign3A_455 = arith.cmpi slt, %add3A_104, %sign3A_454 : i32
        %sign3A_456 = arith.extui %sign3A_455 : i1 to i32
        %sign3A_457 = arith.subi %sign3A_453, %sign3A_456 : i32
        %sign3A_458 = arith.constant 0 : i32
        %sign3A_459 = arith.cmpi sgt, %jit3A_449, %sign3A_458 : i32
        %sign3A_460 = arith.extui %sign3A_459 : i1 to i32
        %sign3A_461 = arith.constant 0 : i32
        %sign3A_462 = arith.cmpi slt, %jit3A_449, %sign3A_461 : i32
        %sign3A_463 = arith.extui %sign3A_462 : i1 to i32
        %sign3A_464 = arith.subi %sign3A_460, %sign3A_463 : i32
        %ne3A_465 = arith.cmpi ne, %sign3A_457, %sign3A_464 : i32
        %rem3A_466 = arith.remsi %add3A_104, %jit3A_449 : i32
        %ne3A_467 = arith.constant 0 : i32
        %ne3A_468 = arith.cmpi ne, %rem3A_466, %ne3A_467 : i32
        %and3A_469 = arith.andi %ne3A_465, %ne3A_468 : i1
        %sub3A_470 = arith.constant 1 : i32
        %sub3A_471 = arith.subi %div3A_450, %sub3A_470 : i32
        %select_n3A_472 = arith.select %and3A_469, %sub3A_471, %div3A_450 : i32
        %jit3A_473 = arith.constant 2 : i32
        %eq3A_474 = arith.constant 0 : i32
        %eq3A_475 = arith.cmpi eq, %jit3A_473, %eq3A_474 : i32
        %jit3A_476 = arith.constant 1 : i32
        %select_n3A_477 = arith.select %eq3A_475, %jit3A_476, %jit3A_473 : i32
        %rem3A_478 = arith.remsi %select_n3A_472, %select_n3A_477 : i32
        %ne3A_479 = arith.constant 0 : i32
        %ne3A_480 = arith.cmpi ne, %rem3A_478, %ne3A_479 : i32
        %lt3A_481 = arith.constant 0 : i32
        %lt3A_482 = arith.cmpi slt, %rem3A_478, %lt3A_481 : i32
        %lt3A_483 = arith.constant 0 : i32
        %lt3A_484 = arith.cmpi slt, %select_n3A_477, %lt3A_483 : i32
        %ne3A_485 = arith.xori %lt3A_482, %lt3A_484 : i1
        %and3A_486 = arith.andi %ne3A_485, %ne3A_480 : i1
        %add3A_487 = arith.addi %rem3A_478, %select_n3A_477 : i32
        %select_n3A_488 = arith.select %and3A_486, %add3A_487, %rem3A_478 : i32
        %jit3A_489 = arith.constant 16 : i32
        %eq3A_490 = arith.constant 0 : i32
        %eq3A_491 = arith.cmpi eq, %jit3A_489, %eq3A_490 : i32
        %jit3A_492 = arith.constant 1 : i32
        %select_n3A_493 = arith.select %eq3A_491, %jit3A_492, %jit3A_489 : i32
        %rem3A_494 = arith.remsi %add3A_104, %select_n3A_493 : i32
        %ne3A_495 = arith.constant 0 : i32
        %ne3A_496 = arith.cmpi ne, %rem3A_494, %ne3A_495 : i32
        %lt3A_497 = arith.constant 0 : i32
        %lt3A_498 = arith.cmpi slt, %rem3A_494, %lt3A_497 : i32
        %lt3A_499 = arith.constant 0 : i32
        %lt3A_500 = arith.cmpi slt, %select_n3A_493, %lt3A_499 : i32
        %ne3A_501 = arith.xori %lt3A_498, %lt3A_500 : i1
        %and3A_502 = arith.andi %ne3A_501, %ne3A_496 : i1
        %add3A_503 = arith.addi %rem3A_494, %select_n3A_493 : i32
        %select_n3A_504 = arith.select %and3A_502, %add3A_503, %rem3A_494 : i32
        %dma_start3A_505 = arith.constant 0 : i32
        %dma_start3A_506 = arith.constant 0 : i32
        %dma_start3A_507 = tpu.memref_slice %arg10[%select_n3A_448, %dma_start3A_505, %dma_start3A_506] : memref<3x100x128xf32, #tpu.memory_space<vmem>> -> memref<1x100x128xf32, #tpu.memory_space<vmem>>
        %dma_start3A_508 = tpu.memref_squeeze %dma_start3A_507 : memref<1x100x128xf32, #tpu.memory_space<vmem>> -> memref<100x128xf32, #tpu.memory_space<vmem>>
        %dma_start3A_509 = arith.constant 0 : i32
        %dma_start3A_510 = tpu.memref_slice %arg9[%select_n3A_488, %select_n3A_504, %dma_start3A_509] : memref<2x16x100xi32, #tpu.memory_space<vmem>> -> memref<1x1x100xi32, #tpu.memory_space<vmem>>
        %dma_start3A_511 = tpu.memref_squeeze %dma_start3A_510 : memref<1x1x100xi32, #tpu.memory_space<vmem>> -> memref<100xi32, #tpu.memory_space<vmem>>
        %dma_start3A_512 = arith.constant 0 : i32
        %dma_start3A_513 = arith.constant 0 : i32
        %dma_start3A_514 = tpu.memref_slice %arg11[%dma_start3A_512, %dma_start3A_513] : memref<10000x128xf32, #tpu.memory_space<vmem_shared>> -> memref<10000x128xf32, #tpu.memory_space<vmem_shared>>
        tpu.enqueue_indirect_dma source(%dma_start3A_508 : memref<100x128xf32, #tpu.memory_space<vmem>>) target(%dma_start3A_514 : memref<10000x128xf32, #tpu.memory_space<vmem_shared>>) offsets(%dma_start3A_511 : memref<100xi32, #tpu.memory_space<vmem>>) semaphore(%arg15 : memref<!tpu.dma_semaphore, #tpu.memory_space<semaphore_mem>>) {add = true}
        %jit3A_515 = arith.constant 3 : i32
        %eq3A_516 = arith.constant 0 : i32
        %eq3A_517 = arith.cmpi eq, %jit3A_515, %eq3A_516 : i32
        %jit3A_518 = arith.constant 1 : i32
        %select_n3A_519 = arith.select %eq3A_517, %jit3A_518, %jit3A_515 : i32
        %rem3A_520 = arith.remsi %add3A_100, %select_n3A_519 : i32
        %ne3A_521 = arith.constant 0 : i32
        %ne3A_522 = arith.cmpi ne, %rem3A_520, %ne3A_521 : i32
        %lt3A_523 = arith.constant 0 : i32
        %lt3A_524 = arith.cmpi slt, %rem3A_520, %lt3A_523 : i32
        %lt3A_525 = arith.constant 0 : i32
        %lt3A_526 = arith.cmpi slt, %select_n3A_519, %lt3A_525 : i32
        %ne3A_527 = arith.xori %lt3A_524, %lt3A_526 : i1
        %and3A_528 = arith.andi %ne3A_527, %ne3A_522 : i1
        %add3A_529 = arith.addi %rem3A_520, %select_n3A_519 : i32
        %select_n3A_530 = arith.select %and3A_528, %add3A_529, %rem3A_520 : i32
        %jit3A_531 = arith.constant 16 : i32
        %div3A_532 = arith.divsi %add3A_100, %jit3A_531 : i32
        %sign3A_533 = arith.constant 0 : i32
        %sign3A_534 = arith.cmpi sgt, %add3A_100, %sign3A_533 : i32
        %sign3A_535 = arith.extui %sign3A_534 : i1 to i32
        %sign3A_536 = arith.constant 0 : i32
        %sign3A_537 = arith.cmpi slt, %add3A_100, %sign3A_536 : i32
        %sign3A_538 = arith.extui %sign3A_537 : i1 to i32
        %sign3A_539 = arith.subi %sign3A_535, %sign3A_538 : i32
        %sign3A_540 = arith.constant 0 : i32
        %sign3A_541 = arith.cmpi sgt, %jit3A_531, %sign3A_540 : i32
        %sign3A_542 = arith.extui %sign3A_541 : i1 to i32
        %sign3A_543 = arith.constant 0 : i32
        %sign3A_544 = arith.cmpi slt, %jit3A_531, %sign3A_543 : i32
        %sign3A_545 = arith.extui %sign3A_544 : i1 to i32
        %sign3A_546 = arith.subi %sign3A_542, %sign3A_545 : i32
        %ne3A_547 = arith.cmpi ne, %sign3A_539, %sign3A_546 : i32
        %rem3A_548 = arith.remsi %add3A_100, %jit3A_531 : i32
        %ne3A_549 = arith.constant 0 : i32
        %ne3A_550 = arith.cmpi ne, %rem3A_548, %ne3A_549 : i32
        %and3A_551 = arith.andi %ne3A_547, %ne3A_550 : i1
        %sub3A_552 = arith.constant 1 : i32
        %sub3A_553 = arith.subi %div3A_532, %sub3A_552 : i32
        %select_n3A_554 = arith.select %and3A_551, %sub3A_553, %div3A_532 : i32
        %jit3A_555 = arith.constant 2 : i32
        %eq3A_556 = arith.constant 0 : i32
        %eq3A_557 = arith.cmpi eq, %jit3A_555, %eq3A_556 : i32
        %jit3A_558 = arith.constant 1 : i32
        %select_n3A_559 = arith.select %eq3A_557, %jit3A_558, %jit3A_555 : i32
        %rem3A_560 = arith.remsi %select_n3A_554, %select_n3A_559 : i32
        %ne3A_561 = arith.constant 0 : i32
        %ne3A_562 = arith.cmpi ne, %rem3A_560, %ne3A_561 : i32
        %lt3A_563 = arith.constant 0 : i32
        %lt3A_564 = arith.cmpi slt, %rem3A_560, %lt3A_563 : i32
        %lt3A_565 = arith.constant 0 : i32
        %lt3A_566 = arith.cmpi slt, %select_n3A_559, %lt3A_565 : i32
        %ne3A_567 = arith.xori %lt3A_564, %lt3A_566 : i1
        %and3A_568 = arith.andi %ne3A_567, %ne3A_562 : i1
        %add3A_569 = arith.addi %rem3A_560, %select_n3A_559 : i32
        %select_n3A_570 = arith.select %and3A_568, %add3A_569, %rem3A_560 : i32
        %jit3A_571 = arith.constant 16 : i32
        %eq3A_572 = arith.constant 0 : i32
        %eq3A_573 = arith.cmpi eq, %jit3A_571, %eq3A_572 : i32
        %jit3A_574 = arith.constant 1 : i32
        %select_n3A_575 = arith.select %eq3A_573, %jit3A_574, %jit3A_571 : i32
        %rem3A_576 = arith.remsi %add3A_100, %select_n3A_575 : i32
        %ne3A_577 = arith.constant 0 : i32
        %ne3A_578 = arith.cmpi ne, %rem3A_576, %ne3A_577 : i32
        %lt3A_579 = arith.constant 0 : i32
        %lt3A_580 = arith.cmpi slt, %rem3A_576, %lt3A_579 : i32
        %lt3A_581 = arith.constant 0 : i32
        %lt3A_582 = arith.cmpi slt, %select_n3A_575, %lt3A_581 : i32
        %ne3A_583 = arith.xori %lt3A_580, %lt3A_582 : i1
        %and3A_584 = arith.andi %ne3A_583, %ne3A_578 : i1
        %add3A_585 = arith.addi %rem3A_576, %select_n3A_575 : i32
        %select_n3A_586 = arith.select %and3A_584, %add3A_585, %rem3A_576 : i32
        %dma_wait3A_587 = arith.constant 0 : i32
        %dma_wait3A_588 = arith.constant 0 : i32
        %dma_wait3A_589 = tpu.memref_slice %arg10[%select_n3A_530, %dma_wait3A_587, %dma_wait3A_588] : memref<3x100x128xf32, #tpu.memory_space<vmem>> -> memref<1x100x128xf32, #tpu.memory_space<vmem>>
        %dma_wait3A_590 = tpu.memref_squeeze %dma_wait3A_589 : memref<1x100x128xf32, #tpu.memory_space<vmem>> -> memref<100x128xf32, #tpu.memory_space<vmem>>
        %dma_wait3A_591 = arith.constant 0 : i32
        %dma_wait3A_592 = tpu.memref_slice %arg9[%select_n3A_570, %select_n3A_586, %dma_wait3A_591] : memref<2x16x100xi32, #tpu.memory_space<vmem>> -> memref<1x1x100xi32, #tpu.memory_space<vmem>>
        %dma_wait3A_593 = tpu.memref_squeeze %dma_wait3A_592 : memref<1x1x100xi32, #tpu.memory_space<vmem>> -> memref<100xi32, #tpu.memory_space<vmem>>
        %dma_wait3A_594 = arith.constant 0 : i32
        %dma_wait3A_595 = arith.constant 0 : i32
        %dma_wait3A_596 = tpu.memref_slice %arg11[%dma_wait3A_594, %dma_wait3A_595] : memref<10000x128xf32, #tpu.memory_space<vmem_shared>> -> memref<10000x128xf32, #tpu.memory_space<vmem_shared>>
        tpu.wait_indirect_dma semaphore(%arg14 : memref<!tpu.dma_semaphore, #tpu.memory_space<semaphore_mem>>) src(%dma_wait3A_590 : memref<100x128xf32, #tpu.memory_space<vmem>>) dst(%dma_wait3A_596 : memref<10000x128xf32, #tpu.memory_space<vmem_shared>>)
        %not3A = arith.constant true
        %not3A_597 = arith.xori %eq3A_102, %not3A : i1
        %convert_element_type3A_598 = arith.extui %not3A_597 : i1 to i32
        %cond3A_599 = arith.constant 0 : i32
        %cond3A_600 = arith.cmpi ne, %convert_element_type3A_598, %cond3A_599 : i32
        scf.if %cond3A_600 {
          %add3A_601 = arith.constant 2 : i32
          %add3A_602 = arith.addi %add3A_104, %add3A_601 : i32
          %jit3A_603 = arith.constant 16 : i32
          %div3A_604 = arith.divsi %add3A_602, %jit3A_603 : i32
          %sign3A_605 = arith.constant 0 : i32
          %sign3A_606 = arith.cmpi sgt, %add3A_602, %sign3A_605 : i32
          %sign3A_607 = arith.extui %sign3A_606 : i1 to i32
          %sign3A_608 = arith.constant 0 : i32
          %sign3A_609 = arith.cmpi slt, %add3A_602, %sign3A_608 : i32
          %sign3A_610 = arith.extui %sign3A_609 : i1 to i32
          %sign3A_611 = arith.subi %sign3A_607, %sign3A_610 : i32
          %sign3A_612 = arith.constant 0 : i32
          %sign3A_613 = arith.cmpi sgt, %jit3A_603, %sign3A_612 : i32
          %sign3A_614 = arith.extui %sign3A_613 : i1 to i32
          %sign3A_615 = arith.constant 0 : i32
          %sign3A_616 = arith.cmpi slt, %jit3A_603, %sign3A_615 : i32
          %sign3A_617 = arith.extui %sign3A_616 : i1 to i32
          %sign3A_618 = arith.subi %sign3A_614, %sign3A_617 : i32
          %ne3A_619 = arith.cmpi ne, %sign3A_611, %sign3A_618 : i32
          %rem3A_620 = arith.remsi %add3A_602, %jit3A_603 : i32
          %ne3A_621 = arith.constant 0 : i32
          %ne3A_622 = arith.cmpi ne, %rem3A_620, %ne3A_621 : i32
          %and3A_623 = arith.andi %ne3A_619, %ne3A_622 : i1
          %sub3A_624 = arith.constant 1 : i32
          %sub3A_625 = arith.subi %div3A_604, %sub3A_624 : i32
          %select_n3A_626 = arith.select %and3A_623, %sub3A_625, %div3A_604 : i32
          %jit3A_627 = arith.constant 2 : i32
          %eq3A_628 = arith.constant 0 : i32
          %eq3A_629 = arith.cmpi eq, %jit3A_627, %eq3A_628 : i32
          %jit3A_630 = arith.constant 1 : i32
          %select_n3A_631 = arith.select %eq3A_629, %jit3A_630, %jit3A_627 : i32
          %rem3A_632 = arith.remsi %select_n3A_626, %select_n3A_631 : i32
          %ne3A_633 = arith.constant 0 : i32
          %ne3A_634 = arith.cmpi ne, %rem3A_632, %ne3A_633 : i32
          %lt3A_635 = arith.constant 0 : i32
          %lt3A_636 = arith.cmpi slt, %rem3A_632, %lt3A_635 : i32
          %lt3A_637 = arith.constant 0 : i32
          %lt3A_638 = arith.cmpi slt, %select_n3A_631, %lt3A_637 : i32
          %ne3A_639 = arith.xori %lt3A_636, %lt3A_638 : i1
          %and3A_640 = arith.andi %ne3A_639, %ne3A_634 : i1
          %add3A_641 = arith.addi %rem3A_632, %select_n3A_631 : i32
          %select_n3A_642 = arith.select %and3A_640, %add3A_641, %rem3A_632 : i32
          %jit3A_643 = arith.constant 16 : i32
          %eq3A_644 = arith.constant 0 : i32
          %eq3A_645 = arith.cmpi eq, %jit3A_643, %eq3A_644 : i32
          %jit3A_646 = arith.constant 1 : i32
          %select_n3A_647 = arith.select %eq3A_645, %jit3A_646, %jit3A_643 : i32
          %rem3A_648 = arith.remsi %add3A_602, %select_n3A_647 : i32
          %ne3A_649 = arith.constant 0 : i32
          %ne3A_650 = arith.cmpi ne, %rem3A_648, %ne3A_649 : i32
          %lt3A_651 = arith.constant 0 : i32
          %lt3A_652 = arith.cmpi slt, %rem3A_648, %lt3A_651 : i32
          %lt3A_653 = arith.constant 0 : i32
          %lt3A_654 = arith.cmpi slt, %select_n3A_647, %lt3A_653 : i32
          %ne3A_655 = arith.xori %lt3A_652, %lt3A_654 : i1
          %and3A_656 = arith.andi %ne3A_655, %ne3A_650 : i1
          %add3A_657 = arith.addi %rem3A_648, %select_n3A_647 : i32
          %select_n3A_658 = arith.select %and3A_656, %add3A_657, %rem3A_648 : i32
          %jit3A_659 = arith.constant 3 : i32
          %eq3A_660 = arith.constant 0 : i32
          %eq3A_661 = arith.cmpi eq, %jit3A_659, %eq3A_660 : i32
          %jit3A_662 = arith.constant 1 : i32
          %select_n3A_663 = arith.select %eq3A_661, %jit3A_662, %jit3A_659 : i32
          %rem3A_664 = arith.remsi %add3A_602, %select_n3A_663 : i32
          %ne3A_665 = arith.constant 0 : i32
          %ne3A_666 = arith.cmpi ne, %rem3A_664, %ne3A_665 : i32
          %lt3A_667 = arith.constant 0 : i32
          %lt3A_668 = arith.cmpi slt, %rem3A_664, %lt3A_667 : i32
          %lt3A_669 = arith.constant 0 : i32
          %lt3A_670 = arith.cmpi slt, %select_n3A_663, %lt3A_669 : i32
          %ne3A_671 = arith.xori %lt3A_668, %lt3A_670 : i1
          %and3A_672 = arith.andi %ne3A_671, %ne3A_666 : i1
          %add3A_673 = arith.addi %rem3A_664, %select_n3A_663 : i32
          %select_n3A_674 = arith.select %and3A_672, %add3A_673, %rem3A_664 : i32
          %dma_start3A_675 = arith.constant 0 : i32
          %dma_start3A_676 = arith.constant 0 : i32
          %dma_start3A_677 = tpu.memref_slice %arg10[%select_n3A_674, %dma_start3A_675, %dma_start3A_676] : memref<3x100x128xf32, #tpu.memory_space<vmem>> -> memref<1x100x128xf32, #tpu.memory_space<vmem>>
          %dma_start3A_678 = tpu.memref_squeeze %dma_start3A_677 : memref<1x100x128xf32, #tpu.memory_space<vmem>> -> memref<100x128xf32, #tpu.memory_space<vmem>>
          %dma_start3A_679 = arith.constant 0 : i32
          %dma_start3A_680 = tpu.memref_slice %arg8[%select_n3A_642, %select_n3A_658, %dma_start3A_679] : memref<2x16x100xi32, #tpu.memory_space<vmem>> -> memref<1x1x100xi32, #tpu.memory_space<vmem>>
          %dma_start3A_681 = tpu.memref_squeeze %dma_start3A_680 : memref<1x1x100xi32, #tpu.memory_space<vmem>> -> memref<100xi32, #tpu.memory_space<vmem>>
          %dma_start3A_682 = arith.constant 0 : i32
          %dma_start3A_683 = arith.constant 0 : i32
          %dma_start3A_684 = tpu.memref_slice %arg4[%dma_start3A_682, %dma_start3A_683] : memref<10000x128xf32, #tpu.memory_space<hbm>> -> memref<10000x128xf32, #tpu.memory_space<hbm>>
          tpu.enqueue_indirect_dma source(%dma_start3A_684 : memref<10000x128xf32, #tpu.memory_space<hbm>>) target(%dma_start3A_678 : memref<100x128xf32, #tpu.memory_space<vmem>>) offsets(%dma_start3A_681 : memref<100xi32, #tpu.memory_space<vmem>>) semaphore(%arg13 : memref<!tpu.dma_semaphore, #tpu.memory_space<semaphore_mem>>)
        } else {
        }
      }
      %scan3A_71 = arith.constant 8 : i32
      %dma_wait3A = arith.constant 0 : i32
      %dma_wait3A_72 = arith.constant 0 : i32
      %dma_wait3A_73 = arith.constant 15 : i32
      %dma_wait3A_74 = arith.constant 0 : i32
      %dma_wait3A_75 = arith.constant 0 : i32
      %dma_wait3A_76 = tpu.memref_slice %arg10[%dma_wait3A, %dma_wait3A_74, %dma_wait3A_75] : memref<3x100x128xf32, #tpu.memory_space<vmem>> -> memref<1x100x128xf32, #tpu.memory_space<vmem>>
      %dma_wait3A_77 = tpu.memref_squeeze %dma_wait3A_76 : memref<1x100x128xf32, #tpu.memory_space<vmem>> -> memref<100x128xf32, #tpu.memory_space<vmem>>
      %dma_wait3A_78 = arith.constant 0 : i32
      %dma_wait3A_79 = tpu.memref_slice %arg9[%dma_wait3A_72, %dma_wait3A_73, %dma_wait3A_78] : memref<2x16x100xi32, #tpu.memory_space<vmem>> -> memref<1x1x100xi32, #tpu.memory_space<vmem>>
      %dma_wait3A_80 = tpu.memref_squeeze %dma_wait3A_79 : memref<1x1x100xi32, #tpu.memory_space<vmem>> -> memref<100xi32, #tpu.memory_space<vmem>>
      %dma_wait3A_81 = arith.constant 0 : i32
      %dma_wait3A_82 = arith.constant 0 : i32
      %dma_wait3A_83 = tpu.memref_slice %arg11[%dma_wait3A_81, %dma_wait3A_82] : memref<10000x128xf32, #tpu.memory_space<vmem_shared>> -> memref<10000x128xf32, #tpu.memory_space<vmem_shared>>
      tpu.wait_indirect_dma semaphore(%arg15 : memref<!tpu.dma_semaphore, #tpu.memory_space<semaphore_mem>>) src(%dma_wait3A_77 : memref<100x128xf32, #tpu.memory_space<vmem>>) dst(%dma_wait3A_83 : memref<10000x128xf32, #tpu.memory_space<vmem_shared>>)
      %dma_wait3A_84 = arith.constant 1 : i32
      %dma_wait3A_85 = arith.constant 0 : i32
      %dma_wait3A_86 = arith.constant 1 : i32
      %dma_wait3A_87 = arith.constant 0 : i32
      %dma_wait3A_88 = arith.constant 0 : i32
      %dma_wait3A_89 = tpu.memref_slice %arg10[%dma_wait3A_86, %dma_wait3A_87, %dma_wait3A_88] : memref<3x100x128xf32, #tpu.memory_space<vmem>> -> memref<1x100x128xf32, #tpu.memory_space<vmem>>
      %dma_wait3A_90 = tpu.memref_squeeze %dma_wait3A_89 : memref<1x100x128xf32, #tpu.memory_space<vmem>> -> memref<100x128xf32, #tpu.memory_space<vmem>>
      %dma_wait3A_91 = arith.constant 0 : i32
      %dma_wait3A_92 = tpu.memref_slice %arg8[%dma_wait3A_84, %dma_wait3A_85, %dma_wait3A_91] : memref<2x16x100xi32, #tpu.memory_space<vmem>> -> memref<1x1x100xi32, #tpu.memory_space<vmem>>
      %dma_wait3A_93 = tpu.memref_squeeze %dma_wait3A_92 : memref<1x1x100xi32, #tpu.memory_space<vmem>> -> memref<100xi32, #tpu.memory_space<vmem>>
      %dma_wait3A_94 = arith.constant 0 : i32
      %dma_wait3A_95 = arith.constant 0 : i32
      %dma_wait3A_96 = tpu.memref_slice %arg4[%dma_wait3A_94, %dma_wait3A_95] : memref<10000x128xf32, #tpu.memory_space<hbm>> -> memref<10000x128xf32, #tpu.memory_space<hbm>>
      tpu.wait_indirect_dma semaphore(%arg12 : memref<!tpu.dma_semaphore, #tpu.memory_space<semaphore_mem>>) src(%dma_wait3A_96 : memref<10000x128xf32, #tpu.memory_space<hbm>>) dst(%dma_wait3A_90 : memref<100x128xf32, #tpu.memory_space<vmem>>)
    } else {
    }
    %eq3A_15 = arith.constant 1 : i32
    %eq3A_16 = arith.cmpi eq, %arg0, %eq3A_15 : i32
    %convert_element_type3A_17 = arith.extui %eq3A_16 : i1 to i32
    %cond3A_18 = arith.constant 0 : i32
    %cond3A_19 = arith.cmpi ne, %convert_element_type3A_17, %cond3A_18 : i32
    scf.if %cond3A_19 {
      %mul3A_32 = arith.constant 400 : i32
      %mul3A_33 = arith.muli %arg1, %mul3A_32 : i32
      %run_scoped3A_34 = arith.constant 0 : i32
      "tpu.region"() ({
        %run_scoped3A_97 = tpu.sem_alloc : memref<!tpu.dma_semaphore, #tpu.memory_space<semaphore_mem>>
        %dma_start3A_98 = arith.constant 0 : i32
        %dma_start3A_99 = arith.constant 0 : i32
        %dma_start3A_100 = tpu.memref_slice %arg8[%run_scoped3A_34, %dma_start3A_98, %dma_start3A_99] : memref<2x16x100xi32, #tpu.memory_space<vmem>> -> memref<1x16x100xi32, #tpu.memory_space<vmem>>
        %dma_start3A_101 = tpu.memref_squeeze %dma_start3A_100 : memref<1x16x100xi32, #tpu.memory_space<vmem>> -> memref<16x100xi32, #tpu.memory_space<vmem>>
        %dma_start3A_102 = arith.constant 0 : i32
        %dma_start3A_103 = tpu.memref_slice %arg2[%mul3A_33, %dma_start3A_102] : memref<6400x100xi32, #tpu.memory_space<hbm>> -> memref<16x100xi32, #tpu.memory_space<hbm>>
        %dma_start3A_104 = arith.constant 0 : i32
        %dma_start3A_105 = arith.constant 0 : i32
        %dma_start3A_106 = tpu.memref_slice %arg8[%run_scoped3A_34, %dma_start3A_104, %dma_start3A_105] : memref<2x16x100xi32, #tpu.memory_space<vmem>> -> memref<1x16x100xi32, #tpu.memory_space<vmem>>
        %dma_start3A_107 = tpu.memref_squeeze %dma_start3A_106 : memref<1x16x100xi32, #tpu.memory_space<vmem>> -> memref<16x100xi32, #tpu.memory_space<vmem>>
        %dma_start3A_108 = arith.constant 0 : i32
        %dma_start3A_109 = tpu.memref_slice %arg2[%mul3A_33, %dma_start3A_108] : memref<6400x100xi32, #tpu.memory_space<hbm>> -> memref<16x100xi32, #tpu.memory_space<hbm>>
        tpu.enqueue_dma source(%dma_start3A_109 : memref<16x100xi32, #tpu.memory_space<hbm>>) target(%dma_start3A_107 : memref<16x100xi32, #tpu.memory_space<vmem>>) target_semaphore(%run_scoped3A_97 : memref<!tpu.dma_semaphore, #tpu.memory_space<semaphore_mem>>)
        %dma_wait3A_110 = arith.constant 0 : i32
        %dma_wait3A_111 = arith.constant 0 : i32
        %dma_wait3A_112 = tpu.memref_slice %arg8[%run_scoped3A_34, %dma_wait3A_110, %dma_wait3A_111] : memref<2x16x100xi32, #tpu.memory_space<vmem>> -> memref<1x16x100xi32, #tpu.memory_space<vmem>>
        %dma_wait3A_113 = tpu.memref_squeeze %dma_wait3A_112 : memref<1x16x100xi32, #tpu.memory_space<vmem>> -> memref<16x100xi32, #tpu.memory_space<vmem>>
        %dma_wait3A_114 = arith.constant 0 : i32
        %dma_wait3A_115 = tpu.memref_slice %arg2[%mul3A_33, %dma_wait3A_114] : memref<6400x100xi32, #tpu.memory_space<hbm>> -> memref<16x100xi32, #tpu.memory_space<hbm>>
        %dma_wait3A_116 = arith.constant 0 : i32
        %dma_wait3A_117 = arith.constant 0 : i32
        %dma_wait3A_118 = tpu.memref_slice %arg8[%run_scoped3A_34, %dma_wait3A_116, %dma_wait3A_117] : memref<2x16x100xi32, #tpu.memory_space<vmem>> -> memref<1x16x100xi32, #tpu.memory_space<vmem>>
        %dma_wait3A_119 = tpu.memref_squeeze %dma_wait3A_118 : memref<1x16x100xi32, #tpu.memory_space<vmem>> -> memref<16x100xi32, #tpu.memory_space<vmem>>
        %dma_wait3A_120 = arith.constant 0 : i32
        %dma_wait3A_121 = tpu.memref_slice %arg2[%mul3A_33, %dma_wait3A_120] : memref<6400x100xi32, #tpu.memory_space<hbm>> -> memref<16x100xi32, #tpu.memory_space<hbm>>
        tpu.wait_dma2 semaphore(%run_scoped3A_97 : memref<!tpu.dma_semaphore, #tpu.memory_space<semaphore_mem>>) src(%dma_wait3A_121 : memref<16x100xi32, #tpu.memory_space<hbm>>) dst(%dma_wait3A_119 : memref<16x100xi32, #tpu.memory_space<vmem>>)
        tpu.yield
      }) : () -> ()
      %run_scoped3A_35 = arith.constant 0 : i32
      "tpu.region"() ({
        %run_scoped3A_97 = tpu.sem_alloc : memref<!tpu.dma_semaphore, #tpu.memory_space<semaphore_mem>>
        %dma_start3A_98 = arith.constant 0 : i32
        %dma_start3A_99 = arith.constant 0 : i32
        %dma_start3A_100 = tpu.memref_slice %arg9[%run_scoped3A_35, %dma_start3A_98, %dma_start3A_99] : memref<2x16x100xi32, #tpu.memory_space<vmem>> -> memref<1x16x100xi32, #tpu.memory_space<vmem>>
        %dma_start3A_101 = tpu.memref_squeeze %dma_start3A_100 : memref<1x16x100xi32, #tpu.memory_space<vmem>> -> memref<16x100xi32, #tpu.memory_space<vmem>>
        %dma_start3A_102 = arith.constant 0 : i32
        %dma_start3A_103 = tpu.memref_slice %arg3[%mul3A_33, %dma_start3A_102] : memref<6400x100xi32, #tpu.memory_space<hbm>> -> memref<16x100xi32, #tpu.memory_space<hbm>>
        %dma_start3A_104 = arith.constant 0 : i32
        %dma_start3A_105 = arith.constant 0 : i32
        %dma_start3A_106 = tpu.memref_slice %arg9[%run_scoped3A_35, %dma_start3A_104, %dma_start3A_105] : memref<2x16x100xi32, #tpu.memory_space<vmem>> -> memref<1x16x100xi32, #tpu.memory_space<vmem>>
        %dma_start3A_107 = tpu.memref_squeeze %dma_start3A_106 : memref<1x16x100xi32, #tpu.memory_space<vmem>> -> memref<16x100xi32, #tpu.memory_space<vmem>>
        %dma_start3A_108 = arith.constant 0 : i32
        %dma_start3A_109 = tpu.memref_slice %arg3[%mul3A_33, %dma_start3A_108] : memref<6400x100xi32, #tpu.memory_space<hbm>> -> memref<16x100xi32, #tpu.memory_space<hbm>>
        tpu.enqueue_dma source(%dma_start3A_109 : memref<16x100xi32, #tpu.memory_space<hbm>>) target(%dma_start3A_107 : memref<16x100xi32, #tpu.memory_space<vmem>>) target_semaphore(%run_scoped3A_97 : memref<!tpu.dma_semaphore, #tpu.memory_space<semaphore_mem>>)
        %dma_wait3A_110 = arith.constant 0 : i32
        %dma_wait3A_111 = arith.constant 0 : i32
        %dma_wait3A_112 = tpu.memref_slice %arg9[%run_scoped3A_35, %dma_wait3A_110, %dma_wait3A_111] : memref<2x16x100xi32, #tpu.memory_space<vmem>> -> memref<1x16x100xi32, #tpu.memory_space<vmem>>
        %dma_wait3A_113 = tpu.memref_squeeze %dma_wait3A_112 : memref<1x16x100xi32, #tpu.memory_space<vmem>> -> memref<16x100xi32, #tpu.memory_space<vmem>>
        %dma_wait3A_114 = arith.constant 0 : i32
        %dma_wait3A_115 = tpu.memref_slice %arg3[%mul3A_33, %dma_wait3A_114] : memref<6400x100xi32, #tpu.memory_space<hbm>> -> memref<16x100xi32, #tpu.memory_space<hbm>>
        %dma_wait3A_116 = arith.constant 0 : i32
        %dma_wait3A_117 = arith.constant 0 : i32
        %dma_wait3A_118 = tpu.memref_slice %arg9[%run_scoped3A_35, %dma_wait3A_116, %dma_wait3A_117] : memref<2x16x100xi32, #tpu.memory_space<vmem>> -> memref<1x16x100xi32, #tpu.memory_space<vmem>>
        %dma_wait3A_119 = tpu.memref_squeeze %dma_wait3A_118 : memref<1x16x100xi32, #tpu.memory_space<vmem>> -> memref<16x100xi32, #tpu.memory_space<vmem>>
        %dma_wait3A_120 = arith.constant 0 : i32
        %dma_wait3A_121 = tpu.memref_slice %arg3[%mul3A_33, %dma_wait3A_120] : memref<6400x100xi32, #tpu.memory_space<hbm>> -> memref<16x100xi32, #tpu.memory_space<hbm>>
        tpu.wait_dma2 semaphore(%run_scoped3A_97 : memref<!tpu.dma_semaphore, #tpu.memory_space<semaphore_mem>>) src(%dma_wait3A_121 : memref<16x100xi32, #tpu.memory_space<hbm>>) dst(%dma_wait3A_119 : memref<16x100xi32, #tpu.memory_space<vmem>>)
        tpu.yield
      }) : () -> ()
      %dma_start3A = arith.constant 0 : i32
      %dma_start3A_36 = arith.constant 0 : i32
      %dma_start3A_37 = arith.constant 0 : i32
      %dma_start3A_38 = arith.constant 0 : i32
      %dma_start3A_39 = arith.constant 0 : i32
      %dma_start3A_40 = tpu.memref_slice %arg10[%dma_start3A_37, %dma_start3A_38, %dma_start3A_39] : memref<3x100x128xf32, #tpu.memory_space<vmem>> -> memref<1x100x128xf32, #tpu.memory_space<vmem>>
      %dma_start3A_41 = tpu.memref_squeeze %dma_start3A_40 : memref<1x100x128xf32, #tpu.memory_space<vmem>> -> memref<100x128xf32, #tpu.memory_space<vmem>>
      %dma_start3A_42 = arith.constant 0 : i32
      %dma_start3A_43 = tpu.memref_slice %arg8[%dma_start3A, %dma_start3A_36, %dma_start3A_42] : memref<2x16x100xi32, #tpu.memory_space<vmem>> -> memref<1x1x100xi32, #tpu.memory_space<vmem>>
      %dma_start3A_44 = tpu.memref_squeeze %dma_start3A_43 : memref<1x1x100xi32, #tpu.memory_space<vmem>> -> memref<100xi32, #tpu.memory_space<vmem>>
      %dma_start3A_45 = arith.constant 0 : i32
      %dma_start3A_46 = arith.constant 0 : i32
      %dma_start3A_47 = tpu.memref_slice %arg5[%dma_start3A_45, %dma_start3A_46] : memref<10000x128xf32, #tpu.memory_space<hbm>> -> memref<10000x128xf32, #tpu.memory_space<hbm>>
      tpu.enqueue_indirect_dma source(%dma_start3A_47 : memref<10000x128xf32, #tpu.memory_space<hbm>>) target(%dma_start3A_41 : memref<100x128xf32, #tpu.memory_space<vmem>>) offsets(%dma_start3A_44 : memref<100xi32, #tpu.memory_space<vmem>>) semaphore(%arg12 : memref<!tpu.dma_semaphore, #tpu.memory_space<semaphore_mem>>)
      %dma_start3A_48 = arith.constant 0 : i32
      %dma_start3A_49 = arith.constant 1 : i32
      %dma_start3A_50 = arith.constant 1 : i32
      %dma_start3A_51 = arith.constant 0 : i32
      %dma_start3A_52 = arith.constant 0 : i32
      %dma_start3A_53 = tpu.memref_slice %arg10[%dma_start3A_50, %dma_start3A_51, %dma_start3A_52] : memref<3x100x128xf32, #tpu.memory_space<vmem>> -> memref<1x100x128xf32, #tpu.memory_space<vmem>>
      %dma_start3A_54 = tpu.memref_squeeze %dma_start3A_53 : memref<1x100x128xf32, #tpu.memory_space<vmem>> -> memref<100x128xf32, #tpu.memory_space<vmem>>
      %dma_start3A_55 = arith.constant 0 : i32
      %dma_start3A_56 = tpu.memref_slice %arg8[%dma_start3A_48, %dma_start3A_49, %dma_start3A_55] : memref<2x16x100xi32, #tpu.memory_space<vmem>> -> memref<1x1x100xi32, #tpu.memory_space<vmem>>
      %dma_start3A_57 = tpu.memref_squeeze %dma_start3A_56 : memref<1x1x100xi32, #tpu.memory_space<vmem>> -> memref<100xi32, #tpu.memory_space<vmem>>
      %dma_start3A_58 = arith.constant 0 : i32
      %dma_start3A_59 = arith.constant 0 : i32
      %dma_start3A_60 = tpu.memref_slice %arg5[%dma_start3A_58, %dma_start3A_59] : memref<10000x128xf32, #tpu.memory_space<hbm>> -> memref<10000x128xf32, #tpu.memory_space<hbm>>
      tpu.enqueue_indirect_dma source(%dma_start3A_60 : memref<10000x128xf32, #tpu.memory_space<hbm>>) target(%dma_start3A_54 : memref<100x128xf32, #tpu.memory_space<vmem>>) offsets(%dma_start3A_57 : memref<100xi32, #tpu.memory_space<vmem>>) semaphore(%arg13 : memref<!tpu.dma_semaphore, #tpu.memory_space<semaphore_mem>>)
      %scan3A = arith.constant 0 : i32
      %scan3A_61 = arith.constant 0 : i32
      %scan3A_62 = arith.constant 24 : i32
      %scan3A_63 = arith.addi %scan3A_61, %scan3A_62 : i32
      %scan3A_64 = arith.constant 1 : i32
      scf.for %scan3A_97 = %scan3A_61 to %scan3A_63 step %scan3A_64  : i32 {
        %mul3A_98 = arith.constant 16 : i32
        %mul3A_99 = arith.muli %scan3A_97, %mul3A_98 : i32
        %scan3A_100 = arith.constant 0 : i32
        %scan3A_101 = arith.constant 0 : i32
        %scan3A_102 = arith.constant 8 : i32
        %scan3A_103 = arith.addi %scan3A_101, %scan3A_102 : i32
        %scan3A_104 = arith.constant 1 : i32
        scf.for %scan3A_106 = %scan3A_101 to %scan3A_103 step %scan3A_104  : i32 {
          %mul3A_107 = arith.constant 2 : i32
          %mul3A_108 = arith.muli %mul3A_107, %scan3A_106 : i32
          %add3A = arith.addi %mul3A_99, %mul3A_108 : i32
          %eq3A_109 = arith.constant 0 : i32
          %eq3A_110 = arith.cmpi eq, %scan3A_106, %eq3A_109 : i32
          %add3A_111 = arith.constant 1 : i32
          %add3A_112 = arith.addi %add3A, %add3A_111 : i32
          %jit3A_113 = arith.constant 16 : i32
          %div3A = arith.divsi %add3A, %jit3A_113 : i32
          %sign3A = arith.constant 0 : i32
          %sign3A_114 = arith.cmpi sgt, %add3A, %sign3A : i32
          %sign3A_115 = arith.extui %sign3A_114 : i1 to i32
          %sign3A_116 = arith.constant 0 : i32
          %sign3A_117 = arith.cmpi slt, %add3A, %sign3A_116 : i32
          %sign3A_118 = arith.extui %sign3A_117 : i1 to i32
          %sign3A_119 = arith.subi %sign3A_115, %sign3A_118 : i32
          %sign3A_120 = arith.constant 0 : i32
          %sign3A_121 = arith.cmpi sgt, %jit3A_113, %sign3A_120 : i32
          %sign3A_122 = arith.extui %sign3A_121 : i1 to i32
          %sign3A_123 = arith.constant 0 : i32
          %sign3A_124 = arith.cmpi slt, %jit3A_113, %sign3A_123 : i32
          %sign3A_125 = arith.extui %sign3A_124 : i1 to i32
          %sign3A_126 = arith.subi %sign3A_122, %sign3A_125 : i32
          %ne3A = arith.cmpi ne, %sign3A_119, %sign3A_126 : i32
          %rem3A = arith.remsi %add3A, %jit3A_113 : i32
          %ne3A_127 = arith.constant 0 : i32
          %ne3A_128 = arith.cmpi ne, %rem3A, %ne3A_127 : i32
          %and3A = arith.andi %ne3A, %ne3A_128 : i1
          %sub3A = arith.constant 1 : i32
          %sub3A_129 = arith.subi %div3A, %sub3A : i32
          %select_n3A_130 = arith.select %and3A, %sub3A_129, %div3A : i32
          %jit3A_131 = arith.constant 2 : i32
          %eq3A_132 = arith.constant 0 : i32
          %eq3A_133 = arith.cmpi eq, %jit3A_131, %eq3A_132 : i32
          %jit3A_134 = arith.constant 1 : i32
          %select_n3A_135 = arith.select %eq3A_133, %jit3A_134, %jit3A_131 : i32
          %rem3A_136 = arith.remsi %select_n3A_130, %select_n3A_135 : i32
          %ne3A_137 = arith.constant 0 : i32
          %ne3A_138 = arith.cmpi ne, %rem3A_136, %ne3A_137 : i32
          %lt3A_139 = arith.constant 0 : i32
          %lt3A_140 = arith.cmpi slt, %rem3A_136, %lt3A_139 : i32
          %lt3A_141 = arith.constant 0 : i32
          %lt3A_142 = arith.cmpi slt, %select_n3A_135, %lt3A_141 : i32
          %ne3A_143 = arith.xori %lt3A_140, %lt3A_142 : i1
          %and3A_144 = arith.andi %ne3A_143, %ne3A_138 : i1
          %add3A_145 = arith.addi %rem3A_136, %select_n3A_135 : i32
          %select_n3A_146 = arith.select %and3A_144, %add3A_145, %rem3A_136 : i32
          %jit3A_147 = arith.constant 16 : i32
          %eq3A_148 = arith.constant 0 : i32
          %eq3A_149 = arith.cmpi eq, %jit3A_147, %eq3A_148 : i32
          %jit3A_150 = arith.constant 1 : i32
          %select_n3A_151 = arith.select %eq3A_149, %jit3A_150, %jit3A_147 : i32
          %rem3A_152 = arith.remsi %add3A, %select_n3A_151 : i32
          %ne3A_153 = arith.constant 0 : i32
          %ne3A_154 = arith.cmpi ne, %rem3A_152, %ne3A_153 : i32
          %lt3A_155 = arith.constant 0 : i32
          %lt3A_156 = arith.cmpi slt, %rem3A_152, %lt3A_155 : i32
          %lt3A_157 = arith.constant 0 : i32
          %lt3A_158 = arith.cmpi slt, %select_n3A_151, %lt3A_157 : i32
          %ne3A_159 = arith.xori %lt3A_156, %lt3A_158 : i1
          %and3A_160 = arith.andi %ne3A_159, %ne3A_154 : i1
          %add3A_161 = arith.addi %rem3A_152, %select_n3A_151 : i32
          %select_n3A_162 = arith.select %and3A_160, %add3A_161, %rem3A_152 : i32
          %jit3A_163 = arith.constant 3 : i32
          %eq3A_164 = arith.constant 0 : i32
          %eq3A_165 = arith.cmpi eq, %jit3A_163, %eq3A_164 : i32
          %jit3A_166 = arith.constant 1 : i32
          %select_n3A_167 = arith.select %eq3A_165, %jit3A_166, %jit3A_163 : i32
          %rem3A_168 = arith.remsi %add3A, %select_n3A_167 : i32
          %ne3A_169 = arith.constant 0 : i32
          %ne3A_170 = arith.cmpi ne, %rem3A_168, %ne3A_169 : i32
          %lt3A_171 = arith.constant 0 : i32
          %lt3A_172 = arith.cmpi slt, %rem3A_168, %lt3A_171 : i32
          %lt3A_173 = arith.constant 0 : i32
          %lt3A_174 = arith.cmpi slt, %select_n3A_167, %lt3A_173 : i32
          %ne3A_175 = arith.xori %lt3A_172, %lt3A_174 : i1
          %and3A_176 = arith.andi %ne3A_175, %ne3A_170 : i1
          %add3A_177 = arith.addi %rem3A_168, %select_n3A_167 : i32
          %select_n3A_178 = arith.select %and3A_176, %add3A_177, %rem3A_168 : i32
          %dma_wait3A_179 = arith.constant 0 : i32
          %dma_wait3A_180 = arith.constant 0 : i32
          %dma_wait3A_181 = tpu.memref_slice %arg10[%select_n3A_178, %dma_wait3A_179, %dma_wait3A_180] : memref<3x100x128xf32, #tpu.memory_space<vmem>> -> memref<1x100x128xf32, #tpu.memory_space<vmem>>
          %dma_wait3A_182 = tpu.memref_squeeze %dma_wait3A_181 : memref<1x100x128xf32, #tpu.memory_space<vmem>> -> memref<100x128xf32, #tpu.memory_space<vmem>>
          %dma_wait3A_183 = arith.constant 0 : i32
          %dma_wait3A_184 = tpu.memref_slice %arg8[%select_n3A_146, %select_n3A_162, %dma_wait3A_183] : memref<2x16x100xi32, #tpu.memory_space<vmem>> -> memref<1x1x100xi32, #tpu.memory_space<vmem>>
          %dma_wait3A_185 = tpu.memref_squeeze %dma_wait3A_184 : memref<1x1x100xi32, #tpu.memory_space<vmem>> -> memref<100xi32, #tpu.memory_space<vmem>>
          %dma_wait3A_186 = arith.constant 0 : i32
          %dma_wait3A_187 = arith.constant 0 : i32
          %dma_wait3A_188 = tpu.memref_slice %arg5[%dma_wait3A_186, %dma_wait3A_187] : memref<10000x128xf32, #tpu.memory_space<hbm>> -> memref<10000x128xf32, #tpu.memory_space<hbm>>
          tpu.wait_indirect_dma semaphore(%arg12 : memref<!tpu.dma_semaphore, #tpu.memory_space<semaphore_mem>>) src(%dma_wait3A_188 : memref<10000x128xf32, #tpu.memory_space<hbm>>) dst(%dma_wait3A_182 : memref<100x128xf32, #tpu.memory_space<vmem>>)
          %jit3A_189 = arith.constant 3 : i32
          %eq3A_190 = arith.constant 0 : i32
          %eq3A_191 = arith.cmpi eq, %jit3A_189, %eq3A_190 : i32
          %jit3A_192 = arith.constant 1 : i32
          %select_n3A_193 = arith.select %eq3A_191, %jit3A_192, %jit3A_189 : i32
          %rem3A_194 = arith.remsi %add3A, %select_n3A_193 : i32
          %ne3A_195 = arith.constant 0 : i32
          %ne3A_196 = arith.cmpi ne, %rem3A_194, %ne3A_195 : i32
          %lt3A_197 = arith.constant 0 : i32
          %lt3A_198 = arith.cmpi slt, %rem3A_194, %lt3A_197 : i32
          %lt3A_199 = arith.constant 0 : i32
          %lt3A_200 = arith.cmpi slt, %select_n3A_193, %lt3A_199 : i32
          %ne3A_201 = arith.xori %lt3A_198, %lt3A_200 : i1
          %and3A_202 = arith.andi %ne3A_201, %ne3A_196 : i1
          %add3A_203 = arith.addi %rem3A_194, %select_n3A_193 : i32
          %select_n3A_204 = arith.select %and3A_202, %add3A_203, %rem3A_194 : i32
          %jit3A_205 = arith.constant 16 : i32
          %div3A_206 = arith.divsi %add3A, %jit3A_205 : i32
          %sign3A_207 = arith.constant 0 : i32
          %sign3A_208 = arith.cmpi sgt, %add3A, %sign3A_207 : i32
          %sign3A_209 = arith.extui %sign3A_208 : i1 to i32
          %sign3A_210 = arith.constant 0 : i32
          %sign3A_211 = arith.cmpi slt, %add3A, %sign3A_210 : i32
          %sign3A_212 = arith.extui %sign3A_211 : i1 to i32
          %sign3A_213 = arith.subi %sign3A_209, %sign3A_212 : i32
          %sign3A_214 = arith.constant 0 : i32
          %sign3A_215 = arith.cmpi sgt, %jit3A_205, %sign3A_214 : i32
          %sign3A_216 = arith.extui %sign3A_215 : i1 to i32
          %sign3A_217 = arith.constant 0 : i32
          %sign3A_218 = arith.cmpi slt, %jit3A_205, %sign3A_217 : i32
          %sign3A_219 = arith.extui %sign3A_218 : i1 to i32
          %sign3A_220 = arith.subi %sign3A_216, %sign3A_219 : i32
          %ne3A_221 = arith.cmpi ne, %sign3A_213, %sign3A_220 : i32
          %rem3A_222 = arith.remsi %add3A, %jit3A_205 : i32
          %ne3A_223 = arith.constant 0 : i32
          %ne3A_224 = arith.cmpi ne, %rem3A_222, %ne3A_223 : i32
          %and3A_225 = arith.andi %ne3A_221, %ne3A_224 : i1
          %sub3A_226 = arith.constant 1 : i32
          %sub3A_227 = arith.subi %div3A_206, %sub3A_226 : i32
          %select_n3A_228 = arith.select %and3A_225, %sub3A_227, %div3A_206 : i32
          %jit3A_229 = arith.constant 2 : i32
          %eq3A_230 = arith.constant 0 : i32
          %eq3A_231 = arith.cmpi eq, %jit3A_229, %eq3A_230 : i32
          %jit3A_232 = arith.constant 1 : i32
          %select_n3A_233 = arith.select %eq3A_231, %jit3A_232, %jit3A_229 : i32
          %rem3A_234 = arith.remsi %select_n3A_228, %select_n3A_233 : i32
          %ne3A_235 = arith.constant 0 : i32
          %ne3A_236 = arith.cmpi ne, %rem3A_234, %ne3A_235 : i32
          %lt3A_237 = arith.constant 0 : i32
          %lt3A_238 = arith.cmpi slt, %rem3A_234, %lt3A_237 : i32
          %lt3A_239 = arith.constant 0 : i32
          %lt3A_240 = arith.cmpi slt, %select_n3A_233, %lt3A_239 : i32
          %ne3A_241 = arith.xori %lt3A_238, %lt3A_240 : i1
          %and3A_242 = arith.andi %ne3A_241, %ne3A_236 : i1
          %add3A_243 = arith.addi %rem3A_234, %select_n3A_233 : i32
          %select_n3A_244 = arith.select %and3A_242, %add3A_243, %rem3A_234 : i32
          %jit3A_245 = arith.constant 16 : i32
          %eq3A_246 = arith.constant 0 : i32
          %eq3A_247 = arith.cmpi eq, %jit3A_245, %eq3A_246 : i32
          %jit3A_248 = arith.constant 1 : i32
          %select_n3A_249 = arith.select %eq3A_247, %jit3A_248, %jit3A_245 : i32
          %rem3A_250 = arith.remsi %add3A, %select_n3A_249 : i32
          %ne3A_251 = arith.constant 0 : i32
          %ne3A_252 = arith.cmpi ne, %rem3A_250, %ne3A_251 : i32
          %lt3A_253 = arith.constant 0 : i32
          %lt3A_254 = arith.cmpi slt, %rem3A_250, %lt3A_253 : i32
          %lt3A_255 = arith.constant 0 : i32
          %lt3A_256 = arith.cmpi slt, %select_n3A_249, %lt3A_255 : i32
          %ne3A_257 = arith.xori %lt3A_254, %lt3A_256 : i1
          %and3A_258 = arith.andi %ne3A_257, %ne3A_252 : i1
          %add3A_259 = arith.addi %rem3A_250, %select_n3A_249 : i32
          %select_n3A_260 = arith.select %and3A_258, %add3A_259, %rem3A_250 : i32
          %dma_start3A_261 = arith.constant 0 : i32
          %dma_start3A_262 = arith.constant 0 : i32
          %dma_start3A_263 = tpu.memref_slice %arg10[%select_n3A_204, %dma_start3A_261, %dma_start3A_262] : memref<3x100x128xf32, #tpu.memory_space<vmem>> -> memref<1x100x128xf32, #tpu.memory_space<vmem>>
          %dma_start3A_264 = tpu.memref_squeeze %dma_start3A_263 : memref<1x100x128xf32, #tpu.memory_space<vmem>> -> memref<100x128xf32, #tpu.memory_space<vmem>>
          %dma_start3A_265 = arith.constant 0 : i32
          %dma_start3A_266 = tpu.memref_slice %arg9[%select_n3A_244, %select_n3A_260, %dma_start3A_265] : memref<2x16x100xi32, #tpu.memory_space<vmem>> -> memref<1x1x100xi32, #tpu.memory_space<vmem>>
          %dma_start3A_267 = tpu.memref_squeeze %dma_start3A_266 : memref<1x1x100xi32, #tpu.memory_space<vmem>> -> memref<100xi32, #tpu.memory_space<vmem>>
          %dma_start3A_268 = arith.constant 0 : i32
          %dma_start3A_269 = arith.constant 0 : i32
          %dma_start3A_270 = tpu.memref_slice %arg11[%dma_start3A_268, %dma_start3A_269] : memref<10000x128xf32, #tpu.memory_space<vmem_shared>> -> memref<10000x128xf32, #tpu.memory_space<vmem_shared>>
          tpu.enqueue_indirect_dma source(%dma_start3A_264 : memref<100x128xf32, #tpu.memory_space<vmem>>) target(%dma_start3A_270 : memref<10000x128xf32, #tpu.memory_space<vmem_shared>>) offsets(%dma_start3A_267 : memref<100xi32, #tpu.memory_space<vmem>>) semaphore(%arg14 : memref<!tpu.dma_semaphore, #tpu.memory_space<semaphore_mem>>) {add = true}
          %gt3A = arith.constant 0 : i32
          %gt3A_271 = arith.cmpi sgt, %add3A, %gt3A : i32
          %convert_element_type3A_272 = arith.extui %gt3A_271 : i1 to i32
          %cond3A_273 = arith.constant 0 : i32
          %cond3A_274 = arith.cmpi ne, %convert_element_type3A_272, %cond3A_273 : i32
          scf.if %cond3A_274 {
            %sub3A_692 = arith.constant 1 : i32
            %sub3A_693 = arith.subi %add3A, %sub3A_692 : i32
            %jit3A_694 = arith.constant 3 : i32
            %eq3A_695 = arith.constant 0 : i32
            %eq3A_696 = arith.cmpi eq, %jit3A_694, %eq3A_695 : i32
            %jit3A_697 = arith.constant 1 : i32
            %select_n3A_698 = arith.select %eq3A_696, %jit3A_697, %jit3A_694 : i32
            %rem3A_699 = arith.remsi %sub3A_693, %select_n3A_698 : i32
            %ne3A_700 = arith.constant 0 : i32
            %ne3A_701 = arith.cmpi ne, %rem3A_699, %ne3A_700 : i32
            %lt3A_702 = arith.constant 0 : i32
            %lt3A_703 = arith.cmpi slt, %rem3A_699, %lt3A_702 : i32
            %lt3A_704 = arith.constant 0 : i32
            %lt3A_705 = arith.cmpi slt, %select_n3A_698, %lt3A_704 : i32
            %ne3A_706 = arith.xori %lt3A_703, %lt3A_705 : i1
            %and3A_707 = arith.andi %ne3A_706, %ne3A_701 : i1
            %add3A_708 = arith.addi %rem3A_699, %select_n3A_698 : i32
            %select_n3A_709 = arith.select %and3A_707, %add3A_708, %rem3A_699 : i32
            %jit3A_710 = arith.constant 16 : i32
            %div3A_711 = arith.divsi %sub3A_693, %jit3A_710 : i32
            %sign3A_712 = arith.constant 0 : i32
            %sign3A_713 = arith.cmpi sgt, %sub3A_693, %sign3A_712 : i32
            %sign3A_714 = arith.extui %sign3A_713 : i1 to i32
            %sign3A_715 = arith.constant 0 : i32
            %sign3A_716 = arith.cmpi slt, %sub3A_693, %sign3A_715 : i32
            %sign3A_717 = arith.extui %sign3A_716 : i1 to i32
            %sign3A_718 = arith.subi %sign3A_714, %sign3A_717 : i32
            %sign3A_719 = arith.constant 0 : i32
            %sign3A_720 = arith.cmpi sgt, %jit3A_710, %sign3A_719 : i32
            %sign3A_721 = arith.extui %sign3A_720 : i1 to i32
            %sign3A_722 = arith.constant 0 : i32
            %sign3A_723 = arith.cmpi slt, %jit3A_710, %sign3A_722 : i32
            %sign3A_724 = arith.extui %sign3A_723 : i1 to i32
            %sign3A_725 = arith.subi %sign3A_721, %sign3A_724 : i32
            %ne3A_726 = arith.cmpi ne, %sign3A_718, %sign3A_725 : i32
            %rem3A_727 = arith.remsi %sub3A_693, %jit3A_710 : i32
            %ne3A_728 = arith.constant 0 : i32
            %ne3A_729 = arith.cmpi ne, %rem3A_727, %ne3A_728 : i32
            %and3A_730 = arith.andi %ne3A_726, %ne3A_729 : i1
            %sub3A_731 = arith.constant 1 : i32
            %sub3A_732 = arith.subi %div3A_711, %sub3A_731 : i32
            %select_n3A_733 = arith.select %and3A_730, %sub3A_732, %div3A_711 : i32
            %jit3A_734 = arith.constant 2 : i32
            %eq3A_735 = arith.constant 0 : i32
            %eq3A_736 = arith.cmpi eq, %jit3A_734, %eq3A_735 : i32
            %jit3A_737 = arith.constant 1 : i32
            %select_n3A_738 = arith.select %eq3A_736, %jit3A_737, %jit3A_734 : i32
            %rem3A_739 = arith.remsi %select_n3A_733, %select_n3A_738 : i32
            %ne3A_740 = arith.constant 0 : i32
            %ne3A_741 = arith.cmpi ne, %rem3A_739, %ne3A_740 : i32
            %lt3A_742 = arith.constant 0 : i32
            %lt3A_743 = arith.cmpi slt, %rem3A_739, %lt3A_742 : i32
            %lt3A_744 = arith.constant 0 : i32
            %lt3A_745 = arith.cmpi slt, %select_n3A_738, %lt3A_744 : i32
            %ne3A_746 = arith.xori %lt3A_743, %lt3A_745 : i1
            %and3A_747 = arith.andi %ne3A_746, %ne3A_741 : i1
            %add3A_748 = arith.addi %rem3A_739, %select_n3A_738 : i32
            %select_n3A_749 = arith.select %and3A_747, %add3A_748, %rem3A_739 : i32
            %jit3A_750 = arith.constant 16 : i32
            %eq3A_751 = arith.constant 0 : i32
            %eq3A_752 = arith.cmpi eq, %jit3A_750, %eq3A_751 : i32
            %jit3A_753 = arith.constant 1 : i32
            %select_n3A_754 = arith.select %eq3A_752, %jit3A_753, %jit3A_750 : i32
            %rem3A_755 = arith.remsi %sub3A_693, %select_n3A_754 : i32
            %ne3A_756 = arith.constant 0 : i32
            %ne3A_757 = arith.cmpi ne, %rem3A_755, %ne3A_756 : i32
            %lt3A_758 = arith.constant 0 : i32
            %lt3A_759 = arith.cmpi slt, %rem3A_755, %lt3A_758 : i32
            %lt3A_760 = arith.constant 0 : i32
            %lt3A_761 = arith.cmpi slt, %select_n3A_754, %lt3A_760 : i32
            %ne3A_762 = arith.xori %lt3A_759, %lt3A_761 : i1
            %and3A_763 = arith.andi %ne3A_762, %ne3A_757 : i1
            %add3A_764 = arith.addi %rem3A_755, %select_n3A_754 : i32
            %select_n3A_765 = arith.select %and3A_763, %add3A_764, %rem3A_755 : i32
            %dma_wait3A_766 = arith.constant 0 : i32
            %dma_wait3A_767 = arith.constant 0 : i32
            %dma_wait3A_768 = tpu.memref_slice %arg10[%select_n3A_709, %dma_wait3A_766, %dma_wait3A_767] : memref<3x100x128xf32, #tpu.memory_space<vmem>> -> memref<1x100x128xf32, #tpu.memory_space<vmem>>
            %dma_wait3A_769 = tpu.memref_squeeze %dma_wait3A_768 : memref<1x100x128xf32, #tpu.memory_space<vmem>> -> memref<100x128xf32, #tpu.memory_space<vmem>>
            %dma_wait3A_770 = arith.constant 0 : i32
            %dma_wait3A_771 = tpu.memref_slice %arg9[%select_n3A_749, %select_n3A_765, %dma_wait3A_770] : memref<2x16x100xi32, #tpu.memory_space<vmem>> -> memref<1x1x100xi32, #tpu.memory_space<vmem>>
            %dma_wait3A_772 = tpu.memref_squeeze %dma_wait3A_771 : memref<1x1x100xi32, #tpu.memory_space<vmem>> -> memref<100xi32, #tpu.memory_space<vmem>>
            %dma_wait3A_773 = arith.constant 0 : i32
            %dma_wait3A_774 = arith.constant 0 : i32
            %dma_wait3A_775 = tpu.memref_slice %arg11[%dma_wait3A_773, %dma_wait3A_774] : memref<10000x128xf32, #tpu.memory_space<vmem_shared>> -> memref<10000x128xf32, #tpu.memory_space<vmem_shared>>
            tpu.wait_indirect_dma semaphore(%arg15 : memref<!tpu.dma_semaphore, #tpu.memory_space<semaphore_mem>>) src(%dma_wait3A_769 : memref<100x128xf32, #tpu.memory_space<vmem>>) dst(%dma_wait3A_775 : memref<10000x128xf32, #tpu.memory_space<vmem_shared>>)
          } else {
          }
          %convert_element_type3A_275 = arith.extui %eq3A_110 : i1 to i32
          %cond3A_276 = arith.constant 0 : i32
          %cond3A_277 = arith.cmpi ne, %convert_element_type3A_275, %cond3A_276 : i32
          scf.if %cond3A_277 {
            %jit3A_692 = arith.constant 16 : i32
            %div3A_693 = arith.divsi %add3A, %jit3A_692 : i32
            %sign3A_694 = arith.constant 0 : i32
            %sign3A_695 = arith.cmpi sgt, %add3A, %sign3A_694 : i32
            %sign3A_696 = arith.extui %sign3A_695 : i1 to i32
            %sign3A_697 = arith.constant 0 : i32
            %sign3A_698 = arith.cmpi slt, %add3A, %sign3A_697 : i32
            %sign3A_699 = arith.extui %sign3A_698 : i1 to i32
            %sign3A_700 = arith.subi %sign3A_696, %sign3A_699 : i32
            %sign3A_701 = arith.constant 0 : i32
            %sign3A_702 = arith.cmpi sgt, %jit3A_692, %sign3A_701 : i32
            %sign3A_703 = arith.extui %sign3A_702 : i1 to i32
            %sign3A_704 = arith.constant 0 : i32
            %sign3A_705 = arith.cmpi slt, %jit3A_692, %sign3A_704 : i32
            %sign3A_706 = arith.extui %sign3A_705 : i1 to i32
            %sign3A_707 = arith.subi %sign3A_703, %sign3A_706 : i32
            %ne3A_708 = arith.cmpi ne, %sign3A_700, %sign3A_707 : i32
            %rem3A_709 = arith.remsi %add3A, %jit3A_692 : i32
            %ne3A_710 = arith.constant 0 : i32
            %ne3A_711 = arith.cmpi ne, %rem3A_709, %ne3A_710 : i32
            %and3A_712 = arith.andi %ne3A_708, %ne3A_711 : i1
            %sub3A_713 = arith.constant 1 : i32
            %sub3A_714 = arith.subi %div3A_693, %sub3A_713 : i32
            %select_n3A_715 = arith.select %and3A_712, %sub3A_714, %div3A_693 : i32
            %add3A_716 = arith.constant 1 : i32
            %add3A_717 = arith.addi %select_n3A_715, %add3A_716 : i32
            %mul3A_718 = arith.constant 16 : i32
            %mul3A_719 = arith.muli %add3A_717, %mul3A_718 : i32
            %add3A_720 = arith.addi %mul3A_33, %mul3A_719 : i32
            %jit3A_721 = arith.constant 2 : i32
            %eq3A_722 = arith.constant 0 : i32
            %eq3A_723 = arith.cmpi eq, %jit3A_721, %eq3A_722 : i32
            %jit3A_724 = arith.constant 1 : i32
            %select_n3A_725 = arith.select %eq3A_723, %jit3A_724, %jit3A_721 : i32
            %rem3A_726 = arith.remsi %add3A_717, %select_n3A_725 : i32
            %ne3A_727 = arith.constant 0 : i32
            %ne3A_728 = arith.cmpi ne, %rem3A_726, %ne3A_727 : i32
            %lt3A_729 = arith.constant 0 : i32
            %lt3A_730 = arith.cmpi slt, %rem3A_726, %lt3A_729 : i32
            %lt3A_731 = arith.constant 0 : i32
            %lt3A_732 = arith.cmpi slt, %select_n3A_725, %lt3A_731 : i32
            %ne3A_733 = arith.xori %lt3A_730, %lt3A_732 : i1
            %and3A_734 = arith.andi %ne3A_733, %ne3A_728 : i1
            %add3A_735 = arith.addi %rem3A_726, %select_n3A_725 : i32
            %select_n3A_736 = arith.select %and3A_734, %add3A_735, %rem3A_726 : i32
            "tpu.region"() ({
              %run_scoped3A_753 = tpu.sem_alloc : memref<!tpu.dma_semaphore, #tpu.memory_space<semaphore_mem>>
              %dma_start3A_754 = arith.constant 0 : i32
              %dma_start3A_755 = arith.constant 0 : i32
              %dma_start3A_756 = tpu.memref_slice %arg8[%select_n3A_736, %dma_start3A_754, %dma_start3A_755] : memref<2x16x100xi32, #tpu.memory_space<vmem>> -> memref<1x16x100xi32, #tpu.memory_space<vmem>>
              %dma_start3A_757 = tpu.memref_squeeze %dma_start3A_756 : memref<1x16x100xi32, #tpu.memory_space<vmem>> -> memref<16x100xi32, #tpu.memory_space<vmem>>
              %dma_start3A_758 = arith.constant 0 : i32
              %dma_start3A_759 = tpu.memref_slice %arg2[%add3A_720, %dma_start3A_758] : memref<6400x100xi32, #tpu.memory_space<hbm>> -> memref<16x100xi32, #tpu.memory_space<hbm>>
              %dma_start3A_760 = arith.constant 0 : i32
              %dma_start3A_761 = arith.constant 0 : i32
              %dma_start3A_762 = tpu.memref_slice %arg8[%select_n3A_736, %dma_start3A_760, %dma_start3A_761] : memref<2x16x100xi32, #tpu.memory_space<vmem>> -> memref<1x16x100xi32, #tpu.memory_space<vmem>>
              %dma_start3A_763 = tpu.memref_squeeze %dma_start3A_762 : memref<1x16x100xi32, #tpu.memory_space<vmem>> -> memref<16x100xi32, #tpu.memory_space<vmem>>
              %dma_start3A_764 = arith.constant 0 : i32
              %dma_start3A_765 = tpu.memref_slice %arg2[%add3A_720, %dma_start3A_764] : memref<6400x100xi32, #tpu.memory_space<hbm>> -> memref<16x100xi32, #tpu.memory_space<hbm>>
              tpu.enqueue_dma source(%dma_start3A_765 : memref<16x100xi32, #tpu.memory_space<hbm>>) target(%dma_start3A_763 : memref<16x100xi32, #tpu.memory_space<vmem>>) target_semaphore(%run_scoped3A_753 : memref<!tpu.dma_semaphore, #tpu.memory_space<semaphore_mem>>)
              %dma_wait3A_766 = arith.constant 0 : i32
              %dma_wait3A_767 = arith.constant 0 : i32
              %dma_wait3A_768 = tpu.memref_slice %arg8[%select_n3A_736, %dma_wait3A_766, %dma_wait3A_767] : memref<2x16x100xi32, #tpu.memory_space<vmem>> -> memref<1x16x100xi32, #tpu.memory_space<vmem>>
              %dma_wait3A_769 = tpu.memref_squeeze %dma_wait3A_768 : memref<1x16x100xi32, #tpu.memory_space<vmem>> -> memref<16x100xi32, #tpu.memory_space<vmem>>
              %dma_wait3A_770 = arith.constant 0 : i32
              %dma_wait3A_771 = tpu.memref_slice %arg2[%add3A_720, %dma_wait3A_770] : memref<6400x100xi32, #tpu.memory_space<hbm>> -> memref<16x100xi32, #tpu.memory_space<hbm>>
              %dma_wait3A_772 = arith.constant 0 : i32
              %dma_wait3A_773 = arith.constant 0 : i32
              %dma_wait3A_774 = tpu.memref_slice %arg8[%select_n3A_736, %dma_wait3A_772, %dma_wait3A_773] : memref<2x16x100xi32, #tpu.memory_space<vmem>> -> memref<1x16x100xi32, #tpu.memory_space<vmem>>
              %dma_wait3A_775 = tpu.memref_squeeze %dma_wait3A_774 : memref<1x16x100xi32, #tpu.memory_space<vmem>> -> memref<16x100xi32, #tpu.memory_space<vmem>>
              %dma_wait3A_776 = arith.constant 0 : i32
              %dma_wait3A_777 = tpu.memref_slice %arg2[%add3A_720, %dma_wait3A_776] : memref<6400x100xi32, #tpu.memory_space<hbm>> -> memref<16x100xi32, #tpu.memory_space<hbm>>
              tpu.wait_dma2 semaphore(%run_scoped3A_753 : memref<!tpu.dma_semaphore, #tpu.memory_space<semaphore_mem>>) src(%dma_wait3A_777 : memref<16x100xi32, #tpu.memory_space<hbm>>) dst(%dma_wait3A_775 : memref<16x100xi32, #tpu.memory_space<vmem>>)
              tpu.yield
            }) : () -> ()
            %jit3A_737 = arith.constant 2 : i32
            %eq3A_738 = arith.constant 0 : i32
            %eq3A_739 = arith.cmpi eq, %jit3A_737, %eq3A_738 : i32
            %jit3A_740 = arith.constant 1 : i32
            %select_n3A_741 = arith.select %eq3A_739, %jit3A_740, %jit3A_737 : i32
            %rem3A_742 = arith.remsi %add3A_717, %select_n3A_741 : i32
            %ne3A_743 = arith.constant 0 : i32
            %ne3A_744 = arith.cmpi ne, %rem3A_742, %ne3A_743 : i32
            %lt3A_745 = arith.constant 0 : i32
            %lt3A_746 = arith.cmpi slt, %rem3A_742, %lt3A_745 : i32
            %lt3A_747 = arith.constant 0 : i32
            %lt3A_748 = arith.cmpi slt, %select_n3A_741, %lt3A_747 : i32
            %ne3A_749 = arith.xori %lt3A_746, %lt3A_748 : i1
            %and3A_750 = arith.andi %ne3A_749, %ne3A_744 : i1
            %add3A_751 = arith.addi %rem3A_742, %select_n3A_741 : i32
            %select_n3A_752 = arith.select %and3A_750, %add3A_751, %rem3A_742 : i32
            "tpu.region"() ({
              %run_scoped3A_753 = tpu.sem_alloc : memref<!tpu.dma_semaphore, #tpu.memory_space<semaphore_mem>>
              %dma_start3A_754 = arith.constant 0 : i32
              %dma_start3A_755 = arith.constant 0 : i32
              %dma_start3A_756 = tpu.memref_slice %arg9[%select_n3A_752, %dma_start3A_754, %dma_start3A_755] : memref<2x16x100xi32, #tpu.memory_space<vmem>> -> memref<1x16x100xi32, #tpu.memory_space<vmem>>
              %dma_start3A_757 = tpu.memref_squeeze %dma_start3A_756 : memref<1x16x100xi32, #tpu.memory_space<vmem>> -> memref<16x100xi32, #tpu.memory_space<vmem>>
              %dma_start3A_758 = arith.constant 0 : i32
              %dma_start3A_759 = tpu.memref_slice %arg3[%add3A_720, %dma_start3A_758] : memref<6400x100xi32, #tpu.memory_space<hbm>> -> memref<16x100xi32, #tpu.memory_space<hbm>>
              %dma_start3A_760 = arith.constant 0 : i32
              %dma_start3A_761 = arith.constant 0 : i32
              %dma_start3A_762 = tpu.memref_slice %arg9[%select_n3A_752, %dma_start3A_760, %dma_start3A_761] : memref<2x16x100xi32, #tpu.memory_space<vmem>> -> memref<1x16x100xi32, #tpu.memory_space<vmem>>
              %dma_start3A_763 = tpu.memref_squeeze %dma_start3A_762 : memref<1x16x100xi32, #tpu.memory_space<vmem>> -> memref<16x100xi32, #tpu.memory_space<vmem>>
              %dma_start3A_764 = arith.constant 0 : i32
              %dma_start3A_765 = tpu.memref_slice %arg3[%add3A_720, %dma_start3A_764] : memref<6400x100xi32, #tpu.memory_space<hbm>> -> memref<16x100xi32, #tpu.memory_space<hbm>>
              tpu.enqueue_dma source(%dma_start3A_765 : memref<16x100xi32, #tpu.memory_space<hbm>>) target(%dma_start3A_763 : memref<16x100xi32, #tpu.memory_space<vmem>>) target_semaphore(%run_scoped3A_753 : memref<!tpu.dma_semaphore, #tpu.memory_space<semaphore_mem>>)
              %dma_wait3A_766 = arith.constant 0 : i32
              %dma_wait3A_767 = arith.constant 0 : i32
              %dma_wait3A_768 = tpu.memref_slice %arg9[%select_n3A_752, %dma_wait3A_766, %dma_wait3A_767] : memref<2x16x100xi32, #tpu.memory_space<vmem>> -> memref<1x16x100xi32, #tpu.memory_space<vmem>>
              %dma_wait3A_769 = tpu.memref_squeeze %dma_wait3A_768 : memref<1x16x100xi32, #tpu.memory_space<vmem>> -> memref<16x100xi32, #tpu.memory_space<vmem>>
              %dma_wait3A_770 = arith.constant 0 : i32
              %dma_wait3A_771 = tpu.memref_slice %arg3[%add3A_720, %dma_wait3A_770] : memref<6400x100xi32, #tpu.memory_space<hbm>> -> memref<16x100xi32, #tpu.memory_space<hbm>>
              %dma_wait3A_772 = arith.constant 0 : i32
              %dma_wait3A_773 = arith.constant 0 : i32
              %dma_wait3A_774 = tpu.memref_slice %arg9[%select_n3A_752, %dma_wait3A_772, %dma_wait3A_773] : memref<2x16x100xi32, #tpu.memory_space<vmem>> -> memref<1x16x100xi32, #tpu.memory_space<vmem>>
              %dma_wait3A_775 = tpu.memref_squeeze %dma_wait3A_774 : memref<1x16x100xi32, #tpu.memory_space<vmem>> -> memref<16x100xi32, #tpu.memory_space<vmem>>
              %dma_wait3A_776 = arith.constant 0 : i32
              %dma_wait3A_777 = tpu.memref_slice %arg3[%add3A_720, %dma_wait3A_776] : memref<6400x100xi32, #tpu.memory_space<hbm>> -> memref<16x100xi32, #tpu.memory_space<hbm>>
              tpu.wait_dma2 semaphore(%run_scoped3A_753 : memref<!tpu.dma_semaphore, #tpu.memory_space<semaphore_mem>>) src(%dma_wait3A_777 : memref<16x100xi32, #tpu.memory_space<hbm>>) dst(%dma_wait3A_775 : memref<16x100xi32, #tpu.memory_space<vmem>>)
              tpu.yield
            }) : () -> ()
          } else {
          }
          %add3A_278 = arith.constant 2 : i32
          %add3A_279 = arith.addi %add3A, %add3A_278 : i32
          %jit3A_280 = arith.constant 16 : i32
          %div3A_281 = arith.divsi %add3A_279, %jit3A_280 : i32
          %sign3A_282 = arith.constant 0 : i32
          %sign3A_283 = arith.cmpi sgt, %add3A_279, %sign3A_282 : i32
          %sign3A_284 = arith.extui %sign3A_283 : i1 to i32
          %sign3A_285 = arith.constant 0 : i32
          %sign3A_286 = arith.cmpi slt, %add3A_279, %sign3A_285 : i32
          %sign3A_287 = arith.extui %sign3A_286 : i1 to i32
          %sign3A_288 = arith.subi %sign3A_284, %sign3A_287 : i32
          %sign3A_289 = arith.constant 0 : i32
          %sign3A_290 = arith.cmpi sgt, %jit3A_280, %sign3A_289 : i32
          %sign3A_291 = arith.extui %sign3A_290 : i1 to i32
          %sign3A_292 = arith.constant 0 : i32
          %sign3A_293 = arith.cmpi slt, %jit3A_280, %sign3A_292 : i32
          %sign3A_294 = arith.extui %sign3A_293 : i1 to i32
          %sign3A_295 = arith.subi %sign3A_291, %sign3A_294 : i32
          %ne3A_296 = arith.cmpi ne, %sign3A_288, %sign3A_295 : i32
          %rem3A_297 = arith.remsi %add3A_279, %jit3A_280 : i32
          %ne3A_298 = arith.constant 0 : i32
          %ne3A_299 = arith.cmpi ne, %rem3A_297, %ne3A_298 : i32
          %and3A_300 = arith.andi %ne3A_296, %ne3A_299 : i1
          %sub3A_301 = arith.constant 1 : i32
          %sub3A_302 = arith.subi %div3A_281, %sub3A_301 : i32
          %select_n3A_303 = arith.select %and3A_300, %sub3A_302, %div3A_281 : i32
          %jit3A_304 = arith.constant 2 : i32
          %eq3A_305 = arith.constant 0 : i32
          %eq3A_306 = arith.cmpi eq, %jit3A_304, %eq3A_305 : i32
          %jit3A_307 = arith.constant 1 : i32
          %select_n3A_308 = arith.select %eq3A_306, %jit3A_307, %jit3A_304 : i32
          %rem3A_309 = arith.remsi %select_n3A_303, %select_n3A_308 : i32
          %ne3A_310 = arith.constant 0 : i32
          %ne3A_311 = arith.cmpi ne, %rem3A_309, %ne3A_310 : i32
          %lt3A_312 = arith.constant 0 : i32
          %lt3A_313 = arith.cmpi slt, %rem3A_309, %lt3A_312 : i32
          %lt3A_314 = arith.constant 0 : i32
          %lt3A_315 = arith.cmpi slt, %select_n3A_308, %lt3A_314 : i32
          %ne3A_316 = arith.xori %lt3A_313, %lt3A_315 : i1
          %and3A_317 = arith.andi %ne3A_316, %ne3A_311 : i1
          %add3A_318 = arith.addi %rem3A_309, %select_n3A_308 : i32
          %select_n3A_319 = arith.select %and3A_317, %add3A_318, %rem3A_309 : i32
          %jit3A_320 = arith.constant 16 : i32
          %eq3A_321 = arith.constant 0 : i32
          %eq3A_322 = arith.cmpi eq, %jit3A_320, %eq3A_321 : i32
          %jit3A_323 = arith.constant 1 : i32
          %select_n3A_324 = arith.select %eq3A_322, %jit3A_323, %jit3A_320 : i32
          %rem3A_325 = arith.remsi %add3A_279, %select_n3A_324 : i32
          %ne3A_326 = arith.constant 0 : i32
          %ne3A_327 = arith.cmpi ne, %rem3A_325, %ne3A_326 : i32
          %lt3A_328 = arith.constant 0 : i32
          %lt3A_329 = arith.cmpi slt, %rem3A_325, %lt3A_328 : i32
          %lt3A_330 = arith.constant 0 : i32
          %lt3A_331 = arith.cmpi slt, %select_n3A_324, %lt3A_330 : i32
          %ne3A_332 = arith.xori %lt3A_329, %lt3A_331 : i1
          %and3A_333 = arith.andi %ne3A_332, %ne3A_327 : i1
          %add3A_334 = arith.addi %rem3A_325, %select_n3A_324 : i32
          %select_n3A_335 = arith.select %and3A_333, %add3A_334, %rem3A_325 : i32
          %jit3A_336 = arith.constant 3 : i32
          %eq3A_337 = arith.constant 0 : i32
          %eq3A_338 = arith.cmpi eq, %jit3A_336, %eq3A_337 : i32
          %jit3A_339 = arith.constant 1 : i32
          %select_n3A_340 = arith.select %eq3A_338, %jit3A_339, %jit3A_336 : i32
          %rem3A_341 = arith.remsi %add3A_279, %select_n3A_340 : i32
          %ne3A_342 = arith.constant 0 : i32
          %ne3A_343 = arith.cmpi ne, %rem3A_341, %ne3A_342 : i32
          %lt3A_344 = arith.constant 0 : i32
          %lt3A_345 = arith.cmpi slt, %rem3A_341, %lt3A_344 : i32
          %lt3A_346 = arith.constant 0 : i32
          %lt3A_347 = arith.cmpi slt, %select_n3A_340, %lt3A_346 : i32
          %ne3A_348 = arith.xori %lt3A_345, %lt3A_347 : i1
          %and3A_349 = arith.andi %ne3A_348, %ne3A_343 : i1
          %add3A_350 = arith.addi %rem3A_341, %select_n3A_340 : i32
          %select_n3A_351 = arith.select %and3A_349, %add3A_350, %rem3A_341 : i32
          %dma_start3A_352 = arith.constant 0 : i32
          %dma_start3A_353 = arith.constant 0 : i32
          %dma_start3A_354 = tpu.memref_slice %arg10[%select_n3A_351, %dma_start3A_352, %dma_start3A_353] : memref<3x100x128xf32, #tpu.memory_space<vmem>> -> memref<1x100x128xf32, #tpu.memory_space<vmem>>
          %dma_start3A_355 = tpu.memref_squeeze %dma_start3A_354 : memref<1x100x128xf32, #tpu.memory_space<vmem>> -> memref<100x128xf32, #tpu.memory_space<vmem>>
          %dma_start3A_356 = arith.constant 0 : i32
          %dma_start3A_357 = tpu.memref_slice %arg8[%select_n3A_319, %select_n3A_335, %dma_start3A_356] : memref<2x16x100xi32, #tpu.memory_space<vmem>> -> memref<1x1x100xi32, #tpu.memory_space<vmem>>
          %dma_start3A_358 = tpu.memref_squeeze %dma_start3A_357 : memref<1x1x100xi32, #tpu.memory_space<vmem>> -> memref<100xi32, #tpu.memory_space<vmem>>
          %dma_start3A_359 = arith.constant 0 : i32
          %dma_start3A_360 = arith.constant 0 : i32
          %dma_start3A_361 = tpu.memref_slice %arg5[%dma_start3A_359, %dma_start3A_360] : memref<10000x128xf32, #tpu.memory_space<hbm>> -> memref<10000x128xf32, #tpu.memory_space<hbm>>
          tpu.enqueue_indirect_dma source(%dma_start3A_361 : memref<10000x128xf32, #tpu.memory_space<hbm>>) target(%dma_start3A_355 : memref<100x128xf32, #tpu.memory_space<vmem>>) offsets(%dma_start3A_358 : memref<100xi32, #tpu.memory_space<vmem>>) semaphore(%arg12 : memref<!tpu.dma_semaphore, #tpu.memory_space<semaphore_mem>>)
          %jit3A_362 = arith.constant 16 : i32
          %div3A_363 = arith.divsi %add3A_112, %jit3A_362 : i32
          %sign3A_364 = arith.constant 0 : i32
          %sign3A_365 = arith.cmpi sgt, %add3A_112, %sign3A_364 : i32
          %sign3A_366 = arith.extui %sign3A_365 : i1 to i32
          %sign3A_367 = arith.constant 0 : i32
          %sign3A_368 = arith.cmpi slt, %add3A_112, %sign3A_367 : i32
          %sign3A_369 = arith.extui %sign3A_368 : i1 to i32
          %sign3A_370 = arith.subi %sign3A_366, %sign3A_369 : i32
          %sign3A_371 = arith.constant 0 : i32
          %sign3A_372 = arith.cmpi sgt, %jit3A_362, %sign3A_371 : i32
          %sign3A_373 = arith.extui %sign3A_372 : i1 to i32
          %sign3A_374 = arith.constant 0 : i32
          %sign3A_375 = arith.cmpi slt, %jit3A_362, %sign3A_374 : i32
          %sign3A_376 = arith.extui %sign3A_375 : i1 to i32
          %sign3A_377 = arith.subi %sign3A_373, %sign3A_376 : i32
          %ne3A_378 = arith.cmpi ne, %sign3A_370, %sign3A_377 : i32
          %rem3A_379 = arith.remsi %add3A_112, %jit3A_362 : i32
          %ne3A_380 = arith.constant 0 : i32
          %ne3A_381 = arith.cmpi ne, %rem3A_379, %ne3A_380 : i32
          %and3A_382 = arith.andi %ne3A_378, %ne3A_381 : i1
          %sub3A_383 = arith.constant 1 : i32
          %sub3A_384 = arith.subi %div3A_363, %sub3A_383 : i32
          %select_n3A_385 = arith.select %and3A_382, %sub3A_384, %div3A_363 : i32
          %jit3A_386 = arith.constant 2 : i32
          %eq3A_387 = arith.constant 0 : i32
          %eq3A_388 = arith.cmpi eq, %jit3A_386, %eq3A_387 : i32
          %jit3A_389 = arith.constant 1 : i32
          %select_n3A_390 = arith.select %eq3A_388, %jit3A_389, %jit3A_386 : i32
          %rem3A_391 = arith.remsi %select_n3A_385, %select_n3A_390 : i32
          %ne3A_392 = arith.constant 0 : i32
          %ne3A_393 = arith.cmpi ne, %rem3A_391, %ne3A_392 : i32
          %lt3A_394 = arith.constant 0 : i32
          %lt3A_395 = arith.cmpi slt, %rem3A_391, %lt3A_394 : i32
          %lt3A_396 = arith.constant 0 : i32
          %lt3A_397 = arith.cmpi slt, %select_n3A_390, %lt3A_396 : i32
          %ne3A_398 = arith.xori %lt3A_395, %lt3A_397 : i1
          %and3A_399 = arith.andi %ne3A_398, %ne3A_393 : i1
          %add3A_400 = arith.addi %rem3A_391, %select_n3A_390 : i32
          %select_n3A_401 = arith.select %and3A_399, %add3A_400, %rem3A_391 : i32
          %jit3A_402 = arith.constant 16 : i32
          %eq3A_403 = arith.constant 0 : i32
          %eq3A_404 = arith.cmpi eq, %jit3A_402, %eq3A_403 : i32
          %jit3A_405 = arith.constant 1 : i32
          %select_n3A_406 = arith.select %eq3A_404, %jit3A_405, %jit3A_402 : i32
          %rem3A_407 = arith.remsi %add3A_112, %select_n3A_406 : i32
          %ne3A_408 = arith.constant 0 : i32
          %ne3A_409 = arith.cmpi ne, %rem3A_407, %ne3A_408 : i32
          %lt3A_410 = arith.constant 0 : i32
          %lt3A_411 = arith.cmpi slt, %rem3A_407, %lt3A_410 : i32
          %lt3A_412 = arith.constant 0 : i32
          %lt3A_413 = arith.cmpi slt, %select_n3A_406, %lt3A_412 : i32
          %ne3A_414 = arith.xori %lt3A_411, %lt3A_413 : i1
          %and3A_415 = arith.andi %ne3A_414, %ne3A_409 : i1
          %add3A_416 = arith.addi %rem3A_407, %select_n3A_406 : i32
          %select_n3A_417 = arith.select %and3A_415, %add3A_416, %rem3A_407 : i32
          %jit3A_418 = arith.constant 3 : i32
          %eq3A_419 = arith.constant 0 : i32
          %eq3A_420 = arith.cmpi eq, %jit3A_418, %eq3A_419 : i32
          %jit3A_421 = arith.constant 1 : i32
          %select_n3A_422 = arith.select %eq3A_420, %jit3A_421, %jit3A_418 : i32
          %rem3A_423 = arith.remsi %add3A_112, %select_n3A_422 : i32
          %ne3A_424 = arith.constant 0 : i32
          %ne3A_425 = arith.cmpi ne, %rem3A_423, %ne3A_424 : i32
          %lt3A_426 = arith.constant 0 : i32
          %lt3A_427 = arith.cmpi slt, %rem3A_423, %lt3A_426 : i32
          %lt3A_428 = arith.constant 0 : i32
          %lt3A_429 = arith.cmpi slt, %select_n3A_422, %lt3A_428 : i32
          %ne3A_430 = arith.xori %lt3A_427, %lt3A_429 : i1
          %and3A_431 = arith.andi %ne3A_430, %ne3A_425 : i1
          %add3A_432 = arith.addi %rem3A_423, %select_n3A_422 : i32
          %select_n3A_433 = arith.select %and3A_431, %add3A_432, %rem3A_423 : i32
          %dma_wait3A_434 = arith.constant 0 : i32
          %dma_wait3A_435 = arith.constant 0 : i32
          %dma_wait3A_436 = tpu.memref_slice %arg10[%select_n3A_433, %dma_wait3A_434, %dma_wait3A_435] : memref<3x100x128xf32, #tpu.memory_space<vmem>> -> memref<1x100x128xf32, #tpu.memory_space<vmem>>
          %dma_wait3A_437 = tpu.memref_squeeze %dma_wait3A_436 : memref<1x100x128xf32, #tpu.memory_space<vmem>> -> memref<100x128xf32, #tpu.memory_space<vmem>>
          %dma_wait3A_438 = arith.constant 0 : i32
          %dma_wait3A_439 = tpu.memref_slice %arg8[%select_n3A_401, %select_n3A_417, %dma_wait3A_438] : memref<2x16x100xi32, #tpu.memory_space<vmem>> -> memref<1x1x100xi32, #tpu.memory_space<vmem>>
          %dma_wait3A_440 = tpu.memref_squeeze %dma_wait3A_439 : memref<1x1x100xi32, #tpu.memory_space<vmem>> -> memref<100xi32, #tpu.memory_space<vmem>>
          %dma_wait3A_441 = arith.constant 0 : i32
          %dma_wait3A_442 = arith.constant 0 : i32
          %dma_wait3A_443 = tpu.memref_slice %arg5[%dma_wait3A_441, %dma_wait3A_442] : memref<10000x128xf32, #tpu.memory_space<hbm>> -> memref<10000x128xf32, #tpu.memory_space<hbm>>
          tpu.wait_indirect_dma semaphore(%arg13 : memref<!tpu.dma_semaphore, #tpu.memory_space<semaphore_mem>>) src(%dma_wait3A_443 : memref<10000x128xf32, #tpu.memory_space<hbm>>) dst(%dma_wait3A_437 : memref<100x128xf32, #tpu.memory_space<vmem>>)
          %jit3A_444 = arith.constant 3 : i32
          %eq3A_445 = arith.constant 0 : i32
          %eq3A_446 = arith.cmpi eq, %jit3A_444, %eq3A_445 : i32
          %jit3A_447 = arith.constant 1 : i32
          %select_n3A_448 = arith.select %eq3A_446, %jit3A_447, %jit3A_444 : i32
          %rem3A_449 = arith.remsi %add3A_112, %select_n3A_448 : i32
          %ne3A_450 = arith.constant 0 : i32
          %ne3A_451 = arith.cmpi ne, %rem3A_449, %ne3A_450 : i32
          %lt3A_452 = arith.constant 0 : i32
          %lt3A_453 = arith.cmpi slt, %rem3A_449, %lt3A_452 : i32
          %lt3A_454 = arith.constant 0 : i32
          %lt3A_455 = arith.cmpi slt, %select_n3A_448, %lt3A_454 : i32
          %ne3A_456 = arith.xori %lt3A_453, %lt3A_455 : i1
          %and3A_457 = arith.andi %ne3A_456, %ne3A_451 : i1
          %add3A_458 = arith.addi %rem3A_449, %select_n3A_448 : i32
          %select_n3A_459 = arith.select %and3A_457, %add3A_458, %rem3A_449 : i32
          %jit3A_460 = arith.constant 16 : i32
          %div3A_461 = arith.divsi %add3A_112, %jit3A_460 : i32
          %sign3A_462 = arith.constant 0 : i32
          %sign3A_463 = arith.cmpi sgt, %add3A_112, %sign3A_462 : i32
          %sign3A_464 = arith.extui %sign3A_463 : i1 to i32
          %sign3A_465 = arith.constant 0 : i32
          %sign3A_466 = arith.cmpi slt, %add3A_112, %sign3A_465 : i32
          %sign3A_467 = arith.extui %sign3A_466 : i1 to i32
          %sign3A_468 = arith.subi %sign3A_464, %sign3A_467 : i32
          %sign3A_469 = arith.constant 0 : i32
          %sign3A_470 = arith.cmpi sgt, %jit3A_460, %sign3A_469 : i32
          %sign3A_471 = arith.extui %sign3A_470 : i1 to i32
          %sign3A_472 = arith.constant 0 : i32
          %sign3A_473 = arith.cmpi slt, %jit3A_460, %sign3A_472 : i32
          %sign3A_474 = arith.extui %sign3A_473 : i1 to i32
          %sign3A_475 = arith.subi %sign3A_471, %sign3A_474 : i32
          %ne3A_476 = arith.cmpi ne, %sign3A_468, %sign3A_475 : i32
          %rem3A_477 = arith.remsi %add3A_112, %jit3A_460 : i32
          %ne3A_478 = arith.constant 0 : i32
          %ne3A_479 = arith.cmpi ne, %rem3A_477, %ne3A_478 : i32
          %and3A_480 = arith.andi %ne3A_476, %ne3A_479 : i1
          %sub3A_481 = arith.constant 1 : i32
          %sub3A_482 = arith.subi %div3A_461, %sub3A_481 : i32
          %select_n3A_483 = arith.select %and3A_480, %sub3A_482, %div3A_461 : i32
          %jit3A_484 = arith.constant 2 : i32
          %eq3A_485 = arith.constant 0 : i32
          %eq3A_486 = arith.cmpi eq, %jit3A_484, %eq3A_485 : i32
          %jit3A_487 = arith.constant 1 : i32
          %select_n3A_488 = arith.select %eq3A_486, %jit3A_487, %jit3A_484 : i32
          %rem3A_489 = arith.remsi %select_n3A_483, %select_n3A_488 : i32
          %ne3A_490 = arith.constant 0 : i32
          %ne3A_491 = arith.cmpi ne, %rem3A_489, %ne3A_490 : i32
          %lt3A_492 = arith.constant 0 : i32
          %lt3A_493 = arith.cmpi slt, %rem3A_489, %lt3A_492 : i32
          %lt3A_494 = arith.constant 0 : i32
          %lt3A_495 = arith.cmpi slt, %select_n3A_488, %lt3A_494 : i32
          %ne3A_496 = arith.xori %lt3A_493, %lt3A_495 : i1
          %and3A_497 = arith.andi %ne3A_496, %ne3A_491 : i1
          %add3A_498 = arith.addi %rem3A_489, %select_n3A_488 : i32
          %select_n3A_499 = arith.select %and3A_497, %add3A_498, %rem3A_489 : i32
          %jit3A_500 = arith.constant 16 : i32
          %eq3A_501 = arith.constant 0 : i32
          %eq3A_502 = arith.cmpi eq, %jit3A_500, %eq3A_501 : i32
          %jit3A_503 = arith.constant 1 : i32
          %select_n3A_504 = arith.select %eq3A_502, %jit3A_503, %jit3A_500 : i32
          %rem3A_505 = arith.remsi %add3A_112, %select_n3A_504 : i32
          %ne3A_506 = arith.constant 0 : i32
          %ne3A_507 = arith.cmpi ne, %rem3A_505, %ne3A_506 : i32
          %lt3A_508 = arith.constant 0 : i32
          %lt3A_509 = arith.cmpi slt, %rem3A_505, %lt3A_508 : i32
          %lt3A_510 = arith.constant 0 : i32
          %lt3A_511 = arith.cmpi slt, %select_n3A_504, %lt3A_510 : i32
          %ne3A_512 = arith.xori %lt3A_509, %lt3A_511 : i1
          %and3A_513 = arith.andi %ne3A_512, %ne3A_507 : i1
          %add3A_514 = arith.addi %rem3A_505, %select_n3A_504 : i32
          %select_n3A_515 = arith.select %and3A_513, %add3A_514, %rem3A_505 : i32
          %dma_start3A_516 = arith.constant 0 : i32
          %dma_start3A_517 = arith.constant 0 : i32
          %dma_start3A_518 = tpu.memref_slice %arg10[%select_n3A_459, %dma_start3A_516, %dma_start3A_517] : memref<3x100x128xf32, #tpu.memory_space<vmem>> -> memref<1x100x128xf32, #tpu.memory_space<vmem>>
          %dma_start3A_519 = tpu.memref_squeeze %dma_start3A_518 : memref<1x100x128xf32, #tpu.memory_space<vmem>> -> memref<100x128xf32, #tpu.memory_space<vmem>>
          %dma_start3A_520 = arith.constant 0 : i32
          %dma_start3A_521 = tpu.memref_slice %arg9[%select_n3A_499, %select_n3A_515, %dma_start3A_520] : memref<2x16x100xi32, #tpu.memory_space<vmem>> -> memref<1x1x100xi32, #tpu.memory_space<vmem>>
          %dma_start3A_522 = tpu.memref_squeeze %dma_start3A_521 : memref<1x1x100xi32, #tpu.memory_space<vmem>> -> memref<100xi32, #tpu.memory_space<vmem>>
          %dma_start3A_523 = arith.constant 0 : i32
          %dma_start3A_524 = arith.constant 0 : i32
          %dma_start3A_525 = tpu.memref_slice %arg11[%dma_start3A_523, %dma_start3A_524] : memref<10000x128xf32, #tpu.memory_space<vmem_shared>> -> memref<10000x128xf32, #tpu.memory_space<vmem_shared>>
          tpu.enqueue_indirect_dma source(%dma_start3A_519 : memref<100x128xf32, #tpu.memory_space<vmem>>) target(%dma_start3A_525 : memref<10000x128xf32, #tpu.memory_space<vmem_shared>>) offsets(%dma_start3A_522 : memref<100xi32, #tpu.memory_space<vmem>>) semaphore(%arg15 : memref<!tpu.dma_semaphore, #tpu.memory_space<semaphore_mem>>) {add = true}
          %jit3A_526 = arith.constant 3 : i32
          %eq3A_527 = arith.constant 0 : i32
          %eq3A_528 = arith.cmpi eq, %jit3A_526, %eq3A_527 : i32
          %jit3A_529 = arith.constant 1 : i32
          %select_n3A_530 = arith.select %eq3A_528, %jit3A_529, %jit3A_526 : i32
          %rem3A_531 = arith.remsi %add3A, %select_n3A_530 : i32
          %ne3A_532 = arith.constant 0 : i32
          %ne3A_533 = arith.cmpi ne, %rem3A_531, %ne3A_532 : i32
          %lt3A_534 = arith.constant 0 : i32
          %lt3A_535 = arith.cmpi slt, %rem3A_531, %lt3A_534 : i32
          %lt3A_536 = arith.constant 0 : i32
          %lt3A_537 = arith.cmpi slt, %select_n3A_530, %lt3A_536 : i32
          %ne3A_538 = arith.xori %lt3A_535, %lt3A_537 : i1
          %and3A_539 = arith.andi %ne3A_538, %ne3A_533 : i1
          %add3A_540 = arith.addi %rem3A_531, %select_n3A_530 : i32
          %select_n3A_541 = arith.select %and3A_539, %add3A_540, %rem3A_531 : i32
          %jit3A_542 = arith.constant 16 : i32
          %div3A_543 = arith.divsi %add3A, %jit3A_542 : i32
          %sign3A_544 = arith.constant 0 : i32
          %sign3A_545 = arith.cmpi sgt, %add3A, %sign3A_544 : i32
          %sign3A_546 = arith.extui %sign3A_545 : i1 to i32
          %sign3A_547 = arith.constant 0 : i32
          %sign3A_548 = arith.cmpi slt, %add3A, %sign3A_547 : i32
          %sign3A_549 = arith.extui %sign3A_548 : i1 to i32
          %sign3A_550 = arith.subi %sign3A_546, %sign3A_549 : i32
          %sign3A_551 = arith.constant 0 : i32
          %sign3A_552 = arith.cmpi sgt, %jit3A_542, %sign3A_551 : i32
          %sign3A_553 = arith.extui %sign3A_552 : i1 to i32
          %sign3A_554 = arith.constant 0 : i32
          %sign3A_555 = arith.cmpi slt, %jit3A_542, %sign3A_554 : i32
          %sign3A_556 = arith.extui %sign3A_555 : i1 to i32
          %sign3A_557 = arith.subi %sign3A_553, %sign3A_556 : i32
          %ne3A_558 = arith.cmpi ne, %sign3A_550, %sign3A_557 : i32
          %rem3A_559 = arith.remsi %add3A, %jit3A_542 : i32
          %ne3A_560 = arith.constant 0 : i32
          %ne3A_561 = arith.cmpi ne, %rem3A_559, %ne3A_560 : i32
          %and3A_562 = arith.andi %ne3A_558, %ne3A_561 : i1
          %sub3A_563 = arith.constant 1 : i32
          %sub3A_564 = arith.subi %div3A_543, %sub3A_563 : i32
          %select_n3A_565 = arith.select %and3A_562, %sub3A_564, %div3A_543 : i32
          %jit3A_566 = arith.constant 2 : i32
          %eq3A_567 = arith.constant 0 : i32
          %eq3A_568 = arith.cmpi eq, %jit3A_566, %eq3A_567 : i32
          %jit3A_569 = arith.constant 1 : i32
          %select_n3A_570 = arith.select %eq3A_568, %jit3A_569, %jit3A_566 : i32
          %rem3A_571 = arith.remsi %select_n3A_565, %select_n3A_570 : i32
          %ne3A_572 = arith.constant 0 : i32
          %ne3A_573 = arith.cmpi ne, %rem3A_571, %ne3A_572 : i32
          %lt3A_574 = arith.constant 0 : i32
          %lt3A_575 = arith.cmpi slt, %rem3A_571, %lt3A_574 : i32
          %lt3A_576 = arith.constant 0 : i32
          %lt3A_577 = arith.cmpi slt, %select_n3A_570, %lt3A_576 : i32
          %ne3A_578 = arith.xori %lt3A_575, %lt3A_577 : i1
          %and3A_579 = arith.andi %ne3A_578, %ne3A_573 : i1
          %add3A_580 = arith.addi %rem3A_571, %select_n3A_570 : i32
          %select_n3A_581 = arith.select %and3A_579, %add3A_580, %rem3A_571 : i32
          %jit3A_582 = arith.constant 16 : i32
          %eq3A_583 = arith.constant 0 : i32
          %eq3A_584 = arith.cmpi eq, %jit3A_582, %eq3A_583 : i32
          %jit3A_585 = arith.constant 1 : i32
          %select_n3A_586 = arith.select %eq3A_584, %jit3A_585, %jit3A_582 : i32
          %rem3A_587 = arith.remsi %add3A, %select_n3A_586 : i32
          %ne3A_588 = arith.constant 0 : i32
          %ne3A_589 = arith.cmpi ne, %rem3A_587, %ne3A_588 : i32
          %lt3A_590 = arith.constant 0 : i32
          %lt3A_591 = arith.cmpi slt, %rem3A_587, %lt3A_590 : i32
          %lt3A_592 = arith.constant 0 : i32
          %lt3A_593 = arith.cmpi slt, %select_n3A_586, %lt3A_592 : i32
          %ne3A_594 = arith.xori %lt3A_591, %lt3A_593 : i1
          %and3A_595 = arith.andi %ne3A_594, %ne3A_589 : i1
          %add3A_596 = arith.addi %rem3A_587, %select_n3A_586 : i32
          %select_n3A_597 = arith.select %and3A_595, %add3A_596, %rem3A_587 : i32
          %dma_wait3A_598 = arith.constant 0 : i32
          %dma_wait3A_599 = arith.constant 0 : i32
          %dma_wait3A_600 = tpu.memref_slice %arg10[%select_n3A_541, %dma_wait3A_598, %dma_wait3A_599] : memref<3x100x128xf32, #tpu.memory_space<vmem>> -> memref<1x100x128xf32, #tpu.memory_space<vmem>>
          %dma_wait3A_601 = tpu.memref_squeeze %dma_wait3A_600 : memref<1x100x128xf32, #tpu.memory_space<vmem>> -> memref<100x128xf32, #tpu.memory_space<vmem>>
          %dma_wait3A_602 = arith.constant 0 : i32
          %dma_wait3A_603 = tpu.memref_slice %arg9[%select_n3A_581, %select_n3A_597, %dma_wait3A_602] : memref<2x16x100xi32, #tpu.memory_space<vmem>> -> memref<1x1x100xi32, #tpu.memory_space<vmem>>
          %dma_wait3A_604 = tpu.memref_squeeze %dma_wait3A_603 : memref<1x1x100xi32, #tpu.memory_space<vmem>> -> memref<100xi32, #tpu.memory_space<vmem>>
          %dma_wait3A_605 = arith.constant 0 : i32
          %dma_wait3A_606 = arith.constant 0 : i32
          %dma_wait3A_607 = tpu.memref_slice %arg11[%dma_wait3A_605, %dma_wait3A_606] : memref<10000x128xf32, #tpu.memory_space<vmem_shared>> -> memref<10000x128xf32, #tpu.memory_space<vmem_shared>>
          tpu.wait_indirect_dma semaphore(%arg14 : memref<!tpu.dma_semaphore, #tpu.memory_space<semaphore_mem>>) src(%dma_wait3A_601 : memref<100x128xf32, #tpu.memory_space<vmem>>) dst(%dma_wait3A_607 : memref<10000x128xf32, #tpu.memory_space<vmem_shared>>)
          %add3A_608 = arith.constant 2 : i32
          %add3A_609 = arith.addi %add3A_112, %add3A_608 : i32
          %jit3A_610 = arith.constant 16 : i32
          %div3A_611 = arith.divsi %add3A_609, %jit3A_610 : i32
          %sign3A_612 = arith.constant 0 : i32
          %sign3A_613 = arith.cmpi sgt, %add3A_609, %sign3A_612 : i32
          %sign3A_614 = arith.extui %sign3A_613 : i1 to i32
          %sign3A_615 = arith.constant 0 : i32
          %sign3A_616 = arith.cmpi slt, %add3A_609, %sign3A_615 : i32
          %sign3A_617 = arith.extui %sign3A_616 : i1 to i32
          %sign3A_618 = arith.subi %sign3A_614, %sign3A_617 : i32
          %sign3A_619 = arith.constant 0 : i32
          %sign3A_620 = arith.cmpi sgt, %jit3A_610, %sign3A_619 : i32
          %sign3A_621 = arith.extui %sign3A_620 : i1 to i32
          %sign3A_622 = arith.constant 0 : i32
          %sign3A_623 = arith.cmpi slt, %jit3A_610, %sign3A_622 : i32
          %sign3A_624 = arith.extui %sign3A_623 : i1 to i32
          %sign3A_625 = arith.subi %sign3A_621, %sign3A_624 : i32
          %ne3A_626 = arith.cmpi ne, %sign3A_618, %sign3A_625 : i32
          %rem3A_627 = arith.remsi %add3A_609, %jit3A_610 : i32
          %ne3A_628 = arith.constant 0 : i32
          %ne3A_629 = arith.cmpi ne, %rem3A_627, %ne3A_628 : i32
          %and3A_630 = arith.andi %ne3A_626, %ne3A_629 : i1
          %sub3A_631 = arith.constant 1 : i32
          %sub3A_632 = arith.subi %div3A_611, %sub3A_631 : i32
          %select_n3A_633 = arith.select %and3A_630, %sub3A_632, %div3A_611 : i32
          %jit3A_634 = arith.constant 2 : i32
          %eq3A_635 = arith.constant 0 : i32
          %eq3A_636 = arith.cmpi eq, %jit3A_634, %eq3A_635 : i32
          %jit3A_637 = arith.constant 1 : i32
          %select_n3A_638 = arith.select %eq3A_636, %jit3A_637, %jit3A_634 : i32
          %rem3A_639 = arith.remsi %select_n3A_633, %select_n3A_638 : i32
          %ne3A_640 = arith.constant 0 : i32
          %ne3A_641 = arith.cmpi ne, %rem3A_639, %ne3A_640 : i32
          %lt3A_642 = arith.constant 0 : i32
          %lt3A_643 = arith.cmpi slt, %rem3A_639, %lt3A_642 : i32
          %lt3A_644 = arith.constant 0 : i32
          %lt3A_645 = arith.cmpi slt, %select_n3A_638, %lt3A_644 : i32
          %ne3A_646 = arith.xori %lt3A_643, %lt3A_645 : i1
          %and3A_647 = arith.andi %ne3A_646, %ne3A_641 : i1
          %add3A_648 = arith.addi %rem3A_639, %select_n3A_638 : i32
          %select_n3A_649 = arith.select %and3A_647, %add3A_648, %rem3A_639 : i32
          %jit3A_650 = arith.constant 16 : i32
          %eq3A_651 = arith.constant 0 : i32
          %eq3A_652 = arith.cmpi eq, %jit3A_650, %eq3A_651 : i32
          %jit3A_653 = arith.constant 1 : i32
          %select_n3A_654 = arith.select %eq3A_652, %jit3A_653, %jit3A_650 : i32
          %rem3A_655 = arith.remsi %add3A_609, %select_n3A_654 : i32
          %ne3A_656 = arith.constant 0 : i32
          %ne3A_657 = arith.cmpi ne, %rem3A_655, %ne3A_656 : i32
          %lt3A_658 = arith.constant 0 : i32
          %lt3A_659 = arith.cmpi slt, %rem3A_655, %lt3A_658 : i32
          %lt3A_660 = arith.constant 0 : i32
          %lt3A_661 = arith.cmpi slt, %select_n3A_654, %lt3A_660 : i32
          %ne3A_662 = arith.xori %lt3A_659, %lt3A_661 : i1
          %and3A_663 = arith.andi %ne3A_662, %ne3A_657 : i1
          %add3A_664 = arith.addi %rem3A_655, %select_n3A_654 : i32
          %select_n3A_665 = arith.select %and3A_663, %add3A_664, %rem3A_655 : i32
          %jit3A_666 = arith.constant 3 : i32
          %eq3A_667 = arith.constant 0 : i32
          %eq3A_668 = arith.cmpi eq, %jit3A_666, %eq3A_667 : i32
          %jit3A_669 = arith.constant 1 : i32
          %select_n3A_670 = arith.select %eq3A_668, %jit3A_669, %jit3A_666 : i32
          %rem3A_671 = arith.remsi %add3A_609, %select_n3A_670 : i32
          %ne3A_672 = arith.constant 0 : i32
          %ne3A_673 = arith.cmpi ne, %rem3A_671, %ne3A_672 : i32
          %lt3A_674 = arith.constant 0 : i32
          %lt3A_675 = arith.cmpi slt, %rem3A_671, %lt3A_674 : i32
          %lt3A_676 = arith.constant 0 : i32
          %lt3A_677 = arith.cmpi slt, %select_n3A_670, %lt3A_676 : i32
          %ne3A_678 = arith.xori %lt3A_675, %lt3A_677 : i1
          %and3A_679 = arith.andi %ne3A_678, %ne3A_673 : i1
          %add3A_680 = arith.addi %rem3A_671, %select_n3A_670 : i32
          %select_n3A_681 = arith.select %and3A_679, %add3A_680, %rem3A_671 : i32
          %dma_start3A_682 = arith.constant 0 : i32
          %dma_start3A_683 = arith.constant 0 : i32
          %dma_start3A_684 = tpu.memref_slice %arg10[%select_n3A_681, %dma_start3A_682, %dma_start3A_683] : memref<3x100x128xf32, #tpu.memory_space<vmem>> -> memref<1x100x128xf32, #tpu.memory_space<vmem>>
          %dma_start3A_685 = tpu.memref_squeeze %dma_start3A_684 : memref<1x100x128xf32, #tpu.memory_space<vmem>> -> memref<100x128xf32, #tpu.memory_space<vmem>>
          %dma_start3A_686 = arith.constant 0 : i32
          %dma_start3A_687 = tpu.memref_slice %arg8[%select_n3A_649, %select_n3A_665, %dma_start3A_686] : memref<2x16x100xi32, #tpu.memory_space<vmem>> -> memref<1x1x100xi32, #tpu.memory_space<vmem>>
          %dma_start3A_688 = tpu.memref_squeeze %dma_start3A_687 : memref<1x1x100xi32, #tpu.memory_space<vmem>> -> memref<100xi32, #tpu.memory_space<vmem>>
          %dma_start3A_689 = arith.constant 0 : i32
          %dma_start3A_690 = arith.constant 0 : i32
          %dma_start3A_691 = tpu.memref_slice %arg5[%dma_start3A_689, %dma_start3A_690] : memref<10000x128xf32, #tpu.memory_space<hbm>> -> memref<10000x128xf32, #tpu.memory_space<hbm>>
          tpu.enqueue_indirect_dma source(%dma_start3A_691 : memref<10000x128xf32, #tpu.memory_space<hbm>>) target(%dma_start3A_685 : memref<100x128xf32, #tpu.memory_space<vmem>>) offsets(%dma_start3A_688 : memref<100xi32, #tpu.memory_space<vmem>>) semaphore(%arg13 : memref<!tpu.dma_semaphore, #tpu.memory_space<semaphore_mem>>)
        }
        %scan3A_105 = arith.constant 8 : i32
      }
      %scan3A_65 = arith.constant 24 : i32
      %scan3A_66 = arith.constant 0 : i32
      %scan3A_67 = arith.constant 0 : i32
      %scan3A_68 = arith.constant 8 : i32
      %scan3A_69 = arith.addi %scan3A_67, %scan3A_68 : i32
      %scan3A_70 = arith.constant 1 : i32
      scf.for %scan3A_97 = %scan3A_67 to %scan3A_69 step %scan3A_70  : i32 {
        %mul3A_98 = arith.constant 2 : i32
        %mul3A_99 = arith.muli %mul3A_98, %scan3A_97 : i32
        %add3A = arith.constant 384 : i32
        %add3A_100 = arith.addi %add3A, %mul3A_99 : i32
        %eq3A_101 = arith.constant 7 : i32
        %eq3A_102 = arith.cmpi eq, %scan3A_97, %eq3A_101 : i32
        %add3A_103 = arith.constant 1 : i32
        %add3A_104 = arith.addi %add3A_100, %add3A_103 : i32
        %jit3A_105 = arith.constant 16 : i32
        %div3A = arith.divsi %add3A_100, %jit3A_105 : i32
        %sign3A = arith.constant 0 : i32
        %sign3A_106 = arith.cmpi sgt, %add3A_100, %sign3A : i32
        %sign3A_107 = arith.extui %sign3A_106 : i1 to i32
        %sign3A_108 = arith.constant 0 : i32
        %sign3A_109 = arith.cmpi slt, %add3A_100, %sign3A_108 : i32
        %sign3A_110 = arith.extui %sign3A_109 : i1 to i32
        %sign3A_111 = arith.subi %sign3A_107, %sign3A_110 : i32
        %sign3A_112 = arith.constant 0 : i32
        %sign3A_113 = arith.cmpi sgt, %jit3A_105, %sign3A_112 : i32
        %sign3A_114 = arith.extui %sign3A_113 : i1 to i32
        %sign3A_115 = arith.constant 0 : i32
        %sign3A_116 = arith.cmpi slt, %jit3A_105, %sign3A_115 : i32
        %sign3A_117 = arith.extui %sign3A_116 : i1 to i32
        %sign3A_118 = arith.subi %sign3A_114, %sign3A_117 : i32
        %ne3A = arith.cmpi ne, %sign3A_111, %sign3A_118 : i32
        %rem3A = arith.remsi %add3A_100, %jit3A_105 : i32
        %ne3A_119 = arith.constant 0 : i32
        %ne3A_120 = arith.cmpi ne, %rem3A, %ne3A_119 : i32
        %and3A = arith.andi %ne3A, %ne3A_120 : i1
        %sub3A = arith.constant 1 : i32
        %sub3A_121 = arith.subi %div3A, %sub3A : i32
        %select_n3A_122 = arith.select %and3A, %sub3A_121, %div3A : i32
        %jit3A_123 = arith.constant 2 : i32
        %eq3A_124 = arith.constant 0 : i32
        %eq3A_125 = arith.cmpi eq, %jit3A_123, %eq3A_124 : i32
        %jit3A_126 = arith.constant 1 : i32
        %select_n3A_127 = arith.select %eq3A_125, %jit3A_126, %jit3A_123 : i32
        %rem3A_128 = arith.remsi %select_n3A_122, %select_n3A_127 : i32
        %ne3A_129 = arith.constant 0 : i32
        %ne3A_130 = arith.cmpi ne, %rem3A_128, %ne3A_129 : i32
        %lt3A_131 = arith.constant 0 : i32
        %lt3A_132 = arith.cmpi slt, %rem3A_128, %lt3A_131 : i32
        %lt3A_133 = arith.constant 0 : i32
        %lt3A_134 = arith.cmpi slt, %select_n3A_127, %lt3A_133 : i32
        %ne3A_135 = arith.xori %lt3A_132, %lt3A_134 : i1
        %and3A_136 = arith.andi %ne3A_135, %ne3A_130 : i1
        %add3A_137 = arith.addi %rem3A_128, %select_n3A_127 : i32
        %select_n3A_138 = arith.select %and3A_136, %add3A_137, %rem3A_128 : i32
        %jit3A_139 = arith.constant 16 : i32
        %eq3A_140 = arith.constant 0 : i32
        %eq3A_141 = arith.cmpi eq, %jit3A_139, %eq3A_140 : i32
        %jit3A_142 = arith.constant 1 : i32
        %select_n3A_143 = arith.select %eq3A_141, %jit3A_142, %jit3A_139 : i32
        %rem3A_144 = arith.remsi %add3A_100, %select_n3A_143 : i32
        %ne3A_145 = arith.constant 0 : i32
        %ne3A_146 = arith.cmpi ne, %rem3A_144, %ne3A_145 : i32
        %lt3A_147 = arith.constant 0 : i32
        %lt3A_148 = arith.cmpi slt, %rem3A_144, %lt3A_147 : i32
        %lt3A_149 = arith.constant 0 : i32
        %lt3A_150 = arith.cmpi slt, %select_n3A_143, %lt3A_149 : i32
        %ne3A_151 = arith.xori %lt3A_148, %lt3A_150 : i1
        %and3A_152 = arith.andi %ne3A_151, %ne3A_146 : i1
        %add3A_153 = arith.addi %rem3A_144, %select_n3A_143 : i32
        %select_n3A_154 = arith.select %and3A_152, %add3A_153, %rem3A_144 : i32
        %jit3A_155 = arith.constant 3 : i32
        %eq3A_156 = arith.constant 0 : i32
        %eq3A_157 = arith.cmpi eq, %jit3A_155, %eq3A_156 : i32
        %jit3A_158 = arith.constant 1 : i32
        %select_n3A_159 = arith.select %eq3A_157, %jit3A_158, %jit3A_155 : i32
        %rem3A_160 = arith.remsi %add3A_100, %select_n3A_159 : i32
        %ne3A_161 = arith.constant 0 : i32
        %ne3A_162 = arith.cmpi ne, %rem3A_160, %ne3A_161 : i32
        %lt3A_163 = arith.constant 0 : i32
        %lt3A_164 = arith.cmpi slt, %rem3A_160, %lt3A_163 : i32
        %lt3A_165 = arith.constant 0 : i32
        %lt3A_166 = arith.cmpi slt, %select_n3A_159, %lt3A_165 : i32
        %ne3A_167 = arith.xori %lt3A_164, %lt3A_166 : i1
        %and3A_168 = arith.andi %ne3A_167, %ne3A_162 : i1
        %add3A_169 = arith.addi %rem3A_160, %select_n3A_159 : i32
        %select_n3A_170 = arith.select %and3A_168, %add3A_169, %rem3A_160 : i32
        %dma_wait3A_171 = arith.constant 0 : i32
        %dma_wait3A_172 = arith.constant 0 : i32
        %dma_wait3A_173 = tpu.memref_slice %arg10[%select_n3A_170, %dma_wait3A_171, %dma_wait3A_172] : memref<3x100x128xf32, #tpu.memory_space<vmem>> -> memref<1x100x128xf32, #tpu.memory_space<vmem>>
        %dma_wait3A_174 = tpu.memref_squeeze %dma_wait3A_173 : memref<1x100x128xf32, #tpu.memory_space<vmem>> -> memref<100x128xf32, #tpu.memory_space<vmem>>
        %dma_wait3A_175 = arith.constant 0 : i32
        %dma_wait3A_176 = tpu.memref_slice %arg8[%select_n3A_138, %select_n3A_154, %dma_wait3A_175] : memref<2x16x100xi32, #tpu.memory_space<vmem>> -> memref<1x1x100xi32, #tpu.memory_space<vmem>>
        %dma_wait3A_177 = tpu.memref_squeeze %dma_wait3A_176 : memref<1x1x100xi32, #tpu.memory_space<vmem>> -> memref<100xi32, #tpu.memory_space<vmem>>
        %dma_wait3A_178 = arith.constant 0 : i32
        %dma_wait3A_179 = arith.constant 0 : i32
        %dma_wait3A_180 = tpu.memref_slice %arg5[%dma_wait3A_178, %dma_wait3A_179] : memref<10000x128xf32, #tpu.memory_space<hbm>> -> memref<10000x128xf32, #tpu.memory_space<hbm>>
        tpu.wait_indirect_dma semaphore(%arg12 : memref<!tpu.dma_semaphore, #tpu.memory_space<semaphore_mem>>) src(%dma_wait3A_180 : memref<10000x128xf32, #tpu.memory_space<hbm>>) dst(%dma_wait3A_174 : memref<100x128xf32, #tpu.memory_space<vmem>>)
        %jit3A_181 = arith.constant 3 : i32
        %eq3A_182 = arith.constant 0 : i32
        %eq3A_183 = arith.cmpi eq, %jit3A_181, %eq3A_182 : i32
        %jit3A_184 = arith.constant 1 : i32
        %select_n3A_185 = arith.select %eq3A_183, %jit3A_184, %jit3A_181 : i32
        %rem3A_186 = arith.remsi %add3A_100, %select_n3A_185 : i32
        %ne3A_187 = arith.constant 0 : i32
        %ne3A_188 = arith.cmpi ne, %rem3A_186, %ne3A_187 : i32
        %lt3A_189 = arith.constant 0 : i32
        %lt3A_190 = arith.cmpi slt, %rem3A_186, %lt3A_189 : i32
        %lt3A_191 = arith.constant 0 : i32
        %lt3A_192 = arith.cmpi slt, %select_n3A_185, %lt3A_191 : i32
        %ne3A_193 = arith.xori %lt3A_190, %lt3A_192 : i1
        %and3A_194 = arith.andi %ne3A_193, %ne3A_188 : i1
        %add3A_195 = arith.addi %rem3A_186, %select_n3A_185 : i32
        %select_n3A_196 = arith.select %and3A_194, %add3A_195, %rem3A_186 : i32
        %jit3A_197 = arith.constant 16 : i32
        %div3A_198 = arith.divsi %add3A_100, %jit3A_197 : i32
        %sign3A_199 = arith.constant 0 : i32
        %sign3A_200 = arith.cmpi sgt, %add3A_100, %sign3A_199 : i32
        %sign3A_201 = arith.extui %sign3A_200 : i1 to i32
        %sign3A_202 = arith.constant 0 : i32
        %sign3A_203 = arith.cmpi slt, %add3A_100, %sign3A_202 : i32
        %sign3A_204 = arith.extui %sign3A_203 : i1 to i32
        %sign3A_205 = arith.subi %sign3A_201, %sign3A_204 : i32
        %sign3A_206 = arith.constant 0 : i32
        %sign3A_207 = arith.cmpi sgt, %jit3A_197, %sign3A_206 : i32
        %sign3A_208 = arith.extui %sign3A_207 : i1 to i32
        %sign3A_209 = arith.constant 0 : i32
        %sign3A_210 = arith.cmpi slt, %jit3A_197, %sign3A_209 : i32
        %sign3A_211 = arith.extui %sign3A_210 : i1 to i32
        %sign3A_212 = arith.subi %sign3A_208, %sign3A_211 : i32
        %ne3A_213 = arith.cmpi ne, %sign3A_205, %sign3A_212 : i32
        %rem3A_214 = arith.remsi %add3A_100, %jit3A_197 : i32
        %ne3A_215 = arith.constant 0 : i32
        %ne3A_216 = arith.cmpi ne, %rem3A_214, %ne3A_215 : i32
        %and3A_217 = arith.andi %ne3A_213, %ne3A_216 : i1
        %sub3A_218 = arith.constant 1 : i32
        %sub3A_219 = arith.subi %div3A_198, %sub3A_218 : i32
        %select_n3A_220 = arith.select %and3A_217, %sub3A_219, %div3A_198 : i32
        %jit3A_221 = arith.constant 2 : i32
        %eq3A_222 = arith.constant 0 : i32
        %eq3A_223 = arith.cmpi eq, %jit3A_221, %eq3A_222 : i32
        %jit3A_224 = arith.constant 1 : i32
        %select_n3A_225 = arith.select %eq3A_223, %jit3A_224, %jit3A_221 : i32
        %rem3A_226 = arith.remsi %select_n3A_220, %select_n3A_225 : i32
        %ne3A_227 = arith.constant 0 : i32
        %ne3A_228 = arith.cmpi ne, %rem3A_226, %ne3A_227 : i32
        %lt3A_229 = arith.constant 0 : i32
        %lt3A_230 = arith.cmpi slt, %rem3A_226, %lt3A_229 : i32
        %lt3A_231 = arith.constant 0 : i32
        %lt3A_232 = arith.cmpi slt, %select_n3A_225, %lt3A_231 : i32
        %ne3A_233 = arith.xori %lt3A_230, %lt3A_232 : i1
        %and3A_234 = arith.andi %ne3A_233, %ne3A_228 : i1
        %add3A_235 = arith.addi %rem3A_226, %select_n3A_225 : i32
        %select_n3A_236 = arith.select %and3A_234, %add3A_235, %rem3A_226 : i32
        %jit3A_237 = arith.constant 16 : i32
        %eq3A_238 = arith.constant 0 : i32
        %eq3A_239 = arith.cmpi eq, %jit3A_237, %eq3A_238 : i32
        %jit3A_240 = arith.constant 1 : i32
        %select_n3A_241 = arith.select %eq3A_239, %jit3A_240, %jit3A_237 : i32
        %rem3A_242 = arith.remsi %add3A_100, %select_n3A_241 : i32
        %ne3A_243 = arith.constant 0 : i32
        %ne3A_244 = arith.cmpi ne, %rem3A_242, %ne3A_243 : i32
        %lt3A_245 = arith.constant 0 : i32
        %lt3A_246 = arith.cmpi slt, %rem3A_242, %lt3A_245 : i32
        %lt3A_247 = arith.constant 0 : i32
        %lt3A_248 = arith.cmpi slt, %select_n3A_241, %lt3A_247 : i32
        %ne3A_249 = arith.xori %lt3A_246, %lt3A_248 : i1
        %and3A_250 = arith.andi %ne3A_249, %ne3A_244 : i1
        %add3A_251 = arith.addi %rem3A_242, %select_n3A_241 : i32
        %select_n3A_252 = arith.select %and3A_250, %add3A_251, %rem3A_242 : i32
        %dma_start3A_253 = arith.constant 0 : i32
        %dma_start3A_254 = arith.constant 0 : i32
        %dma_start3A_255 = tpu.memref_slice %arg10[%select_n3A_196, %dma_start3A_253, %dma_start3A_254] : memref<3x100x128xf32, #tpu.memory_space<vmem>> -> memref<1x100x128xf32, #tpu.memory_space<vmem>>
        %dma_start3A_256 = tpu.memref_squeeze %dma_start3A_255 : memref<1x100x128xf32, #tpu.memory_space<vmem>> -> memref<100x128xf32, #tpu.memory_space<vmem>>
        %dma_start3A_257 = arith.constant 0 : i32
        %dma_start3A_258 = tpu.memref_slice %arg9[%select_n3A_236, %select_n3A_252, %dma_start3A_257] : memref<2x16x100xi32, #tpu.memory_space<vmem>> -> memref<1x1x100xi32, #tpu.memory_space<vmem>>
        %dma_start3A_259 = tpu.memref_squeeze %dma_start3A_258 : memref<1x1x100xi32, #tpu.memory_space<vmem>> -> memref<100xi32, #tpu.memory_space<vmem>>
        %dma_start3A_260 = arith.constant 0 : i32
        %dma_start3A_261 = arith.constant 0 : i32
        %dma_start3A_262 = tpu.memref_slice %arg11[%dma_start3A_260, %dma_start3A_261] : memref<10000x128xf32, #tpu.memory_space<vmem_shared>> -> memref<10000x128xf32, #tpu.memory_space<vmem_shared>>
        tpu.enqueue_indirect_dma source(%dma_start3A_256 : memref<100x128xf32, #tpu.memory_space<vmem>>) target(%dma_start3A_262 : memref<10000x128xf32, #tpu.memory_space<vmem_shared>>) offsets(%dma_start3A_259 : memref<100xi32, #tpu.memory_space<vmem>>) semaphore(%arg14 : memref<!tpu.dma_semaphore, #tpu.memory_space<semaphore_mem>>) {add = true}
        %gt3A = arith.constant 0 : i32
        %gt3A_263 = arith.cmpi sgt, %add3A_100, %gt3A : i32
        %convert_element_type3A_264 = arith.extui %gt3A_263 : i1 to i32
        %cond3A_265 = arith.constant 0 : i32
        %cond3A_266 = arith.cmpi ne, %convert_element_type3A_264, %cond3A_265 : i32
        scf.if %cond3A_266 {
          %sub3A_601 = arith.constant 1 : i32
          %sub3A_602 = arith.subi %add3A_100, %sub3A_601 : i32
          %jit3A_603 = arith.constant 3 : i32
          %eq3A_604 = arith.constant 0 : i32
          %eq3A_605 = arith.cmpi eq, %jit3A_603, %eq3A_604 : i32
          %jit3A_606 = arith.constant 1 : i32
          %select_n3A_607 = arith.select %eq3A_605, %jit3A_606, %jit3A_603 : i32
          %rem3A_608 = arith.remsi %sub3A_602, %select_n3A_607 : i32
          %ne3A_609 = arith.constant 0 : i32
          %ne3A_610 = arith.cmpi ne, %rem3A_608, %ne3A_609 : i32
          %lt3A_611 = arith.constant 0 : i32
          %lt3A_612 = arith.cmpi slt, %rem3A_608, %lt3A_611 : i32
          %lt3A_613 = arith.constant 0 : i32
          %lt3A_614 = arith.cmpi slt, %select_n3A_607, %lt3A_613 : i32
          %ne3A_615 = arith.xori %lt3A_612, %lt3A_614 : i1
          %and3A_616 = arith.andi %ne3A_615, %ne3A_610 : i1
          %add3A_617 = arith.addi %rem3A_608, %select_n3A_607 : i32
          %select_n3A_618 = arith.select %and3A_616, %add3A_617, %rem3A_608 : i32
          %jit3A_619 = arith.constant 16 : i32
          %div3A_620 = arith.divsi %sub3A_602, %jit3A_619 : i32
          %sign3A_621 = arith.constant 0 : i32
          %sign3A_622 = arith.cmpi sgt, %sub3A_602, %sign3A_621 : i32
          %sign3A_623 = arith.extui %sign3A_622 : i1 to i32
          %sign3A_624 = arith.constant 0 : i32
          %sign3A_625 = arith.cmpi slt, %sub3A_602, %sign3A_624 : i32
          %sign3A_626 = arith.extui %sign3A_625 : i1 to i32
          %sign3A_627 = arith.subi %sign3A_623, %sign3A_626 : i32
          %sign3A_628 = arith.constant 0 : i32
          %sign3A_629 = arith.cmpi sgt, %jit3A_619, %sign3A_628 : i32
          %sign3A_630 = arith.extui %sign3A_629 : i1 to i32
          %sign3A_631 = arith.constant 0 : i32
          %sign3A_632 = arith.cmpi slt, %jit3A_619, %sign3A_631 : i32
          %sign3A_633 = arith.extui %sign3A_632 : i1 to i32
          %sign3A_634 = arith.subi %sign3A_630, %sign3A_633 : i32
          %ne3A_635 = arith.cmpi ne, %sign3A_627, %sign3A_634 : i32
          %rem3A_636 = arith.remsi %sub3A_602, %jit3A_619 : i32
          %ne3A_637 = arith.constant 0 : i32
          %ne3A_638 = arith.cmpi ne, %rem3A_636, %ne3A_637 : i32
          %and3A_639 = arith.andi %ne3A_635, %ne3A_638 : i1
          %sub3A_640 = arith.constant 1 : i32
          %sub3A_641 = arith.subi %div3A_620, %sub3A_640 : i32
          %select_n3A_642 = arith.select %and3A_639, %sub3A_641, %div3A_620 : i32
          %jit3A_643 = arith.constant 2 : i32
          %eq3A_644 = arith.constant 0 : i32
          %eq3A_645 = arith.cmpi eq, %jit3A_643, %eq3A_644 : i32
          %jit3A_646 = arith.constant 1 : i32
          %select_n3A_647 = arith.select %eq3A_645, %jit3A_646, %jit3A_643 : i32
          %rem3A_648 = arith.remsi %select_n3A_642, %select_n3A_647 : i32
          %ne3A_649 = arith.constant 0 : i32
          %ne3A_650 = arith.cmpi ne, %rem3A_648, %ne3A_649 : i32
          %lt3A_651 = arith.constant 0 : i32
          %lt3A_652 = arith.cmpi slt, %rem3A_648, %lt3A_651 : i32
          %lt3A_653 = arith.constant 0 : i32
          %lt3A_654 = arith.cmpi slt, %select_n3A_647, %lt3A_653 : i32
          %ne3A_655 = arith.xori %lt3A_652, %lt3A_654 : i1
          %and3A_656 = arith.andi %ne3A_655, %ne3A_650 : i1
          %add3A_657 = arith.addi %rem3A_648, %select_n3A_647 : i32
          %select_n3A_658 = arith.select %and3A_656, %add3A_657, %rem3A_648 : i32
          %jit3A_659 = arith.constant 16 : i32
          %eq3A_660 = arith.constant 0 : i32
          %eq3A_661 = arith.cmpi eq, %jit3A_659, %eq3A_660 : i32
          %jit3A_662 = arith.constant 1 : i32
          %select_n3A_663 = arith.select %eq3A_661, %jit3A_662, %jit3A_659 : i32
          %rem3A_664 = arith.remsi %sub3A_602, %select_n3A_663 : i32
          %ne3A_665 = arith.constant 0 : i32
          %ne3A_666 = arith.cmpi ne, %rem3A_664, %ne3A_665 : i32
          %lt3A_667 = arith.constant 0 : i32
          %lt3A_668 = arith.cmpi slt, %rem3A_664, %lt3A_667 : i32
          %lt3A_669 = arith.constant 0 : i32
          %lt3A_670 = arith.cmpi slt, %select_n3A_663, %lt3A_669 : i32
          %ne3A_671 = arith.xori %lt3A_668, %lt3A_670 : i1
          %and3A_672 = arith.andi %ne3A_671, %ne3A_666 : i1
          %add3A_673 = arith.addi %rem3A_664, %select_n3A_663 : i32
          %select_n3A_674 = arith.select %and3A_672, %add3A_673, %rem3A_664 : i32
          %dma_wait3A_675 = arith.constant 0 : i32
          %dma_wait3A_676 = arith.constant 0 : i32
          %dma_wait3A_677 = tpu.memref_slice %arg10[%select_n3A_618, %dma_wait3A_675, %dma_wait3A_676] : memref<3x100x128xf32, #tpu.memory_space<vmem>> -> memref<1x100x128xf32, #tpu.memory_space<vmem>>
          %dma_wait3A_678 = tpu.memref_squeeze %dma_wait3A_677 : memref<1x100x128xf32, #tpu.memory_space<vmem>> -> memref<100x128xf32, #tpu.memory_space<vmem>>
          %dma_wait3A_679 = arith.constant 0 : i32
          %dma_wait3A_680 = tpu.memref_slice %arg9[%select_n3A_658, %select_n3A_674, %dma_wait3A_679] : memref<2x16x100xi32, #tpu.memory_space<vmem>> -> memref<1x1x100xi32, #tpu.memory_space<vmem>>
          %dma_wait3A_681 = tpu.memref_squeeze %dma_wait3A_680 : memref<1x1x100xi32, #tpu.memory_space<vmem>> -> memref<100xi32, #tpu.memory_space<vmem>>
          %dma_wait3A_682 = arith.constant 0 : i32
          %dma_wait3A_683 = arith.constant 0 : i32
          %dma_wait3A_684 = tpu.memref_slice %arg11[%dma_wait3A_682, %dma_wait3A_683] : memref<10000x128xf32, #tpu.memory_space<vmem_shared>> -> memref<10000x128xf32, #tpu.memory_space<vmem_shared>>
          tpu.wait_indirect_dma semaphore(%arg15 : memref<!tpu.dma_semaphore, #tpu.memory_space<semaphore_mem>>) src(%dma_wait3A_678 : memref<100x128xf32, #tpu.memory_space<vmem>>) dst(%dma_wait3A_684 : memref<10000x128xf32, #tpu.memory_space<vmem_shared>>)
        } else {
        }
        %add3A_267 = arith.constant 2 : i32
        %add3A_268 = arith.addi %add3A_100, %add3A_267 : i32
        %jit3A_269 = arith.constant 16 : i32
        %div3A_270 = arith.divsi %add3A_268, %jit3A_269 : i32
        %sign3A_271 = arith.constant 0 : i32
        %sign3A_272 = arith.cmpi sgt, %add3A_268, %sign3A_271 : i32
        %sign3A_273 = arith.extui %sign3A_272 : i1 to i32
        %sign3A_274 = arith.constant 0 : i32
        %sign3A_275 = arith.cmpi slt, %add3A_268, %sign3A_274 : i32
        %sign3A_276 = arith.extui %sign3A_275 : i1 to i32
        %sign3A_277 = arith.subi %sign3A_273, %sign3A_276 : i32
        %sign3A_278 = arith.constant 0 : i32
        %sign3A_279 = arith.cmpi sgt, %jit3A_269, %sign3A_278 : i32
        %sign3A_280 = arith.extui %sign3A_279 : i1 to i32
        %sign3A_281 = arith.constant 0 : i32
        %sign3A_282 = arith.cmpi slt, %jit3A_269, %sign3A_281 : i32
        %sign3A_283 = arith.extui %sign3A_282 : i1 to i32
        %sign3A_284 = arith.subi %sign3A_280, %sign3A_283 : i32
        %ne3A_285 = arith.cmpi ne, %sign3A_277, %sign3A_284 : i32
        %rem3A_286 = arith.remsi %add3A_268, %jit3A_269 : i32
        %ne3A_287 = arith.constant 0 : i32
        %ne3A_288 = arith.cmpi ne, %rem3A_286, %ne3A_287 : i32
        %and3A_289 = arith.andi %ne3A_285, %ne3A_288 : i1
        %sub3A_290 = arith.constant 1 : i32
        %sub3A_291 = arith.subi %div3A_270, %sub3A_290 : i32
        %select_n3A_292 = arith.select %and3A_289, %sub3A_291, %div3A_270 : i32
        %jit3A_293 = arith.constant 2 : i32
        %eq3A_294 = arith.constant 0 : i32
        %eq3A_295 = arith.cmpi eq, %jit3A_293, %eq3A_294 : i32
        %jit3A_296 = arith.constant 1 : i32
        %select_n3A_297 = arith.select %eq3A_295, %jit3A_296, %jit3A_293 : i32
        %rem3A_298 = arith.remsi %select_n3A_292, %select_n3A_297 : i32
        %ne3A_299 = arith.constant 0 : i32
        %ne3A_300 = arith.cmpi ne, %rem3A_298, %ne3A_299 : i32
        %lt3A_301 = arith.constant 0 : i32
        %lt3A_302 = arith.cmpi slt, %rem3A_298, %lt3A_301 : i32
        %lt3A_303 = arith.constant 0 : i32
        %lt3A_304 = arith.cmpi slt, %select_n3A_297, %lt3A_303 : i32
        %ne3A_305 = arith.xori %lt3A_302, %lt3A_304 : i1
        %and3A_306 = arith.andi %ne3A_305, %ne3A_300 : i1
        %add3A_307 = arith.addi %rem3A_298, %select_n3A_297 : i32
        %select_n3A_308 = arith.select %and3A_306, %add3A_307, %rem3A_298 : i32
        %jit3A_309 = arith.constant 16 : i32
        %eq3A_310 = arith.constant 0 : i32
        %eq3A_311 = arith.cmpi eq, %jit3A_309, %eq3A_310 : i32
        %jit3A_312 = arith.constant 1 : i32
        %select_n3A_313 = arith.select %eq3A_311, %jit3A_312, %jit3A_309 : i32
        %rem3A_314 = arith.remsi %add3A_268, %select_n3A_313 : i32
        %ne3A_315 = arith.constant 0 : i32
        %ne3A_316 = arith.cmpi ne, %rem3A_314, %ne3A_315 : i32
        %lt3A_317 = arith.constant 0 : i32
        %lt3A_318 = arith.cmpi slt, %rem3A_314, %lt3A_317 : i32
        %lt3A_319 = arith.constant 0 : i32
        %lt3A_320 = arith.cmpi slt, %select_n3A_313, %lt3A_319 : i32
        %ne3A_321 = arith.xori %lt3A_318, %lt3A_320 : i1
        %and3A_322 = arith.andi %ne3A_321, %ne3A_316 : i1
        %add3A_323 = arith.addi %rem3A_314, %select_n3A_313 : i32
        %select_n3A_324 = arith.select %and3A_322, %add3A_323, %rem3A_314 : i32
        %jit3A_325 = arith.constant 3 : i32
        %eq3A_326 = arith.constant 0 : i32
        %eq3A_327 = arith.cmpi eq, %jit3A_325, %eq3A_326 : i32
        %jit3A_328 = arith.constant 1 : i32
        %select_n3A_329 = arith.select %eq3A_327, %jit3A_328, %jit3A_325 : i32
        %rem3A_330 = arith.remsi %add3A_268, %select_n3A_329 : i32
        %ne3A_331 = arith.constant 0 : i32
        %ne3A_332 = arith.cmpi ne, %rem3A_330, %ne3A_331 : i32
        %lt3A_333 = arith.constant 0 : i32
        %lt3A_334 = arith.cmpi slt, %rem3A_330, %lt3A_333 : i32
        %lt3A_335 = arith.constant 0 : i32
        %lt3A_336 = arith.cmpi slt, %select_n3A_329, %lt3A_335 : i32
        %ne3A_337 = arith.xori %lt3A_334, %lt3A_336 : i1
        %and3A_338 = arith.andi %ne3A_337, %ne3A_332 : i1
        %add3A_339 = arith.addi %rem3A_330, %select_n3A_329 : i32
        %select_n3A_340 = arith.select %and3A_338, %add3A_339, %rem3A_330 : i32
        %dma_start3A_341 = arith.constant 0 : i32
        %dma_start3A_342 = arith.constant 0 : i32
        %dma_start3A_343 = tpu.memref_slice %arg10[%select_n3A_340, %dma_start3A_341, %dma_start3A_342] : memref<3x100x128xf32, #tpu.memory_space<vmem>> -> memref<1x100x128xf32, #tpu.memory_space<vmem>>
        %dma_start3A_344 = tpu.memref_squeeze %dma_start3A_343 : memref<1x100x128xf32, #tpu.memory_space<vmem>> -> memref<100x128xf32, #tpu.memory_space<vmem>>
        %dma_start3A_345 = arith.constant 0 : i32
        %dma_start3A_346 = tpu.memref_slice %arg8[%select_n3A_308, %select_n3A_324, %dma_start3A_345] : memref<2x16x100xi32, #tpu.memory_space<vmem>> -> memref<1x1x100xi32, #tpu.memory_space<vmem>>
        %dma_start3A_347 = tpu.memref_squeeze %dma_start3A_346 : memref<1x1x100xi32, #tpu.memory_space<vmem>> -> memref<100xi32, #tpu.memory_space<vmem>>
        %dma_start3A_348 = arith.constant 0 : i32
        %dma_start3A_349 = arith.constant 0 : i32
        %dma_start3A_350 = tpu.memref_slice %arg5[%dma_start3A_348, %dma_start3A_349] : memref<10000x128xf32, #tpu.memory_space<hbm>> -> memref<10000x128xf32, #tpu.memory_space<hbm>>
        tpu.enqueue_indirect_dma source(%dma_start3A_350 : memref<10000x128xf32, #tpu.memory_space<hbm>>) target(%dma_start3A_344 : memref<100x128xf32, #tpu.memory_space<vmem>>) offsets(%dma_start3A_347 : memref<100xi32, #tpu.memory_space<vmem>>) semaphore(%arg12 : memref<!tpu.dma_semaphore, #tpu.memory_space<semaphore_mem>>)
        %jit3A_351 = arith.constant 16 : i32
        %div3A_352 = arith.divsi %add3A_104, %jit3A_351 : i32
        %sign3A_353 = arith.constant 0 : i32
        %sign3A_354 = arith.cmpi sgt, %add3A_104, %sign3A_353 : i32
        %sign3A_355 = arith.extui %sign3A_354 : i1 to i32
        %sign3A_356 = arith.constant 0 : i32
        %sign3A_357 = arith.cmpi slt, %add3A_104, %sign3A_356 : i32
        %sign3A_358 = arith.extui %sign3A_357 : i1 to i32
        %sign3A_359 = arith.subi %sign3A_355, %sign3A_358 : i32
        %sign3A_360 = arith.constant 0 : i32
        %sign3A_361 = arith.cmpi sgt, %jit3A_351, %sign3A_360 : i32
        %sign3A_362 = arith.extui %sign3A_361 : i1 to i32
        %sign3A_363 = arith.constant 0 : i32
        %sign3A_364 = arith.cmpi slt, %jit3A_351, %sign3A_363 : i32
        %sign3A_365 = arith.extui %sign3A_364 : i1 to i32
        %sign3A_366 = arith.subi %sign3A_362, %sign3A_365 : i32
        %ne3A_367 = arith.cmpi ne, %sign3A_359, %sign3A_366 : i32
        %rem3A_368 = arith.remsi %add3A_104, %jit3A_351 : i32
        %ne3A_369 = arith.constant 0 : i32
        %ne3A_370 = arith.cmpi ne, %rem3A_368, %ne3A_369 : i32
        %and3A_371 = arith.andi %ne3A_367, %ne3A_370 : i1
        %sub3A_372 = arith.constant 1 : i32
        %sub3A_373 = arith.subi %div3A_352, %sub3A_372 : i32
        %select_n3A_374 = arith.select %and3A_371, %sub3A_373, %div3A_352 : i32
        %jit3A_375 = arith.constant 2 : i32
        %eq3A_376 = arith.constant 0 : i32
        %eq3A_377 = arith.cmpi eq, %jit3A_375, %eq3A_376 : i32
        %jit3A_378 = arith.constant 1 : i32
        %select_n3A_379 = arith.select %eq3A_377, %jit3A_378, %jit3A_375 : i32
        %rem3A_380 = arith.remsi %select_n3A_374, %select_n3A_379 : i32
        %ne3A_381 = arith.constant 0 : i32
        %ne3A_382 = arith.cmpi ne, %rem3A_380, %ne3A_381 : i32
        %lt3A_383 = arith.constant 0 : i32
        %lt3A_384 = arith.cmpi slt, %rem3A_380, %lt3A_383 : i32
        %lt3A_385 = arith.constant 0 : i32
        %lt3A_386 = arith.cmpi slt, %select_n3A_379, %lt3A_385 : i32
        %ne3A_387 = arith.xori %lt3A_384, %lt3A_386 : i1
        %and3A_388 = arith.andi %ne3A_387, %ne3A_382 : i1
        %add3A_389 = arith.addi %rem3A_380, %select_n3A_379 : i32
        %select_n3A_390 = arith.select %and3A_388, %add3A_389, %rem3A_380 : i32
        %jit3A_391 = arith.constant 16 : i32
        %eq3A_392 = arith.constant 0 : i32
        %eq3A_393 = arith.cmpi eq, %jit3A_391, %eq3A_392 : i32
        %jit3A_394 = arith.constant 1 : i32
        %select_n3A_395 = arith.select %eq3A_393, %jit3A_394, %jit3A_391 : i32
        %rem3A_396 = arith.remsi %add3A_104, %select_n3A_395 : i32
        %ne3A_397 = arith.constant 0 : i32
        %ne3A_398 = arith.cmpi ne, %rem3A_396, %ne3A_397 : i32
        %lt3A_399 = arith.constant 0 : i32
        %lt3A_400 = arith.cmpi slt, %rem3A_396, %lt3A_399 : i32
        %lt3A_401 = arith.constant 0 : i32
        %lt3A_402 = arith.cmpi slt, %select_n3A_395, %lt3A_401 : i32
        %ne3A_403 = arith.xori %lt3A_400, %lt3A_402 : i1
        %and3A_404 = arith.andi %ne3A_403, %ne3A_398 : i1
        %add3A_405 = arith.addi %rem3A_396, %select_n3A_395 : i32
        %select_n3A_406 = arith.select %and3A_404, %add3A_405, %rem3A_396 : i32
        %jit3A_407 = arith.constant 3 : i32
        %eq3A_408 = arith.constant 0 : i32
        %eq3A_409 = arith.cmpi eq, %jit3A_407, %eq3A_408 : i32
        %jit3A_410 = arith.constant 1 : i32
        %select_n3A_411 = arith.select %eq3A_409, %jit3A_410, %jit3A_407 : i32
        %rem3A_412 = arith.remsi %add3A_104, %select_n3A_411 : i32
        %ne3A_413 = arith.constant 0 : i32
        %ne3A_414 = arith.cmpi ne, %rem3A_412, %ne3A_413 : i32
        %lt3A_415 = arith.constant 0 : i32
        %lt3A_416 = arith.cmpi slt, %rem3A_412, %lt3A_415 : i32
        %lt3A_417 = arith.constant 0 : i32
        %lt3A_418 = arith.cmpi slt, %select_n3A_411, %lt3A_417 : i32
        %ne3A_419 = arith.xori %lt3A_416, %lt3A_418 : i1
        %and3A_420 = arith.andi %ne3A_419, %ne3A_414 : i1
        %add3A_421 = arith.addi %rem3A_412, %select_n3A_411 : i32
        %select_n3A_422 = arith.select %and3A_420, %add3A_421, %rem3A_412 : i32
        %dma_wait3A_423 = arith.constant 0 : i32
        %dma_wait3A_424 = arith.constant 0 : i32
        %dma_wait3A_425 = tpu.memref_slice %arg10[%select_n3A_422, %dma_wait3A_423, %dma_wait3A_424] : memref<3x100x128xf32, #tpu.memory_space<vmem>> -> memref<1x100x128xf32, #tpu.memory_space<vmem>>
        %dma_wait3A_426 = tpu.memref_squeeze %dma_wait3A_425 : memref<1x100x128xf32, #tpu.memory_space<vmem>> -> memref<100x128xf32, #tpu.memory_space<vmem>>
        %dma_wait3A_427 = arith.constant 0 : i32
        %dma_wait3A_428 = tpu.memref_slice %arg8[%select_n3A_390, %select_n3A_406, %dma_wait3A_427] : memref<2x16x100xi32, #tpu.memory_space<vmem>> -> memref<1x1x100xi32, #tpu.memory_space<vmem>>
        %dma_wait3A_429 = tpu.memref_squeeze %dma_wait3A_428 : memref<1x1x100xi32, #tpu.memory_space<vmem>> -> memref<100xi32, #tpu.memory_space<vmem>>
        %dma_wait3A_430 = arith.constant 0 : i32
        %dma_wait3A_431 = arith.constant 0 : i32
        %dma_wait3A_432 = tpu.memref_slice %arg5[%dma_wait3A_430, %dma_wait3A_431] : memref<10000x128xf32, #tpu.memory_space<hbm>> -> memref<10000x128xf32, #tpu.memory_space<hbm>>
        tpu.wait_indirect_dma semaphore(%arg13 : memref<!tpu.dma_semaphore, #tpu.memory_space<semaphore_mem>>) src(%dma_wait3A_432 : memref<10000x128xf32, #tpu.memory_space<hbm>>) dst(%dma_wait3A_426 : memref<100x128xf32, #tpu.memory_space<vmem>>)
        %jit3A_433 = arith.constant 3 : i32
        %eq3A_434 = arith.constant 0 : i32
        %eq3A_435 = arith.cmpi eq, %jit3A_433, %eq3A_434 : i32
        %jit3A_436 = arith.constant 1 : i32
        %select_n3A_437 = arith.select %eq3A_435, %jit3A_436, %jit3A_433 : i32
        %rem3A_438 = arith.remsi %add3A_104, %select_n3A_437 : i32
        %ne3A_439 = arith.constant 0 : i32
        %ne3A_440 = arith.cmpi ne, %rem3A_438, %ne3A_439 : i32
        %lt3A_441 = arith.constant 0 : i32
        %lt3A_442 = arith.cmpi slt, %rem3A_438, %lt3A_441 : i32
        %lt3A_443 = arith.constant 0 : i32
        %lt3A_444 = arith.cmpi slt, %select_n3A_437, %lt3A_443 : i32
        %ne3A_445 = arith.xori %lt3A_442, %lt3A_444 : i1
        %and3A_446 = arith.andi %ne3A_445, %ne3A_440 : i1
        %add3A_447 = arith.addi %rem3A_438, %select_n3A_437 : i32
        %select_n3A_448 = arith.select %and3A_446, %add3A_447, %rem3A_438 : i32
        %jit3A_449 = arith.constant 16 : i32
        %div3A_450 = arith.divsi %add3A_104, %jit3A_449 : i32
        %sign3A_451 = arith.constant 0 : i32
        %sign3A_452 = arith.cmpi sgt, %add3A_104, %sign3A_451 : i32
        %sign3A_453 = arith.extui %sign3A_452 : i1 to i32
        %sign3A_454 = arith.constant 0 : i32
        %sign3A_455 = arith.cmpi slt, %add3A_104, %sign3A_454 : i32
        %sign3A_456 = arith.extui %sign3A_455 : i1 to i32
        %sign3A_457 = arith.subi %sign3A_453, %sign3A_456 : i32
        %sign3A_458 = arith.constant 0 : i32
        %sign3A_459 = arith.cmpi sgt, %jit3A_449, %sign3A_458 : i32
        %sign3A_460 = arith.extui %sign3A_459 : i1 to i32
        %sign3A_461 = arith.constant 0 : i32
        %sign3A_462 = arith.cmpi slt, %jit3A_449, %sign3A_461 : i32
        %sign3A_463 = arith.extui %sign3A_462 : i1 to i32
        %sign3A_464 = arith.subi %sign3A_460, %sign3A_463 : i32
        %ne3A_465 = arith.cmpi ne, %sign3A_457, %sign3A_464 : i32
        %rem3A_466 = arith.remsi %add3A_104, %jit3A_449 : i32
        %ne3A_467 = arith.constant 0 : i32
        %ne3A_468 = arith.cmpi ne, %rem3A_466, %ne3A_467 : i32
        %and3A_469 = arith.andi %ne3A_465, %ne3A_468 : i1
        %sub3A_470 = arith.constant 1 : i32
        %sub3A_471 = arith.subi %div3A_450, %sub3A_470 : i32
        %select_n3A_472 = arith.select %and3A_469, %sub3A_471, %div3A_450 : i32
        %jit3A_473 = arith.constant 2 : i32
        %eq3A_474 = arith.constant 0 : i32
        %eq3A_475 = arith.cmpi eq, %jit3A_473, %eq3A_474 : i32
        %jit3A_476 = arith.constant 1 : i32
        %select_n3A_477 = arith.select %eq3A_475, %jit3A_476, %jit3A_473 : i32
        %rem3A_478 = arith.remsi %select_n3A_472, %select_n3A_477 : i32
        %ne3A_479 = arith.constant 0 : i32
        %ne3A_480 = arith.cmpi ne, %rem3A_478, %ne3A_479 : i32
        %lt3A_481 = arith.constant 0 : i32
        %lt3A_482 = arith.cmpi slt, %rem3A_478, %lt3A_481 : i32
        %lt3A_483 = arith.constant 0 : i32
        %lt3A_484 = arith.cmpi slt, %select_n3A_477, %lt3A_483 : i32
        %ne3A_485 = arith.xori %lt3A_482, %lt3A_484 : i1
        %and3A_486 = arith.andi %ne3A_485, %ne3A_480 : i1
        %add3A_487 = arith.addi %rem3A_478, %select_n3A_477 : i32
        %select_n3A_488 = arith.select %and3A_486, %add3A_487, %rem3A_478 : i32
        %jit3A_489 = arith.constant 16 : i32
        %eq3A_490 = arith.constant 0 : i32
        %eq3A_491 = arith.cmpi eq, %jit3A_489, %eq3A_490 : i32
        %jit3A_492 = arith.constant 1 : i32
        %select_n3A_493 = arith.select %eq3A_491, %jit3A_492, %jit3A_489 : i32
        %rem3A_494 = arith.remsi %add3A_104, %select_n3A_493 : i32
        %ne3A_495 = arith.constant 0 : i32
        %ne3A_496 = arith.cmpi ne, %rem3A_494, %ne3A_495 : i32
        %lt3A_497 = arith.constant 0 : i32
        %lt3A_498 = arith.cmpi slt, %rem3A_494, %lt3A_497 : i32
        %lt3A_499 = arith.constant 0 : i32
        %lt3A_500 = arith.cmpi slt, %select_n3A_493, %lt3A_499 : i32
        %ne3A_501 = arith.xori %lt3A_498, %lt3A_500 : i1
        %and3A_502 = arith.andi %ne3A_501, %ne3A_496 : i1
        %add3A_503 = arith.addi %rem3A_494, %select_n3A_493 : i32
        %select_n3A_504 = arith.select %and3A_502, %add3A_503, %rem3A_494 : i32
        %dma_start3A_505 = arith.constant 0 : i32
        %dma_start3A_506 = arith.constant 0 : i32
        %dma_start3A_507 = tpu.memref_slice %arg10[%select_n3A_448, %dma_start3A_505, %dma_start3A_506] : memref<3x100x128xf32, #tpu.memory_space<vmem>> -> memref<1x100x128xf32, #tpu.memory_space<vmem>>
        %dma_start3A_508 = tpu.memref_squeeze %dma_start3A_507 : memref<1x100x128xf32, #tpu.memory_space<vmem>> -> memref<100x128xf32, #tpu.memory_space<vmem>>
        %dma_start3A_509 = arith.constant 0 : i32
        %dma_start3A_510 = tpu.memref_slice %arg9[%select_n3A_488, %select_n3A_504, %dma_start3A_509] : memref<2x16x100xi32, #tpu.memory_space<vmem>> -> memref<1x1x100xi32, #tpu.memory_space<vmem>>
        %dma_start3A_511 = tpu.memref_squeeze %dma_start3A_510 : memref<1x1x100xi32, #tpu.memory_space<vmem>> -> memref<100xi32, #tpu.memory_space<vmem>>
        %dma_start3A_512 = arith.constant 0 : i32
        %dma_start3A_513 = arith.constant 0 : i32
        %dma_start3A_514 = tpu.memref_slice %arg11[%dma_start3A_512, %dma_start3A_513] : memref<10000x128xf32, #tpu.memory_space<vmem_shared>> -> memref<10000x128xf32, #tpu.memory_space<vmem_shared>>
        tpu.enqueue_indirect_dma source(%dma_start3A_508 : memref<100x128xf32, #tpu.memory_space<vmem>>) target(%dma_start3A_514 : memref<10000x128xf32, #tpu.memory_space<vmem_shared>>) offsets(%dma_start3A_511 : memref<100xi32, #tpu.memory_space<vmem>>) semaphore(%arg15 : memref<!tpu.dma_semaphore, #tpu.memory_space<semaphore_mem>>) {add = true}
        %jit3A_515 = arith.constant 3 : i32
        %eq3A_516 = arith.constant 0 : i32
        %eq3A_517 = arith.cmpi eq, %jit3A_515, %eq3A_516 : i32
        %jit3A_518 = arith.constant 1 : i32
        %select_n3A_519 = arith.select %eq3A_517, %jit3A_518, %jit3A_515 : i32
        %rem3A_520 = arith.remsi %add3A_100, %select_n3A_519 : i32
        %ne3A_521 = arith.constant 0 : i32
        %ne3A_522 = arith.cmpi ne, %rem3A_520, %ne3A_521 : i32
        %lt3A_523 = arith.constant 0 : i32
        %lt3A_524 = arith.cmpi slt, %rem3A_520, %lt3A_523 : i32
        %lt3A_525 = arith.constant 0 : i32
        %lt3A_526 = arith.cmpi slt, %select_n3A_519, %lt3A_525 : i32
        %ne3A_527 = arith.xori %lt3A_524, %lt3A_526 : i1
        %and3A_528 = arith.andi %ne3A_527, %ne3A_522 : i1
        %add3A_529 = arith.addi %rem3A_520, %select_n3A_519 : i32
        %select_n3A_530 = arith.select %and3A_528, %add3A_529, %rem3A_520 : i32
        %jit3A_531 = arith.constant 16 : i32
        %div3A_532 = arith.divsi %add3A_100, %jit3A_531 : i32
        %sign3A_533 = arith.constant 0 : i32
        %sign3A_534 = arith.cmpi sgt, %add3A_100, %sign3A_533 : i32
        %sign3A_535 = arith.extui %sign3A_534 : i1 to i32
        %sign3A_536 = arith.constant 0 : i32
        %sign3A_537 = arith.cmpi slt, %add3A_100, %sign3A_536 : i32
        %sign3A_538 = arith.extui %sign3A_537 : i1 to i32
        %sign3A_539 = arith.subi %sign3A_535, %sign3A_538 : i32
        %sign3A_540 = arith.constant 0 : i32
        %sign3A_541 = arith.cmpi sgt, %jit3A_531, %sign3A_540 : i32
        %sign3A_542 = arith.extui %sign3A_541 : i1 to i32
        %sign3A_543 = arith.constant 0 : i32
        %sign3A_544 = arith.cmpi slt, %jit3A_531, %sign3A_543 : i32
        %sign3A_545 = arith.extui %sign3A_544 : i1 to i32
        %sign3A_546 = arith.subi %sign3A_542, %sign3A_545 : i32
        %ne3A_547 = arith.cmpi ne, %sign3A_539, %sign3A_546 : i32
        %rem3A_548 = arith.remsi %add3A_100, %jit3A_531 : i32
        %ne3A_549 = arith.constant 0 : i32
        %ne3A_550 = arith.cmpi ne, %rem3A_548, %ne3A_549 : i32
        %and3A_551 = arith.andi %ne3A_547, %ne3A_550 : i1
        %sub3A_552 = arith.constant 1 : i32
        %sub3A_553 = arith.subi %div3A_532, %sub3A_552 : i32
        %select_n3A_554 = arith.select %and3A_551, %sub3A_553, %div3A_532 : i32
        %jit3A_555 = arith.constant 2 : i32
        %eq3A_556 = arith.constant 0 : i32
        %eq3A_557 = arith.cmpi eq, %jit3A_555, %eq3A_556 : i32
        %jit3A_558 = arith.constant 1 : i32
        %select_n3A_559 = arith.select %eq3A_557, %jit3A_558, %jit3A_555 : i32
        %rem3A_560 = arith.remsi %select_n3A_554, %select_n3A_559 : i32
        %ne3A_561 = arith.constant 0 : i32
        %ne3A_562 = arith.cmpi ne, %rem3A_560, %ne3A_561 : i32
        %lt3A_563 = arith.constant 0 : i32
        %lt3A_564 = arith.cmpi slt, %rem3A_560, %lt3A_563 : i32
        %lt3A_565 = arith.constant 0 : i32
        %lt3A_566 = arith.cmpi slt, %select_n3A_559, %lt3A_565 : i32
        %ne3A_567 = arith.xori %lt3A_564, %lt3A_566 : i1
        %and3A_568 = arith.andi %ne3A_567, %ne3A_562 : i1
        %add3A_569 = arith.addi %rem3A_560, %select_n3A_559 : i32
        %select_n3A_570 = arith.select %and3A_568, %add3A_569, %rem3A_560 : i32
        %jit3A_571 = arith.constant 16 : i32
        %eq3A_572 = arith.constant 0 : i32
        %eq3A_573 = arith.cmpi eq, %jit3A_571, %eq3A_572 : i32
        %jit3A_574 = arith.constant 1 : i32
        %select_n3A_575 = arith.select %eq3A_573, %jit3A_574, %jit3A_571 : i32
        %rem3A_576 = arith.remsi %add3A_100, %select_n3A_575 : i32
        %ne3A_577 = arith.constant 0 : i32
        %ne3A_578 = arith.cmpi ne, %rem3A_576, %ne3A_577 : i32
        %lt3A_579 = arith.constant 0 : i32
        %lt3A_580 = arith.cmpi slt, %rem3A_576, %lt3A_579 : i32
        %lt3A_581 = arith.constant 0 : i32
        %lt3A_582 = arith.cmpi slt, %select_n3A_575, %lt3A_581 : i32
        %ne3A_583 = arith.xori %lt3A_580, %lt3A_582 : i1
        %and3A_584 = arith.andi %ne3A_583, %ne3A_578 : i1
        %add3A_585 = arith.addi %rem3A_576, %select_n3A_575 : i32
        %select_n3A_586 = arith.select %and3A_584, %add3A_585, %rem3A_576 : i32
        %dma_wait3A_587 = arith.constant 0 : i32
        %dma_wait3A_588 = arith.constant 0 : i32
        %dma_wait3A_589 = tpu.memref_slice %arg10[%select_n3A_530, %dma_wait3A_587, %dma_wait3A_588] : memref<3x100x128xf32, #tpu.memory_space<vmem>> -> memref<1x100x128xf32, #tpu.memory_space<vmem>>
        %dma_wait3A_590 = tpu.memref_squeeze %dma_wait3A_589 : memref<1x100x128xf32, #tpu.memory_space<vmem>> -> memref<100x128xf32, #tpu.memory_space<vmem>>
        %dma_wait3A_591 = arith.constant 0 : i32
        %dma_wait3A_592 = tpu.memref_slice %arg9[%select_n3A_570, %select_n3A_586, %dma_wait3A_591] : memref<2x16x100xi32, #tpu.memory_space<vmem>> -> memref<1x1x100xi32, #tpu.memory_space<vmem>>
        %dma_wait3A_593 = tpu.memref_squeeze %dma_wait3A_592 : memref<1x1x100xi32, #tpu.memory_space<vmem>> -> memref<100xi32, #tpu.memory_space<vmem>>
        %dma_wait3A_594 = arith.constant 0 : i32
        %dma_wait3A_595 = arith.constant 0 : i32
        %dma_wait3A_596 = tpu.memref_slice %arg11[%dma_wait3A_594, %dma_wait3A_595] : memref<10000x128xf32, #tpu.memory_space<vmem_shared>> -> memref<10000x128xf32, #tpu.memory_space<vmem_shared>>
        tpu.wait_indirect_dma semaphore(%arg14 : memref<!tpu.dma_semaphore, #tpu.memory_space<semaphore_mem>>) src(%dma_wait3A_590 : memref<100x128xf32, #tpu.memory_space<vmem>>) dst(%dma_wait3A_596 : memref<10000x128xf32, #tpu.memory_space<vmem_shared>>)
        %not3A = arith.constant true
        %not3A_597 = arith.xori %eq3A_102, %not3A : i1
        %convert_element_type3A_598 = arith.extui %not3A_597 : i1 to i32
        %cond3A_599 = arith.constant 0 : i32
        %cond3A_600 = arith.cmpi ne, %convert_element_type3A_598, %cond3A_599 : i32
        scf.if %cond3A_600 {
          %add3A_601 = arith.constant 2 : i32
          %add3A_602 = arith.addi %add3A_104, %add3A_601 : i32
          %jit3A_603 = arith.constant 16 : i32
          %div3A_604 = arith.divsi %add3A_602, %jit3A_603 : i32
          %sign3A_605 = arith.constant 0 : i32
          %sign3A_606 = arith.cmpi sgt, %add3A_602, %sign3A_605 : i32
          %sign3A_607 = arith.extui %sign3A_606 : i1 to i32
          %sign3A_608 = arith.constant 0 : i32
          %sign3A_609 = arith.cmpi slt, %add3A_602, %sign3A_608 : i32
          %sign3A_610 = arith.extui %sign3A_609 : i1 to i32
          %sign3A_611 = arith.subi %sign3A_607, %sign3A_610 : i32
          %sign3A_612 = arith.constant 0 : i32
          %sign3A_613 = arith.cmpi sgt, %jit3A_603, %sign3A_612 : i32
          %sign3A_614 = arith.extui %sign3A_613 : i1 to i32
          %sign3A_615 = arith.constant 0 : i32
          %sign3A_616 = arith.cmpi slt, %jit3A_603, %sign3A_615 : i32
          %sign3A_617 = arith.extui %sign3A_616 : i1 to i32
          %sign3A_618 = arith.subi %sign3A_614, %sign3A_617 : i32
          %ne3A_619 = arith.cmpi ne, %sign3A_611, %sign3A_618 : i32
          %rem3A_620 = arith.remsi %add3A_602, %jit3A_603 : i32
          %ne3A_621 = arith.constant 0 : i32
          %ne3A_622 = arith.cmpi ne, %rem3A_620, %ne3A_621 : i32
          %and3A_623 = arith.andi %ne3A_619, %ne3A_622 : i1
          %sub3A_624 = arith.constant 1 : i32
          %sub3A_625 = arith.subi %div3A_604, %sub3A_624 : i32
          %select_n3A_626 = arith.select %and3A_623, %sub3A_625, %div3A_604 : i32
          %jit3A_627 = arith.constant 2 : i32
          %eq3A_628 = arith.constant 0 : i32
          %eq3A_629 = arith.cmpi eq, %jit3A_627, %eq3A_628 : i32
          %jit3A_630 = arith.constant 1 : i32
          %select_n3A_631 = arith.select %eq3A_629, %jit3A_630, %jit3A_627 : i32
          %rem3A_632 = arith.remsi %select_n3A_626, %select_n3A_631 : i32
          %ne3A_633 = arith.constant 0 : i32
          %ne3A_634 = arith.cmpi ne, %rem3A_632, %ne3A_633 : i32
          %lt3A_635 = arith.constant 0 : i32
          %lt3A_636 = arith.cmpi slt, %rem3A_632, %lt3A_635 : i32
          %lt3A_637 = arith.constant 0 : i32
          %lt3A_638 = arith.cmpi slt, %select_n3A_631, %lt3A_637 : i32
          %ne3A_639 = arith.xori %lt3A_636, %lt3A_638 : i1
          %and3A_640 = arith.andi %ne3A_639, %ne3A_634 : i1
          %add3A_641 = arith.addi %rem3A_632, %select_n3A_631 : i32
          %select_n3A_642 = arith.select %and3A_640, %add3A_641, %rem3A_632 : i32
          %jit3A_643 = arith.constant 16 : i32
          %eq3A_644 = arith.constant 0 : i32
          %eq3A_645 = arith.cmpi eq, %jit3A_643, %eq3A_644 : i32
          %jit3A_646 = arith.constant 1 : i32
          %select_n3A_647 = arith.select %eq3A_645, %jit3A_646, %jit3A_643 : i32
          %rem3A_648 = arith.remsi %add3A_602, %select_n3A_647 : i32
          %ne3A_649 = arith.constant 0 : i32
          %ne3A_650 = arith.cmpi ne, %rem3A_648, %ne3A_649 : i32
          %lt3A_651 = arith.constant 0 : i32
          %lt3A_652 = arith.cmpi slt, %rem3A_648, %lt3A_651 : i32
          %lt3A_653 = arith.constant 0 : i32
          %lt3A_654 = arith.cmpi slt, %select_n3A_647, %lt3A_653 : i32
          %ne3A_655 = arith.xori %lt3A_652, %lt3A_654 : i1
          %and3A_656 = arith.andi %ne3A_655, %ne3A_650 : i1
          %add3A_657 = arith.addi %rem3A_648, %select_n3A_647 : i32
          %select_n3A_658 = arith.select %and3A_656, %add3A_657, %rem3A_648 : i32
          %jit3A_659 = arith.constant 3 : i32
          %eq3A_660 = arith.constant 0 : i32
          %eq3A_661 = arith.cmpi eq, %jit3A_659, %eq3A_660 : i32
          %jit3A_662 = arith.constant 1 : i32
          %select_n3A_663 = arith.select %eq3A_661, %jit3A_662, %jit3A_659 : i32
          %rem3A_664 = arith.remsi %add3A_602, %select_n3A_663 : i32
          %ne3A_665 = arith.constant 0 : i32
          %ne3A_666 = arith.cmpi ne, %rem3A_664, %ne3A_665 : i32
          %lt3A_667 = arith.constant 0 : i32
          %lt3A_668 = arith.cmpi slt, %rem3A_664, %lt3A_667 : i32
          %lt3A_669 = arith.constant 0 : i32
          %lt3A_670 = arith.cmpi slt, %select_n3A_663, %lt3A_669 : i32
          %ne3A_671 = arith.xori %lt3A_668, %lt3A_670 : i1
          %and3A_672 = arith.andi %ne3A_671, %ne3A_666 : i1
          %add3A_673 = arith.addi %rem3A_664, %select_n3A_663 : i32
          %select_n3A_674 = arith.select %and3A_672, %add3A_673, %rem3A_664 : i32
          %dma_start3A_675 = arith.constant 0 : i32
          %dma_start3A_676 = arith.constant 0 : i32
          %dma_start3A_677 = tpu.memref_slice %arg10[%select_n3A_674, %dma_start3A_675, %dma_start3A_676] : memref<3x100x128xf32, #tpu.memory_space<vmem>> -> memref<1x100x128xf32, #tpu.memory_space<vmem>>
          %dma_start3A_678 = tpu.memref_squeeze %dma_start3A_677 : memref<1x100x128xf32, #tpu.memory_space<vmem>> -> memref<100x128xf32, #tpu.memory_space<vmem>>
          %dma_start3A_679 = arith.constant 0 : i32
          %dma_start3A_680 = tpu.memref_slice %arg8[%select_n3A_642, %select_n3A_658, %dma_start3A_679] : memref<2x16x100xi32, #tpu.memory_space<vmem>> -> memref<1x1x100xi32, #tpu.memory_space<vmem>>
          %dma_start3A_681 = tpu.memref_squeeze %dma_start3A_680 : memref<1x1x100xi32, #tpu.memory_space<vmem>> -> memref<100xi32, #tpu.memory_space<vmem>>
          %dma_start3A_682 = arith.constant 0 : i32
          %dma_start3A_683 = arith.constant 0 : i32
          %dma_start3A_684 = tpu.memref_slice %arg5[%dma_start3A_682, %dma_start3A_683] : memref<10000x128xf32, #tpu.memory_space<hbm>> -> memref<10000x128xf32, #tpu.memory_space<hbm>>
          tpu.enqueue_indirect_dma source(%dma_start3A_684 : memref<10000x128xf32, #tpu.memory_space<hbm>>) target(%dma_start3A_678 : memref<100x128xf32, #tpu.memory_space<vmem>>) offsets(%dma_start3A_681 : memref<100xi32, #tpu.memory_space<vmem>>) semaphore(%arg13 : memref<!tpu.dma_semaphore, #tpu.memory_space<semaphore_mem>>)
        } else {
        }
      }
      %scan3A_71 = arith.constant 8 : i32
      %dma_wait3A = arith.constant 0 : i32
      %dma_wait3A_72 = arith.constant 0 : i32
      %dma_wait3A_73 = arith.constant 15 : i32
      %dma_wait3A_74 = arith.constant 0 : i32
      %dma_wait3A_75 = arith.constant 0 : i32
      %dma_wait3A_76 = tpu.memref_slice %arg10[%dma_wait3A, %dma_wait3A_74, %dma_wait3A_75] : memref<3x100x128xf32, #tpu.memory_space<vmem>> -> memref<1x100x128xf32, #tpu.memory_space<vmem>>
      %dma_wait3A_77 = tpu.memref_squeeze %dma_wait3A_76 : memref<1x100x128xf32, #tpu.memory_space<vmem>> -> memref<100x128xf32, #tpu.memory_space<vmem>>
      %dma_wait3A_78 = arith.constant 0 : i32
      %dma_wait3A_79 = tpu.memref_slice %arg9[%dma_wait3A_72, %dma_wait3A_73, %dma_wait3A_78] : memref<2x16x100xi32, #tpu.memory_space<vmem>> -> memref<1x1x100xi32, #tpu.memory_space<vmem>>
      %dma_wait3A_80 = tpu.memref_squeeze %dma_wait3A_79 : memref<1x1x100xi32, #tpu.memory_space<vmem>> -> memref<100xi32, #tpu.memory_space<vmem>>
      %dma_wait3A_81 = arith.constant 0 : i32
      %dma_wait3A_82 = arith.constant 0 : i32
      %dma_wait3A_83 = tpu.memref_slice %arg11[%dma_wait3A_81, %dma_wait3A_82] : memref<10000x128xf32, #tpu.memory_space<vmem_shared>> -> memref<10000x128xf32, #tpu.memory_space<vmem_shared>>
      tpu.wait_indirect_dma semaphore(%arg15 : memref<!tpu.dma_semaphore, #tpu.memory_space<semaphore_mem>>) src(%dma_wait3A_77 : memref<100x128xf32, #tpu.memory_space<vmem>>) dst(%dma_wait3A_83 : memref<10000x128xf32, #tpu.memory_space<vmem_shared>>)
      %dma_wait3A_84 = arith.constant 1 : i32
      %dma_wait3A_85 = arith.constant 0 : i32
      %dma_wait3A_86 = arith.constant 1 : i32
      %dma_wait3A_87 = arith.constant 0 : i32
      %dma_wait3A_88 = arith.constant 0 : i32
      %dma_wait3A_89 = tpu.memref_slice %arg10[%dma_wait3A_86, %dma_wait3A_87, %dma_wait3A_88] : memref<3x100x128xf32, #tpu.memory_space<vmem>> -> memref<1x100x128xf32, #tpu.memory_space<vmem>>
      %dma_wait3A_90 = tpu.memref_squeeze %dma_wait3A_89 : memref<1x100x128xf32, #tpu.memory_space<vmem>> -> memref<100x128xf32, #tpu.memory_space<vmem>>
      %dma_wait3A_91 = arith.constant 0 : i32
      %dma_wait3A_92 = tpu.memref_slice %arg8[%dma_wait3A_84, %dma_wait3A_85, %dma_wait3A_91] : memref<2x16x100xi32, #tpu.memory_space<vmem>> -> memref<1x1x100xi32, #tpu.memory_space<vmem>>
      %dma_wait3A_93 = tpu.memref_squeeze %dma_wait3A_92 : memref<1x1x100xi32, #tpu.memory_space<vmem>> -> memref<100xi32, #tpu.memory_space<vmem>>
      %dma_wait3A_94 = arith.constant 0 : i32
      %dma_wait3A_95 = arith.constant 0 : i32
      %dma_wait3A_96 = tpu.memref_slice %arg5[%dma_wait3A_94, %dma_wait3A_95] : memref<10000x128xf32, #tpu.memory_space<hbm>> -> memref<10000x128xf32, #tpu.memory_space<hbm>>
      tpu.wait_indirect_dma semaphore(%arg12 : memref<!tpu.dma_semaphore, #tpu.memory_space<semaphore_mem>>) src(%dma_wait3A_96 : memref<10000x128xf32, #tpu.memory_space<hbm>>) dst(%dma_wait3A_90 : memref<100x128xf32, #tpu.memory_space<vmem>>)
    } else {
    }
    %barrier3A_20 = arith.constant 0 : index
    tpu.barrier barrier_id(%barrier3A_20)
    %while3A_21 = arith.constant 0 : i32
    %while3A_22 = arith.constant 0 : i32
    %while3A_23 = arith.constant 0 : i32
    %while3A_24 = arith.subi %select_n3A, %while3A_23 : i32
    %while3A_25 = arith.addi %while3A_23, %while3A_24 : i32
    %while3A_26 = arith.constant 1 : i32
    %while3A_27 = arith.divsi %while3A_24, %while3A_26 : i32
    %while3A_28 = arith.muli %while3A_27, %while3A_26 : i32
    %while3A_29 = arith.addi %while3A_23, %while3A_28 : i32
    %while3A_30 = arith.constant 1 : i32
    scf.for %while3A_32 = %while3A_23 to %while3A_29 step %while3A_30  : i32 {
      %mul3A_33 = arith.constant 80 : i32
      %mul3A_34 = arith.muli %mul3A_33, %while3A_32 : i32
      %add3A = arith.addi %mul3A_0, %mul3A_34 : i32
      "tpu.region"() ({
        %run_scoped3A_38 = tpu.sem_alloc : memref<!tpu.dma_semaphore, #tpu.memory_space<semaphore_mem>>
        %dma_start3A = arith.constant 0 : i32
        %dma_start3A_39 = arith.constant 0 : i32
        %dma_start3A_40 = tpu.memref_slice %arg10[%while3A_22, %dma_start3A, %dma_start3A_39] : memref<3x100x128xf32, #tpu.memory_space<vmem>> -> memref<1x80x128xf32, #tpu.memory_space<vmem>>
        %dma_start3A_41 = tpu.memref_squeeze %dma_start3A_40 : memref<1x80x128xf32, #tpu.memory_space<vmem>> -> memref<80x128xf32, #tpu.memory_space<vmem>>
        %dma_start3A_42 = arith.constant 0 : i32
        %dma_start3A_43 = tpu.memref_slice %arg11[%add3A, %dma_start3A_42] : memref<10000x128xf32, #tpu.memory_space<vmem_shared>> -> memref<80x128xf32, #tpu.memory_space<vmem_shared>>
        %dma_start3A_44 = arith.constant 0 : i32
        %dma_start3A_45 = arith.constant 0 : i32
        %dma_start3A_46 = tpu.memref_slice %arg10[%while3A_22, %dma_start3A_44, %dma_start3A_45] : memref<3x100x128xf32, #tpu.memory_space<vmem>> -> memref<1x80x128xf32, #tpu.memory_space<vmem>>
        %dma_start3A_47 = tpu.memref_squeeze %dma_start3A_46 : memref<1x80x128xf32, #tpu.memory_space<vmem>> -> memref<80x128xf32, #tpu.memory_space<vmem>>
        %dma_start3A_48 = arith.constant 0 : i32
        %dma_start3A_49 = tpu.memref_slice %arg11[%add3A, %dma_start3A_48] : memref<10000x128xf32, #tpu.memory_space<vmem_shared>> -> memref<80x128xf32, #tpu.memory_space<vmem_shared>>
        tpu.enqueue_dma source(%dma_start3A_49 : memref<80x128xf32, #tpu.memory_space<vmem_shared>>) target(%dma_start3A_47 : memref<80x128xf32, #tpu.memory_space<vmem>>) target_semaphore(%run_scoped3A_38 : memref<!tpu.dma_semaphore, #tpu.memory_space<semaphore_mem>>)
        %dma_wait3A = arith.constant 0 : i32
        %dma_wait3A_50 = arith.constant 0 : i32
        %dma_wait3A_51 = tpu.memref_slice %arg10[%while3A_22, %dma_wait3A, %dma_wait3A_50] : memref<3x100x128xf32, #tpu.memory_space<vmem>> -> memref<1x80x128xf32, #tpu.memory_space<vmem>>
        %dma_wait3A_52 = tpu.memref_squeeze %dma_wait3A_51 : memref<1x80x128xf32, #tpu.memory_space<vmem>> -> memref<80x128xf32, #tpu.memory_space<vmem>>
        %dma_wait3A_53 = arith.constant 0 : i32
        %dma_wait3A_54 = tpu.memref_slice %arg11[%add3A, %dma_wait3A_53] : memref<10000x128xf32, #tpu.memory_space<vmem_shared>> -> memref<80x128xf32, #tpu.memory_space<vmem_shared>>
        %dma_wait3A_55 = arith.constant 0 : i32
        %dma_wait3A_56 = arith.constant 0 : i32
        %dma_wait3A_57 = tpu.memref_slice %arg10[%while3A_22, %dma_wait3A_55, %dma_wait3A_56] : memref<3x100x128xf32, #tpu.memory_space<vmem>> -> memref<1x80x128xf32, #tpu.memory_space<vmem>>
        %dma_wait3A_58 = tpu.memref_squeeze %dma_wait3A_57 : memref<1x80x128xf32, #tpu.memory_space<vmem>> -> memref<80x128xf32, #tpu.memory_space<vmem>>
        %dma_wait3A_59 = arith.constant 0 : i32
        %dma_wait3A_60 = tpu.memref_slice %arg11[%add3A, %dma_wait3A_59] : memref<10000x128xf32, #tpu.memory_space<vmem_shared>> -> memref<80x128xf32, #tpu.memory_space<vmem_shared>>
        tpu.wait_dma2 semaphore(%run_scoped3A_38 : memref<!tpu.dma_semaphore, #tpu.memory_space<semaphore_mem>>) src(%dma_wait3A_60 : memref<80x128xf32, #tpu.memory_space<vmem_shared>>) dst(%dma_wait3A_58 : memref<80x128xf32, #tpu.memory_space<vmem>>)
        tpu.yield
      }) : () -> ()
      %mul3A_35 = arith.constant 80 : i32
      %mul3A_36 = arith.muli %mul3A_35, %while3A_32 : i32
      %add3A_37 = arith.addi %mul3A_0, %mul3A_36 : i32
      "tpu.region"() ({
        %run_scoped3A_38 = tpu.sem_alloc : memref<!tpu.dma_semaphore, #tpu.memory_space<semaphore_mem>>
        %dma_start3A = arith.constant 0 : i32
        %dma_start3A_39 = arith.constant 0 : i32
        %dma_start3A_40 = tpu.memref_slice %arg10[%while3A_22, %dma_start3A, %dma_start3A_39] : memref<3x100x128xf32, #tpu.memory_space<vmem>> -> memref<1x80x128xf32, #tpu.memory_space<vmem>>
        %dma_start3A_41 = tpu.memref_squeeze %dma_start3A_40 : memref<1x80x128xf32, #tpu.memory_space<vmem>> -> memref<80x128xf32, #tpu.memory_space<vmem>>
        %dma_start3A_42 = arith.constant 0 : i32
        %dma_start3A_43 = tpu.memref_slice %arg7[%arg0, %add3A_37, %dma_start3A_42] : memref<2x10000x128xf32, #tpu.memory_space<hbm>> -> memref<1x80x128xf32, #tpu.memory_space<hbm>>
        %dma_start3A_44 = tpu.memref_squeeze %dma_start3A_43 : memref<1x80x128xf32, #tpu.memory_space<hbm>> -> memref<80x128xf32, #tpu.memory_space<hbm>>
        %dma_start3A_45 = arith.constant 0 : i32
        %dma_start3A_46 = tpu.memref_slice %arg7[%arg0, %add3A_37, %dma_start3A_45] : memref<2x10000x128xf32, #tpu.memory_space<hbm>> -> memref<1x80x128xf32, #tpu.memory_space<hbm>>
        %dma_start3A_47 = tpu.memref_squeeze %dma_start3A_46 : memref<1x80x128xf32, #tpu.memory_space<hbm>> -> memref<80x128xf32, #tpu.memory_space<hbm>>
        %dma_start3A_48 = arith.constant 0 : i32
        %dma_start3A_49 = arith.constant 0 : i32
        %dma_start3A_50 = tpu.memref_slice %arg10[%while3A_22, %dma_start3A_48, %dma_start3A_49] : memref<3x100x128xf32, #tpu.memory_space<vmem>> -> memref<1x80x128xf32, #tpu.memory_space<vmem>>
        %dma_start3A_51 = tpu.memref_squeeze %dma_start3A_50 : memref<1x80x128xf32, #tpu.memory_space<vmem>> -> memref<80x128xf32, #tpu.memory_space<vmem>>
        tpu.enqueue_dma source(%dma_start3A_51 : memref<80x128xf32, #tpu.memory_space<vmem>>) target(%dma_start3A_47 : memref<80x128xf32, #tpu.memory_space<hbm>>) target_semaphore(%run_scoped3A_38 : memref<!tpu.dma_semaphore, #tpu.memory_space<semaphore_mem>>)
        %dma_wait3A = arith.constant 0 : i32
        %dma_wait3A_52 = arith.constant 0 : i32
        %dma_wait3A_53 = tpu.memref_slice %arg10[%while3A_22, %dma_wait3A, %dma_wait3A_52] : memref<3x100x128xf32, #tpu.memory_space<vmem>> -> memref<1x80x128xf32, #tpu.memory_space<vmem>>
        %dma_wait3A_54 = tpu.memref_squeeze %dma_wait3A_53 : memref<1x80x128xf32, #tpu.memory_space<vmem>> -> memref<80x128xf32, #tpu.memory_space<vmem>>
        %dma_wait3A_55 = arith.constant 0 : i32
        %dma_wait3A_56 = tpu.memref_slice %arg7[%arg0, %add3A_37, %dma_wait3A_55] : memref<2x10000x128xf32, #tpu.memory_space<hbm>> -> memref<1x80x128xf32, #tpu.memory_space<hbm>>
        %dma_wait3A_57 = tpu.memref_squeeze %dma_wait3A_56 : memref<1x80x128xf32, #tpu.memory_space<hbm>> -> memref<80x128xf32, #tpu.memory_space<hbm>>
        %dma_wait3A_58 = arith.constant 0 : i32
        %dma_wait3A_59 = tpu.memref_slice %arg7[%arg0, %add3A_37, %dma_wait3A_58] : memref<2x10000x128xf32, #tpu.memory_space<hbm>> -> memref<1x80x128xf32, #tpu.memory_space<hbm>>
        %dma_wait3A_60 = tpu.memref_squeeze %dma_wait3A_59 : memref<1x80x128xf32, #tpu.memory_space<hbm>> -> memref<80x128xf32, #tpu.memory_space<hbm>>
        %dma_wait3A_61 = arith.constant 0 : i32
        %dma_wait3A_62 = arith.constant 0 : i32
        %dma_wait3A_63 = tpu.memref_slice %arg10[%while3A_22, %dma_wait3A_61, %dma_wait3A_62] : memref<3x100x128xf32, #tpu.memory_space<vmem>> -> memref<1x80x128xf32, #tpu.memory_space<vmem>>
        %dma_wait3A_64 = tpu.memref_squeeze %dma_wait3A_63 : memref<1x80x128xf32, #tpu.memory_space<vmem>> -> memref<80x128xf32, #tpu.memory_space<vmem>>
        tpu.wait_dma2 semaphore(%run_scoped3A_38 : memref<!tpu.dma_semaphore, #tpu.memory_space<semaphore_mem>>) src(%dma_wait3A_64 : memref<80x128xf32, #tpu.memory_space<vmem>>) dst(%dma_wait3A_60 : memref<80x128xf32, #tpu.memory_space<hbm>>)
        tpu.yield
      }) : () -> ()
    }
    %while3A_31 = arith.constant 1 : i32
    scf.for %while3A_32 = %while3A_29 to %while3A_25 step %while3A_31  : i32 {
      %mul3A_33 = arith.constant 80 : i32
      %mul3A_34 = arith.muli %mul3A_33, %while3A_32 : i32
      %add3A = arith.addi %mul3A_0, %mul3A_34 : i32
      "tpu.region"() ({
        %run_scoped3A_38 = tpu.sem_alloc : memref<!tpu.dma_semaphore, #tpu.memory_space<semaphore_mem>>
        %dma_start3A = arith.constant 0 : i32
        %dma_start3A_39 = arith.constant 0 : i32
        %dma_start3A_40 = tpu.memref_slice %arg10[%while3A_22, %dma_start3A, %dma_start3A_39] : memref<3x100x128xf32, #tpu.memory_space<vmem>> -> memref<1x80x128xf32, #tpu.memory_space<vmem>>
        %dma_start3A_41 = tpu.memref_squeeze %dma_start3A_40 : memref<1x80x128xf32, #tpu.memory_space<vmem>> -> memref<80x128xf32, #tpu.memory_space<vmem>>
        %dma_start3A_42 = arith.constant 0 : i32
        %dma_start3A_43 = tpu.memref_slice %arg11[%add3A, %dma_start3A_42] : memref<10000x128xf32, #tpu.memory_space<vmem_shared>> -> memref<80x128xf32, #tpu.memory_space<vmem_shared>>
        %dma_start3A_44 = arith.constant 0 : i32
        %dma_start3A_45 = arith.constant 0 : i32
        %dma_start3A_46 = tpu.memref_slice %arg10[%while3A_22, %dma_start3A_44, %dma_start3A_45] : memref<3x100x128xf32, #tpu.memory_space<vmem>> -> memref<1x80x128xf32, #tpu.memory_space<vmem>>
        %dma_start3A_47 = tpu.memref_squeeze %dma_start3A_46 : memref<1x80x128xf32, #tpu.memory_space<vmem>> -> memref<80x128xf32, #tpu.memory_space<vmem>>
        %dma_start3A_48 = arith.constant 0 : i32
        %dma_start3A_49 = tpu.memref_slice %arg11[%add3A, %dma_start3A_48] : memref<10000x128xf32, #tpu.memory_space<vmem_shared>> -> memref<80x128xf32, #tpu.memory_space<vmem_shared>>
        tpu.enqueue_dma source(%dma_start3A_49 : memref<80x128xf32, #tpu.memory_space<vmem_shared>>) target(%dma_start3A_47 : memref<80x128xf32, #tpu.memory_space<vmem>>) target_semaphore(%run_scoped3A_38 : memref<!tpu.dma_semaphore, #tpu.memory_space<semaphore_mem>>)
        %dma_wait3A = arith.constant 0 : i32
        %dma_wait3A_50 = arith.constant 0 : i32
        %dma_wait3A_51 = tpu.memref_slice %arg10[%while3A_22, %dma_wait3A, %dma_wait3A_50] : memref<3x100x128xf32, #tpu.memory_space<vmem>> -> memref<1x80x128xf32, #tpu.memory_space<vmem>>
        %dma_wait3A_52 = tpu.memref_squeeze %dma_wait3A_51 : memref<1x80x128xf32, #tpu.memory_space<vmem>> -> memref<80x128xf32, #tpu.memory_space<vmem>>
        %dma_wait3A_53 = arith.constant 0 : i32
        %dma_wait3A_54 = tpu.memref_slice %arg11[%add3A, %dma_wait3A_53] : memref<10000x128xf32, #tpu.memory_space<vmem_shared>> -> memref<80x128xf32, #tpu.memory_space<vmem_shared>>
        %dma_wait3A_55 = arith.constant 0 : i32
        %dma_wait3A_56 = arith.constant 0 : i32
        %dma_wait3A_57 = tpu.memref_slice %arg10[%while3A_22, %dma_wait3A_55, %dma_wait3A_56] : memref<3x100x128xf32, #tpu.memory_space<vmem>> -> memref<1x80x128xf32, #tpu.memory_space<vmem>>
        %dma_wait3A_58 = tpu.memref_squeeze %dma_wait3A_57 : memref<1x80x128xf32, #tpu.memory_space<vmem>> -> memref<80x128xf32, #tpu.memory_space<vmem>>
        %dma_wait3A_59 = arith.constant 0 : i32
        %dma_wait3A_60 = tpu.memref_slice %arg11[%add3A, %dma_wait3A_59] : memref<10000x128xf32, #tpu.memory_space<vmem_shared>> -> memref<80x128xf32, #tpu.memory_space<vmem_shared>>
        tpu.wait_dma2 semaphore(%run_scoped3A_38 : memref<!tpu.dma_semaphore, #tpu.memory_space<semaphore_mem>>) src(%dma_wait3A_60 : memref<80x128xf32, #tpu.memory_space<vmem_shared>>) dst(%dma_wait3A_58 : memref<80x128xf32, #tpu.memory_space<vmem>>)
        tpu.yield
      }) : () -> ()
      %mul3A_35 = arith.constant 80 : i32
      %mul3A_36 = arith.muli %mul3A_35, %while3A_32 : i32
      %add3A_37 = arith.addi %mul3A_0, %mul3A_36 : i32
      "tpu.region"() ({
        %run_scoped3A_38 = tpu.sem_alloc : memref<!tpu.dma_semaphore, #tpu.memory_space<semaphore_mem>>
        %dma_start3A = arith.constant 0 : i32
        %dma_start3A_39 = arith.constant 0 : i32
        %dma_start3A_40 = tpu.memref_slice %arg10[%while3A_22, %dma_start3A, %dma_start3A_39] : memref<3x100x128xf32, #tpu.memory_space<vmem>> -> memref<1x80x128xf32, #tpu.memory_space<vmem>>
        %dma_start3A_41 = tpu.memref_squeeze %dma_start3A_40 : memref<1x80x128xf32, #tpu.memory_space<vmem>> -> memref<80x128xf32, #tpu.memory_space<vmem>>
        %dma_start3A_42 = arith.constant 0 : i32
        %dma_start3A_43 = tpu.memref_slice %arg7[%arg0, %add3A_37, %dma_start3A_42] : memref<2x10000x128xf32, #tpu.memory_space<hbm>> -> memref<1x80x128xf32, #tpu.memory_space<hbm>>
        %dma_start3A_44 = tpu.memref_squeeze %dma_start3A_43 : memref<1x80x128xf32, #tpu.memory_space<hbm>> -> memref<80x128xf32, #tpu.memory_space<hbm>>
        %dma_start3A_45 = arith.constant 0 : i32
        %dma_start3A_46 = tpu.memref_slice %arg7[%arg0, %add3A_37, %dma_start3A_45] : memref<2x10000x128xf32, #tpu.memory_space<hbm>> -> memref<1x80x128xf32, #tpu.memory_space<hbm>>
        %dma_start3A_47 = tpu.memref_squeeze %dma_start3A_46 : memref<1x80x128xf32, #tpu.memory_space<hbm>> -> memref<80x128xf32, #tpu.memory_space<hbm>>
        %dma_start3A_48 = arith.constant 0 : i32
        %dma_start3A_49 = arith.constant 0 : i32
        %dma_start3A_50 = tpu.memref_slice %arg10[%while3A_22, %dma_start3A_48, %dma_start3A_49] : memref<3x100x128xf32, #tpu.memory_space<vmem>> -> memref<1x80x128xf32, #tpu.memory_space<vmem>>
        %dma_start3A_51 = tpu.memref_squeeze %dma_start3A_50 : memref<1x80x128xf32, #tpu.memory_space<vmem>> -> memref<80x128xf32, #tpu.memory_space<vmem>>
        tpu.enqueue_dma source(%dma_start3A_51 : memref<80x128xf32, #tpu.memory_space<vmem>>) target(%dma_start3A_47 : memref<80x128xf32, #tpu.memory_space<hbm>>) target_semaphore(%run_scoped3A_38 : memref<!tpu.dma_semaphore, #tpu.memory_space<semaphore_mem>>)
        %dma_wait3A = arith.constant 0 : i32
        %dma_wait3A_52 = arith.constant 0 : i32
        %dma_wait3A_53 = tpu.memref_slice %arg10[%while3A_22, %dma_wait3A, %dma_wait3A_52] : memref<3x100x128xf32, #tpu.memory_space<vmem>> -> memref<1x80x128xf32, #tpu.memory_space<vmem>>
        %dma_wait3A_54 = tpu.memref_squeeze %dma_wait3A_53 : memref<1x80x128xf32, #tpu.memory_space<vmem>> -> memref<80x128xf32, #tpu.memory_space<vmem>>
        %dma_wait3A_55 = arith.constant 0 : i32
        %dma_wait3A_56 = tpu.memref_slice %arg7[%arg0, %add3A_37, %dma_wait3A_55] : memref<2x10000x128xf32, #tpu.memory_space<hbm>> -> memref<1x80x128xf32, #tpu.memory_space<hbm>>
        %dma_wait3A_57 = tpu.memref_squeeze %dma_wait3A_56 : memref<1x80x128xf32, #tpu.memory_space<hbm>> -> memref<80x128xf32, #tpu.memory_space<hbm>>
        %dma_wait3A_58 = arith.constant 0 : i32
        %dma_wait3A_59 = tpu.memref_slice %arg7[%arg0, %add3A_37, %dma_wait3A_58] : memref<2x10000x128xf32, #tpu.memory_space<hbm>> -> memref<1x80x128xf32, #tpu.memory_space<hbm>>
        %dma_wait3A_60 = tpu.memref_squeeze %dma_wait3A_59 : memref<1x80x128xf32, #tpu.memory_space<hbm>> -> memref<80x128xf32, #tpu.memory_space<hbm>>
        %dma_wait3A_61 = arith.constant 0 : i32
        %dma_wait3A_62 = arith.constant 0 : i32
        %dma_wait3A_63 = tpu.memref_slice %arg10[%while3A_22, %dma_wait3A_61, %dma_wait3A_62] : memref<3x100x128xf32, #tpu.memory_space<vmem>> -> memref<1x80x128xf32, #tpu.memory_space<vmem>>
        %dma_wait3A_64 = tpu.memref_squeeze %dma_wait3A_63 : memref<1x80x128xf32, #tpu.memory_space<vmem>> -> memref<80x128xf32, #tpu.memory_space<vmem>>
        tpu.wait_dma2 semaphore(%run_scoped3A_38 : memref<!tpu.dma_semaphore, #tpu.memory_space<semaphore_mem>>) src(%dma_wait3A_64 : memref<80x128xf32, #tpu.memory_space<vmem>>) dst(%dma_wait3A_60 : memref<80x128xf32, #tpu.memory_space<hbm>>)
        tpu.yield
      }) : () -> ()
    }
    return
  }
}

module attributes {stable_mosaic.version = 14 : i64} {
  func.func @gnn_prep_tc(%arg0: i32, %arg1: memref<2x1000x128xf32, #tpu.memory_space<vmem>>, %arg2: memref<1000x256xf32, #tpu.memory_space<vmem>>, %arg3: memref<1000x1xf32, #tpu.memory_space<vmem>>, %arg4: memref<1000x128xf32, #tpu.memory_space<vmem>>, %arg5: memref<1000x128xf32, #tpu.memory_space<vmem>>) attributes {dimension_semantics = [#tpu.dimension_semantics<arbitrary>], iteration_bounds = array<i64: 10>, scalar_prefetch = 0 : i64, scratch_operands = 0 : i64, tpu.core_type = #tpu.core_type<tc>, window_params = [{transform_indices = @transform_0, window_bounds = array<i64: 2, 1000, 128>}, {transform_indices = @transform_1, window_bounds = array<i64: 1000, 256>}, {transform_indices = @transform_2, window_bounds = array<i64: 1000, 1>}, {transform_indices = @transform_3, window_bounds = array<i64: 1000, 128>}, {transform_indices = @transform_4, window_bounds = array<i64: 1000, 128>}]} {
    %get3A = arith.constant 0 : index
    %get3A_0 = arith.constant 0 : index
    %get3A_1 = arith.constant 0 : index
    %get3A_2 = vector.load %arg1[%get3A, %get3A_0, %get3A_1] : memref<2x1000x128xf32, #tpu.memory_space<vmem>>, vector<1x1000x1xf32>
    %get3A_3 = vector.shape_cast %get3A_2 : vector<1x1000x1xf32> to vector<1000x1xf32>
    %get3A_4 = arith.constant 1 : index
    %get3A_5 = arith.constant 0 : index
    %get3A_6 = arith.constant 0 : index
    %get3A_7 = vector.load %arg1[%get3A_4, %get3A_5, %get3A_6] : memref<2x1000x128xf32, #tpu.memory_space<vmem>>, vector<1x1000x1xf32>
    %get3A_8 = vector.shape_cast %get3A_7 : vector<1x1000x1xf32> to vector<1000x1xf32>
    %add3A = arith.addf %get3A_3, %get3A_8 : vector<1000x1xf32>
    %add3A_9 = arith.constant 1.000000e+00 : f32
    %add3A_10 = vector.broadcast %add3A_9 : f32 to vector<1000x1xf32>
    %add3A_11 = arith.addf %add3A, %add3A_10 : vector<1000x1xf32>
    %rsqrt3A = math.rsqrt %add3A_11 : vector<1000x1xf32>
    %swap3A = arith.constant 0 : index
    %swap3A_12 = arith.constant 0 : index
    %swap3A_13 = vector.load %arg3[%swap3A, %swap3A_12] : memref<1000x1xf32, #tpu.memory_space<vmem>>, vector<1000x1xf32>
    tpu.vector_store %arg3[%swap3A, %swap3A_12], %rsqrt3A {strides = array<i32>} : memref<1000x1xf32, #tpu.memory_space<vmem>>, vector<1000x1xf32>,
    %get3A_14 = arith.constant 0 : index
    %get3A_15 = arith.constant 0 : index
    %get3A_16 = vector.load %arg2[%get3A_14, %get3A_15] : memref<1000x256xf32, #tpu.memory_space<vmem>>, vector<1000x128xf32>
    %mul3A = vector.broadcast %rsqrt3A : vector<1000x1xf32> to vector<1000x128xf32>
    %mul3A_17 = arith.mulf %get3A_16, %mul3A : vector<1000x128xf32>
    %swap3A_18 = arith.constant 0 : index
    %swap3A_19 = arith.constant 0 : index
    %swap3A_20 = vector.load %arg4[%swap3A_18, %swap3A_19] : memref<1000x128xf32, #tpu.memory_space<vmem>>, vector<1000x128xf32>
    tpu.vector_store %arg4[%swap3A_18, %swap3A_19], %mul3A_17 {strides = array<i32>} : memref<1000x128xf32, #tpu.memory_space<vmem>>, vector<1000x128xf32>,
    %get3A_21 = arith.constant 0 : index
    %get3A_22 = arith.constant 128 : index
    %get3A_23 = vector.load %arg2[%get3A_21, %get3A_22] : memref<1000x256xf32, #tpu.memory_space<vmem>>, vector<1000x128xf32>
    %mul3A_24 = vector.broadcast %rsqrt3A : vector<1000x1xf32> to vector<1000x128xf32>
    %mul3A_25 = arith.mulf %get3A_23, %mul3A_24 : vector<1000x128xf32>
    %swap3A_26 = arith.constant 0 : index
    %swap3A_27 = arith.constant 0 : index
    %swap3A_28 = vector.load %arg5[%swap3A_26, %swap3A_27] : memref<1000x128xf32, #tpu.memory_space<vmem>>, vector<1000x128xf32>
    tpu.vector_store %arg5[%swap3A_26, %swap3A_27], %mul3A_25 {strides = array<i32>} : memref<1000x128xf32, #tpu.memory_space<vmem>>, vector<1000x128xf32>,
    return
  }
  func.func @transform_0(%arg0: i32) -> (i32, i32, i32) {
    %c0_i32 = arith.constant 0 : i32
    %c0_i32_0 = arith.constant 0 : i32
    %c0_i32_1 = arith.constant 0 : i32
    return %c0_i32, %arg0, %c0_i32_0 : i32, i32, i32
  }
  func.func @transform_1(%arg0: i32) -> (i32, i32) {
    %c0_i32 = arith.constant 0 : i32
    %c0_i32_0 = arith.constant 0 : i32
    return %arg0, %c0_i32 : i32, i32
  }
  func.func @transform_2(%arg0: i32) -> (i32, i32) {
    %c0_i32 = arith.constant 0 : i32
    %c0_i32_0 = arith.constant 0 : i32
    return %arg0, %c0_i32 : i32, i32
  }
  func.func @transform_3(%arg0: i32) -> (i32, i32) {
    %c0_i32 = arith.constant 0 : i32
    %c0_i32_0 = arith.constant 0 : i32
    return %arg0, %c0_i32 : i32, i32
  }
  func.func @transform_4(%arg0: i32) -> (i32, i32) {
    %c0_i32 = arith.constant 0 : i32
    %c0_i32_0 = arith.constant 0 : i32
    return %arg0, %c0_i32 : i32, i32
  }
}

module attributes {stable_mosaic.version = 14 : i64} {
  func.func @gnn_tail_tc(%arg0: i32, %arg1: memref<2x1000x128xf32, #tpu.memory_space<vmem>>, %arg2: memref<1000x256xf32, #tpu.memory_space<vmem>>, %arg3: memref<1000x1xf32, #tpu.memory_space<vmem>>, %arg4: memref<128x256xf32, #tpu.memory_space<vmem>>, %arg5: memref<1x256xf32, #tpu.memory_space<vmem>>, %arg6: memref<128x256xf32, #tpu.memory_space<vmem>>, %arg7: memref<1x256xf32, #tpu.memory_space<vmem>>, %arg8: memref<512x256xf32, #tpu.memory_space<vmem>>, %arg9: memref<1x256xf32, #tpu.memory_space<vmem>>, %arg10: memref<256x1xf32, #tpu.memory_space<vmem>>, %arg11: memref<1x1xf32, #tpu.memory_space<vmem>>, %arg12: memref<1x1xf32, #tpu.memory_space<vmem>>, %arg13: memref<1x256xf32, #tpu.memory_space<vmem>>, %arg14: memref<1x256xf32, #tpu.memory_space<vmem>>) attributes {dimension_semantics = [#tpu.dimension_semantics<arbitrary>], iteration_bounds = array<i64: 10>, scalar_prefetch = 0 : i64, scratch_operands = 2 : i64, tpu.core_type = #tpu.core_type<tc>, window_params = [{transform_indices = @transform_0, window_bounds = array<i64: 2, 1000, 128>}, {transform_indices = @transform_1, window_bounds = array<i64: 1000, 256>}, {transform_indices = @transform_2, window_bounds = array<i64: 1000, 1>}, {pipeline_mode = #tpu.pipeline_mode<synchronous>, transform_indices = @transform_3, window_bounds = array<i64: 128, 256>}, {pipeline_mode = #tpu.pipeline_mode<synchronous>, transform_indices = @transform_4, window_bounds = array<i64: 1, 256>}, {pipeline_mode = #tpu.pipeline_mode<synchronous>, transform_indices = @transform_5, window_bounds = array<i64: 128, 256>}, {pipeline_mode = #tpu.pipeline_mode<synchronous>, transform_indices = @transform_6, window_bounds = array<i64: 1, 256>}, {pipeline_mode = #tpu.pipeline_mode<synchronous>, transform_indices = @transform_7, window_bounds = array<i64: 512, 256>}, {pipeline_mode = #tpu.pipeline_mode<synchronous>, transform_indices = @transform_8, window_bounds = array<i64: 1, 256>}, {pipeline_mode = #tpu.pipeline_mode<synchronous>, transform_indices = @transform_9, window_bounds = array<i64: 256, 1>}, {pipeline_mode = #tpu.pipeline_mode<synchronous>, transform_indices = @transform_10, window_bounds = array<i64: 1, 1>}, {pipeline_mode = #tpu.pipeline_mode<synchronous>, transform_indices = @transform_11, window_bounds = array<i64: 1, 1>}]} {
    %get3A = arith.constant 0 : index
    %get3A_0 = arith.constant 0 : index
    %get3A_1 = vector.load %arg3[%get3A, %get3A_0] : memref<1000x1xf32, #tpu.memory_space<vmem>>, vector<1000x1xf32>
    %mul3A = arith.mulf %get3A_1, %get3A_1 : vector<1000x1xf32>
    %get3A_2 = arith.constant 0 : index
    %get3A_3 = arith.constant 0 : index
    %get3A_4 = arith.constant 0 : index
    %get3A_5 = vector.load %arg1[%get3A_2, %get3A_3, %get3A_4] : memref<2x1000x128xf32, #tpu.memory_space<vmem>>, vector<1x1000x128xf32>
    %get3A_6 = vector.shape_cast %get3A_5 : vector<1x1000x128xf32> to vector<1000x128xf32>
    %mul3A_7 = vector.broadcast %get3A_1 : vector<1000x1xf32> to vector<1000x128xf32>
    %mul3A_8 = arith.mulf %mul3A_7, %get3A_6 : vector<1000x128xf32>
    %get3A_9 = arith.constant 0 : index
    %get3A_10 = arith.constant 0 : index
    %get3A_11 = vector.load %arg2[%get3A_9, %get3A_10] : memref<1000x256xf32, #tpu.memory_space<vmem>>, vector<1000x128xf32>
    %mul3A_12 = vector.broadcast %mul3A : vector<1000x1xf32> to vector<1000x128xf32>
    %mul3A_13 = arith.mulf %mul3A_12, %get3A_11 : vector<1000x128xf32>
    %add3A = arith.addf %mul3A_8, %mul3A_13 : vector<1000x128xf32>
    %get3A_14 = arith.constant 1 : index
    %get3A_15 = arith.constant 0 : index
    %get3A_16 = arith.constant 0 : index
    %get3A_17 = vector.load %arg1[%get3A_14, %get3A_15, %get3A_16] : memref<2x1000x128xf32, #tpu.memory_space<vmem>>, vector<1x1000x128xf32>
    %get3A_18 = vector.shape_cast %get3A_17 : vector<1x1000x128xf32> to vector<1000x128xf32>
    %mul3A_19 = vector.broadcast %get3A_1 : vector<1000x1xf32> to vector<1000x128xf32>
    %mul3A_20 = arith.mulf %mul3A_19, %get3A_18 : vector<1000x128xf32>
    %get3A_21 = arith.constant 0 : index
    %get3A_22 = arith.constant 128 : index
    %get3A_23 = vector.load %arg2[%get3A_21, %get3A_22] : memref<1000x256xf32, #tpu.memory_space<vmem>>, vector<1000x128xf32>
    %mul3A_24 = vector.broadcast %mul3A : vector<1000x1xf32> to vector<1000x128xf32>
    %mul3A_25 = arith.mulf %mul3A_24, %get3A_23 : vector<1000x128xf32>
    %add3A_26 = arith.addf %mul3A_20, %mul3A_25 : vector<1000x128xf32>
    %get3A_27 = arith.constant 0 : index
    %get3A_28 = arith.constant 0 : index
    %get3A_29 = vector.load %arg4[%get3A_27, %get3A_28] : memref<128x256xf32, #tpu.memory_space<vmem>>, vector<128x256xf32>
    %dot_general3A = arith.constant dense<0.000000e+00> : vector<1000x256xf32>
    %dot_general3A_30 = tpu.matmul %add3A, %get3A_29, %dot_general3A {dimension_numbers = #tpu.dot_dimension_numbers<[1], [0], [0], [1], [0, 0, 1, 1], [], []>, precision = #tpu.contract_precision<fp32>, transpose_lhs_hint = false} : vector<1000x128xf32>, vector<128x256xf32>, vector<1000x256xf32> -> vector<1000x256xf32>
    %get3A_31 = arith.constant 0 : index
    %get3A_32 = arith.constant 0 : index
    %get3A_33 = vector.load %arg5[%get3A_31, %get3A_32] : memref<1x256xf32, #tpu.memory_space<vmem>>, vector<1x256xf32>
    %add3A_34 = vector.broadcast %get3A_33 : vector<1x256xf32> to vector<1000x256xf32>
    %add3A_35 = arith.addf %dot_general3A_30, %add3A_34 : vector<1000x256xf32>
    %max3A = arith.constant 0.000000e+00 : f32
    %max3A_36 = vector.broadcast %max3A : f32 to vector<1000x256xf32>
    %max3A_37 = arith.maximumf %add3A_35, %max3A_36 : vector<1000x256xf32>
    %get3A_38 = arith.constant 0 : index
    %get3A_39 = arith.constant 0 : index
    %get3A_40 = vector.load %arg6[%get3A_38, %get3A_39] : memref<128x256xf32, #tpu.memory_space<vmem>>, vector<128x256xf32>
    %dot_general3A_41 = arith.constant dense<0.000000e+00> : vector<1000x256xf32>
    %dot_general3A_42 = tpu.matmul %add3A_26, %get3A_40, %dot_general3A_41 {dimension_numbers = #tpu.dot_dimension_numbers<[1], [0], [0], [1], [0, 0, 1, 1], [], []>, precision = #tpu.contract_precision<fp32>, transpose_lhs_hint = false} : vector<1000x128xf32>, vector<128x256xf32>, vector<1000x256xf32> -> vector<1000x256xf32>
    %get3A_43 = arith.constant 0 : index
    %get3A_44 = arith.constant 0 : index
    %get3A_45 = vector.load %arg7[%get3A_43, %get3A_44] : memref<1x256xf32, #tpu.memory_space<vmem>>, vector<1x256xf32>
    %add3A_46 = vector.broadcast %get3A_45 : vector<1x256xf32> to vector<1000x256xf32>
    %add3A_47 = arith.addf %dot_general3A_42, %add3A_46 : vector<1000x256xf32>
    %max3A_48 = arith.constant 0.000000e+00 : f32
    %max3A_49 = vector.broadcast %max3A_48 : f32 to vector<1000x256xf32>
    %max3A_50 = arith.maximumf %add3A_47, %max3A_49 : vector<1000x256xf32>
    %reduce_sum3A = arith.constant dense<0.000000e+00> : vector<256xf32>
    %reduce_sum3A_51 = vector.multi_reduction <add>, %max3A_37, %reduce_sum3A [0] : vector<1000x256xf32> to vector<256xf32>
    %broadcast_in_dim3A = vector.shape_cast %reduce_sum3A_51 : vector<256xf32> to vector<1x256xf32>
    %reduce_sum3A_52 = arith.constant dense<0.000000e+00> : vector<256xf32>
    %reduce_sum3A_53 = vector.multi_reduction <add>, %max3A_50, %reduce_sum3A_52 [0] : vector<1000x256xf32> to vector<256xf32>
    %broadcast_in_dim3A_54 = vector.shape_cast %reduce_sum3A_53 : vector<256xf32> to vector<1x256xf32>
    %eq3A = arith.constant 0 : i32
    %eq3A_55 = arith.cmpi eq, %arg0, %eq3A : i32
    %convert_element_type3A = arith.extui %eq3A_55 : i1 to i32
    %cond3A = arith.constant 0 : i32
    %cond3A_56 = arith.cmpi ne, %convert_element_type3A, %cond3A : i32
    scf.if %cond3A_56 {
      %swap3A = arith.constant 0 : index
      %swap3A_66 = arith.constant 0 : index
      %swap3A_67 = vector.load %arg13[%swap3A, %swap3A_66] : memref<1x256xf32, #tpu.memory_space<vmem>>, vector<1x256xf32>
      tpu.vector_store %arg13[%swap3A, %swap3A_66], %broadcast_in_dim3A {strides = array<i32>} : memref<1x256xf32, #tpu.memory_space<vmem>>, vector<1x256xf32>,
      %swap3A_68 = arith.constant 0 : index
      %swap3A_69 = arith.constant 0 : index
      %swap3A_70 = vector.load %arg14[%swap3A_68, %swap3A_69] : memref<1x256xf32, #tpu.memory_space<vmem>>, vector<1x256xf32>
      tpu.vector_store %arg14[%swap3A_68, %swap3A_69], %broadcast_in_dim3A_54 {strides = array<i32>} : memref<1x256xf32, #tpu.memory_space<vmem>>, vector<1x256xf32>,
    } else {
    }
    %gt3A = arith.constant 0 : i32
    %gt3A_57 = arith.cmpi sgt, %arg0, %gt3A : i32
    %convert_element_type3A_58 = arith.extui %gt3A_57 : i1 to i32
    %cond3A_59 = arith.constant 0 : i32
    %cond3A_60 = arith.cmpi ne, %convert_element_type3A_58, %cond3A_59 : i32
    scf.if %cond3A_60 {
      %get3A_66 = arith.constant 0 : index
      %get3A_67 = arith.constant 0 : index
      %get3A_68 = vector.load %arg13[%get3A_66, %get3A_67] : memref<1x256xf32, #tpu.memory_space<vmem>>, vector<1x256xf32>
      %add3A_69 = arith.addf %get3A_68, %broadcast_in_dim3A : vector<1x256xf32>
      %swap3A = arith.constant 0 : index
      %swap3A_70 = arith.constant 0 : index
      %swap3A_71 = vector.load %arg13[%swap3A, %swap3A_70] : memref<1x256xf32, #tpu.memory_space<vmem>>, vector<1x256xf32>
      tpu.vector_store %arg13[%swap3A, %swap3A_70], %add3A_69 {strides = array<i32>} : memref<1x256xf32, #tpu.memory_space<vmem>>, vector<1x256xf32>,
      %get3A_72 = arith.constant 0 : index
      %get3A_73 = arith.constant 0 : index
      %get3A_74 = vector.load %arg14[%get3A_72, %get3A_73] : memref<1x256xf32, #tpu.memory_space<vmem>>, vector<1x256xf32>
      %add3A_75 = arith.addf %get3A_74, %broadcast_in_dim3A_54 : vector<1x256xf32>
      %swap3A_76 = arith.constant 0 : index
      %swap3A_77 = arith.constant 0 : index
      %swap3A_78 = vector.load %arg14[%swap3A_76, %swap3A_77] : memref<1x256xf32, #tpu.memory_space<vmem>>, vector<1x256xf32>
      tpu.vector_store %arg14[%swap3A_76, %swap3A_77], %add3A_75 {strides = array<i32>} : memref<1x256xf32, #tpu.memory_space<vmem>>, vector<1x256xf32>,
    } else {
    }
    %eq3A_61 = arith.constant 9 : i32
    %eq3A_62 = arith.cmpi eq, %arg0, %eq3A_61 : i32
    %convert_element_type3A_63 = arith.extui %eq3A_62 : i1 to i32
    %cond3A_64 = arith.constant 0 : i32
    %cond3A_65 = arith.cmpi ne, %convert_element_type3A_63, %cond3A_64 : i32
    scf.if %cond3A_65 {
      %get3A_66 = arith.constant 0 : index
      %get3A_67 = arith.constant 0 : index
      %get3A_68 = vector.load %arg13[%get3A_66, %get3A_67] : memref<1x256xf32, #tpu.memory_space<vmem>>, vector<1x256xf32>
      %get3A_69 = arith.constant 0 : index
      %get3A_70 = arith.constant 0 : index
      %get3A_71 = vector.load %arg8[%get3A_69, %get3A_70] : memref<512x256xf32, #tpu.memory_space<vmem>>, vector<256x256xf32>
      %dot_general3A_72 = arith.constant dense<0.000000e+00> : vector<1x256xf32>
      %dot_general3A_73 = tpu.matmul %get3A_68, %get3A_71, %dot_general3A_72 {dimension_numbers = #tpu.dot_dimension_numbers<[1], [0], [0], [1], [0, 0, 1, 1], [], []>, precision = #tpu.contract_precision<fp32>, transpose_lhs_hint = false} : vector<1x256xf32>, vector<256x256xf32>, vector<1x256xf32> -> vector<1x256xf32>
      %get3A_74 = arith.constant 0 : index
      %get3A_75 = arith.constant 0 : index
      %get3A_76 = vector.load %arg14[%get3A_74, %get3A_75] : memref<1x256xf32, #tpu.memory_space<vmem>>, vector<1x256xf32>
      %get3A_77 = arith.constant 256 : index
      %get3A_78 = arith.constant 0 : index
      %get3A_79 = vector.load %arg8[%get3A_77, %get3A_78] : memref<512x256xf32, #tpu.memory_space<vmem>>, vector<256x256xf32>
      %dot_general3A_80 = arith.constant dense<0.000000e+00> : vector<1x256xf32>
      %dot_general3A_81 = tpu.matmul %get3A_76, %get3A_79, %dot_general3A_80 {dimension_numbers = #tpu.dot_dimension_numbers<[1], [0], [0], [1], [0, 0, 1, 1], [], []>, precision = #tpu.contract_precision<fp32>, transpose_lhs_hint = false} : vector<1x256xf32>, vector<256x256xf32>, vector<1x256xf32> -> vector<1x256xf32>
      %add3A_82 = arith.addf %dot_general3A_73, %dot_general3A_81 : vector<1x256xf32>
      %div3A = arith.constant 1.000000e+04 : f32
      %div3A_83 = vector.broadcast %div3A : f32 to vector<1x256xf32>
      %div3A_84 = arith.divf %add3A_82, %div3A_83 : vector<1x256xf32>
      %get3A_85 = arith.constant 0 : index
      %get3A_86 = arith.constant 0 : index
      %get3A_87 = vector.load %arg9[%get3A_85, %get3A_86] : memref<1x256xf32, #tpu.memory_space<vmem>>, vector<1x256xf32>
      %add3A_88 = arith.addf %div3A_84, %get3A_87 : vector<1x256xf32>
      %get3A_89 = arith.constant 0 : index
      %get3A_90 = arith.constant 0 : index
      %get3A_91 = vector.load %arg10[%get3A_89, %get3A_90] : memref<256x1xf32, #tpu.memory_space<vmem>>, vector<256x1xf32>
      %dot_general3A_92 = arith.constant dense<0.000000e+00> : vector<1x1xf32>
      %dot_general3A_93 = tpu.matmul %add3A_88, %get3A_91, %dot_general3A_92 {dimension_numbers = #tpu.dot_dimension_numbers<[1], [0], [0], [1], [0, 0, 1, 1], [], []>, precision = #tpu.contract_precision<fp32>, transpose_lhs_hint = false} : vector<1x256xf32>, vector<256x1xf32>, vector<1x1xf32> -> vector<1x1xf32>
      %get3A_94 = arith.constant 0 : index
      %get3A_95 = arith.constant 0 : index
      %get3A_96 = vector.load %arg11[%get3A_94, %get3A_95] : memref<1x1xf32, #tpu.memory_space<vmem>>, vector<1x1xf32>
      %add3A_97 = arith.addf %dot_general3A_93, %get3A_96 : vector<1x1xf32>
      %swap3A = arith.constant 0 : index
      %swap3A_98 = arith.constant 0 : index
      %swap3A_99 = vector.load %arg12[%swap3A, %swap3A_98] : memref<1x1xf32, #tpu.memory_space<vmem>>, vector<1x1xf32>
      tpu.vector_store %arg12[%swap3A, %swap3A_98], %add3A_97 {strides = array<i32>} : memref<1x1xf32, #tpu.memory_space<vmem>>, vector<1x1xf32>,
    } else {
    }
    return
  }
  func.func @transform_0(%arg0: i32) -> (i32, i32, i32) {
    %c0_i32 = arith.constant 0 : i32
    %c0_i32_0 = arith.constant 0 : i32
    %c0_i32_1 = arith.constant 0 : i32
    return %c0_i32, %arg0, %c0_i32_0 : i32, i32, i32
  }
  func.func @transform_1(%arg0: i32) -> (i32, i32) {
    %c0_i32 = arith.constant 0 : i32
    %c0_i32_0 = arith.constant 0 : i32
    return %arg0, %c0_i32 : i32, i32
  }
  func.func @transform_2(%arg0: i32) -> (i32, i32) {
    %c0_i32 = arith.constant 0 : i32
    %c0_i32_0 = arith.constant 0 : i32
    return %arg0, %c0_i32 : i32, i32
  }
  func.func @transform_3(%arg0: i32) -> (i32, i32) {
    %c0_i32 = arith.constant 0 : i32
    %c0_i32_0 = arith.constant 0 : i32
    %c0_i32_1 = arith.constant 0 : i32
    return %c0_i32, %c0_i32_0 : i32, i32
  }
  func.func @transform_4(%arg0: i32) -> (i32, i32) {
    %c0_i32 = arith.constant 0 : i32
    %c0_i32_0 = arith.constant 0 : i32
    %c0_i32_1 = arith.constant 0 : i32
    return %c0_i32, %c0_i32_0 : i32, i32
  }
  func.func @transform_5(%arg0: i32) -> (i32, i32) {
    %c0_i32 = arith.constant 0 : i32
    %c0_i32_0 = arith.constant 0 : i32
    %c0_i32_1 = arith.constant 0 : i32
    return %c0_i32, %c0_i32_0 : i32, i32
  }
  func.func @transform_6(%arg0: i32) -> (i32, i32) {
    %c0_i32 = arith.constant 0 : i32
    %c0_i32_0 = arith.constant 0 : i32
    %c0_i32_1 = arith.constant 0 : i32
    return %c0_i32, %c0_i32_0 : i32, i32
  }
  func.func @transform_7(%arg0: i32) -> (i32, i32) {
    %c0_i32 = arith.constant 0 : i32
    %c0_i32_0 = arith.constant 0 : i32
    %c0_i32_1 = arith.constant 0 : i32
    return %c0_i32, %c0_i32_0 : i32, i32
  }
  func.func @transform_8(%arg0: i32) -> (i32, i32) {
    %c0_i32 = arith.constant 0 : i32
    %c0_i32_0 = arith.constant 0 : i32
    %c0_i32_1 = arith.constant 0 : i32
    return %c0_i32, %c0_i32_0 : i32, i32
  }
  func.func @transform_9(%arg0: i32) -> (i32, i32) {
    %c0_i32 = arith.constant 0 : i32
    %c0_i32_0 = arith.constant 0 : i32
    %c0_i32_1 = arith.constant 0 : i32
    return %c0_i32, %c0_i32_0 : i32, i32
  }
  func.func @transform_10(%arg0: i32) -> (i32, i32) {
    %c0_i32 = arith.constant 0 : i32
    %c0_i32_0 = arith.constant 0 : i32
    %c0_i32_1 = arith.constant 0 : i32
    return %c0_i32, %c0_i32_0 : i32, i32
  }
  func.func @transform_11(%arg0: i32) -> (i32, i32) {
    %c0_i32 = arith.constant 0 : i32
    %c0_i32_0 = arith.constant 0 : i32
    %c0_i32_1 = arith.constant 0 : i32
    return %c0_i32, %c0_i32_0 : i32, i32
  }
}

</mosaic_0001>

<sc_bundles>
// kernel: gnn_degree_sc.3.cloned.1.call-start
scs
__scs_entry_jumppad:
0x0: {  	(pc) =	sbr.rel $0x88, $3  }
0x1: {  	(tag) =	ssettag $0x0;
	lr =	simm.s32 $0x1  }
0x2: {  	[smem:$0x3F97] =	sst lr;
	_ =	strace $0xD0000000  }
0x3: {  	_ = 	snop  }
0x4: {  	_ = 	snop  }
0x5: {  	_ = 	snop  }
0x6: {  	_ = 	snop  }
0x7: {  	_ = 	snop  }
__scs_overlays_trampoline_lowered:
0x8: {  	[smem:$0x3FA6] =	sst s0  }
0x9: {  	[smem:$0x3FA7] =	sst s1  }
0xa: {  	[smem:$0x3FA8] =	sst s2  }
0xb: {  	[smem:$0x3FA9] =	sst s3  }
0xc: {  	[smem:$0x3FAA] =	sst s4  }
0xd: {  	[smem:$0x3FAB] =	sst s5  }
0xe: {  	[smem:$0x3FAC] =	sst s6  }
0xf: {  	[smem:$0x3FAD] =	sst s7  }
0x10: {  	[smem:$0x3FAE] =	sst s8  }
0x11: {  	[smem:$0x3FAF] =	sst s9;
	s0 =	simm.s32 @!p0 $0x0  }
0x12: {  	s1 =	sld [smem:$0x3F95];
	s0 =	simm.s32 @p0 $0x1  }
0x13: {  	[smem:$0x3FB0] =	sst s0;
	s0 =	simm.s32 @!p1 $0x0  }
0x14: {  	s2 =	sld [smem:$0x3F94];
	s0 =	simm.s32 @p1 $0x1  }
0x15: {  	[smem:$0x3FB1] =	sst s0;
	s0 =	simm.s32 @!p2 $0x0  }
0x16: {  	s3 =	sld [smem:$0x3FDB];
	s0 =	simm.s32 @p2 $0x1  }
0x17: {  	s4 =	simm.s32 $0x1BF5;
	[smem:$0x3FB3] =	sst s0  }
0x18: {  	s0 =	sld [smem:$0x3F96];
	_ =	swait.ge [sflag:s4], $0x0  }
0x19: {  	s7 =	sld [smem:$0x3F97]  }
0x1a: {  	s8 =	sadd.s32 $0xFFFFE003, lr  }
0x1b: {  	s9 =	sadd.s32 $0xFFFFFEF7, lr;
	s5 =	simm.s32 $0xFFFFFFFF;
	p2 =	slt.u32 s8, $0xFFFFF086  }
0x1c: {  	p1 =	slt.u32 s9, $0xF7A;
	s5 =	simm.s32 @!p2 $0x0  }
0x1d: {  	s5 =	simm.s32 @p1 $0x1;
	p0 =	seq.s32 s7, s2  }
0x1e: {  	s7 =	smul.u32 @!p0 $0xF7A, s2;
	p2 =	seq.s32 @!p0 s5, $0x0  }
0x1f: {  	s9 =	smul.u32 $0xF7A, s1;
	s8 =	simm.s32 @!p0 $0x1BF5;
	p2 =	por !p2, p0  }
0x20: {  	[sflag:s8] =	ssyncset.s32 @!p0 $0xFFFFF086;
	s6 =	sadd.s32 @!p0 s3, s7;
	s7 =	simm.s32 @!p0 $0x108  }
0x21: {  	s3 =	sadd.s32 s3, s9;
	s6 =	sadd.s32 @!p0 $0x88, s6;
	s7 =	simm.s32 @p2 $0x1082  }
0x22: {  	[simem:s7], [sflag:s8] =	dma.local @!p0 [hbm:s6], $0xF7A  }
0x23: {  	s9 =	sor.u32 $0xD0000000, s2;
	s6 =	simm.s32 $0x108;
	_ =	swait.ge @!p0 [sflag:s8], $0x0  }
0x24: {  	s3 =	sadd.s32 $0x88, s3;
	s6 =	simm.s32 @!p1 $0x1082;
	[sflag:s4] =	ssyncset.s32 $0xFFFFF086  }
0x25: {  	[simem:s6], [sflag:s4] =	dma.local [hbm:s3], $0xF7A  }
0x26: {  	[smem:$0x3F97] =	sst s1;
	(tag) =	ssettag s2;
	_ =	strace s9  }
0x27: {  	s1 =	sld [smem:$0x3FA7]  }
0x28: {  	s2 =	sld [smem:$0x3FA8]  }
0x29: {  	s4 =	sld [smem:$0x3FAA]  }
0x2a: {  	p0 =	seq.s32 s5, $0x0;
	s5 =	sld [smem:$0x3FAB]  }
0x2b: {  	s6 =	sld [smem:$0x3FAC]  }
0x2c: {  	s7 =	sld [smem:$0x3FAD]  }
0x2d: {  	s3 =	simm.s32 $0x108;
	s8 =	sld [smem:$0x3FAE]  }
0x2e: {  	s3 =	simm.s32 @!p0 $0x1082;
	s9 =	sld [smem:$0x3FAF]  }
0x2f: {  	lr =	sadd.s32 s0, s3;
	s0 =	sld [smem:$0x3FA6]  }
0x30: {  	s3 =	sld [smem:$0x3FA9]  }
0x31: {  	[smem:$0x3FB2] =	sst s10  }
0x32: {  	s10 =	sld [smem:$0x3FB0];
	_ =	sdelay $0x3  }
0x33: {  	p0 =	seq.s32 s10, $0x1;
	s10 =	sld [smem:$0x3FB2];
	_ =	sdelay $0x3  }
0x34: {  	[smem:$0x3FB2] =	sst s10  }
0x35: {  	s10 =	sld [smem:$0x3FB1];
	_ =	sdelay $0x3  }
0x36: {  	p1 =	seq.s32 s10, $0x1;
	s10 =	sld [smem:$0x3FB2];
	_ =	sdelay $0x3  }
0x37: {  	[smem:$0x3FB2] =	sst s10  }
0x38: {  	s10 =	sld [smem:$0x3FB3]  }
0x39: {  	_ = 	snop;
	(pc) =	sbr.ind lr, $3  }
0x3a: {  	_ = 	snop  }
0x3b: {  	_ = 	snop  }
0x3c: {  	p2 =	seq.s32 s10, $0x1;
	s10 =	sld [smem:$0x3FB2]  }
0x3d: {  	_ =	shalt  }
0x3e: {  	_ =	shalt  }
0x3f: {  	_ =	shalt  }
0x40: {  	_ =	shalt  }
0x41: {  	_ =	shalt  }
0x42: {  	_ =	shalt  }
0x43: {  	_ =	shalt  }
0x44: {  	_ =	shalt  }
0x45: {  	_ =	shalt  }
0x46: {  	_ =	shalt  }
0x47: {  	_ =	shalt  }
0x48: {  	_ =	shalt  }
0x49: {  	_ =	shalt  }
0x4a: {  	_ =	shalt  }
0x4b: {  	_ =	shalt  }
0x4c: {  	_ =	shalt  }
0x4d: {  	_ =	shalt  }
0x4e: {  	_ =	shalt  }
0x4f: {  	_ =	shalt  }
0x50: {  	_ =	shalt  }
0x51: {  	_ =	shalt  }
0x52: {  	_ =	shalt  }
0x53: {  	_ =	shalt  }
0x54: {  	_ =	shalt  }
0x55: {  	_ =	shalt  }
0x56: {  	_ =	shalt  }
0x57: {  	_ =	shalt  }
0x58: {  	_ =	shalt  }
0x59: {  	_ =	shalt  }
0x5a: {  	_ =	shalt  }
0x5b: {  	_ =	shalt  }
0x5c: {  	_ =	shalt  }
0x5d: {  	_ =	shalt  }
0x5e: {  	_ =	shalt  }
0x5f: {  	_ =	shalt  }
0x60: {  	_ =	shalt  }
0x61: {  	_ =	shalt  }
0x62: {  	_ =	shalt  }
0x63: {  	_ =	shalt  }
0x64: {  	_ =	shalt  }
0x65: {  	_ =	shalt  }
0x66: {  	_ =	shalt  }
0x67: {  	_ =	shalt  }
0x68: {  	_ =	shalt  }
0x69: {  	_ =	shalt  }
0x6a: {  	_ =	shalt  }
0x6b: {  	_ =	shalt  }
0x6c: {  	_ =	shalt  }
0x6d: {  	_ =	shalt  }
0x6e: {  	_ =	shalt  }
0x6f: {  	_ =	shalt  }
0x70: {  	_ =	shalt  }
0x71: {  	_ =	shalt  }
0x72: {  	_ =	shalt  }
0x73: {  	_ =	shalt  }
0x74: {  	_ =	shalt  }
0x75: {  	_ =	shalt  }
0x76: {  	_ =	shalt  }
0x77: {  	_ =	shalt  }
0x78: {  	_ =	shalt  }
0x79: {  	_ =	shalt  }
0x7a: {  	_ =	shalt  }
0x7b: {  	_ =	shalt  }
0x7c: {  	_ =	shalt  }
0x7d: {  	_ =	shalt  }
0x7e: {  	_ =	shalt  }
0x7f: {  	_ =	shalt  }
0x80: {  	_ =	shalt  }
0x81: {  	_ =	shalt  }
0x82: {  	_ =	shalt  }
0x83: {  	_ =	shalt  }
0x84: {  	_ =	shalt  }
0x85: {  	_ =	shalt  }
0x86: {  	_ =	shalt  }
0x87: {  	_ =	shalt  }
.Lfunc_end0:
.L_simem_size_0:
called_computation_lowered:
.L_overlay_start_0:
0x88: {  	s2 =	sld [smem:$0x3FD9]  }
0x89: {  	s3 =	sld [smem:$0x3FFE];
	_ =	sdelay $0x1  }
0x8a: {  	s1 =	srdreg.scid  }
0x8b: {  	s0 =	sand.u32 $0x1, s1  }
0x8c: {  	s16 =	sshll.u32 s0, $0xA;
	s2 =	sadd.s32 s3, s2  }
0x8d: {  	s2 =	sadd.s32 s2, s16  }
0x8e: {  	[smem:$0x3FBE] =	sst s2  }
0x8f: {  	_ = 	snop  }
0x90: {  	(tm) =	ssettm $0x1  }
0x91: {  	s17 =	sld [smem:$0x3FFB];
	_ =	sdelay $0x3  }
0x92: {  	_ =	strace s17  }
0x93: {  	s2 =	sld [smem:$0x3FFC];
	_ =	sdelay $0x3  }
0x94: {  	_ =	strace s2  }
0x95: {  	s2 =	sld [smem:$0x3FFD];
	_ =	sdelay $0x3  }
0x96: {  	_ =	strace s2  }
0x97: {  	_ =	strace $0x8FFFFFFF  }
0x98: {  	s18 =	sld [smem:$0x3FDB];
	_ =	sdelay $0x1  }
0x99: {  	s19 =	simm.s32 $_scs_section_size  }
0x9a: {  	s4 =	simm.s32 $_size__tile_overlayer_lowered;
	s5 =	simm.s32 $_tile_overlayer_lowered  }
0x9b: {  	s22 =	simm.s32 $0x1BFF;
	s21 =	sshll.u32 s5, $0x1;
	s2 =	sadd.s32 s19, s18  }
0x9c: {  	s6 =	simm.s32 $0x0;
	s20 =	sshll.u32 s4, $0x1;
	s4 =	sadd.s32 s21, s2  }
0x9d: {  	[timem:s6], [sflag:s22] =	dma.local [hbm:s4], s20  }
0x9e: {  	_ =	swait.ge [sflag:s22], s20  }
0x9f: {  	s3 =	ssub.s32 $0x0, s20;
	[sflag:s22] =	ssyncset.done $0x0  }
0xa0: {  	[sflag:s22] =	ssyncadd.s32 s3;
	_ =	sdelay $0x1  }
0xa1: {  	s23 =	simm.s32 $0x1B8B  }
0xa2: {  	_ =	swait.ge [sflag:s23], $0x1  }
0xa3: {  	[sflag:s23] =	ssyncset.done $0x0  }
0xa4: {  	s25 =	simm.s32 $0x1B8E;
	s24 =	sld [smem:$0x3FFE];
	[sflag:s23] =	ssyncadd.s32 $0xFFFFFFFF  }
0xa5: {  	s26 =	simm.s32 $execute0_lowered;
	[smem:$0x3FD2] =	sst s25  }
0xa6: {  	s4 =	sshll.u32 s26, $0x1;
	_ =	strace $0x80000046;
	[dreg:$0x1] =	wrdreg $0xFFFFFFFF  }
0xa7: {  	s28 =	simm.s32 $_size_execute0_lowered;
	s2 =	sadd.s32 s2, s4;
	[dreg:$0x0] =	wrdreg $0x0  }
0xa8: {  	s4 =	sshll.u32 s28, $0x1;
	[dreg:$0x2] =	wrdreg s2  }
0xa9: {  	[dreg:$0x3] =	wrdreg s4  }
0xaa: {  	[dreg:$0x4] =	wrdreg $0xC0  }
0xab: {  	_ =	task [dreg:s6], $0x5FFFF  }
0xac: {  	[dreg:$0x1] =	wrdreg $0xFFFFFFFF  }
0xad: {  	[dreg:$0x0] =	wrdreg $0x60  }
0xae: {  	[dreg:$0x2] =	wrdreg s24  }
0xaf: {  	[dreg:$0x3] =	wrdreg $0xC0000  }
0xb0: {  	[dreg:$0x4] =	wrdreg $0x9  }
0xb1: {  	_ =	task.clear_ibuf [dreg:s6], $0x5FFFF;
	_ =	strace $0x90000046  }
0xb2: {  	s29 =	simm.s32 $0x9;
	_ =	strace $0x80000048  }
0xb3: {  	_ =	swait.ge [sflag:s29], $0x1  }
0xb4: {  	[sflag:s29] =	ssyncadd.s32 $0xFFFFFFFF  }
0xb5: {  	_ =	strace $0x90000048  }
0xb6: {  	_ =	sfence  }
0xb7: {  	s30 =	sld [smem:$0x0];
	_ =	sdelay $0x2  }
0xb8: {  	s31 =	sshll.u32 s1, $0xD;
	s1 =	sshrl.u32 s1, $0x2  }
0xb9: {  	s3 =	sand.u32 $0x4000, s31;
	s1 =	sadd.s32 s1, s30  }
0xba: {  	s0 =	sor.u32 s3, s0;
	s1 =	sshll.u32 s1, $0x11  }
0xbb: {  	s0 =	sor.u32 s1, s0  }
0xbc: {  	s0 =	sadd.s32 $0x8F2B, s0  }
0xbd: {  	[sflag:s0] =	ssyncadd.remote.s32 $0x1  }
0xbe: {  	_ =	sfence.sel $0xFFFF  }
0xbf: {  	[dreg:$0x0] =	wrdreg $0xFFFFFFFF;
	(pc) =	sbr.abs _section_cstart, $3  }
0xc0: {  	[dreg:$0x1] =	wrdreg $0xFFFFFFFF  }
0xc1: {  	_ =	task.clear_ibuf [dreg:s6], $0x2FFFF;
	_ =	strace $0x9FFFFFFF  }
0xc2: {  	(tm) =	ssettm $0x7FFFFFFF  }
0xc3: {  	_ =	shalt  }
tec
execute0_lowered:
.L_overlay_start_1:
0x0: {  	(tag) =	ssettag $0x1  }
0x1: {  	s6 =	rddreg [dreg:$0x0]  }
0x2: {  	s0 =	srdreg.scid;
	s2 =	rddreg [dreg:$0x1]  }
0x3: {  	s1 =	stileid.u32;
	s3 =	simm.s32 $0x0;
	s13 =	simm.s32 $0x2  }
0x4: {  	s14 =	simm.s32 $0x9800;
	s15 =	simm.s32 $0x64;
	s16 =	simm.s32 $0x1  }
0x5: {  	s17 =	simm.s32 $0x0;
	s7 =	sand.u32 $0x1, s0;
	s0 =	rddreg [dreg:$0x2]  }
0x6: {  	[smem:$0x7FF] =	sst s3;
	s5 =	sadd.s32 $0x1A600, s6;
	s31 =	smul.u32 $0x50000, s1  }
0x7: {  	p0 =	seq.s32 s1, $0xF;
	s12 =	smul.u32 $0x14000, s1;
	s4 =	sshll.u32 s7, $0x4  }
0x8: {  	_ =	strace $0x80000047;
	s9 =	ssub.s32 $0x2, s7;
	s11 =	smul.u32 $0x138800, s7  }
0x9: {  	s7 =	simm.s32 $0x5;
	s4 =	sor.u32 s1, s4;
	s10 =	sshrl.u32 s9, $0x1  }
0xa: {  	s7 =	simm.s32 @!p0 $0x8;
	s4 =	smul.u32 $0xC80, s4;
	s9 =	ssub.s32 s9, s10  }
0xb: {  	s10 =	sshrl.u32 s31, $0x2;
	s11 =	sadd.s32 s12, s11;
	s12 =	simm.s32 $0x6400  }
0xc: {  	s9 =	smax.u32 s9, $0x1;
	s10 =	sadd.s32 s10, s2;
	s8 =	sadd.s32 s4, s6  }
0xd: {  	s4 =	sadd.s32 $0x1AC00, s6;
	s6 =	sadd.s32 $0x1B400, s6;
	s8 =	sadd.s32 $0x1600, s8  }
.LBB2_1:
0xe: {  	[tilespmem:s12], [sflag:$0x2] =	stream.linear.gather [hbm4b:s4+s3], $0x3200, $0x38;
	[tilespmem:$0x1F880] =	vst v63  }
0xf: {  	_ =	swait.ge [sflag:s13], $0x3200  }
0x10: {  	[sflag:s13] =	ssyncset.done $0x0  }
0x11: {  	[sflag:s13] =	ssyncadd.s32 $0xFFFFCE00  }
0x12: {  	[tilespmem:s14], [sflag:$0x2] =	stream.linear.gather [hbm4b:s5+s3], $0x2800, $0x38;
	[tilespmem:$0x1F880] =	vst v63  }
0x13: {  	p0 =	sne.s32 s7, $0x1;
	_ =	swait.ge [sflag:s13], $0x2800  }
.Ltmp0:
0x14: {  	[sflag:s13] =	ssyncset.done $0x0;
	(pc) =	sbr.rel @!p0 .LBB2_3-.Ltmp0, $4  }
0x15: {  	[sflag:s13] =	ssyncadd.s32 $0xFFFFD800  }
0x16: {  	[spmem:s10] =	stream.linear.scatter [tilespmem:s14], [sflag:$0x2], $0x2800, $0x38;
	[tilespmem:$0x1F880] =	vst v63  }
0x17: {  	_ =	swait.ge [sflag:s13], $0x2800  }
0x18: {  	s18 =	sadd.s32 $0xFFFFFFFF, s7;
	s19 =	smov.u32 s10;
	[sflag:s13] =	ssyncset.done $0x0  }
.LBB2_2:
0x19: {  	p1 =	sne.s32 s18, $0x1;
	[sflag:s13] =	ssyncadd.s32 $0xFFFFD800;
	s19 =	sadd.s32 $0x2800, s19  }
.Ltmp1:
0x1a: {  	s18 =	sadd.s32 $0xFFFFFFFF, s18;
	(pc) =	sbr.rel @p1 .LBB2_2-.Ltmp1, $4  }
0x1b: {  	_ = 	snop  }
0x1c: {  	[spmem:s19] =	stream.linear.scatter [tilespmem:s14], [sflag:$0x2], $0x2800, $0x38;
	[tilespmem:$0x1F880] =	vst v63  }
0x1d: {  	_ =	swait.ge [sflag:s13], $0x2800  }
0x1e: {  	[sflag:s13] =	ssyncset.done $0x0  }
.LBB2_3:
0x1f: {  	[sflag:s13] =	ssyncadd.s32 $0xFFFFD800;
	s18 =	simm.s32 $0x0  }
0x20: {  	[tilespmem:s18], [sflag:$0x2] =	stream.linear.gather [hbm4b:s8+s18], $0x6400, $0x38;
	[tilespmem:$0x1F880] =	vst v63  }
0x21: {  	_ =	swait.ge [sflag:s13], $0x6400  }
0x22: {  	[sflag:s13] =	ssyncset.done $0x0  }
0x23: {  	[sflag:s13] =	ssyncadd.s32 $0xFFFF9C00  }
0x24: {  	s28 =	simm.s32 $0x0;
	[bflag:$0x0] =	sbarrier.arrive $0xFFFF  }
0x25: {  	[spmem:s2] =	stream.indirect.scatter.add.f32 [tilespmem:s12], [sflag:$0x1], $0x80, s28, s15, $0xb8;
	[tilespmem:$0x1F880] =	vst v63  }
0x26: {  	s29 =	simm.s32 $0x80  }
0x27: {  	[spmem:s2] =	stream.indirect.scatter.add.f32 [tilespmem:s12], [sflag:$0x1], $0x80, s29, s15, $0xb8;
	[tilespmem:$0x1F880] =	vst v63  }
0x28: {  	s30 =	simm.s32 $0x100  }
0x29: {  	[spmem:s2] =	stream.indirect.scatter.add.f32 [tilespmem:s12], [sflag:$0x1], $0x80, s30, s15, $0xb8;
	[tilespmem:$0x1F880] =	vst v63  }
0x2a: {  	s31 =	simm.s32 $0x180  }
0x2b: {  	[spmem:s2] =	stream.indirect.scatter.add.f32 [tilespmem:s12], [sflag:$0x1], $0x80, s31, s15, $0xb8;
	[tilespmem:$0x1F880] =	vst v63  }
0x2c: {  	_ =	swait.ge [sflag:s16], $0x3200  }
0x2d: {  	[sflag:s16] =	ssyncset.done $0x0  }
0x2e: {  	[sflag:s16] =	ssyncadd.s32 $0xFFFFCE00  }
0x2f: {  	_ =	swait.ge [sflag:s16], $0x3200  }
0x30: {  	[sflag:s16] =	ssyncset.done $0x0  }
0x31: {  	[sflag:s16] =	ssyncadd.s32 $0xFFFFCE00  }
0x32: {  	_ =	swait.ge [sflag:s16], $0x3200  }
0x33: {  	[sflag:s16] =	ssyncset.done $0x0  }
0x34: {  	[sflag:s16] =	ssyncadd.s32 $0xFFFFCE00  }
0x35: {  	_ =	swait.ge [sflag:s16], $0x3200  }
0x36: {  	s19 =	simm.s32 $0x1000;
	s18 =	simm.s32 $0x800;
	[sflag:s16] =	ssyncset.done $0x0  }
.LBB2_4:
0x37: {  	s20 =	sshra.s32 s18, $0x2  }
0x38: {  	[sflag:s16] =	ssyncadd.s32 $0xFFFFCE00;
	s18 =	smov.u32 s19;
	s21 =	sadd.s32 $0x800, s19  }
0x39: {  	[spmem:s2] =	stream.indirect.scatter.add.f32 [tilespmem:s12], [sflag:$0x1], $0x80, s20, s15, $0xb8;
	[tilespmem:$0x1F880] =	vst v63  }
0x3a: {  	p1 =	sne.s32 s19, $0x18800;
	s19 =	sadd.s32 $0x80, s20  }
0x3b: {  	[spmem:s2] =	stream.indirect.scatter.add.f32 [tilespmem:s12], [sflag:$0x1], $0x80, s19, s15, $0xb8;
	[tilespmem:$0x1F880] =	vst v63  }
0x3c: {  	s19 =	sadd.s32 $0x100, s20  }
0x3d: {  	[spmem:s2] =	stream.indirect.scatter.add.f32 [tilespmem:s12], [sflag:$0x1], $0x80, s19, s15, $0xb8;
	[tilespmem:$0x1F880] =	vst v63  }
0x3e: {  	s19 =	sadd.s32 $0x180, s20  }
0x3f: {  	[spmem:s2] =	stream.indirect.scatter.add.f32 [tilespmem:s12], [sflag:$0x1], $0x80, s19, s15, $0xb8;
	[tilespmem:$0x1F880] =	vst v63  }
0x40: {  	_ =	swait.ge [sflag:s16], $0x3200  }
0x41: {  	[sflag:s16] =	ssyncset.done $0x0  }
0x42: {  	[sflag:s16] =	ssyncadd.s32 $0xFFFFCE00  }
0x43: {  	_ =	swait.ge [sflag:s16], $0x3200  }
0x44: {  	[sflag:s16] =	ssyncset.done $0x0  }
0x45: {  	[sflag:s16] =	ssyncadd.s32 $0xFFFFCE00  }
.Ltmp2:
0x46: {  	_ =	swait.ge [sflag:s16], $0x3200;
	(pc) =	sbr.rel @p1 .LBB2_4-.Ltmp2, $4  }
0x47: {  	[sflag:s16] =	ssyncset.done $0x0  }
0x48: {  	[sflag:s16] =	ssyncadd.s32 $0xFFFFCE00  }
0x49: {  	_ =	swait.ge [sflag:s16], $0x3200  }
0x4a: {  	s19 =	smov.u32 s21;
	[sflag:s16] =	ssyncset.done $0x0  }
0x4b: {  	s18 =	sshra.s32 s18, $0x2;
	[sflag:s16] =	ssyncadd.s32 $0xFFFFCE00  }
0x4c: {  	[spmem:s2] =	stream.indirect.scatter.add.f32 [tilespmem:s12], [sflag:$0x1], $0x80, s18, s15, $0xb8;
	[tilespmem:$0x1F880] =	vst v63  }
0x4d: {  	s19 =	sadd.s32 $0x80, s18  }
0x4e: {  	[spmem:s2] =	stream.indirect.scatter.add.f32 [tilespmem:s12], [sflag:$0x1], $0x80, s19, s15, $0xb8;
	[tilespmem:$0x1F880] =	vst v63  }
0x4f: {  	s30 =	sadd.s32 $0x100, s18  }
0x50: {  	[spmem:s2] =	stream.indirect.scatter.add.f32 [tilespmem:s12], [sflag:$0x1], $0x80, s30, s15, $0xb8;
	[tilespmem:$0x1F880] =	vst v63  }
0x51: {  	s18 =	sadd.s32 $0x180, s18  }
0x52: {  	[spmem:s2] =	stream.indirect.scatter.add.f32 [tilespmem:s12], [sflag:$0x1], $0x80, s18, s15, $0xb8;
	[tilespmem:$0x1F880] =	vst v63  }
0x53: {  	_ =	swait.ge [sflag:s16], $0x3200  }
0x54: {  	[sflag:s16] =	ssyncset.done $0x0  }
0x55: {  	[sflag:s16] =	ssyncadd.s32 $0xFFFFCE00  }
0x56: {  	_ =	swait.ge [sflag:s16], $0x3200  }
0x57: {  	[sflag:s16] =	ssyncset.done $0x0  }
0x58: {  	[sflag:s16] =	ssyncadd.s32 $0xFFFFCE00  }
0x59: {  	_ =	swait.ge [sflag:s16], $0x3200  }
0x5a: {  	[sflag:s16] =	ssyncset.done $0x0  }
0x5b: {  	[sflag:s16] =	ssyncadd.s32 $0xFFFFCE00  }
0x5c: {  	_ =	swait.ge [sflag:s16], $0x3200  }
0x5d: {  	[sflag:s16] =	ssyncset.done $0x0  }
0x5e: {  	[sflag:s16] =	ssyncadd.s32 $0xFFFFCE00  }
0x5f: {  	[bflag:$0x0] =	sbarrier.arrive $0xFFFF  }
0x60: {  	[tilespmem:s14], [sflag:$0x2] =	stream.linear.gather [spmem:s10], $0x2800, $0x38;
	[tilespmem:$0x1F880] =	vst v63  }
0x61: {  	_ =	swait.ge [sflag:s13], $0x2800  }
.Ltmp3:
0x62: {  	s31 =	sshrl.u32 s11, $0x3;
	[sflag:s13] =	ssyncset.done $0x0;
	(pc) =	sbr.rel @!p0 .LBB2_7-.Ltmp3, $4  }
0x63: {  	s18 =	sadd.s32 s6, s31;
	[sflag:s13] =	ssyncadd.s32 $0xFFFFD800  }
0x64: {  	[hbm4b:s18+s3] =	stream.linear.scatter [tilespmem:s14], [sflag:$0x2], $0x2800, $0x38;
	[tilespmem:$0x1F880] =	vst v63  }
0x65: {  	s20 =	smov.u32 s10;
	_ =	swait.ge [sflag:s13], $0x2800  }
0x66: {  	s19 =	smov.u32 s11;
	s18 =	sadd.s32 $0xFFFFFFFF, s7;
	[sflag:s13] =	ssyncset.done $0x0  }
.LBB2_6:
0x67: {  	[sflag:s13] =	ssyncadd.s32 $0xFFFFD800;
	s19 =	sadd.s32 $0x2800, s19;
	s20 =	sadd.s32 $0x2800, s20  }
0x68: {  	[tilespmem:s14], [sflag:$0x2] =	stream.linear.gather [spmem:s20], $0x2800, $0x38;
	[tilespmem:$0x1F880] =	vst v63  }
0x69: {  	p0 =	sne.s32 s18, $0x1;
	s18 =	sadd.s32 $0xFFFFFFFF, s18;
	_ =	swait.ge [sflag:s13], $0x2800  }
.Ltmp4:
0x6a: {  	s21 =	sshrl.u32 s19, $0x3;
	[sflag:s13] =	ssyncset.done $0x0;
	(pc) =	sbr.rel @p0 .LBB2_6-.Ltmp4, $4  }
0x6b: {  	s21 =	sadd.s32 s6, s21;
	[sflag:s13] =	ssyncadd.s32 $0xFFFFD800  }
0x6c: {  	[hbm4b:s21+s3] =	stream.linear.scatter [tilespmem:s14], [sflag:$0x2], $0x2800, $0x38;
	[tilespmem:$0x1F880] =	vst v63  }
0x6d: {  	_ =	swait.ge [sflag:s13], $0x2800  }
0x6e: {  	[sflag:s13] =	ssyncset.done $0x0  }
.LBB2_7:
0x6f: {  	s17 =	sadd.s32 $0x1, s17  }
0x70: {  	p0 =	sne.s32 s17, s9  }
.Ltmp5:
0x71: {  	_ = 	snop;
	(pc) =	sbr.rel @p0 .LBB2_1-.Ltmp5, $2  }
0x72: {  	_ =	sdelay $0x2  }
0x73: {  	[sflag:s13] =	ssyncadd.s32 $0xFFFFD800  }
0x74: {  	_ =	sfence.sel $0x180000  }
0x75: {  	[bflag:$0x0] =	sbarrier.arrive $0xFFFF  }
0x76: {  	p0 =	sne.s32 s1, $0x0;
	_ =	strace $0x90000047  }
0x77: {  	s0 =	sadd.s32 @!p0 $0x100000, s0;
	[bflag:$0x2] =	sbarrier.arrive $0xFFFF  }
0x78: {  	[sflag:s0] =	ssyncadd.tile.s32 @!p0 $0x1;
	_ =	shalt  }
.Lfunc_end2:
_tile_overlayer_lowered:
.L_overlay_start_2:
0x79: {  	(tag) =	ssettag $0x2  }
0x7a: {  	s0 =	rddreg [dreg:$0x0];
	s2 =	stileid.u32  }
0x7b: {  	s1 =	rddreg [dreg:$0x1];
	p0 =	sne.s32 s2, $0x0  }
0x7c: {  	s3 =	rddreg [dreg:$0x2];
	[bflag:$0x3] =	sbarrier.arrive $0xFFFF;
	s2 =	simm.s32 @!p0 $0x1C02  }
0x7d: {  	[timem:s3], [sflag:s2] =	dma.local @!p0 [hbm:s0], s1  }
0x7e: {  	s0 =	simm.s32 @!p0 $0x2  }
0x7f: {  	_ =	swait.ge @!p0 [sflag:s0], s1  }
0x80: {  	s1 =	ssub.s32 @!p0 $0x0, s1;
	[sflag:s0] =	ssyncset.done @!p0 $0x0  }
0x81: {  	[sflag:s0] =	ssyncadd.s32 @!p0 s1  }
0x82: {  	[bflag:$0x3] =	sbarrier.arrive $0xFFFF  }
0x83: {  	_ =	shalt  }

// kernel: gnn_edge_agg_sc.3.cloned.1.call-start
scs
__scs_entry_jumppad:
0x0: {  	(pc) =	sbr.rel $0x88, $3  }
0x1: {  	(tag) =	ssettag $0x0;
	lr =	simm.s32 $0x1  }
0x2: {  	[smem:$0x3F97] =	sst lr;
	_ =	strace $0xD0000000  }
0x3: {  	_ = 	snop  }
0x4: {  	_ = 	snop  }
0x5: {  	_ = 	snop  }
0x6: {  	_ = 	snop  }
0x7: {  	_ = 	snop  }
__scs_overlays_trampoline_lowered:
0x8: {  	[smem:$0x3FA6] =	sst s0  }
0x9: {  	[smem:$0x3FA7] =	sst s1  }
0xa: {  	[smem:$0x3FA8] =	sst s2  }
0xb: {  	[smem:$0x3FA9] =	sst s3  }
0xc: {  	[smem:$0x3FAA] =	sst s4  }
0xd: {  	[smem:$0x3FAB] =	sst s5  }
0xe: {  	[smem:$0x3FAC] =	sst s6  }
0xf: {  	[smem:$0x3FAD] =	sst s7  }
0x10: {  	[smem:$0x3FAE] =	sst s8  }
0x11: {  	[smem:$0x3FAF] =	sst s9;
	s0 =	simm.s32 @!p0 $0x0  }
0x12: {  	s1 =	sld [smem:$0x3F95];
	s0 =	simm.s32 @p0 $0x1  }
0x13: {  	[smem:$0x3FB0] =	sst s0;
	s0 =	simm.s32 @!p1 $0x0  }
0x14: {  	s2 =	sld [smem:$0x3F94];
	s0 =	simm.s32 @p1 $0x1  }
0x15: {  	[smem:$0x3FB1] =	sst s0;
	s0 =	simm.s32 @!p2 $0x0  }
0x16: {  	s3 =	sld [smem:$0x3FDB];
	s0 =	simm.s32 @p2 $0x1  }
0x17: {  	s4 =	simm.s32 $0x1BF5;
	[smem:$0x3FB3] =	sst s0  }
0x18: {  	s0 =	sld [smem:$0x3F96];
	_ =	swait.ge [sflag:s4], $0x0  }
0x19: {  	s7 =	sld [smem:$0x3F97]  }
0x1a: {  	s8 =	sadd.s32 $0xFFFFE003, lr  }
0x1b: {  	s9 =	sadd.s32 $0xFFFFFEF7, lr;
	s5 =	simm.s32 $0xFFFFFFFF;
	p2 =	slt.u32 s8, $0xFFFFF086  }
0x1c: {  	p1 =	slt.u32 s9, $0xF7A;
	s5 =	simm.s32 @!p2 $0x0  }
0x1d: {  	s5 =	simm.s32 @p1 $0x1;
	p0 =	seq.s32 s7, s2  }
0x1e: {  	s7 =	smul.u32 @!p0 $0xF7A, s2;
	p2 =	seq.s32 @!p0 s5, $0x0  }
0x1f: {  	s9 =	smul.u32 $0xF7A, s1;
	s8 =	simm.s32 @!p0 $0x1BF5;
	p2 =	por !p2, p0  }
0x20: {  	[sflag:s8] =	ssyncset.s32 @!p0 $0xFFFFF086;
	s6 =	sadd.s32 @!p0 s3, s7;
	s7 =	simm.s32 @!p0 $0x108  }
0x21: {  	s3 =	sadd.s32 s3, s9;
	s6 =	sadd.s32 @!p0 $0x88, s6;
	s7 =	simm.s32 @p2 $0x1082  }
0x22: {  	[simem:s7], [sflag:s8] =	dma.local @!p0 [hbm:s6], $0xF7A  }
0x23: {  	s9 =	sor.u32 $0xD0000000, s2;
	s6 =	simm.s32 $0x108;
	_ =	swait.ge @!p0 [sflag:s8], $0x0  }
0x24: {  	s3 =	sadd.s32 $0x88, s3;
	s6 =	simm.s32 @!p1 $0x1082;
	[sflag:s4] =	ssyncset.s32 $0xFFFFF086  }
0x25: {  	[simem:s6], [sflag:s4] =	dma.local [hbm:s3], $0xF7A  }
0x26: {  	[smem:$0x3F97] =	sst s1;
	(tag) =	ssettag s2;
	_ =	strace s9  }
0x27: {  	s1 =	sld [smem:$0x3FA7]  }
0x28: {  	s2 =	sld [smem:$0x3FA8]  }
0x29: {  	s4 =	sld [smem:$0x3FAA]  }
0x2a: {  	p0 =	seq.s32 s5, $0x0;
	s5 =	sld [smem:$0x3FAB]  }
0x2b: {  	s6 =	sld [smem:$0x3FAC]  }
0x2c: {  	s7 =	sld [smem:$0x3FAD]  }
0x2d: {  	s3 =	simm.s32 $0x108;
	s8 =	sld [smem:$0x3FAE]  }
0x2e: {  	s3 =	simm.s32 @!p0 $0x1082;
	s9 =	sld [smem:$0x3FAF]  }
0x2f: {  	lr =	sadd.s32 s0, s3;
	s0 =	sld [smem:$0x3FA6]  }
0x30: {  	s3 =	sld [smem:$0x3FA9]  }
0x31: {  	[smem:$0x3FB2] =	sst s10  }
0x32: {  	s10 =	sld [smem:$0x3FB0];
	_ =	sdelay $0x3  }
0x33: {  	p0 =	seq.s32 s10, $0x1;
	s10 =	sld [smem:$0x3FB2];
	_ =	sdelay $0x3  }
0x34: {  	[smem:$0x3FB2] =	sst s10  }
0x35: {  	s10 =	sld [smem:$0x3FB1];
	_ =	sdelay $0x3  }
0x36: {  	p1 =	seq.s32 s10, $0x1;
	s10 =	sld [smem:$0x3FB2];
	_ =	sdelay $0x3  }
0x37: {  	[smem:$0x3FB2] =	sst s10  }
0x38: {  	s10 =	sld [smem:$0x3FB3]  }
0x39: {  	_ = 	snop;
	(pc) =	sbr.ind lr, $3  }
0x3a: {  	_ = 	snop  }
0x3b: {  	_ = 	snop  }
0x3c: {  	p2 =	seq.s32 s10, $0x1;
	s10 =	sld [smem:$0x3FB2]  }
0x3d: {  	_ =	shalt  }
0x3e: {  	_ =	shalt  }
0x3f: {  	_ =	shalt  }
0x40: {  	_ =	shalt  }
0x41: {  	_ =	shalt  }
0x42: {  	_ =	shalt  }
0x43: {  	_ =	shalt  }
0x44: {  	_ =	shalt  }
0x45: {  	_ =	shalt  }
0x46: {  	_ =	shalt  }
0x47: {  	_ =	shalt  }
0x48: {  	_ =	shalt  }
0x49: {  	_ =	shalt  }
0x4a: {  	_ =	shalt  }
0x4b: {  	_ =	shalt  }
0x4c: {  	_ =	shalt  }
0x4d: {  	_ =	shalt  }
0x4e: {  	_ =	shalt  }
0x4f: {  	_ =	shalt  }
0x50: {  	_ =	shalt  }
0x51: {  	_ =	shalt  }
0x52: {  	_ =	shalt  }
0x53: {  	_ =	shalt  }
0x54: {  	_ =	shalt  }
0x55: {  	_ =	shalt  }
0x56: {  	_ =	shalt  }
0x57: {  	_ =	shalt  }
0x58: {  	_ =	shalt  }
0x59: {  	_ =	shalt  }
0x5a: {  	_ =	shalt  }
0x5b: {  	_ =	shalt  }
0x5c: {  	_ =	shalt  }
0x5d: {  	_ =	shalt  }
0x5e: {  	_ =	shalt  }
0x5f: {  	_ =	shalt  }
0x60: {  	_ =	shalt  }
0x61: {  	_ =	shalt  }
0x62: {  	_ =	shalt  }
0x63: {  	_ =	shalt  }
0x64: {  	_ =	shalt  }
0x65: {  	_ =	shalt  }
0x66: {  	_ =	shalt  }
0x67: {  	_ =	shalt  }
0x68: {  	_ =	shalt  }
0x69: {  	_ =	shalt  }
0x6a: {  	_ =	shalt  }
0x6b: {  	_ =	shalt  }
0x6c: {  	_ =	shalt  }
0x6d: {  	_ =	shalt  }
0x6e: {  	_ =	shalt  }
0x6f: {  	_ =	shalt  }
0x70: {  	_ =	shalt  }
0x71: {  	_ =	shalt  }
0x72: {  	_ =	shalt  }
0x73: {  	_ =	shalt  }
0x74: {  	_ =	shalt  }
0x75: {  	_ =	shalt  }
0x76: {  	_ =	shalt  }
0x77: {  	_ =	shalt  }
0x78: {  	_ =	shalt  }
0x79: {  	_ =	shalt  }
0x7a: {  	_ =	shalt  }
0x7b: {  	_ =	shalt  }
0x7c: {  	_ =	shalt  }
0x7d: {  	_ =	shalt  }
0x7e: {  	_ =	shalt  }
0x7f: {  	_ =	shalt  }
0x80: {  	_ =	shalt  }
0x81: {  	_ =	shalt  }
0x82: {  	_ =	shalt  }
0x83: {  	_ =	shalt  }
0x84: {  	_ =	shalt  }
0x85: {  	_ =	shalt  }
0x86: {  	_ =	shalt  }
0x87: {  	_ =	shalt  }
.Lfunc_end0:
.L_simem_size_0:
called_computation.1_lowered:
.L_overlay_start_0:
0x88: {  	s2 =	sld [smem:$0x3FD9]  }
0x89: {  	s3 =	sld [smem:$0x3FFE];
	_ =	sdelay $0x1  }
0x8a: {  	s1 =	srdreg.scid  }
0x8b: {  	s0 =	sand.u32 $0x1, s1  }
0x8c: {  	s16 =	sshll.u32 s0, $0xA;
	s2 =	sadd.s32 s3, s2  }
0x8d: {  	s2 =	sadd.s32 s2, s16  }
0x8e: {  	[smem:$0x3FBE] =	sst s2  }
0x8f: {  	_ = 	snop  }
0x90: {  	(tm) =	ssettm $0x1  }
0x91: {  	s17 =	sld [smem:$0x3FFB];
	_ =	sdelay $0x3  }
0x92: {  	_ =	strace s17  }
0x93: {  	s2 =	sld [smem:$0x3FFC];
	_ =	sdelay $0x3  }
0x94: {  	_ =	strace s2  }
0x95: {  	s2 =	sld [smem:$0x3FFD];
	_ =	sdelay $0x3  }
0x96: {  	_ =	strace s2  }
0x97: {  	_ =	strace $0x8FFFFFFF  }
0x98: {  	s18 =	sld [smem:$0x3FDB];
	_ =	sdelay $0x1  }
0x99: {  	s19 =	simm.s32 $_scs_section_size  }
0x9a: {  	s4 =	simm.s32 $_size__tile_overlayer_lowered;
	s5 =	simm.s32 $_tile_overlayer_lowered  }
0x9b: {  	s22 =	simm.s32 $0x1BFF;
	s21 =	sshll.u32 s5, $0x1;
	s2 =	sadd.s32 s19, s18  }
0x9c: {  	s6 =	simm.s32 $0x0;
	s20 =	sshll.u32 s4, $0x1;
	s4 =	sadd.s32 s21, s2  }
0x9d: {  	[timem:s6], [sflag:s22] =	dma.local [hbm:s4], s20  }
0x9e: {  	_ =	swait.ge [sflag:s22], s20  }
0x9f: {  	s3 =	ssub.s32 $0x0, s20;
	[sflag:s22] =	ssyncset.done $0x0  }
0xa0: {  	[sflag:s22] =	ssyncadd.s32 s3;
	_ =	sdelay $0x1  }
0xa1: {  	s23 =	simm.s32 $0x1B8B  }
0xa2: {  	_ =	swait.ge [sflag:s23], $0x1  }
0xa3: {  	[sflag:s23] =	ssyncset.done $0x0  }
0xa4: {  	s25 =	simm.s32 $0x1B8E;
	s24 =	sld [smem:$0x3FFE];
	[sflag:s23] =	ssyncadd.s32 $0xFFFFFFFF  }
0xa5: {  	s26 =	simm.s32 $execute0_lowered;
	[smem:$0x3FD2] =	sst s25  }
0xa6: {  	s4 =	sshll.u32 s26, $0x1;
	_ =	strace $0x80000049;
	[dreg:$0x1] =	wrdreg $0xFFFFFFFF  }
0xa7: {  	s28 =	simm.s32 $_size_execute0_lowered;
	s2 =	sadd.s32 s2, s4;
	[dreg:$0x0] =	wrdreg $0x0  }
0xa8: {  	s4 =	sshll.u32 s28, $0x1;
	[dreg:$0x2] =	wrdreg s2  }
0xa9: {  	[dreg:$0x3] =	wrdreg s4  }
0xaa: {  	[dreg:$0x4] =	wrdreg $0xC0  }
0xab: {  	_ =	task [dreg:s6], $0x5FFFF  }
0xac: {  	[dreg:$0x1] =	wrdreg $0xFFFFFFFF  }
0xad: {  	[dreg:$0x0] =	wrdreg $0x60  }
0xae: {  	[dreg:$0x2] =	wrdreg s24  }
0xaf: {  	[dreg:$0x3] =	wrdreg $0xBC000  }
0xb0: {  	[dreg:$0x4] =	wrdreg $0x9  }
0xb1: {  	_ =	task.clear_ibuf [dreg:s6], $0x5FFFF;
	_ =	strace $0x90000049  }
0xb2: {  	s29 =	simm.s32 $0x9;
	_ =	strace $0x8000004B  }
0xb3: {  	_ =	swait.ge [sflag:s29], $0x1  }
0xb4: {  	[sflag:s29] =	ssyncadd.s32 $0xFFFFFFFF  }
0xb5: {  	_ =	strace $0x9000004B  }
0xb6: {  	_ =	sfence  }
0xb7: {  	s30 =	sld [smem:$0x0];
	_ =	sdelay $0x2  }
0xb8: {  	s31 =	sshll.u32 s1, $0xD;
	s1 =	sshrl.u32 s1, $0x2  }
0xb9: {  	s3 =	sand.u32 $0x4000, s31;
	s1 =	sadd.s32 s1, s30  }
0xba: {  	s0 =	sor.u32 s3, s0;
	s1 =	sshll.u32 s1, $0x11  }
0xbb: {  	s0 =	sor.u32 s1, s0  }
0xbc: {  	s0 =	sadd.s32 $0x8F2B, s0  }
0xbd: {  	[sflag:s0] =	ssyncadd.remote.s32 $0x1  }
0xbe: {  	_ =	sfence.sel $0xFFFF  }
0xbf: {  	[dreg:$0x0] =	wrdreg $0xFFFFFFFF;
	(pc) =	sbr.abs _section_cstart, $3  }
0xc0: {  	[dreg:$0x1] =	wrdreg $0xFFFFFFFF  }
0xc1: {  	_ =	task.clear_ibuf [dreg:s6], $0x2FFFF;
	_ =	strace $0x9FFFFFFF  }
0xc2: {  	(tm) =	ssettm $0x7FFFFFFF  }
0xc3: {  	_ =	shalt  }
tec
execute0_lowered:
.L_overlay_start_1:
0x0: {  	(tag) =	ssettag $0x1  }
0x1: {  	s0 =	rddreg [dreg:$0x0]  }
0x2: {  	s11 =	rddreg [dreg:$0x1];
	s5 =	simm.s32 $0x0;
	s2 =	srdreg.scid  }
0x3: {  	s7 =	stileid.u32;
	s10 =	simm.s32 $0x5;
	s12 =	simm.s32 $0x5  }
0x4: {  	s20 =	simm.s32 $0x64;
	s13 =	simm.s32 $0x5400;
	[smem:$0x7FF] =	sst s5  }
0x5: {  	s1 =	sadd.s32 $0x69600, s0;
	s2 =	sand.u32 $0x1, s2;
	s6 =	sadd.s32 $0x1600, s0  }
0x6: {  	s14 =	sadd.s32 $0x1AC00, s0;
	s8 =	sadd.s32 $0x41E00, s0;
	s4 =	sadd.s32 $0x1A600, s0  }
0x7: {  	s24 =	smul.u32 $0x1900, s7;
	_ =	strace $0x8000004A;
	[dreg:$0xd] =	wrdreg s4  }
0x8: {  	s9 =	sadd.s32 $0x82600, s0;
	s25 =	smul.u32 $0x50000, s7;
	[dreg:$0x9] =	wrdreg s1  }
0x9: {  	p0 =	seq.s32 s7, $0xF;
	s29 =	smul.u32 $0x14000, s7;
	[dreg:$0xa] =	wrdreg s6  }
0xa: {  	s30 =	smul.u32 $0xC800, s7;
	s3 =	ssub.s32 $0x2, s2;
	[dreg:$0xb] =	wrdreg s14  }
0xb: {  	s10 =	simm.s32 @!p0 $0x8;
	p0 =	seq.s32 s2, $0x1;
	[dreg:$0xe] =	wrdreg s9  }
0xc: {  	s2 =	smul.u32 $0x138800, s2;
	s7 =	smov.u32 s8;
	[dreg:$0x12] =	wrdreg s30  }
0xd: {  	s4 =	simm.s32 $0x2000;
	s8 =	simm.s32 $0x1000;
	[dreg:$0xc] =	wrdreg s7  }
0xe: {  	s22 =	sshrl.u32 s3, $0x1;
	s1 =	sadd.s32 s1, s24;
	[dreg:$0xf] =	wrdreg s10  }
0xf: {  	s26 =	sadd.s32 s6, s24;
	s28 =	sshrl.u32 s25, $0x2;
	[dreg:$0x10] =	wrdreg s1  }
0x10: {  	s24 =	simm.s32 $0x2;
	[dreg:$0x11] =	wrdreg s26;
	s31 =	sadd.s32 s29, s2  }
0x11: {  	s23 =	ssub.s32 s3, s22;
	s6 =	sadd.s32 s28, s11;
	[dreg:$0x15] =	wrdreg s31  }
0x12: {  	s25 =	simm.s32 $0x3;
	s0 =	smax.u32 s23, $0x1;
	[dreg:$0x14] =	wrdreg s6  }
0x13: {  	s1 =	simm.s32 $0x0;
	s23 =	simm.s32 $0x1;
	[dreg:$0x13] =	wrdreg s0  }
.LBB2_1:
0x14: {  	s0 =	rddreg [dreg:$0xd]  }
0x15: {  	[tilespmem:s4], [sflag:$0x5] =	stream.linear.gather [hbm4b:s0+s5], $0x2800, $0x38;
	[tilespmem:$0x1F480] =	vst v63  }
0x16: {  	p1 =	sne.s32 s10, $0x1;
	_ =	swait.ge [sflag:s12], $0x2800  }
.Ltmp0:
0x17: {  	[sflag:s12] =	ssyncset.done $0x0;
	(pc) =	sbr.rel @!p1 .LBB2_3-.Ltmp0, $4  }
0x18: {  	[sflag:s12] =	ssyncadd.s32 $0xFFFFD800  }
0x19: {  	[spmem:s6] =	stream.linear.scatter [tilespmem:s4], [sflag:$0x5], $0x2800, $0x38;
	[tilespmem:$0x1F480] =	vst v63  }
0x1a: {  	_ =	swait.ge [sflag:s12], $0x2800  }
0x1b: {  	s2 =	smov.u32 s6;
	s0 =	sadd.s32 $0xFFFFFFFF, s10;
	[sflag:s12] =	ssyncset.done $0x0  }
.LBB2_2:
0x1c: {  	p2 =	sne.s32 s0, $0x1;
	[sflag:s12] =	ssyncadd.s32 $0xFFFFD800;
	s2 =	sadd.s32 $0x2800, s2  }
.Ltmp1:
0x1d: {  	s0 =	sadd.s32 $0xFFFFFFFF, s0;
	(pc) =	sbr.rel @p2 .LBB2_2-.Ltmp1, $4  }
0x1e: {  	_ = 	snop  }
0x1f: {  	[spmem:s2] =	stream.linear.scatter [tilespmem:s4], [sflag:$0x5], $0x2800, $0x38;
	[tilespmem:$0x1F480] =	vst v63  }
0x20: {  	_ =	swait.ge [sflag:s12], $0x2800  }
0x21: {  	[sflag:s12] =	ssyncset.done $0x0  }
.LBB2_3:
0x22: {  	[dreg:$0x16] =	wrdreg s1;
	[sflag:s12] =	ssyncadd.s32 $0xFFFFD800  }
0x23: {  	[bflag:$0x0] =	sbarrier.arrive $0xFFFF  }
0x24: {  	s0 =	rddreg [dreg:$0x10]  }
0x25: {  	[tilespmem:s5], [sflag:$0x5] =	stream.linear.gather [hbm4b:s0+s5], $0x800, $0x38;
	[tilespmem:$0x1F480] =	vst v63  }
0x26: {  	_ =	swait.ge [sflag:s12], $0x800  }
0x27: {  	[sflag:s12] =	ssyncset.done $0x0  }
.Ltmp2:
0x28: {  	s31 =	rddreg [dreg:$0x11];
	[sflag:s12] =	ssyncadd.s32 $0xFFFFF800;
	(pc) =	sbr.rel @!p0 .LBB2_4-.Ltmp2, $4  }
0x29: {  	[tilespmem:s8], [sflag:$0x5] =	stream.linear.gather [hbm4b:s31+s5], $0x800, $0x38;
	[tilespmem:$0x1F480] =	vst v63  }
0x2a: {  	_ =	swait.ge [sflag:s12], $0x800  }
0x2b: {  	[sflag:s12] =	ssyncset.done $0x0  }
0x2c: {  	s18 =	simm.s32 $0x0;
	[sflag:s12] =	ssyncadd.s32 $0xFFFFF800  }
0x2d: {  	[tilespmem:s4], [sflag:$0x1] =	stream.indirect.gather [hbm4b:s7+s20], $0x80, s18, s20, $0xb8;
	[tilespmem:$0x1F480] =	vst v63  }
0x2e: {  	s0 =	simm.s32 $0x80;
	s14 =	simm.s32 $0x1  }
0x2f: {  	p2 =	por $0x0, $0x0;
	s17 =	simm.s32 $0x180;
	s22 =	simm.s32 $0x3  }
0x30: {  	[tilespmem:s13], [sflag:$0x2] =	stream.indirect.gather [hbm4b:s7+s20], $0x80, s0, s20, $0xb8;
	[tilespmem:$0x1F480] =	vst v63  }
0x31: {  	s19 =	simm.s32 $0x2;
	s8 =	simm.s32 $0x0;
	s0 =	simm.s32 $0x0  }
.LBB2_10:
0x32: {  	[smem:$0x7FB] =	sst s0  }
0x33: {  	s2 =	rddreg [dreg:$0x12]  }
0x34: {  	s16 =	sshll.u32 s0, $0xB;
	s21 =	rddreg [dreg:$0x9];
	s3 =	smulhi.u32 $0xAAAAAAAB, s14  }
0x35: {  	s1 =	simm.s32 $0x1;
	s4 =	rddreg [dreg:$0xa];
	s5 =	smulhi.u32 $0xAAAAAAAB, s18  }
0x36: {  	s9 =	smulhi.u32 $0xAAAAAAAB, s22;
	s15 =	simm.s32 $0x1A000;
	s12 =	sshra.s32 s8, $0x2  }
0x37: {  	s29 =	simm.s32 $0x34000;
	s31 =	sand.u32 $0xF80, s17;
	s28 =	sadd.s32 $0x2, s19  }
0x38: {  	s30 =	sadd.s32 $0x2, s18;
	s0 =	sadd.s32 $0x800, s16;
	s1 =	simm.s32 @!p2 $0x0  }
0x39: {  	s16 =	simm.s32 $0x0;
	s2 =	sadd.s32 s2, s0;
	s1 =	sshll.u32 s1, $0xB  }
0x3a: {  	s13 =	sand.u32 $0x800, s0;
	s6 =	sshrl.u32 s3, $0x1;
	s3 =	smulhi.u32 $0xAAAAAAAB, s19  }
0x3b: {  	s2 =	sshrl.u32 s2, $0x3;
	s26 =	sor.u32 $0x1080, s1;
	s1 =	sor.u32 $0x1000, s13  }
0x3c: {  	s0 =	sadd.s32 s21, s2;
	[dreg:$0x7] =	wrdreg s1;
	s1 =	sshrl.u32 s9, $0x1  }
0x3d: {  	s3 =	sshrl.u32 s3, $0x1;
	[dreg:$0x6] =	wrdreg s0;
	s1 =	smul.u32 $0xFFFD9000, s1  }
0x3e: {  	s0 =	sadd.s32 s4, s2;
	s2 =	sshrl.u32 s5, $0x1;
	s3 =	smul.u32 $0xFFFD9000, s3  }
0x3f: {  	s4 =	sadd.s32 $0x0, s8;
	[dreg:$0x8] =	wrdreg s0;
	s2 =	smul.u32 $0xFFFD9000, s2  }
0x40: {  	s0 =	smul.u32 $0xFFFD9000, s6;
	p3 =	seq.s32 s4, $0x0;
	s6 =	sadd.s32 $0xFFFFFF80, s26  }
0x41: {  	s1 =	sshra.s32 s1, $0x2;
	_ =	swait.ge [sflag:s23], $0x3200;
	s2 =	sshra.s32 s2, $0x2  }
0x42: {  	s3 =	sshra.s32 s3, $0x2;
	s0 =	sshra.s32 s0, $0x2;
	s2 =	sadd.s32 s12, s2  }
0x43: {  	[sflag:s23] =	ssyncset.done $0x0;
	s21 =	sadd.s32 $0xBC00, s1;
	s2 =	sadd.s32 $0x0, s2  }
0x44: {  	[sflag:s23] =	ssyncadd.s32 $0xFFFFCE00;
	s10 =	sadd.s32 $0x2000, s2;
	s2 =	simm.s32 @!p3 $0x4  }
0x45: {  	[spmem:s11] =	stream.indirect.scatter.add.f32 [tilespmem:s10], [sflag:$0x3], $0x80, s6, s20, $0xb8;
	[tilespmem:$0x1F480] =	vst v63  }
0x46: {  	s1 =	sadd.s32 $0x8800, s3;
	s0 =	sadd.s32 $0x5400, s0;
	_ =	swait.ge @!p3 [sflag:s2], $0x3200  }
0x47: {  	s5 =	sadd.s32 s12, s21;
	s1 =	sadd.s32 s12, s1;
	[sflag:s2] =	ssyncset.done @!p3 $0x0  }
0x48: {  	s4 =	sadd.s32 s12, s0;
	[sflag:s2] =	ssyncadd.s32 @!p3 $0xFFFFCE00;
	p3 =	por $0x0, $0x0  }
0x49: {  	s3 =	rddreg [dreg:$0x6];
	s9 =	simm.s32 @!p3 $0x0;
	s0 =	simm.s32 @!p3 $0x5  }
0x4a: {  	[tilespmem:s13], [sflag:$0x5] =	stream.linear.gather @!p3 [hbm4b:s3+s9], $0x800, $0x38;
	[tilespmem:$0x1F480] =	vst v63  }
0x4b: {  	s10 =	sadd.s32 $0xFFFFFF80, s17;
	_ =	swait.ge @!p3 [sflag:s0], $0x800;
	[dreg:$0x1c] =	wrdreg s17  }
0x4c: {  	s21 =	sadd.s32 $0x0, s1;
	s2 =	sand.u32 $0xF00, s10;
	[dreg:$0x1a] =	wrdreg s14  }
0x4d: {  	s10 =	sadd.s32 $0x100, s26;
	s3 =	sadd.s32 $0x0, s5;
	[dreg:$0x18] =	wrdreg s18  }
0x4e: {  	s5 =	smov.u32 s11;
	s17 =	sadd.s32 $0x100, s17;
	s6 =	rddreg [dreg:$0x8]  }
0x4f: {  	s14 =	sadd.s32 $0x2, s14;
	[sflag:s0] =	ssyncset.done @!p3 $0x0;
	s11 =	rddreg [dreg:$0x7]  }
0x50: {  	[smem:$0x7FC] =	sst s19;
	s19 =	smulhi.u32 $0xAAAAAAAB, s14;
	[sflag:s0] =	ssyncadd.s32 @!p3 $0xFFFFF800  }
0x51: {  	[tilespmem:s11], [sflag:$0x5] =	stream.linear.gather @!p3 [hbm4b:s6+s9], $0x800, $0x38;
	[tilespmem:$0x1F480] =	vst v63  }
0x52: {  	s6 =	simm.s32 $0x6800;
	s9 =	smulhi.u32 $0xAAAAAAAB, s30;
	_ =	swait.ge @!p3 [sflag:s0], $0x800  }
0x53: {  	[dreg:$0x1e] =	wrdreg s22;
	s22 =	sadd.s32 $0x2, s22;
	[sflag:s0] =	ssyncset.done @!p3 $0x0  }
.LBB2_11:
0x54: {  	s11 =	smulhi.u32 $0xAAAAAAAB, s22;
	s18 =	smov.u32 s16  }
0x55: {  	s16 =	smov.u32 s6;
	[sflag:s0] =	ssyncadd.s32 @!p3 $0xFFFFF800;
	s14 =	sadd.s32 $0x2, s14  }
0x56: {  	s30 =	sadd.s32 $0x2, s30;
	s22 =	sadd.s32 $0x2, s22;
	s1 =	sshrl.u32 s19, $0x1  }
0x57: {  	s19 =	smov.u32 s29;
	s6 =	sshrl.u32 s9, $0x1;
	s9 =	smulhi.u32 $0xAAAAAAAB, s28  }
0x58: {  	[tilespmem:s21], [sflag:$0x1] =	stream.indirect.gather [hbm4b:s7+s20], $0x80, s2, s20, $0xb8;
	[tilespmem:$0x1F480] =	vst v63  }
0x59: {  	s4 =	sadd.s32 s18, s4;
	s29 =	sadd.s32 $0x1A000, s29;
	s1 =	smul.u32 $0xFFFD9000, s1  }
0x5a: {  	s18 =	sadd.s32 s15, s8;
	s28 =	sadd.s32 $0x2, s28;
	s6 =	smul.u32 $0xFFFD9000, s6  }
0x5b: {  	s2 =	sshrl.u32 s11, $0x1;
	_ =	swait.ge [sflag:s24], $0x3200;
	p3 =	seq.s32 s18, $0x0  }
0x5c: {  	p4 =	sne.s32 s29, $0xD0000;
	s18 =	sadd.s32 $0xFFFFFF80, s17;
	s0 =	smul.u32 $0xFFFD9000, s2  }
0x5d: {  	[sflag:s24] =	ssyncset.done $0x0;
	s21 =	sshrl.u32 s9, $0x1;
	s1 =	sshra.s32 s1, $0x2  }
0x5e: {  	s11 =	sshra.s32 s6, $0x2;
	[sflag:s24] =	ssyncadd.s32 $0xFFFFCE00;
	s6 =	smul.u32 $0xFFFD9000, s21  }
0x5f: {  	[spmem:s5] =	stream.indirect.scatter.add.f32 [tilespmem:s4], [sflag:$0x4], $0x80, s26, s20, $0xb8;
	[tilespmem:$0x1F480] =	vst v63  }
0x60: {  	s2 =	sadd.s32 s12, s11;
	s0 =	sshra.s32 s0, $0x2;
	_ =	swait.ge [sflag:s25], $0x3200  }
0x61: {  	s1 =	sadd.s32 $0x5400, s1;
	s26 =	sadd.s32 $0xFFFFFF80, s10;
	[sflag:s25] =	ssyncset.done $0x0  }
0x62: {  	s2 =	sadd.s32 s16, s2;
	s4 =	sadd.s32 s12, s1;
	[sflag:s25] =	ssyncadd.s32 $0xFFFFCE00  }
0x63: {  	[tilespmem:s3], [sflag:$0x2] =	stream.indirect.gather [hbm4b:s7+s20], $0x80, s31, s20, $0xb8;
	[tilespmem:$0x1F480] =	vst v63  }
0x64: {  	s0 =	sadd.s32 $0xBC00, s0;
	s11 =	sshra.s32 s6, $0x2;
	_ =	swait.ge [sflag:s23], $0x3200  }
0x65: {  	s6 =	simm.s32 @!p3 $0x4;
	s2 =	sadd.s32 $0x2000, s2;
	[sflag:s23] =	ssyncset.done $0x0  }
0x66: {  	s1 =	sadd.s32 $0x8800, s11;
	s0 =	sadd.s32 s12, s0;
	[sflag:s23] =	ssyncadd.s32 $0xFFFFCE00  }
0x67: {  	[spmem:s5] =	stream.indirect.scatter.add.f32 [tilespmem:s2], [sflag:$0x3], $0x80, s26, s20, $0xb8;
	[tilespmem:$0x1F480] =	vst v63  }
0x68: {  	s1 =	sadd.s32 s12, s1;
	s3 =	sadd.s32 s16, s0;
	_ =	swait.ge @!p3 [sflag:s6], $0x3200  }
0x69: {  	s21 =	sadd.s32 s16, s1;
	s31 =	sand.u32 $0xF80, s17;
	[sflag:s6] =	ssyncset.done @!p3 $0x0  }
0x6a: {  	s17 =	sadd.s32 $0x100, s17;
	[sflag:s6] =	ssyncadd.s32 @!p3 $0xFFFFCE00;
	p3 =	sne.s32 s15, $0x0  }
0x6b: {  	s2 =	rddreg [dreg:$0x6];
	s1 =	simm.s32 @!p3 $0x0;
	s0 =	simm.s32 @!p3 $0x5  }
0x6c: {  	[tilespmem:s13], [sflag:$0x5] =	stream.linear.gather @!p3 [hbm4b:s2+s1], $0x800, $0x38;
	[tilespmem:$0x1F480] =	vst v63  }
0x6d: {  	s26 =	smov.u32 s10;
	s10 =	sadd.s32 $0x100, s10;
	_ =	swait.ge @!p3 [sflag:s0], $0x800  }
.Ltmp3:
0x6e: {  	[sflag:s0] =	ssyncset.done @!p3 $0x0;
	s9 =	rddreg [dreg:$0x8];
	(pc) =	sbr.rel @p4 .LBB2_11-.Ltmp3, $4  }
0x6f: {  	s15 =	smov.u32 s19;
	s11 =	rddreg [dreg:$0x7];
	[sflag:s0] =	ssyncadd.s32 @!p3 $0xFFFFF800  }
0x70: {  	[tilespmem:s11], [sflag:$0x5] =	stream.linear.gather @!p3 [hbm4b:s9+s1], $0x800, $0x38;
	[tilespmem:$0x1F480] =	vst v63  }
0x71: {  	s19 =	smulhi.u32 $0xAAAAAAAB, s14;
	s6 =	sshra.s32 s15, $0x2;
	_ =	swait.ge @!p3 [sflag:s0], $0x800  }
0x72: {  	s2 =	sand.u32 $0xF00, s18;
	s9 =	smulhi.u32 $0xAAAAAAAB, s30;
	[sflag:s0] =	ssyncset.done @!p3 $0x0  }
0x73: {  	[sflag:s0] =	ssyncadd.s32 @!p3 $0xFFFFF800  }
0x74: {  	[tilespmem:s21], [sflag:$0x1] =	stream.indirect.gather [hbm4b:s7+s20], $0x80, s2, s20, $0xb8;
	[tilespmem:$0x1F480] =	vst v63  }
0x75: {  	_ =	swait.ge [sflag:s24], $0x3200  }
0x76: {  	[sflag:s24] =	ssyncset.done $0x0  }
0x77: {  	s4 =	sadd.s32 s16, s4;
	s11 =	sshrl.u32 s9, $0x1;
	[sflag:s24] =	ssyncadd.s32 $0xFFFFCE00  }
0x78: {  	[spmem:s5] =	stream.indirect.scatter.add.f32 [tilespmem:s4], [sflag:$0x4], $0x80, s26, s20, $0xb8;
	[tilespmem:$0x1F480] =	vst v63  }
0x79: {  	s0 =	smul.u32 $0xFFFD9000, s11;
	_ =	swait.ge [sflag:s25], $0x3200  }
0x7a: {  	[sflag:s25] =	ssyncset.done $0x0  }
0x7b: {  	s0 =	sshra.s32 s0, $0x2;
	[sflag:s25] =	ssyncadd.s32 $0xFFFFCE00  }
0x7c: {  	[tilespmem:s3], [sflag:$0x2] =	stream.indirect.gather [hbm4b:s7+s20], $0x80, s31, s20, $0xb8;
	[tilespmem:$0x1F480] =	vst v63  }
0x7d: {  	s1 =	sadd.s32 s15, s8;
	s0 =	sadd.s32 s12, s0;
	_ =	swait.ge [sflag:s23], $0x3200  }
0x7e: {  	s14 =	sadd.s32 $0xFFFFFF80, s10;
	s0 =	sadd.s32 s6, s0;
	[sflag:s23] =	ssyncset.done $0x0  }
0x7f: {  	p4 =	seq.s32 s1, $0x0;
	s0 =	sadd.s32 $0x2000, s0;
	[sflag:s23] =	ssyncadd.s32 $0xFFFFCE00  }
0x80: {  	[spmem:s5] =	stream.indirect.scatter.add.f32 [tilespmem:s0], [sflag:$0x3], $0x80, s14, s20, $0xb8;
	[tilespmem:$0x1F480] =	vst v63  }
0x81: {  	s0 =	simm.s32 @!p4 $0x4  }
0x82: {  	_ =	swait.ge @!p4 [sflag:s0], $0x3200  }
0x83: {  	p3 =	sne.s32 s15, $0x0;
	s16 =	smulhi.u32 $0xAAAAAAAB, s28;
	[sflag:s0] =	ssyncset.done @!p4 $0x0  }
0x84: {  	s1 =	rddreg [dreg:$0x6];
	[sflag:s0] =	ssyncadd.s32 @!p4 $0xFFFFCE00;
	s0 =	simm.s32 @!p3 $0x0  }
0x85: {  	[tilespmem:s13], [sflag:$0x5] =	stream.linear.gather @!p3 [hbm4b:s1+s0], $0x800, $0x38;
	[tilespmem:$0x1F480] =	vst v63  }
0x86: {  	s2 =	simm.s32 @!p3 $0x5;
	s1 =	sshrl.u32 s16, $0x1  }
0x87: {  	s19 =	sshrl.u32 s19, $0x1;
	_ =	swait.ge @!p3 [sflag:s2], $0x800;
	s1 =	smul.u32 $0xFFFD9000, s1  }
0x88: {  	s22 =	smulhi.u32 $0xAAAAAAAB, s22;
	s3 =	rddreg [dreg:$0x8];
	[sflag:s2] =	ssyncset.done @!p3 $0x0  }
0x89: {  	s4 =	rddreg [dreg:$0x7];
	[sflag:s2] =	ssyncadd.s32 @!p3 $0xFFFFF800;
	s18 =	sshra.s32 s1, $0x2  }
0x8a: {  	[tilespmem:s4], [sflag:$0x5] =	stream.linear.gather @!p3 [hbm4b:s3+s0], $0x800, $0x38;
	[tilespmem:$0x1F480] =	vst v63  }
0x8b: {  	s21 =	sadd.s32 $0xFFFFFF80, s17;
	s0 =	sadd.s32 $0x8800, s18;
	_ =	swait.ge @!p3 [sflag:s2], $0x800  }
0x8c: {  	s1 =	smul.u32 $0xFFFD9000, s19;
	s0 =	sadd.s32 s12, s0;
	[sflag:s2] =	ssyncset.done @!p3 $0x0  }
0x8d: {  	s0 =	sadd.s32 s6, s0;
	[sflag:s2] =	ssyncadd.s32 @!p3 $0xFFFFF800;
	s2 =	sand.u32 $0xF00, s21  }
0x8e: {  	[tilespmem:s0], [sflag:$0x1] =	stream.indirect.gather [hbm4b:s7+s20], $0x80, s2, s20, $0xb8;
	[tilespmem:$0x1F480] =	vst v63  }
0x8f: {  	s1 =	sshra.s32 s1, $0x2;
	s0 =	sshrl.u32 s22, $0x1  }
0x90: {  	s1 =	sadd.s32 $0x5400, s1;
	_ =	swait.ge [sflag:s24], $0x3200;
	s0 =	smul.u32 $0xFFFD9000, s0  }
0x91: {  	s1 =	sadd.s32 s12, s1;
	[sflag:s24] =	ssyncset.done $0x0  }
0x92: {  	s1 =	sadd.s32 s6, s1;
	[sflag:s24] =	ssyncadd.s32 $0xFFFFCE00;
	s0 =	sshra.s32 s0, $0x2  }
0x93: {  	[spmem:s5] =	stream.indirect.scatter.add.f32 [tilespmem:s1], [sflag:$0x4], $0x80, s10, s20, $0xb8;
	[tilespmem:$0x1F480] =	vst v63  }
0x94: {  	s0 =	sadd.s32 $0xBC00, s0;
	_ =	swait.ge [sflag:s25], $0x3200  }
0x95: {  	s0 =	sadd.s32 s12, s0;
	[sflag:s25] =	ssyncset.done $0x0;
	s28 =	sld [smem:$0x7FB]  }
0x96: {  	s26 =	sand.u32 $0xF80, s17;
	s0 =	sadd.s32 s6, s0;
	[sflag:s25] =	ssyncadd.s32 $0xFFFFCE00  }
0x97: {  	[tilespmem:s0], [sflag:$0x2] =	stream.indirect.gather [hbm4b:s7+s20], $0x80, s26, s20, $0xb8;
	[tilespmem:$0x1F480] =	vst v63  }
0x98: {  	s0 =	sadd.s32 $0x1, s28  }
0x99: {  	s14 =	rddreg [dreg:$0x1a];
	p3 =	sne.s32 s0, $0x18  }
.Ltmp4:
0x9a: {  	s29 =	rddreg [dreg:$0x1c];
	(pc) =	sbr.rel @p3 .LBB2_10-.Ltmp4, $4  }
0x9b: {  	s8 =	sadd.s32 $0xD0000, s8;
	s31 =	sld [smem:$0x7FC]  }
0x9c: {  	p2 =	por !p2, !p2;
	s11 =	smov.u32 s5;
	s30 =	rddreg [dreg:$0x1e]  }
0x9d: {  	s18 =	rddreg [dreg:$0x18];
	s14 =	sadd.s32 $0x10, s14;
	s17 =	sadd.s32 $0x800, s29  }
0x9e: {  	s22 =	sadd.s32 $0x10, s30;
	s18 =	sadd.s32 $0x10, s18;
	s19 =	sadd.s32 $0x10, s31  }
0x9f: {  	_ =	swait.ge [sflag:s23], $0x3200  }
0xa0: {  	s4 =	simm.s32 $0x2000;
	[sflag:s23] =	ssyncset.done $0x0  }
0xa1: {  	s8 =	simm.s32 $0x1000;
	s0 =	simm.s32 $0x4;
	[sflag:s23] =	ssyncadd.s32 $0xFFFFCE00  }
0xa2: {  	[spmem:s11] =	stream.indirect.scatter.add.f32 [tilespmem:s4], [sflag:$0x3], $0x80, s8, s20, $0xb8;
	[tilespmem:$0x1F480] =	vst v63  }
0xa3: {  	_ =	swait.ge [sflag:s0], $0x3200  }
0xa4: {  	[sflag:s0] =	ssyncset.done $0x0  }
0xa5: {  	s1 =	simm.s32 $0x100;
	s2 =	simm.s32 $0x8800;
	[sflag:s0] =	ssyncadd.s32 $0xFFFFCE00  }
0xa6: {  	[tilespmem:s2], [sflag:$0x1] =	stream.indirect.gather [hbm4b:s7+s20], $0x80, s1, s20, $0xb8;
	[tilespmem:$0x1F480] =	vst v63  }
0xa7: {  	_ =	swait.ge [sflag:s24], $0x3200  }
0xa8: {  	[sflag:s24] =	ssyncset.done $0x0  }
0xa9: {  	s13 =	simm.s32 $0x5400;
	s18 =	simm.s32 $0x1080;
	[sflag:s24] =	ssyncadd.s32 $0xFFFFCE00  }
0xaa: {  	[spmem:s11] =	stream.indirect.scatter.add.f32 [tilespmem:s13], [sflag:$0x4], $0x80, s18, s20, $0xb8;
	[tilespmem:$0x1F480] =	vst v63  }
0xab: {  	_ =	swait.ge [sflag:s25], $0x3200  }
0xac: {  	[sflag:s25] =	ssyncset.done $0x0  }
0xad: {  	s19 =	simm.s32 $0x180;
	[sflag:s25] =	ssyncadd.s32 $0xFFFFCE00  }
0xae: {  	[tilespmem:s4], [sflag:$0x2] =	stream.indirect.gather [hbm4b:s7+s20], $0x80, s19, s20, $0xb8;
	[tilespmem:$0x1F480] =	vst v63  }
0xaf: {  	_ =	swait.ge [sflag:s23], $0x3200  }
0xb0: {  	[sflag:s23] =	ssyncset.done $0x0  }
0xb1: {  	s21 =	simm.s32 $0x1100;
	[sflag:s23] =	ssyncadd.s32 $0xFFFFCE00  }
0xb2: {  	[spmem:s11] =	stream.indirect.scatter.add.f32 [tilespmem:s2], [sflag:$0x3], $0x80, s21, s20, $0xb8;
	[tilespmem:$0x1F480] =	vst v63  }
0xb3: {  	_ =	swait.ge [sflag:s0], $0x3200  }
0xb4: {  	[sflag:s0] =	ssyncset.done $0x0  }
0xb5: {  	s22 =	simm.s32 $0x200;
	[sflag:s0] =	ssyncadd.s32 $0xFFFFCE00  }
0xb6: {  	[tilespmem:s13], [sflag:$0x1] =	stream.indirect.gather [hbm4b:s7+s20], $0x80, s22, s20, $0xb8;
	[tilespmem:$0x1F480] =	vst v63  }
0xb7: {  	_ =	swait.ge [sflag:s24], $0x3200  }
0xb8: {  	[sflag:s24] =	ssyncset.done $0x0  }
0xb9: {  	s26 =	simm.s32 $0x1180;
	[sflag:s24] =	ssyncadd.s32 $0xFFFFCE00  }
0xba: {  	[spmem:s11] =	stream.indirect.scatter.add.f32 [tilespmem:s4], [sflag:$0x4], $0x80, s26, s20, $0xb8;
	[tilespmem:$0x1F480] =	vst v63  }
0xbb: {  	_ =	swait.ge [sflag:s25], $0x3200  }
0xbc: {  	[sflag:s25] =	ssyncset.done $0x0  }
0xbd: {  	s28 =	simm.s32 $0x280;
	[sflag:s25] =	ssyncadd.s32 $0xFFFFCE00  }
0xbe: {  	[tilespmem:s2], [sflag:$0x2] =	stream.indirect.gather [hbm4b:s7+s20], $0x80, s28, s20, $0xb8;
	[tilespmem:$0x1F480] =	vst v63  }
0xbf: {  	_ =	swait.ge [sflag:s23], $0x3200  }
0xc0: {  	[sflag:s23] =	ssyncset.done $0x0  }
0xc1: {  	s29 =	simm.s32 $0x1200;
	[sflag:s23] =	ssyncadd.s32 $0xFFFFCE00  }
0xc2: {  	[spmem:s11] =	stream.indirect.scatter.add.f32 [tilespmem:s13], [sflag:$0x3], $0x80, s29, s20, $0xb8;
	[tilespmem:$0x1F480] =	vst v63  }
0xc3: {  	_ =	swait.ge [sflag:s0], $0x3200  }
0xc4: {  	[sflag:s0] =	ssyncset.done $0x0  }
0xc5: {  	s30 =	simm.s32 $0x300;
	[sflag:s0] =	ssyncadd.s32 $0xFFFFCE00  }
0xc6: {  	[tilespmem:s4], [sflag:$0x1] =	stream.indirect.gather [hbm4b:s7+s20], $0x80, s30, s20, $0xb8;
	[tilespmem:$0x1F480] =	vst v63  }
0xc7: {  	_ =	swait.ge [sflag:s24], $0x3200  }
0xc8: {  	[sflag:s24] =	ssyncset.done $0x0  }
0xc9: {  	s31 =	simm.s32 $0x1280;
	[sflag:s24] =	ssyncadd.s32 $0xFFFFCE00  }
0xca: {  	[spmem:s11] =	stream.indirect.scatter.add.f32 [tilespmem:s2], [sflag:$0x4], $0x80, s31, s20, $0xb8;
	[tilespmem:$0x1F480] =	vst v63  }
0xcb: {  	_ =	swait.ge [sflag:s25], $0x3200  }
0xcc: {  	[sflag:s25] =	ssyncset.done $0x0  }
0xcd: {  	s3 =	simm.s32 $0x380;
	[sflag:s25] =	ssyncadd.s32 $0xFFFFCE00  }
0xce: {  	[tilespmem:s13], [sflag:$0x2] =	stream.indirect.gather [hbm4b:s7+s20], $0x80, s3, s20, $0xb8;
	[tilespmem:$0x1F480] =	vst v63  }
0xcf: {  	_ =	swait.ge [sflag:s23], $0x3200  }
0xd0: {  	[sflag:s23] =	ssyncset.done $0x0  }
0xd1: {  	s5 =	simm.s32 $0x1300;
	[sflag:s23] =	ssyncadd.s32 $0xFFFFCE00  }
0xd2: {  	[spmem:s11] =	stream.indirect.scatter.add.f32 [tilespmem:s4], [sflag:$0x3], $0x80, s5, s20, $0xb8;
	[tilespmem:$0x1F480] =	vst v63  }
0xd3: {  	_ =	swait.ge [sflag:s0], $0x3200  }
0xd4: {  	[sflag:s0] =	ssyncset.done $0x0  }
0xd5: {  	s6 =	simm.s32 $0x400;
	[sflag:s0] =	ssyncadd.s32 $0xFFFFCE00  }
0xd6: {  	[tilespmem:s2], [sflag:$0x1] =	stream.indirect.gather [hbm4b:s7+s20], $0x80, s6, s20, $0xb8;
	[tilespmem:$0x1F480] =	vst v63  }
0xd7: {  	_ =	swait.ge [sflag:s24], $0x3200  }
0xd8: {  	[sflag:s24] =	ssyncset.done $0x0  }
0xd9: {  	s9 =	simm.s32 $0x1380;
	[sflag:s24] =	ssyncadd.s32 $0xFFFFCE00  }
0xda: {  	[spmem:s11] =	stream.indirect.scatter.add.f32 [tilespmem:s13], [sflag:$0x4], $0x80, s9, s20, $0xb8;
	[tilespmem:$0x1F480] =	vst v63  }
0xdb: {  	_ =	swait.ge [sflag:s25], $0x3200  }
0xdc: {  	[sflag:s25] =	ssyncset.done $0x0  }
0xdd: {  	s10 =	simm.s32 $0x480;
	[sflag:s25] =	ssyncadd.s32 $0xFFFFCE00  }
0xde: {  	[tilespmem:s4], [sflag:$0x2] =	stream.indirect.gather [hbm4b:s7+s20], $0x80, s10, s20, $0xb8;
	[tilespmem:$0x1F480] =	vst v63  }
0xdf: {  	_ =	swait.ge [sflag:s23], $0x3200  }
0xe0: {  	[sflag:s23] =	ssyncset.done $0x0  }
0xe1: {  	s12 =	simm.s32 $0x1400;
	[sflag:s23] =	ssyncadd.s32 $0xFFFFCE00  }
0xe2: {  	[spmem:s11] =	stream.indirect.scatter.add.f32 [tilespmem:s2], [sflag:$0x3], $0x80, s12, s20, $0xb8;
	[tilespmem:$0x1F480] =	vst v63  }
0xe3: {  	_ =	swait.ge [sflag:s0], $0x3200  }
0xe4: {  	[sflag:s0] =	ssyncset.done $0x0  }
0xe5: {  	s14 =	simm.s32 $0x500;
	[sflag:s0] =	ssyncadd.s32 $0xFFFFCE00  }
0xe6: {  	[tilespmem:s13], [sflag:$0x1] =	stream.indirect.gather [hbm4b:s7+s20], $0x80, s14, s20, $0xb8;
	[tilespmem:$0x1F480] =	vst v63  }
0xe7: {  	_ =	swait.ge [sflag:s24], $0x3200  }
0xe8: {  	[sflag:s24] =	ssyncset.done $0x0  }
0xe9: {  	s15 =	simm.s32 $0x1480;
	[sflag:s24] =	ssyncadd.s32 $0xFFFFCE00  }
0xea: {  	[spmem:s11] =	stream.indirect.scatter.add.f32 [tilespmem:s4], [sflag:$0x4], $0x80, s15, s20, $0xb8;
	[tilespmem:$0x1F480] =	vst v63  }
0xeb: {  	_ =	swait.ge [sflag:s25], $0x3200  }
0xec: {  	[sflag:s25] =	ssyncset.done $0x0  }
0xed: {  	s16 =	simm.s32 $0x580;
	[sflag:s25] =	ssyncadd.s32 $0xFFFFCE00  }
0xee: {  	[tilespmem:s2], [sflag:$0x2] =	stream.indirect.gather [hbm4b:s7+s20], $0x80, s16, s20, $0xb8;
	[tilespmem:$0x1F480] =	vst v63  }
0xef: {  	_ =	swait.ge [sflag:s23], $0x3200  }
0xf0: {  	[sflag:s23] =	ssyncset.done $0x0  }
0xf1: {  	s17 =	simm.s32 $0x1500;
	[sflag:s23] =	ssyncadd.s32 $0xFFFFCE00  }
0xf2: {  	[spmem:s11] =	stream.indirect.scatter.add.f32 [tilespmem:s13], [sflag:$0x3], $0x80, s17, s20, $0xb8;
	[tilespmem:$0x1F480] =	vst v63  }
0xf3: {  	_ =	swait.ge [sflag:s0], $0x3200  }
0xf4: {  	[sflag:s0] =	ssyncset.done $0x0  }
0xf5: {  	s18 =	simm.s32 $0x600;
	[sflag:s0] =	ssyncadd.s32 $0xFFFFCE00  }
0xf6: {  	[tilespmem:s4], [sflag:$0x1] =	stream.indirect.gather [hbm4b:s7+s20], $0x80, s18, s20, $0xb8;
	[tilespmem:$0x1F480] =	vst v63  }
0xf7: {  	_ =	swait.ge [sflag:s24], $0x3200  }
0xf8: {  	[sflag:s24] =	ssyncset.done $0x0  }
0xf9: {  	s19 =	simm.s32 $0x1580;
	[sflag:s24] =	ssyncadd.s32 $0xFFFFCE00  }
0xfa: {  	[spmem:s11] =	stream.indirect.scatter.add.f32 [tilespmem:s2], [sflag:$0x4], $0x80, s19, s20, $0xb8;
	[tilespmem:$0x1F480] =	vst v63  }
0xfb: {  	_ =	swait.ge [sflag:s25], $0x3200  }
0xfc: {  	[sflag:s25] =	ssyncset.done $0x0  }
0xfd: {  	s21 =	simm.s32 $0x680;
	[sflag:s25] =	ssyncadd.s32 $0xFFFFCE00  }
0xfe: {  	[tilespmem:s13], [sflag:$0x2] =	stream.indirect.gather [hbm4b:s7+s20], $0x80, s21, s20, $0xb8;
	[tilespmem:$0x1F480] =	vst v63  }
0xff: {  	_ =	swait.ge [sflag:s23], $0x3200  }
0x100: {  	[sflag:s23] =	ssyncset.done $0x0  }
0x101: {  	s22 =	simm.s32 $0x1600;
	[sflag:s23] =	ssyncadd.s32 $0xFFFFCE00  }
0x102: {  	[spmem:s11] =	stream.indirect.scatter.add.f32 [tilespmem:s4], [sflag:$0x3], $0x80, s22, s20, $0xb8;
	[tilespmem:$0x1F480] =	vst v63  }
0x103: {  	_ =	swait.ge [sflag:s0], $0x3200  }
0x104: {  	[sflag:s0] =	ssyncset.done $0x0  }
0x105: {  	s26 =	simm.s32 $0x700;
	[sflag:s0] =	ssyncadd.s32 $0xFFFFCE00  }
0x106: {  	[tilespmem:s2], [sflag:$0x1] =	stream.indirect.gather [hbm4b:s7+s20], $0x80, s26, s20, $0xb8;
	[tilespmem:$0x1F480] =	vst v63  }
0x107: {  	_ =	swait.ge [sflag:s24], $0x3200  }
0x108: {  	[sflag:s24] =	ssyncset.done $0x0  }
0x109: {  	s28 =	simm.s32 $0x1680;
	[sflag:s24] =	ssyncadd.s32 $0xFFFFCE00  }
0x10a: {  	[spmem:s11] =	stream.indirect.scatter.add.f32 [tilespmem:s13], [sflag:$0x4], $0x80, s28, s20, $0xb8;
	[tilespmem:$0x1F480] =	vst v63  }
0x10b: {  	_ =	swait.ge [sflag:s25], $0x3200  }
0x10c: {  	[sflag:s25] =	ssyncset.done $0x0  }
0x10d: {  	s29 =	simm.s32 $0x780;
	[sflag:s25] =	ssyncadd.s32 $0xFFFFCE00  }
0x10e: {  	[tilespmem:s4], [sflag:$0x2] =	stream.indirect.gather [hbm4b:s7+s20], $0x80, s29, s20, $0xb8;
	[tilespmem:$0x1F480] =	vst v63  }
0x10f: {  	_ =	swait.ge [sflag:s23], $0x3200  }
0x110: {  	[sflag:s23] =	ssyncset.done $0x0  }
0x111: {  	s30 =	simm.s32 $0x1700;
	[sflag:s23] =	ssyncadd.s32 $0xFFFFCE00  }
0x112: {  	[spmem:s11] =	stream.indirect.scatter.add.f32 [tilespmem:s2], [sflag:$0x3], $0x80, s30, s20, $0xb8;
	[tilespmem:$0x1F480] =	vst v63  }
.Ltmp5:
0x113: {  	_ = 	snop;
	(pc) =	sbr.rel .LBB2_14-.Ltmp5, $4  }
0x114: {  	_ =	swait.ge [sflag:s0], $0x3200  }
0x115: {  	[sflag:s0] =	ssyncset.done $0x0  }
0x116: {  	s31 =	simm.s32 $0x800;
	s14 =	rddreg [dreg:$0xb];
	[sflag:s0] =	ssyncadd.s32 $0xFFFFCE00  }
0x117: {  	[tilespmem:s13], [sflag:$0x1] =	stream.indirect.gather [hbm4b:s7+s20], $0x80, s31, s20, $0xb8;
	[tilespmem:$0x1F480] =	vst v63  }
.LBB2_4:
0x118: {  	[tilespmem:s4], [sflag:$0x1] =	stream.indirect.gather [hbm4b:s14+s20], $0x80, s18, s20, $0xb8;
	[tilespmem:$0x1F480] =	vst v63  }
0x119: {  	s0 =	simm.s32 $0x80;
	s22 =	simm.s32 $0x1  }
0x11a: {  	p2 =	por $0x0, $0x0;
	s17 =	simm.s32 $0x180;
	s4 =	simm.s32 $0x3  }
0x11b: {  	[tilespmem:s13], [sflag:$0x2] =	stream.indirect.gather [hbm4b:s14+s20], $0x80, s0, s20, $0xb8;
	[tilespmem:$0x1F480] =	vst v63  }
0x11c: {  	s28 =	simm.s32 $0x2;
	s8 =	simm.s32 $0x0;
	s0 =	simm.s32 $0x0  }
.LBB2_5:
0x11d: {  	[smem:$0x7FD] =	sst s0  }
0x11e: {  	s1 =	rddreg [dreg:$0x12]  }
0x11f: {  	s16 =	sshll.u32 s0, $0xB;
	s19 =	rddreg [dreg:$0x9]  }
0x120: {  	s2 =	simm.s32 $0x1;
	s5 =	rddreg [dreg:$0xa];
	s6 =	smulhi.u32 $0xAAAAAAAB, s18  }
0x121: {  	s9 =	smulhi.u32 $0xAAAAAAAB, s4;
	s15 =	simm.s32 $0x1A000;
	s12 =	sshra.s32 s8, $0x2  }
0x122: {  	s29 =	simm.s32 $0x34000;
	s10 =	smulhi.u32 $0xAAAAAAAB, s28;
	s31 =	sand.u32 $0xF80, s17  }
0x123: {  	s30 =	sadd.s32 $0x2, s18;
	s0 =	sadd.s32 $0x800, s16;
	s2 =	simm.s32 @!p2 $0x0  }
0x124: {  	s16 =	simm.s32 $0x0;
	s3 =	sadd.s32 s1, s0;
	s2 =	sshll.u32 s2, $0xB  }
0x125: {  	s13 =	sand.u32 $0x800, s0;
	s1 =	smulhi.u32 $0xAAAAAAAB, s22;
	s3 =	sshrl.u32 s3, $0x3  }
0x126: {  	s26 =	sor.u32 $0x1080, s2;
	s21 =	sor.u32 $0x1000, s13;
	s2 =	sshrl.u32 s9, $0x1  }
0x127: {  	s0 =	sadd.s32 s19, s3;
	[dreg:$0x4] =	wrdreg s21;
	s7 =	sshrl.u32 s1, $0x1  }
0x128: {  	s1 =	smov.u32 s4;
	s2 =	smul.u32 $0xFFFD9000, s2;
	s4 =	sshrl.u32 s10, $0x1  }
0x129: {  	s9 =	sadd.s32 $0xFFFFFF80, s26;
	s10 =	sadd.s32 $0xFFFFFF80, s17;
	[dreg:$0x3] =	wrdreg s0  }
0x12a: {  	s0 =	sadd.s32 s5, s3;
	s3 =	sshrl.u32 s6, $0x1;
	s19 =	smul.u32 $0xFFFD9000, s4  }
0x12b: {  	s6 =	sadd.s32 $0x0, s8;
	[dreg:$0x5] =	wrdreg s0;
	s3 =	smul.u32 $0xFFFD9000, s3  }
0x12c: {  	s0 =	smul.u32 $0xFFFD9000, s7;
	s2 =	sshra.s32 s2, $0x2;
	p3 =	seq.s32 s6, $0x0  }
0x12d: {  	_ =	swait.ge [sflag:s23], $0x3200;
	s5 =	sadd.s32 $0xBC00, s2;
	s3 =	sshra.s32 s3, $0x2  }
0x12e: {  	s6 =	sshra.s32 s19, $0x2;
	s0 =	sshra.s32 s0, $0x2;
	s3 =	sadd.s32 s12, s3  }
0x12f: {  	[sflag:s23] =	ssyncset.done $0x0;
	s2 =	sadd.s32 $0x8800, s6;
	s3 =	sadd.s32 $0x0, s3  }
0x130: {  	[sflag:s23] =	ssyncadd.s32 $0xFFFFCE00;
	s21 =	sadd.s32 $0x2000, s3;
	s3 =	simm.s32 @!p3 $0x4  }
0x131: {  	[spmem:s11] =	stream.indirect.scatter.add.f32 [tilespmem:s21], [sflag:$0x3], $0x80, s9, s20, $0xb8;
	[tilespmem:$0x1F480] =	vst v63  }
0x132: {  	s7 =	sadd.s32 s12, s5;
	s5 =	smov.u32 s11;
	_ =	swait.ge @!p3 [sflag:s3], $0x3200  }
0x133: {  	s0 =	sadd.s32 $0x5400, s0;
	s2 =	sadd.s32 s12, s2;
	[sflag:s3] =	ssyncset.done @!p3 $0x0  }
0x134: {  	s4 =	sadd.s32 s12, s0;
	[sflag:s3] =	ssyncadd.s32 @!p3 $0xFFFFCE00;
	p3 =	por $0x0, $0x0  }
0x135: {  	s6 =	rddreg [dreg:$0x3];
	s19 =	simm.s32 @!p3 $0x0;
	s0 =	simm.s32 @!p3 $0x5  }
0x136: {  	[tilespmem:s13], [sflag:$0x5] =	stream.linear.gather @!p3 [hbm4b:s6+s19], $0x800, $0x38;
	[tilespmem:$0x1F480] =	vst v63  }
0x137: {  	s21 =	sadd.s32 $0x0, s2;
	_ =	swait.ge @!p3 [sflag:s0], $0x800;
	[dreg:$0x1b] =	wrdreg s17  }
0x138: {  	s2 =	sand.u32 $0xF00, s10;
	s10 =	sadd.s32 $0x100, s26;
	[dreg:$0x19] =	wrdreg s22  }
0x139: {  	s3 =	sadd.s32 $0x0, s7;
	s7 =	smov.u32 s14;
	[dreg:$0x1f] =	wrdreg s28  }
0x13a: {  	s14 =	sadd.s32 $0x2, s22;
	s17 =	sadd.s32 $0x100, s17;
	[dreg:$0x17] =	wrdreg s18  }
0x13b: {  	s28 =	sadd.s32 $0x2, s28;
	[sflag:s0] =	ssyncset.done @!p3 $0x0;
	s6 =	rddreg [dreg:$0x5]  }
0x13c: {  	s22 =	sadd.s32 $0x2, s1;
	s9 =	rddreg [dreg:$0x4];
	[sflag:s0] =	ssyncadd.s32 @!p3 $0xFFFFF800  }
0x13d: {  	[tilespmem:s9], [sflag:$0x5] =	stream.linear.gather @!p3 [hbm4b:s6+s19], $0x800, $0x38;
	[tilespmem:$0x1F480] =	vst v63  }
0x13e: {  	s19 =	smulhi.u32 $0xAAAAAAAB, s14;
	s6 =	simm.s32 $0x6800;
	_ =	swait.ge @!p3 [sflag:s0], $0x800  }
0x13f: {  	s9 =	smulhi.u32 $0xAAAAAAAB, s30;
	[dreg:$0x1d] =	wrdreg s1;
	[sflag:s0] =	ssyncset.done @!p3 $0x0  }
.LBB2_6:
0x140: {  	s11 =	smulhi.u32 $0xAAAAAAAB, s22;
	s1 =	smov.u32 s16  }
0x141: {  	s16 =	smov.u32 s6;
	[sflag:s0] =	ssyncadd.s32 @!p3 $0xFFFFF800;
	s14 =	sadd.s32 $0x2, s14  }
0x142: {  	s30 =	sadd.s32 $0x2, s30;
	s22 =	sadd.s32 $0x2, s22;
	s18 =	sshrl.u32 s19, $0x1  }
0x143: {  	s19 =	smov.u32 s29;
	s1 =	sadd.s32 s1, s4;
	s4 =	smulhi.u32 $0xAAAAAAAB, s28  }
0x144: {  	[tilespmem:s21], [sflag:$0x1] =	stream.indirect.gather [hbm4b:s7+s20], $0x80, s2, s20, $0xb8;
	[tilespmem:$0x1F480] =	vst v63  }
0x145: {  	s9 =	sshrl.u32 s9, $0x1;
	s29 =	sadd.s32 $0x1A000, s29;
	s6 =	smul.u32 $0xFFFD9000, s18  }
0x146: {  	s28 =	sadd.s32 $0x2, s28;
	s18 =	sadd.s32 s15, s8;
	s9 =	smul.u32 $0xFFFD9000, s9  }
0x147: {  	s2 =	sshrl.u32 s11, $0x1;
	_ =	swait.ge [sflag:s24], $0x3200;
	p4 =	sne.s32 s29, $0xD0000  }
0x148: {  	s0 =	smul.u32 $0xFFFD9000, s2;
	[sflag:s24] =	ssyncset.done $0x0;
	s4 =	sshrl.u32 s4, $0x1  }
0x149: {  	p3 =	seq.s32 s18, $0x0;
	s6 =	sshra.s32 s6, $0x2;
	s11 =	sshra.s32 s9, $0x2  }
0x14a: {  	[sflag:s24] =	ssyncadd.s32 $0xFFFFCE00;
	s21 =	smul.u32 $0xFFFD9000, s4;
	s2 =	sadd.s32 s12, s11  }
0x14b: {  	[spmem:s5] =	stream.indirect.scatter.add.f32 [tilespmem:s1], [sflag:$0x4], $0x80, s26, s20, $0xb8;
	[tilespmem:$0x1F480] =	vst v63  }
0x14c: {  	s0 =	sshra.s32 s0, $0x2;
	s18 =	sadd.s32 $0x5400, s6;
	_ =	swait.ge [sflag:s25], $0x3200  }
0x14d: {  	s26 =	sadd.s32 $0xFFFFFF80, s10;
	s6 =	simm.s32 @!p3 $0x4;
	[sflag:s25] =	ssyncset.done $0x0  }
0x14e: {  	s2 =	sadd.s32 s16, s2;
	s4 =	sadd.s32 s12, s18;
	[sflag:s25] =	ssyncadd.s32 $0xFFFFCE00  }
0x14f: {  	[tilespmem:s3], [sflag:$0x2] =	stream.indirect.gather [hbm4b:s7+s20], $0x80, s31, s20, $0xb8;
	[tilespmem:$0x1F480] =	vst v63  }
0x150: {  	s0 =	sadd.s32 $0xBC00, s0;
	s11 =	sshra.s32 s21, $0x2;
	_ =	swait.ge [sflag:s23], $0x3200  }
0x151: {  	s18 =	sadd.s32 $0xFFFFFF80, s17;
	s2 =	sadd.s32 $0x2000, s2;
	[sflag:s23] =	ssyncset.done $0x0  }
0x152: {  	s1 =	sadd.s32 $0x8800, s11;
	s0 =	sadd.s32 s12, s0;
	[sflag:s23] =	ssyncadd.s32 $0xFFFFCE00  }
0x153: {  	[spmem:s5] =	stream.indirect.scatter.add.f32 [tilespmem:s2], [sflag:$0x3], $0x80, s26, s20, $0xb8;
	[tilespmem:$0x1F480] =	vst v63  }
0x154: {  	s1 =	sadd.s32 s12, s1;
	s3 =	sadd.s32 s16, s0;
	_ =	swait.ge @!p3 [sflag:s6], $0x3200  }
0x155: {  	s21 =	sadd.s32 s16, s1;
	s31 =	sand.u32 $0xF80, s17;
	[sflag:s6] =	ssyncset.done @!p3 $0x0  }
0x156: {  	s17 =	sadd.s32 $0x100, s17;
	[sflag:s6] =	ssyncadd.s32 @!p3 $0xFFFFCE00;
	p3 =	sne.s32 s15, $0x0  }
0x157: {  	s2 =	rddreg [dreg:$0x3];
	s1 =	simm.s32 @!p3 $0x0;
	s0 =	simm.s32 @!p3 $0x5  }
0x158: {  	[tilespmem:s13], [sflag:$0x5] =	stream.linear.gather @!p3 [hbm4b:s2+s1], $0x800, $0x38;
	[tilespmem:$0x1F480] =	vst v63  }
0x159: {  	s26 =	smov.u32 s10;
	s10 =	sadd.s32 $0x100, s10;
	_ =	swait.ge @!p3 [sflag:s0], $0x800  }
.Ltmp6:
0x15a: {  	[sflag:s0] =	ssyncset.done @!p3 $0x0;
	s9 =	rddreg [dreg:$0x5];
	(pc) =	sbr.rel @p4 .LBB2_6-.Ltmp6, $4  }
0x15b: {  	s15 =	smov.u32 s19;
	s11 =	rddreg [dreg:$0x4];
	[sflag:s0] =	ssyncadd.s32 @!p3 $0xFFFFF800  }
0x15c: {  	[tilespmem:s11], [sflag:$0x5] =	stream.linear.gather @!p3 [hbm4b:s9+s1], $0x800, $0x38;
	[tilespmem:$0x1F480] =	vst v63  }
0x15d: {  	s19 =	smulhi.u32 $0xAAAAAAAB, s14;
	s6 =	sshra.s32 s15, $0x2;
	_ =	swait.ge @!p3 [sflag:s0], $0x800  }
0x15e: {  	s2 =	sand.u32 $0xF00, s18;
	s9 =	smulhi.u32 $0xAAAAAAAB, s30;
	[sflag:s0] =	ssyncset.done @!p3 $0x0  }
0x15f: {  	[sflag:s0] =	ssyncadd.s32 @!p3 $0xFFFFF800  }
0x160: {  	[tilespmem:s21], [sflag:$0x1] =	stream.indirect.gather [hbm4b:s7+s20], $0x80, s2, s20, $0xb8;
	[tilespmem:$0x1F480] =	vst v63  }
0x161: {  	_ =	swait.ge [sflag:s24], $0x3200  }
0x162: {  	[sflag:s24] =	ssyncset.done $0x0  }
0x163: {  	s4 =	sadd.s32 s16, s4;
	s11 =	sshrl.u32 s9, $0x1;
	[sflag:s24] =	ssyncadd.s32 $0xFFFFCE00  }
0x164: {  	[spmem:s5] =	stream.indirect.scatter.add.f32 [tilespmem:s4], [sflag:$0x4], $0x80, s26, s20, $0xb8;
	[tilespmem:$0x1F480] =	vst v63  }
0x165: {  	s0 =	smul.u32 $0xFFFD9000, s11;
	_ =	swait.ge [sflag:s25], $0x3200  }
0x166: {  	[sflag:s25] =	ssyncset.done $0x0  }
0x167: {  	s0 =	sshra.s32 s0, $0x2;
	[sflag:s25] =	ssyncadd.s32 $0xFFFFCE00  }
0x168: {  	[tilespmem:s3], [sflag:$0x2] =	stream.indirect.gather [hbm4b:s7+s20], $0x80, s31, s20, $0xb8;
	[tilespmem:$0x1F480] =	vst v63  }
0x169: {  	s1 =	sadd.s32 s15, s8;
	s0 =	sadd.s32 s12, s0;
	_ =	swait.ge [sflag:s23], $0x3200  }
0x16a: {  	s14 =	sadd.s32 $0xFFFFFF80, s10;
	s0 =	sadd.s32 s6, s0;
	[sflag:s23] =	ssyncset.done $0x0  }
0x16b: {  	p4 =	seq.s32 s1, $0x0;
	s0 =	sadd.s32 $0x2000, s0;
	[sflag:s23] =	ssyncadd.s32 $0xFFFFCE00  }
0x16c: {  	[spmem:s5] =	stream.indirect.scatter.add.f32 [tilespmem:s0], [sflag:$0x3], $0x80, s14, s20, $0xb8;
	[tilespmem:$0x1F480] =	vst v63  }
0x16d: {  	s0 =	simm.s32 @!p4 $0x4  }
0x16e: {  	_ =	swait.ge @!p4 [sflag:s0], $0x3200  }
0x16f: {  	p3 =	sne.s32 s15, $0x0;
	s15 =	smulhi.u32 $0xAAAAAAAB, s28;
	[sflag:s0] =	ssyncset.done @!p4 $0x0  }
0x170: {  	s1 =	rddreg [dreg:$0x3];
	[sflag:s0] =	ssyncadd.s32 @!p4 $0xFFFFCE00;
	s0 =	simm.s32 @!p3 $0x0  }
0x171: {  	[tilespmem:s13], [sflag:$0x5] =	stream.linear.gather @!p3 [hbm4b:s1+s0], $0x800, $0x38;
	[tilespmem:$0x1F480] =	vst v63  }
0x172: {  	s2 =	simm.s32 @!p3 $0x5;
	s1 =	sshrl.u32 s15, $0x1  }
0x173: {  	s18 =	sshrl.u32 s19, $0x1;
	_ =	swait.ge @!p3 [sflag:s2], $0x800;
	s1 =	smul.u32 $0xFFFD9000, s1  }
0x174: {  	s19 =	sadd.s32 $0xFFFFFF80, s17;
	s3 =	rddreg [dreg:$0x5];
	[sflag:s2] =	ssyncset.done @!p3 $0x0  }
0x175: {  	s4 =	rddreg [dreg:$0x4];
	[sflag:s2] =	ssyncadd.s32 @!p3 $0xFFFFF800;
	s16 =	sshra.s32 s1, $0x2  }
0x176: {  	[tilespmem:s4], [sflag:$0x5] =	stream.linear.gather @!p3 [hbm4b:s3+s0], $0x800, $0x38;
	[tilespmem:$0x1F480] =	vst v63  }
0x177: {  	s21 =	smulhi.u32 $0xAAAAAAAB, s22;
	s0 =	sadd.s32 $0x8800, s16;
	_ =	swait.ge @!p3 [sflag:s2], $0x800  }
0x178: {  	s1 =	smul.u32 $0xFFFD9000, s18;
	s0 =	sadd.s32 s12, s0;
	[sflag:s2] =	ssyncset.done @!p3 $0x0  }
0x179: {  	s0 =	sadd.s32 s6, s0;
	[sflag:s2] =	ssyncadd.s32 @!p3 $0xFFFFF800;
	s2 =	sand.u32 $0xF00, s19  }
0x17a: {  	[tilespmem:s0], [sflag:$0x1] =	stream.indirect.gather [hbm4b:s7+s20], $0x80, s2, s20, $0xb8;
	[tilespmem:$0x1F480] =	vst v63  }
0x17b: {  	s1 =	sshra.s32 s1, $0x2;
	s0 =	sshrl.u32 s21, $0x1  }
0x17c: {  	s1 =	sadd.s32 $0x5400, s1;
	_ =	swait.ge [sflag:s24], $0x3200;
	s0 =	smul.u32 $0xFFFD9000, s0  }
0x17d: {  	s1 =	sadd.s32 s12, s1;
	[sflag:s24] =	ssyncset.done $0x0  }
0x17e: {  	s1 =	sadd.s32 s6, s1;
	[sflag:s24] =	ssyncadd.s32 $0xFFFFCE00;
	s0 =	sshra.s32 s0, $0x2  }
0x17f: {  	[spmem:s5] =	stream.indirect.scatter.add.f32 [tilespmem:s1], [sflag:$0x4], $0x80, s10, s20, $0xb8;
	[tilespmem:$0x1F480] =	vst v63  }
0x180: {  	s0 =	sadd.s32 $0xBC00, s0;
	_ =	swait.ge [sflag:s25], $0x3200  }
0x181: {  	s0 =	sadd.s32 s12, s0;
	[sflag:s25] =	ssyncset.done $0x0;
	s26 =	sld [smem:$0x7FD]  }
0x182: {  	s22 =	sand.u32 $0xF80, s17;
	s0 =	sadd.s32 s6, s0;
	[sflag:s25] =	ssyncadd.s32 $0xFFFFCE00  }
0x183: {  	[tilespmem:s0], [sflag:$0x2] =	stream.indirect.gather [hbm4b:s7+s20], $0x80, s22, s20, $0xb8;
	[tilespmem:$0x1F480] =	vst v63  }
0x184: {  	s0 =	sadd.s32 $0x1, s26  }
0x185: {  	s29 =	rddreg [dreg:$0x19];
	p3 =	sne.s32 s0, $0x18  }
.Ltmp7:
0x186: {  	s30 =	rddreg [dreg:$0x1b];
	(pc) =	sbr.rel @p3 .LBB2_5-.Ltmp7, $4  }
0x187: {  	s8 =	sadd.s32 $0xD0000, s8;
	p2 =	por !p2, !p2;
	s31 =	rddreg [dreg:$0x1d]  }
0x188: {  	s11 =	smov.u32 s5;
	s14 =	smov.u32 s7;
	s28 =	rddreg [dreg:$0x1f]  }
0x189: {  	s18 =	rddreg [dreg:$0x17];
	s17 =	sadd.s32 $0x800, s30;
	s4 =	sadd.s32 $0x10, s31  }
0x18a: {  	s28 =	sadd.s32 $0x10, s28;
	s18 =	sadd.s32 $0x10, s18;
	s22 =	sadd.s32 $0x10, s29  }
0x18b: {  	_ =	swait.ge [sflag:s23], $0x3200  }
0x18c: {  	s4 =	simm.s32 $0x2000;
	[sflag:s23] =	ssyncset.done $0x0  }
0x18d: {  	s8 =	simm.s32 $0x1000;
	s0 =	simm.s32 $0x4;
	[sflag:s23] =	ssyncadd.s32 $0xFFFFCE00  }
0x18e: {  	[spmem:s11] =	stream.indirect.scatter.add.f32 [tilespmem:s4], [sflag:$0x3], $0x80, s8, s20, $0xb8;
	[tilespmem:$0x1F480] =	vst v63  }
0x18f: {  	_ =	swait.ge [sflag:s0], $0x3200  }
0x190: {  	[sflag:s0] =	ssyncset.done $0x0  }
0x191: {  	s1 =	simm.s32 $0x100;
	s2 =	simm.s32 $0x8800;
	[sflag:s0] =	ssyncadd.s32 $0xFFFFCE00  }
0x192: {  	[tilespmem:s2], [sflag:$0x1] =	stream.indirect.gather [hbm4b:s14+s20], $0x80, s1, s20, $0xb8;
	[tilespmem:$0x1F480] =	vst v63  }
0x193: {  	_ =	swait.ge [sflag:s24], $0x3200  }
0x194: {  	[sflag:s24] =	ssyncset.done $0x0  }
0x195: {  	s13 =	simm.s32 $0x5400;
	s18 =	simm.s32 $0x1080;
	[sflag:s24] =	ssyncadd.s32 $0xFFFFCE00  }
0x196: {  	[spmem:s11] =	stream.indirect.scatter.add.f32 [tilespmem:s13], [sflag:$0x4], $0x80, s18, s20, $0xb8;
	[tilespmem:$0x1F480] =	vst v63  }
0x197: {  	_ =	swait.ge [sflag:s25], $0x3200  }
0x198: {  	[sflag:s25] =	ssyncset.done $0x0  }
0x199: {  	s19 =	simm.s32 $0x180;
	[sflag:s25] =	ssyncadd.s32 $0xFFFFCE00  }
0x19a: {  	[tilespmem:s4], [sflag:$0x2] =	stream.indirect.gather [hbm4b:s14+s20], $0x80, s19, s20, $0xb8;
	[tilespmem:$0x1F480] =	vst v63  }
0x19b: {  	_ =	swait.ge [sflag:s23], $0x3200  }
0x19c: {  	[sflag:s23] =	ssyncset.done $0x0  }
0x19d: {  	s21 =	simm.s32 $0x1100;
	[sflag:s23] =	ssyncadd.s32 $0xFFFFCE00  }
0x19e: {  	[spmem:s11] =	stream.indirect.scatter.add.f32 [tilespmem:s2], [sflag:$0x3], $0x80, s21, s20, $0xb8;
	[tilespmem:$0x1F480] =	vst v63  }
0x19f: {  	_ =	swait.ge [sflag:s0], $0x3200  }
0x1a0: {  	[sflag:s0] =	ssyncset.done $0x0  }
0x1a1: {  	s22 =	simm.s32 $0x200;
	[sflag:s0] =	ssyncadd.s32 $0xFFFFCE00  }
0x1a2: {  	[tilespmem:s13], [sflag:$0x1] =	stream.indirect.gather [hbm4b:s14+s20], $0x80, s22, s20, $0xb8;
	[tilespmem:$0x1F480] =	vst v63  }
0x1a3: {  	_ =	swait.ge [sflag:s24], $0x3200  }
0x1a4: {  	[sflag:s24] =	ssyncset.done $0x0  }
0x1a5: {  	s26 =	simm.s32 $0x1180;
	[sflag:s24] =	ssyncadd.s32 $0xFFFFCE00  }
0x1a6: {  	[spmem:s11] =	stream.indirect.scatter.add.f32 [tilespmem:s4], [sflag:$0x4], $0x80, s26, s20, $0xb8;
	[tilespmem:$0x1F480] =	vst v63  }
0x1a7: {  	_ =	swait.ge [sflag:s25], $0x3200  }
0x1a8: {  	[sflag:s25] =	ssyncset.done $0x0  }
0x1a9: {  	s28 =	simm.s32 $0x280;
	[sflag:s25] =	ssyncadd.s32 $0xFFFFCE00  }
0x1aa: {  	[tilespmem:s2], [sflag:$0x2] =	stream.indirect.gather [hbm4b:s14+s20], $0x80, s28, s20, $0xb8;
	[tilespmem:$0x1F480] =	vst v63  }
0x1ab: {  	_ =	swait.ge [sflag:s23], $0x3200  }
0x1ac: {  	[sflag:s23] =	ssyncset.done $0x0  }
0x1ad: {  	s29 =	simm.s32 $0x1200;
	[sflag:s23] =	ssyncadd.s32 $0xFFFFCE00  }
0x1ae: {  	[spmem:s11] =	stream.indirect.scatter.add.f32 [tilespmem:s13], [sflag:$0x3], $0x80, s29, s20, $0xb8;
	[tilespmem:$0x1F480] =	vst v63  }
0x1af: {  	_ =	swait.ge [sflag:s0], $0x3200  }
0x1b0: {  	[sflag:s0] =	ssyncset.done $0x0  }
0x1b1: {  	s30 =	simm.s32 $0x300;
	[sflag:s0] =	ssyncadd.s32 $0xFFFFCE00  }
0x1b2: {  	[tilespmem:s4], [sflag:$0x1] =	stream.indirect.gather [hbm4b:s14+s20], $0x80, s30, s20, $0xb8;
	[tilespmem:$0x1F480] =	vst v63  }
0x1b3: {  	_ =	swait.ge [sflag:s24], $0x3200  }
0x1b4: {  	[sflag:s24] =	ssyncset.done $0x0  }
0x1b5: {  	s31 =	simm.s32 $0x1280;
	[sflag:s24] =	ssyncadd.s32 $0xFFFFCE00  }
0x1b6: {  	[spmem:s11] =	stream.indirect.scatter.add.f32 [tilespmem:s2], [sflag:$0x4], $0x80, s31, s20, $0xb8;
	[tilespmem:$0x1F480] =	vst v63  }
0x1b7: {  	_ =	swait.ge [sflag:s25], $0x3200  }
0x1b8: {  	[sflag:s25] =	ssyncset.done $0x0  }
0x1b9: {  	s3 =	simm.s32 $0x380;
	[sflag:s25] =	ssyncadd.s32 $0xFFFFCE00  }
0x1ba: {  	[tilespmem:s13], [sflag:$0x2] =	stream.indirect.gather [hbm4b:s14+s20], $0x80, s3, s20, $0xb8;
	[tilespmem:$0x1F480] =	vst v63  }
0x1bb: {  	_ =	swait.ge [sflag:s23], $0x3200  }
0x1bc: {  	[sflag:s23] =	ssyncset.done $0x0  }
0x1bd: {  	s5 =	simm.s32 $0x1300;
	[sflag:s23] =	ssyncadd.s32 $0xFFFFCE00  }
0x1be: {  	[spmem:s11] =	stream.indirect.scatter.add.f32 [tilespmem:s4], [sflag:$0x3], $0x80, s5, s20, $0xb8;
	[tilespmem:$0x1F480] =	vst v63  }
0x1bf: {  	_ =	swait.ge [sflag:s0], $0x3200  }
0x1c0: {  	[sflag:s0] =	ssyncset.done $0x0  }
0x1c1: {  	s6 =	simm.s32 $0x400;
	[sflag:s0] =	ssyncadd.s32 $0xFFFFCE00  }
0x1c2: {  	[tilespmem:s2], [sflag:$0x1] =	stream.indirect.gather [hbm4b:s14+s20], $0x80, s6, s20, $0xb8;
	[tilespmem:$0x1F480] =	vst v63  }
0x1c3: {  	_ =	swait.ge [sflag:s24], $0x3200  }
0x1c4: {  	[sflag:s24] =	ssyncset.done $0x0  }
0x1c5: {  	s7 =	simm.s32 $0x1380;
	[sflag:s24] =	ssyncadd.s32 $0xFFFFCE00  }
0x1c6: {  	[spmem:s11] =	stream.indirect.scatter.add.f32 [tilespmem:s13], [sflag:$0x4], $0x80, s7, s20, $0xb8;
	[tilespmem:$0x1F480] =	vst v63  }
0x1c7: {  	_ =	swait.ge [sflag:s25], $0x3200  }
0x1c8: {  	[sflag:s25] =	ssyncset.done $0x0  }
0x1c9: {  	s9 =	simm.s32 $0x480;
	[sflag:s25] =	ssyncadd.s32 $0xFFFFCE00  }
0x1ca: {  	[tilespmem:s4], [sflag:$0x2] =	stream.indirect.gather [hbm4b:s14+s20], $0x80, s9, s20, $0xb8;
	[tilespmem:$0x1F480] =	vst v63  }
0x1cb: {  	_ =	swait.ge [sflag:s23], $0x3200  }
0x1cc: {  	[sflag:s23] =	ssyncset.done $0x0  }
0x1cd: {  	s10 =	simm.s32 $0x1400;
	[sflag:s23] =	ssyncadd.s32 $0xFFFFCE00  }
0x1ce: {  	[spmem:s11] =	stream.indirect.scatter.add.f32 [tilespmem:s2], [sflag:$0x3], $0x80, s10, s20, $0xb8;
	[tilespmem:$0x1F480] =	vst v63  }
0x1cf: {  	_ =	swait.ge [sflag:s0], $0x3200  }
0x1d0: {  	[sflag:s0] =	ssyncset.done $0x0  }
0x1d1: {  	s12 =	simm.s32 $0x500;
	[sflag:s0] =	ssyncadd.s32 $0xFFFFCE00  }
0x1d2: {  	[tilespmem:s13], [sflag:$0x1] =	stream.indirect.gather [hbm4b:s14+s20], $0x80, s12, s20, $0xb8;
	[tilespmem:$0x1F480] =	vst v63  }
0x1d3: {  	_ =	swait.ge [sflag:s24], $0x3200  }
0x1d4: {  	[sflag:s24] =	ssyncset.done $0x0  }
0x1d5: {  	s15 =	simm.s32 $0x1480;
	[sflag:s24] =	ssyncadd.s32 $0xFFFFCE00  }
0x1d6: {  	[spmem:s11] =	stream.indirect.scatter.add.f32 [tilespmem:s4], [sflag:$0x4], $0x80, s15, s20, $0xb8;
	[tilespmem:$0x1F480] =	vst v63  }
0x1d7: {  	_ =	swait.ge [sflag:s25], $0x3200  }
0x1d8: {  	[sflag:s25] =	ssyncset.done $0x0  }
0x1d9: {  	s16 =	simm.s32 $0x580;
	[sflag:s25] =	ssyncadd.s32 $0xFFFFCE00  }
0x1da: {  	[tilespmem:s2], [sflag:$0x2] =	stream.indirect.gather [hbm4b:s14+s20], $0x80, s16, s20, $0xb8;
	[tilespmem:$0x1F480] =	vst v63  }
0x1db: {  	_ =	swait.ge [sflag:s23], $0x3200  }
0x1dc: {  	[sflag:s23] =	ssyncset.done $0x0  }
0x1dd: {  	s17 =	simm.s32 $0x1500;
	[sflag:s23] =	ssyncadd.s32 $0xFFFFCE00  }
0x1de: {  	[spmem:s11] =	stream.indirect.scatter.add.f32 [tilespmem:s13], [sflag:$0x3], $0x80, s17, s20, $0xb8;
	[tilespmem:$0x1F480] =	vst v63  }
0x1df: {  	_ =	swait.ge [sflag:s0], $0x3200  }
0x1e0: {  	[sflag:s0] =	ssyncset.done $0x0  }
0x1e1: {  	s18 =	simm.s32 $0x600;
	[sflag:s0] =	ssyncadd.s32 $0xFFFFCE00  }
0x1e2: {  	[tilespmem:s4], [sflag:$0x1] =	stream.indirect.gather [hbm4b:s14+s20], $0x80, s18, s20, $0xb8;
	[tilespmem:$0x1F480] =	vst v63  }
0x1e3: {  	_ =	swait.ge [sflag:s24], $0x3200  }
0x1e4: {  	[sflag:s24] =	ssyncset.done $0x0  }
0x1e5: {  	s19 =	simm.s32 $0x1580;
	[sflag:s24] =	ssyncadd.s32 $0xFFFFCE00  }
0x1e6: {  	[spmem:s11] =	stream.indirect.scatter.add.f32 [tilespmem:s2], [sflag:$0x4], $0x80, s19, s20, $0xb8;
	[tilespmem:$0x1F480] =	vst v63  }
0x1e7: {  	_ =	swait.ge [sflag:s25], $0x3200  }
0x1e8: {  	[sflag:s25] =	ssyncset.done $0x0  }
0x1e9: {  	s21 =	simm.s32 $0x680;
	[sflag:s25] =	ssyncadd.s32 $0xFFFFCE00  }
0x1ea: {  	[tilespmem:s13], [sflag:$0x2] =	stream.indirect.gather [hbm4b:s14+s20], $0x80, s21, s20, $0xb8;
	[tilespmem:$0x1F480] =	vst v63  }
0x1eb: {  	_ =	swait.ge [sflag:s23], $0x3200  }
0x1ec: {  	[sflag:s23] =	ssyncset.done $0x0  }
0x1ed: {  	s22 =	simm.s32 $0x1600;
	[sflag:s23] =	ssyncadd.s32 $0xFFFFCE00  }
0x1ee: {  	[spmem:s11] =	stream.indirect.scatter.add.f32 [tilespmem:s4], [sflag:$0x3], $0x80, s22, s20, $0xb8;
	[tilespmem:$0x1F480] =	vst v63  }
0x1ef: {  	_ =	swait.ge [sflag:s0], $0x3200  }
0x1f0: {  	[sflag:s0] =	ssyncset.done $0x0  }
0x1f1: {  	s26 =	simm.s32 $0x700;
	[sflag:s0] =	ssyncadd.s32 $0xFFFFCE00  }
0x1f2: {  	[tilespmem:s2], [sflag:$0x1] =	stream.indirect.gather [hbm4b:s14+s20], $0x80, s26, s20, $0xb8;
	[tilespmem:$0x1F480] =	vst v63  }
0x1f3: {  	_ =	swait.ge [sflag:s24], $0x3200  }
0x1f4: {  	[sflag:s24] =	ssyncset.done $0x0  }
0x1f5: {  	s28 =	simm.s32 $0x1680;
	[sflag:s24] =	ssyncadd.s32 $0xFFFFCE00  }
0x1f6: {  	[spmem:s11] =	stream.indirect.scatter.add.f32 [tilespmem:s13], [sflag:$0x4], $0x80, s28, s20, $0xb8;
	[tilespmem:$0x1F480] =	vst v63  }
0x1f7: {  	_ =	swait.ge [sflag:s25], $0x3200  }
0x1f8: {  	[sflag:s25] =	ssyncset.done $0x0  }
0x1f9: {  	s29 =	simm.s32 $0x780;
	[sflag:s25] =	ssyncadd.s32 $0xFFFFCE00  }
0x1fa: {  	[tilespmem:s4], [sflag:$0x2] =	stream.indirect.gather [hbm4b:s14+s20], $0x80, s29, s20, $0xb8;
	[tilespmem:$0x1F480] =	vst v63  }
0x1fb: {  	_ =	swait.ge [sflag:s23], $0x3200  }
0x1fc: {  	[sflag:s23] =	ssyncset.done $0x0  }
0x1fd: {  	s30 =	simm.s32 $0x1700;
	[sflag:s23] =	ssyncadd.s32 $0xFFFFCE00  }
0x1fe: {  	[spmem:s11] =	stream.indirect.scatter.add.f32 [tilespmem:s2], [sflag:$0x3], $0x80, s30, s20, $0xb8;
	[tilespmem:$0x1F480] =	vst v63  }
0x1ff: {  	_ =	swait.ge [sflag:s0], $0x3200  }
0x200: {  	[sflag:s0] =	ssyncset.done $0x0  }
0x201: {  	s31 =	simm.s32 $0x800;
	s7 =	rddreg [dreg:$0xc];
	[sflag:s0] =	ssyncadd.s32 $0xFFFFCE00  }
0x202: {  	[tilespmem:s13], [sflag:$0x1] =	stream.indirect.gather [hbm4b:s14+s20], $0x80, s31, s20, $0xb8;
	[tilespmem:$0x1F480] =	vst v63  }
.LBB2_14:
0x203: {  	_ =	swait.ge [sflag:s24], $0x3200  }
0x204: {  	[sflag:s24] =	ssyncset.done $0x0  }
0x205: {  	s1 =	simm.s32 $0x1780;
	[sflag:s24] =	ssyncadd.s32 $0xFFFFCE00  }
0x206: {  	[spmem:s11] =	stream.indirect.scatter.add.f32 [tilespmem:s4], [sflag:$0x4], $0x80, s1, s20, $0xb8;
	[tilespmem:$0x1F480] =	vst v63  }
0x207: {  	_ =	swait.ge [sflag:s25], $0x3200  }
0x208: {  	[sflag:s25] =	ssyncset.done $0x0  }
0x209: {  	[sflag:s25] =	ssyncadd.s32 $0xFFFFCE00  }
0x20a: {  	_ =	swait.ge [sflag:s0], $0x3200  }
0x20b: {  	[sflag:s0] =	ssyncset.done $0x0  }
0x20c: {  	[sflag:s0] =	ssyncadd.s32 $0xFFFFCE00  }
0x20d: {  	_ =	swait.ge [sflag:s23], $0x3200  }
0x20e: {  	[sflag:s23] =	ssyncset.done $0x0  }
0x20f: {  	[sflag:s23] =	ssyncadd.s32 $0xFFFFCE00  }
0x210: {  	[bflag:$0x0] =	sbarrier.arrive $0xFFFF  }
0x211: {  	s12 =	simm.s32 $0x5;
	s6 =	rddreg [dreg:$0x14]  }
0x212: {  	[tilespmem:s4], [sflag:$0x5] =	stream.linear.gather [spmem:s6], $0x2800, $0x38;
	[tilespmem:$0x1F480] =	vst v63  }
0x213: {  	_ =	swait.ge [sflag:s12], $0x2800  }
0x214: {  	s5 =	simm.s32 $0x0;
	s2 =	rddreg [dreg:$0x15]  }
0x215: {  	[sflag:s12] =	ssyncset.done $0x0;
	s9 =	rddreg [dreg:$0xe];
	s31 =	sshrl.u32 s2, $0x3  }
.Ltmp8:
0x216: {  	[sflag:s12] =	ssyncadd.s32 $0xFFFFD800;
	s0 =	sadd.s32 s9, s31;
	(pc) =	sbr.rel @!p1 .LBB2_16-.Ltmp8, $4  }
0x217: {  	[hbm4b:s0+s5] =	stream.linear.scatter [tilespmem:s4], [sflag:$0x5], $0x2800, $0x38;
	[tilespmem:$0x1F480] =	vst v63  }
0x218: {  	_ =	swait.ge [sflag:s12], $0x2800  }
0x219: {  	s10 =	rddreg [dreg:$0xf]  }
0x21a: {  	s3 =	smov.u32 s6;
	[sflag:s12] =	ssyncset.done $0x0;
	s0 =	sadd.s32 $0xFFFFFFFF, s10  }
.LBB2_15:
0x21b: {  	[sflag:s12] =	ssyncadd.s32 $0xFFFFD800;
	s2 =	sadd.s32 $0x2800, s2;
	s3 =	sadd.s32 $0x2800, s3  }
0x21c: {  	[tilespmem:s4], [sflag:$0x5] =	stream.linear.gather [spmem:s3], $0x2800, $0x38;
	[tilespmem:$0x1F480] =	vst v63  }
0x21d: {  	p1 =	sne.s32 s0, $0x1;
	s0 =	sadd.s32 $0xFFFFFFFF, s0;
	_ =	swait.ge [sflag:s12], $0x2800  }
.Ltmp9:
0x21e: {  	s1 =	sshrl.u32 s2, $0x3;
	[sflag:s12] =	ssyncset.done $0x0;
	(pc) =	sbr.rel @p1 .LBB2_15-.Ltmp9, $4  }
0x21f: {  	s1 =	sadd.s32 s9, s1;
	[sflag:s12] =	ssyncadd.s32 $0xFFFFD800  }
0x220: {  	[hbm4b:s1+s5] =	stream.linear.scatter [tilespmem:s4], [sflag:$0x5], $0x2800, $0x38;
	[tilespmem:$0x1F480] =	vst v63  }
0x221: {  	_ =	swait.ge [sflag:s12], $0x2800  }
0x222: {  	[sflag:s12] =	ssyncset.done $0x0  }
.LBB2_16:
0x223: {  	s1 =	rddreg [dreg:$0x16]  }
0x224: {  	s0 =	rddreg [dreg:$0x13];
	s1 =	sadd.s32 $0x1, s1  }
0x225: {  	p1 =	sne.s32 s1, s0  }
.Ltmp10:
0x226: {  	_ = 	snop;
	(pc) =	sbr.rel @p1 .LBB2_1-.Ltmp10, $2  }
0x227: {  	_ =	sdelay $0x2  }
0x228: {  	[sflag:s12] =	ssyncadd.s32 $0xFFFFD800  }
0x229: {  	_ =	sfence.sel $0x180000  }
0x22a: {  	[bflag:$0x0] =	sbarrier.arrive $0xFFFF  }
0x22b: {  	_ =	strace $0x9000004A  }
0x22c: {  	s0 =	stileid.u32;
	[bflag:$0x2] =	sbarrier.arrive $0xFFFF  }
0x22d: {  	p0 =	sne.s32 s0, $0x0;
	s0 =	rddreg [dreg:$0x2]  }
0x22e: {  	s0 =	sadd.s32 @!p0 $0x100000, s0  }
0x22f: {  	[sflag:s0] =	ssyncadd.tile.s32 @!p0 $0x1;
	_ =	shalt  }
.Lfunc_end2:
_tile_overlayer_lowered:
.L_overlay_start_2:
0x230: {  	(tag) =	ssettag $0x2  }
0x231: {  	s0 =	rddreg [dreg:$0x0];
	s2 =	stileid.u32  }
0x232: {  	s1 =	rddreg [dreg:$0x1];
	p0 =	sne.s32 s2, $0x0  }
0x233: {  	s3 =	rddreg [dreg:$0x2];
	[bflag:$0x3] =	sbarrier.arrive $0xFFFF;
	s2 =	simm.s32 @!p0 $0x1C05  }
0x234: {  	[timem:s3], [sflag:s2] =	dma.local @!p0 [hbm:s0], s1  }
0x235: {  	s0 =	simm.s32 @!p0 $0x5  }
0x236: {  	_ =	swait.ge @!p0 [sflag:s0], s1  }
0x237: {  	s1 =	ssub.s32 @!p0 $0x0, s1;
	[sflag:s0] =	ssyncset.done @!p0 $0x0  }
0x238: {  	[sflag:s0] =	ssyncadd.s32 @!p0 s1  }
0x239: {  	[bflag:$0x3] =	sbarrier.arrive $0xFFFF  }
0x23a: {  	_ =	shalt  }

</sc_bundles>
